<compile_context>
chip_gen: v7x
topology: tpu7x:2x2x1
jax: 0.10.2.dev20260603
libtpu: 0.0.44.dev20260713+nightly
codegen_flags: <defaults>
</compile_context>

<pallas_src>
import jax
import jax.numpy as jnp
from jax import lax
from jax.experimental import pallas as pl
from jax.experimental.pallas import tpu as pltpu
from jax.experimental.pallas import tpu_sc as plsc

Z = 0.8
N = 10000
D = 256
H = 128
E = 160000
NSUB = 5000

NS = 16
CB = 128
CH = 80
WIN = 8
EP = NS * CH * CB
NPAD = 10240
RPT = NPAD // NS

BLK = 1000



def _mask_body(row_ref, col_ref, m_ref):
    r = row_ref[...]
    c = col_ref[...]
    ri = lax.broadcasted_iota(jnp.int32, (NSUB, D), 1)
    R = (r == ri).astype(jnp.float32)
    C = (c == ri).astype(jnp.float32)
    cnt = lax.dot_general(R, C, (((0,), (0,)), ((), ())),
                          preferred_element_type=jnp.float32)
    m_ref[...] = (cnt > 0.5).astype(jnp.float32)


def _build_mask(rs, cs):
    return pl.pallas_call(
        _mask_body,
        out_shape=jax.ShapeDtypeStruct((D, D), jnp.float32),
    )(rs, cs)



def _t_body(x_ref, w0_ref, w1_ref, b0_ref, b1_ref, m_ref, out_ref):
    i = pl.program_id(1)
    x = x_ref[...].astype(jnp.bfloat16)
    w0b = w0_ref[...].astype(jnp.bfloat16)
    w1b = w1_ref[...].astype(jnp.bfloat16)
    x0 = jnp.maximum(
        jnp.dot(x, w0b, preferred_element_type=jnp.float32) + b0_ref[...],
        0.0)
    x1 = jnp.maximum(
        jnp.dot(x, w1b, preferred_element_type=jnp.float32) + b1_ref[...],
        0.0)
    a = Z * x0 + (1.0 - Z) * x1
    dlt = (2.0 * Z - 1.0) * (x1 - x0)
    m = jnp.concatenate(
        [m_ref[...], jnp.zeros((BLK - D, H), jnp.float32)], axis=0)
    m = jnp.where(i == 0, m, 0.0)
    out_ref[...] = a + m * dlt


def _transform(x, w0, w1, b0, b1, mask):
    grid = (2, N // BLK)
    return pl.pallas_call(
        _t_body,
        grid=grid,
        in_specs=[
            pl.BlockSpec((BLK, D), lambda h, i: (i, 0)),
            pl.BlockSpec((D, H), lambda h, i: (0, h)),
            pl.BlockSpec((D, H), lambda h, i: (0, h)),
            pl.BlockSpec((1, H), lambda h, i: (0, h)),
            pl.BlockSpec((1, H), lambda h, i: (0, h)),
            pl.BlockSpec((D, H), lambda h, i: (0, h)),
        ],
        out_specs=pl.BlockSpec(
            (BLK, H), lambda h, i: (h * (N // BLK) + i, 0)),
        out_shape=jax.ShapeDtypeStruct((2 * N, H), jnp.float32),
    )(x, w0, w1, b0, b1, mask)



def _scale_chunk(buf, wv, srcv, histv, j, o16, g_lo=0, g_hi=CB // 16):
    def group(g, carry):
        wv16 = wv[j, pl.ds(g * 16, 16)]
        idx16 = srcv[j, pl.ds(g * 16, 16)]
        plsc.addupdate_scatter(
            histv, [lax.shift_right_logical(idx16, 7),
                    lax.bitwise_and(idx16, 127)], o16)
        for lane in range(16):
            wb = jnp.full((16,), wv16[lane], jnp.float32)
            e = g * 16 + lane
            for k in range(H // 16):
                sl = buf[e, pl.ds(k * 16, 16)]
                buf[e, pl.ds(k * 16, 16)] = sl * wb
        return carry

    lax.fori_loop(g_lo, g_hi, group, 0)


def _spmm_body(xstack, src3, dst3, w3,
               slo_out, shi_out,
               srcv, dstv, wv, rows, rows1, histv, idx80,
               sem, sem1, sems, sems1,
               shared_sum, shared_hist):
    c = lax.axis_index("c")
    s = lax.axis_index("s")

    z16 = jnp.zeros((16,), jnp.float32)
    o16 = jnp.ones((16,), jnp.float32)
    SR = NPAD // H // NS

    def zfill(r, carry):
        for k in range(H // 16):
            rows[r, pl.ds(k * 16, 16)] = z16
        return carry

    lax.fori_loop(0, CB, zfill, 0)

    def zhist(r, carry):
        for k in range(H // 16):
            histv[r, pl.ds(k * 16, 16)] = z16
        return carry

    lax.fori_loop(0, NPAD // H, zhist, 0)

    iota16 = lax.iota(jnp.int32, 16)
    for g in range(NPAD // H // 16):
        idx80[pl.ds(g * 16, 16)] = iota16 + (g * 16)

    for t in range(RPT // CB):
        pltpu.sync_copy(rows, shared_sum.at[pl.ds(s * RPT + t * CB, CB)])

    @pl.when(s < 10)
    def _():
        pltpu.sync_copy(rows.at[pl.ds(0, 8)], shared_hist.at[pl.ds(s * 8, 8)])

    plsc.subcore_barrier()

    offv = jnp.full((16,), c * N, jnp.int32)

    def window(jj, carry0):
        wsl = pl.ds(jj * WIN, WIN)
        pltpu.sync_copy(src3.at[s, wsl], srcv)
        pltpu.sync_copy(dst3.at[s, wsl], dstv)
        pltpu.sync_copy(w3.at[s, wsl], wv)

        def dadj(r, carry):
            for k in range(CB // 16):
                dstv[r, pl.ds(k * 16, 16)] = (
                    dstv[r, pl.ds(k * 16, 16)] + offv)
            return carry

        lax.fori_loop(0, WIN, dadj, 0)

        def pair(p, carry):
            j0 = 2 * p
            j1 = 2 * p + 1

            @pl.when(jj + p > 0)
            def _():
                pltpu.make_async_copy(
                    rows1, shared_sum.at[srcv.at[j1]], sems1).wait()

            @pl.when(p == 0)
            def _():
                pltpu.async_copy(xstack.at[dstv.at[j0]], rows, sem)

            d1 = pltpu.async_copy(xstack.at[dstv.at[j1]], rows1, sem1)
            pltpu.make_async_copy(xstack.at[dstv.at[j0]], rows, sem).wait()
            _scale_chunk(rows, wv, srcv, histv, j0, o16)
            sc0 = pltpu.async_copy(
                rows, shared_sum.at[srcv.at[j0]], sems, add=True)
            d1.wait()
            _scale_chunk(rows1, wv, srcv, histv, j1, o16)
            sc0.wait()

            @pl.when(p < WIN // 2 - 1)
            def _():
                pltpu.async_copy(xstack.at[dstv.at[j0 + 2]], rows, sem)

            pltpu.async_copy(rows1, shared_sum.at[srcv.at[j1]], sems1,
                             add=True)
            return carry

        lax.fori_loop(0, WIN // 2, pair, 0)
        return carry0

    lax.fori_loop(0, CH // WIN, window, 0)

    pltpu.make_async_copy(
        rows1, shared_sum.at[srcv.at[WIN - 1]], sems1).wait()

    pltpu.sync_copy(histv, shared_hist.at[idx80], add=True)
    plsc.subcore_barrier()
    pltpu.sync_copy(shared_hist.at[pl.ds(s * SR, SR)],
                    histv.at[pl.ds(0, SR)])

    def copyout(t, carry0):
        sl = pl.ds(s * RPT + t * CB, CB)
        pltpu.sync_copy(shared_sum.at[sl], rows)

        def divgroup(g, carry):
            cnt16 = histv[t, pl.ds(g * 16, 16)]
            rec16 = 1.0 / jnp.maximum(cnt16, 1.0)
            for lane in range(16):
                rb = jnp.full((16,), rec16[lane], jnp.float32)
                r = g * 16 + lane
                for k in range(H // 16):
                    rows[r, pl.ds(k * 16, 16)] = (
                        rows[r, pl.ds(k * 16, 16)] * rb)
            return carry

        lax.fori_loop(0, CB // 16, divgroup, 0)

        @pl.when(c == 0)
        def _():
            pltpu.sync_copy(rows, slo_out.at[sl])

        @pl.when(c == 1)
        def _():
            pltpu.sync_copy(rows, shi_out.at[sl])

        return carry0

    lax.fori_loop(0, RPT // CB, copyout, 0)


def _spmm(xstack, src3, dst3, w3):
    mesh = plsc.VectorSubcoreMesh(core_axis_name="c", subcore_axis_name="s")
    f = pl.kernel(
        _spmm_body,
        out_type=[
            jax.ShapeDtypeStruct((NPAD, H), jnp.float32),
            jax.ShapeDtypeStruct((NPAD, H), jnp.float32),
        ],
        mesh=mesh,
        compiler_params=pltpu.CompilerParams(needs_layout_passes=False),
        scratch_types=[
            pltpu.VMEM((WIN, CB), jnp.int32),
            pltpu.VMEM((WIN, CB), jnp.int32),
            pltpu.VMEM((WIN, CB), jnp.float32),
            pltpu.VMEM((CB, H), jnp.float32),
            pltpu.VMEM((CB, H), jnp.float32),
            pltpu.VMEM((NPAD // H, H), jnp.float32),
            pltpu.VMEM((NPAD // H,), jnp.int32),
            pltpu.SemaphoreType.DMA,
            pltpu.SemaphoreType.DMA,
            pltpu.SemaphoreType.DMA,
            pltpu.SemaphoreType.DMA,
            pltpu.VMEM_SHARED((NPAD, H), jnp.float32),
            pltpu.VMEM_SHARED((NPAD // H, H), jnp.float32),
        ],
    )
    return f(xstack, src3, dst3, w3)



def _c_body(slo_ref, shi_ref, x_ref, w0_ref, w1_ref,
            b0_ref, b1_ref, g_ref, be_ref, m_ref, o_ref):
    i = pl.program_id(0)
    xa = jnp.concatenate([slo_ref[...], shi_ref[...]], axis=1)
    mu = jnp.mean(xa, axis=1, keepdims=True)
    var = jnp.mean(jnp.square(xa - mu), axis=1, keepdims=True)
    xn = (xa - mu) * lax.rsqrt(var + 1e-5) * g_ref[...] + be_ref[...]
    x = x_ref[...].astype(jnp.bfloat16)
    xnb = xn.astype(jnp.bfloat16)
    w0 = w0_ref[...].astype(jnp.bfloat16)
    w1 = w1_ref[...].astype(jnp.bfloat16)
    h0 = (jnp.dot(xnb, w0[:D], preferred_element_type=jnp.float32)
          + jnp.dot(x, w0[D:], preferred_element_type=jnp.float32)
          + b0_ref[...])
    h1 = (jnp.dot(xnb, w1[:D], preferred_element_type=jnp.float32)
          + jnp.dot(x, w1[D:], preferred_element_type=jnp.float32)
          + b1_ref[...])
    a = Z * h0 + (1.0 - Z) * h1
    dlt = (2.0 * Z - 1.0) * (h1 - h0)
    m = jnp.concatenate(
        [m_ref[...], jnp.zeros((BLK - D, D), jnp.float32)], axis=0)
    m = jnp.where(i == 0, m, 0.0)
    o_ref[...] = a + m * dlt


def _combine(slo, shi, x, w0, w1, b0, b1, g, be, mask):
    grid = (N // BLK,)
    return pl.pallas_call(
        _c_body,
        grid=grid,
        in_specs=[
            pl.BlockSpec((BLK, H), lambda i: (i, 0)),
            pl.BlockSpec((BLK, H), lambda i: (i, 0)),
            pl.BlockSpec((BLK, D), lambda i: (i, 0)),
            pl.BlockSpec((2 * D, D), lambda i: (0, 0)),
            pl.BlockSpec((2 * D, D), lambda i: (0, 0)),
            pl.BlockSpec((1, D), lambda i: (0, 0)),
            pl.BlockSpec((1, D), lambda i: (0, 0)),
            pl.BlockSpec((1, D), lambda i: (0, 0)),
            pl.BlockSpec((1, D), lambda i: (0, 0)),
            pl.BlockSpec((D, D), lambda i: (0, 0)),
        ],
        out_specs=pl.BlockSpec((BLK, D), lambda i: (i, 0)),
        out_shape=jax.ShapeDtypeStruct((N, D), jnp.float32),
    )(slo, shi, x, w0, w1, b0, b1, g, be, mask)



def kernel(x_, edge_index, edge_weight, node2subg,
           W_t0, b_t0, W_t1, b_t1, W_c0, b_c0, W_c1, b_c1, ln_g, ln_b):
    x_ = x_.astype(jnp.float32)
    src = edge_index[0].astype(jnp.int32)
    dst = edge_index[1].astype(jnp.int32)
    w = edge_weight.astype(jnp.float32)
    rs = node2subg[0].astype(jnp.int32).reshape(NSUB, 1)
    cs = node2subg[1].astype(jnp.int32).reshape(NSUB, 1)

    npad = EP - E
    ar = jnp.arange(npad, dtype=jnp.int32)
    src_p = jnp.concatenate([src, N + (ar % (NPAD - N))]).reshape(NS, CH, CB)
    dst_p = jnp.concatenate([dst, (ar * 997) % N]).reshape(NS, CH, CB)
    w_p = jnp.concatenate([w, jnp.zeros((npad,), jnp.float32)]
                          ).reshape(NS, CH, CB)

    mask = _build_mask(rs, cs)
    xstack = _transform(x_, W_t0, W_t1,
                        b_t0.reshape(1, D), b_t1.reshape(1, D), mask)
    slo, shi = _spmm(xstack, src_p, dst_p, w_p)
    out = _combine(slo, shi, x_, W_c0, W_c1,
                   b_c0.reshape(1, D), b_c1.reshape(1, D),
                   ln_g.reshape(1, D), ln_b.reshape(1, D), mask)
    return out

# --- scband reference (transcript-rebuilt; emitter-appended) ---
"""Pipeline reference for scband-glassconv-55130200211994 (READ-ONLY COPY).

The authoritative reference and input builder live on the scoring server;
editing this copy changes nothing except your own understanding.
"""

import jax, jax.numpy as jnp
import numpy as np

N_NODES = 10000
N_EDGES = 160000
D_IN = 256
D_OUT = 256
N_SUBG = 5000
Z_RATIO = 0.8


def setup_inputs(seed: int = 0) -> dict:
    key = jax.random.key(seed)
    ks = jax.random.split(key, 16)
    x_ = jax.random.normal(ks[0], (N_NODES, D_IN), dtype=jnp.float32)
    edge_index = jax.random.randint(ks[1], (2, N_EDGES), 0, N_NODES, dtype=jnp.int64)
    edge_weight = jax.random.uniform(ks[2], (N_EDGES,), dtype=jnp.float32)
    # node2subg represented as (row, col) COO index pairs used to mix transformed features
    node2subg = jax.random.randint(ks[3], (2, N_SUBG), 0, D_OUT, dtype=jnp.int64)
    # learned parameters (torch nn.Linear weights stored as [in, out] for x @ W + b)
    W_t0 = jax.random.normal(ks[4], (D_IN, D_OUT), dtype=jnp.float32) * 0.02
    b_t0 = jnp.zeros((D_OUT,), dtype=jnp.float32)
    W_t1 = jax.random.normal(ks[5], (D_IN, D_OUT), dtype=jnp.float32) * 0.02
    b_t1 = jnp.zeros((D_OUT,), dtype=jnp.float32)
    W_c0 = jax.random.normal(ks[6], (D_OUT + D_IN, D_OUT), dtype=jnp.float32) * 0.02
    b_c0 = jnp.zeros((D_OUT,), dtype=jnp.float32)
    W_c1 = jax.random.normal(ks[7], (D_OUT + D_IN, D_OUT), dtype=jnp.float32) * 0.02
    b_c1 = jnp.zeros((D_OUT,), dtype=jnp.float32)
    ln_g = jnp.ones((D_OUT,), dtype=jnp.float32)
    ln_b = jnp.zeros((D_OUT,), dtype=jnp.float32)
    return {
        'x_': x_, 'edge_index': edge_index, 'edge_weight': edge_weight, 'node2subg': node2subg,
        'W_t0': W_t0, 'b_t0': b_t0, 'W_t1': W_t1, 'b_t1': b_t1,
        'W_c0': W_c0, 'b_c0': b_c0, 'W_c1': W_c1, 'b_c1': b_c1,
        'ln_g': ln_g, 'ln_b': ln_b,
    }


def _layernorm(x, g, b, eps=1e-5):
    mu = jnp.mean(x, axis=-1, keepdims=True)
    var = jnp.mean(jnp.square(x - mu), axis=-1, keepdims=True)
    return (x - mu) / jnp.sqrt(var + eps) * g + b


def reference(x_, edge_index, edge_weight, node2subg,
              W_t0, b_t0, W_t1, b_t1, W_c0, b_c0, W_c1, b_c1, ln_g, ln_b):
    n_node = x_.shape[0]
    z = Z_RATIO
    row_s = node2subg[0]
    col_s = node2subg[1]
    # per-label transforms + mix
    x1 = jax.nn.relu(x_ @ W_t1 + b_t1)
    x0 = jax.nn.relu(x_ @ W_t0 + b_t0)
    x = z * x0 + (1.0 - z) * x1
    x = x.at[row_s, col_s].set(z * x1[row_s, col_s] + (1.0 - z) * x0[row_s, col_s])
    # weighted mean aggregation over adjacency (row=dst accumulation rows, col=src)
    src = edge_index[0]
    dst = edge_index[1]
    msg = edge_weight[:, None] * jnp.take(x, dst, axis=0)
    summed = jax.ops.segment_sum(msg, src, num_segments=n_node)
    cnt = jax.ops.segment_sum(jnp.ones_like(edge_weight), src, num_segments=n_node)
    x = summed / jnp.clip(cnt, 1.0, None)[:, None]
    # layernorm (dropout is identity in eval mode)
    x = _layernorm(x, ln_g, ln_b)
    # combine with residual input features
    xc = jnp.concatenate([x, x_], axis=-1)
    x1c = xc @ W_c1 + b_c1
    x0c = xc @ W_c0 + b_c0
    out = z * x0c + (1.0 - z) * x1c
    out = out.at[row_s, col_s].set(z * x1c[row_s, col_s] + (1.0 - z) * x0c[row_s, col_s])
    return out

if __name__ == "__main__":
    import jax
    _d = setup_inputs()
    print(jax.jit(kernel)(*tuple(_d.values())))

</pallas_src>

<mosaic_0001>
#map = affine_map<(d0, d1) -> (0, 0)>
#map1 = affine_map<(d0, d1) -> (0, 0, 0)>
module attributes {stable_mosaic.version = 14 : i64} {
  func.func @_spmm_body(%arg0: i32, %arg1: i32, %arg2: memref<20000x128xf32, #tpu.memory_space<hbm>>, %arg3: memref<16x80x128xi32, #tpu.memory_space<hbm>>, %arg4: memref<16x80x128xi32, #tpu.memory_space<hbm>>, %arg5: memref<16x80x128xf32, #tpu.memory_space<hbm>>, %arg6: memref<10240x128xf32, #tpu.memory_space<hbm>>, %arg7: memref<10240x128xf32, #tpu.memory_space<hbm>>, %arg8: memref<8x128xi32, #tpu.memory_space<vmem>>, %arg9: memref<8x128xi32, #tpu.memory_space<vmem>>, %arg10: memref<8x128xf32, #tpu.memory_space<vmem>>, %arg11: memref<128x128xf32, #tpu.memory_space<vmem>>, %arg12: memref<128x128xf32, #tpu.memory_space<vmem>>, %arg13: memref<80x128xf32, #tpu.memory_space<vmem>>, %arg14: memref<80xi32, #tpu.memory_space<vmem>>, %arg15: memref<!tpu.dma_semaphore, #tpu.memory_space<semaphore_mem>>, %arg16: memref<!tpu.dma_semaphore, #tpu.memory_space<semaphore_mem>>, %arg17: memref<!tpu.dma_semaphore, #tpu.memory_space<semaphore_mem>>, %arg18: memref<!tpu.dma_semaphore, #tpu.memory_space<semaphore_mem>>, %arg19: memref<10240x128xf32, #tpu.memory_space<vmem_shared>>, %arg20: memref<80x128xf32, #tpu.memory_space<vmem_shared>>) attributes {dimension_semantics = [#tpu.dimension_semantics<core_parallel>, #tpu.dimension_semantics<subcore_parallel>], iteration_bounds = array<i64: 2, 16>, scalar_prefetch = 0 : i64, scratch_operands = 13 : i64, tpu.core_type = #tpu.core_type<sc_vector_subcore>, window_params = [{transform_indices = #map}, {transform_indices = #map1}, {transform_indices = #map1}, {transform_indices = #map1}, {transform_indices = #map}, {transform_indices = #map}]} {
    %broadcast_in_dim3A = arith.constant 0.000000e+00 : f32
    %broadcast_in_dim3A_0 = vector.broadcast %broadcast_in_dim3A : f32 to vector<16xf32>
    %broadcast_in_dim3A_1 = arith.constant 1.000000e+00 : f32
    %broadcast_in_dim3A_2 = vector.broadcast %broadcast_in_dim3A_1 : f32 to vector<16xf32>
    %scan3A = arith.constant 0 : i32
    %scan3A_3 = arith.constant 0 : i32
    %scan3A_4 = arith.constant 128 : i32
    %scan3A_5 = arith.addi %scan3A_3, %scan3A_4 : i32
    %scan3A_6 = arith.constant 1 : i32
    scf.for %scan3A_82 = %scan3A_3 to %scan3A_5 step %scan3A_6  : i32 {
      %swap3A_83 = arith.index_cast %scan3A_82 : i32 to index
      %swap3A_84 = arith.constant 0 : index
      %swap3A_85 = tpu.vector_load %arg11[%swap3A_83, %swap3A_84] {strides = array<i32>} : memref<128x128xf32, #tpu.memory_space<vmem>>, vector<16xf32>,
      tpu.vector_store %arg11[%swap3A_83, %swap3A_84], %broadcast_in_dim3A_0 {strides = array<i32>} : memref<128x128xf32, #tpu.memory_space<vmem>>, vector<16xf32>,
      %swap3A_86 = arith.index_cast %scan3A_82 : i32 to index
      %swap3A_87 = arith.constant 16 : index
      %swap3A_88 = tpu.vector_load %arg11[%swap3A_86, %swap3A_87] {strides = array<i32>} : memref<128x128xf32, #tpu.memory_space<vmem>>, vector<16xf32>,
      tpu.vector_store %arg11[%swap3A_86, %swap3A_87], %broadcast_in_dim3A_0 {strides = array<i32>} : memref<128x128xf32, #tpu.memory_space<vmem>>, vector<16xf32>,
      %swap3A_89 = arith.index_cast %scan3A_82 : i32 to index
      %swap3A_90 = arith.constant 32 : index
      %swap3A_91 = tpu.vector_load %arg11[%swap3A_89, %swap3A_90] {strides = array<i32>} : memref<128x128xf32, #tpu.memory_space<vmem>>, vector<16xf32>,
      tpu.vector_store %arg11[%swap3A_89, %swap3A_90], %broadcast_in_dim3A_0 {strides = array<i32>} : memref<128x128xf32, #tpu.memory_space<vmem>>, vector<16xf32>,
      %swap3A_92 = arith.index_cast %scan3A_82 : i32 to index
      %swap3A_93 = arith.constant 48 : index
      %swap3A_94 = tpu.vector_load %arg11[%swap3A_92, %swap3A_93] {strides = array<i32>} : memref<128x128xf32, #tpu.memory_space<vmem>>, vector<16xf32>,
      tpu.vector_store %arg11[%swap3A_92, %swap3A_93], %broadcast_in_dim3A_0 {strides = array<i32>} : memref<128x128xf32, #tpu.memory_space<vmem>>, vector<16xf32>,
      %swap3A_95 = arith.index_cast %scan3A_82 : i32 to index
      %swap3A_96 = arith.constant 64 : index
      %swap3A_97 = tpu.vector_load %arg11[%swap3A_95, %swap3A_96] {strides = array<i32>} : memref<128x128xf32, #tpu.memory_space<vmem>>, vector<16xf32>,
      tpu.vector_store %arg11[%swap3A_95, %swap3A_96], %broadcast_in_dim3A_0 {strides = array<i32>} : memref<128x128xf32, #tpu.memory_space<vmem>>, vector<16xf32>,
      %swap3A_98 = arith.index_cast %scan3A_82 : i32 to index
      %swap3A_99 = arith.constant 80 : index
      %swap3A_100 = tpu.vector_load %arg11[%swap3A_98, %swap3A_99] {strides = array<i32>} : memref<128x128xf32, #tpu.memory_space<vmem>>, vector<16xf32>,
      tpu.vector_store %arg11[%swap3A_98, %swap3A_99], %broadcast_in_dim3A_0 {strides = array<i32>} : memref<128x128xf32, #tpu.memory_space<vmem>>, vector<16xf32>,
      %swap3A_101 = arith.index_cast %scan3A_82 : i32 to index
      %swap3A_102 = arith.constant 96 : index
      %swap3A_103 = tpu.vector_load %arg11[%swap3A_101, %swap3A_102] {strides = array<i32>} : memref<128x128xf32, #tpu.memory_space<vmem>>, vector<16xf32>,
      tpu.vector_store %arg11[%swap3A_101, %swap3A_102], %broadcast_in_dim3A_0 {strides = array<i32>} : memref<128x128xf32, #tpu.memory_space<vmem>>, vector<16xf32>,
      %swap3A_104 = arith.index_cast %scan3A_82 : i32 to index
      %swap3A_105 = arith.constant 112 : index
      %swap3A_106 = tpu.vector_load %arg11[%swap3A_104, %swap3A_105] {strides = array<i32>} : memref<128x128xf32, #tpu.memory_space<vmem>>, vector<16xf32>,
      tpu.vector_store %arg11[%swap3A_104, %swap3A_105], %broadcast_in_dim3A_0 {strides = array<i32>} : memref<128x128xf32, #tpu.memory_space<vmem>>, vector<16xf32>,
    }
    %scan3A_7 = arith.constant 128 : i32
    %scan3A_8 = arith.constant 0 : i32
    %scan3A_9 = arith.constant 0 : i32
    %scan3A_10 = arith.constant 80 : i32
    %scan3A_11 = arith.addi %scan3A_9, %scan3A_10 : i32
    %scan3A_12 = arith.constant 1 : i32
    scf.for %scan3A_82 = %scan3A_9 to %scan3A_11 step %scan3A_12  : i32 {
      %swap3A_83 = arith.index_cast %scan3A_82 : i32 to index
      %swap3A_84 = arith.constant 0 : index
      %swap3A_85 = tpu.vector_load %arg13[%swap3A_83, %swap3A_84] {strides = array<i32>} : memref<80x128xf32, #tpu.memory_space<vmem>>, vector<16xf32>,
      tpu.vector_store %arg13[%swap3A_83, %swap3A_84], %broadcast_in_dim3A_0 {strides = array<i32>} : memref<80x128xf32, #tpu.memory_space<vmem>>, vector<16xf32>,
      %swap3A_86 = arith.index_cast %scan3A_82 : i32 to index
      %swap3A_87 = arith.constant 16 : index
      %swap3A_88 = tpu.vector_load %arg13[%swap3A_86, %swap3A_87] {strides = array<i32>} : memref<80x128xf32, #tpu.memory_space<vmem>>, vector<16xf32>,
      tpu.vector_store %arg13[%swap3A_86, %swap3A_87], %broadcast_in_dim3A_0 {strides = array<i32>} : memref<80x128xf32, #tpu.memory_space<vmem>>, vector<16xf32>,
      %swap3A_89 = arith.index_cast %scan3A_82 : i32 to index
      %swap3A_90 = arith.constant 32 : index
      %swap3A_91 = tpu.vector_load %arg13[%swap3A_89, %swap3A_90] {strides = array<i32>} : memref<80x128xf32, #tpu.memory_space<vmem>>, vector<16xf32>,
      tpu.vector_store %arg13[%swap3A_89, %swap3A_90], %broadcast_in_dim3A_0 {strides = array<i32>} : memref<80x128xf32, #tpu.memory_space<vmem>>, vector<16xf32>,
      %swap3A_92 = arith.index_cast %scan3A_82 : i32 to index
      %swap3A_93 = arith.constant 48 : index
      %swap3A_94 = tpu.vector_load %arg13[%swap3A_92, %swap3A_93] {strides = array<i32>} : memref<80x128xf32, #tpu.memory_space<vmem>>, vector<16xf32>,
      tpu.vector_store %arg13[%swap3A_92, %swap3A_93], %broadcast_in_dim3A_0 {strides = array<i32>} : memref<80x128xf32, #tpu.memory_space<vmem>>, vector<16xf32>,
      %swap3A_95 = arith.index_cast %scan3A_82 : i32 to index
      %swap3A_96 = arith.constant 64 : index
      %swap3A_97 = tpu.vector_load %arg13[%swap3A_95, %swap3A_96] {strides = array<i32>} : memref<80x128xf32, #tpu.memory_space<vmem>>, vector<16xf32>,
      tpu.vector_store %arg13[%swap3A_95, %swap3A_96], %broadcast_in_dim3A_0 {strides = array<i32>} : memref<80x128xf32, #tpu.memory_space<vmem>>, vector<16xf32>,
      %swap3A_98 = arith.index_cast %scan3A_82 : i32 to index
      %swap3A_99 = arith.constant 80 : index
      %swap3A_100 = tpu.vector_load %arg13[%swap3A_98, %swap3A_99] {strides = array<i32>} : memref<80x128xf32, #tpu.memory_space<vmem>>, vector<16xf32>,
      tpu.vector_store %arg13[%swap3A_98, %swap3A_99], %broadcast_in_dim3A_0 {strides = array<i32>} : memref<80x128xf32, #tpu.memory_space<vmem>>, vector<16xf32>,
      %swap3A_101 = arith.index_cast %scan3A_82 : i32 to index
      %swap3A_102 = arith.constant 96 : index
      %swap3A_103 = tpu.vector_load %arg13[%swap3A_101, %swap3A_102] {strides = array<i32>} : memref<80x128xf32, #tpu.memory_space<vmem>>, vector<16xf32>,
      tpu.vector_store %arg13[%swap3A_101, %swap3A_102], %broadcast_in_dim3A_0 {strides = array<i32>} : memref<80x128xf32, #tpu.memory_space<vmem>>, vector<16xf32>,
      %swap3A_104 = arith.index_cast %scan3A_82 : i32 to index
      %swap3A_105 = arith.constant 112 : index
      %swap3A_106 = tpu.vector_load %arg13[%swap3A_104, %swap3A_105] {strides = array<i32>} : memref<80x128xf32, #tpu.memory_space<vmem>>, vector<16xf32>,
      tpu.vector_store %arg13[%swap3A_104, %swap3A_105], %broadcast_in_dim3A_0 {strides = array<i32>} : memref<80x128xf32, #tpu.memory_space<vmem>>, vector<16xf32>,
    }
    %scan3A_13 = arith.constant 80 : i32
    %iota3A = tpu.iota {dimensions = array<i32: 0>} : vector<16xi32>
    %add3A = arith.constant 0 : i32
    %add3A_14 = vector.broadcast %add3A : i32 to vector<16xi32>
    %add3A_15 = arith.addi %iota3A, %add3A_14 : vector<16xi32>
    %swap3A = arith.constant 0 : index
    %swap3A_16 = tpu.vector_load %arg14[%swap3A] {strides = array<i32>} : memref<80xi32, #tpu.memory_space<vmem>>, vector<16xi32>,
    tpu.vector_store %arg14[%swap3A], %add3A_15 {strides = array<i32>} : memref<80xi32, #tpu.memory_space<vmem>>, vector<16xi32>,
    %add3A_17 = arith.constant 16 : i32
    %add3A_18 = vector.broadcast %add3A_17 : i32 to vector<16xi32>
    %add3A_19 = arith.addi %iota3A, %add3A_18 : vector<16xi32>
    %swap3A_20 = arith.constant 16 : index
    %swap3A_21 = tpu.vector_load %arg14[%swap3A_20] {strides = array<i32>} : memref<80xi32, #tpu.memory_space<vmem>>, vector<16xi32>,
    tpu.vector_store %arg14[%swap3A_20], %add3A_19 {strides = array<i32>} : memref<80xi32, #tpu.memory_space<vmem>>, vector<16xi32>,
    %add3A_22 = arith.constant 32 : i32
    %add3A_23 = vector.broadcast %add3A_22 : i32 to vector<16xi32>
    %add3A_24 = arith.addi %iota3A, %add3A_23 : vector<16xi32>
    %swap3A_25 = arith.constant 32 : index
    %swap3A_26 = tpu.vector_load %arg14[%swap3A_25] {strides = array<i32>} : memref<80xi32, #tpu.memory_space<vmem>>, vector<16xi32>,
    tpu.vector_store %arg14[%swap3A_25], %add3A_24 {strides = array<i32>} : memref<80xi32, #tpu.memory_space<vmem>>, vector<16xi32>,
    %add3A_27 = arith.constant 48 : i32
    %add3A_28 = vector.broadcast %add3A_27 : i32 to vector<16xi32>
    %add3A_29 = arith.addi %iota3A, %add3A_28 : vector<16xi32>
    %swap3A_30 = arith.constant 48 : index
    %swap3A_31 = tpu.vector_load %arg14[%swap3A_30] {strides = array<i32>} : memref<80xi32, #tpu.memory_space<vmem>>, vector<16xi32>,
    tpu.vector_store %arg14[%swap3A_30], %add3A_29 {strides = array<i32>} : memref<80xi32, #tpu.memory_space<vmem>>, vector<16xi32>,
    %add3A_32 = arith.constant 64 : i32
    %add3A_33 = vector.broadcast %add3A_32 : i32 to vector<16xi32>
    %add3A_34 = arith.addi %iota3A, %add3A_33 : vector<16xi32>
    %swap3A_35 = arith.constant 64 : index
    %swap3A_36 = tpu.vector_load %arg14[%swap3A_35] {strides = array<i32>} : memref<80xi32, #tpu.memory_space<vmem>>, vector<16xi32>,
    tpu.vector_store %arg14[%swap3A_35], %add3A_34 {strides = array<i32>} : memref<80xi32, #tpu.memory_space<vmem>>, vector<16xi32>,
    %mul3A = arith.constant 640 : i32
    %mul3A_37 = arith.muli %arg1, %mul3A : i32
    %add3A_38 = arith.constant 0 : i32
    %add3A_39 = arith.addi %mul3A_37, %add3A_38 : i32
    "tpu.region"() ({
      %run_scoped3A = tpu.sem_alloc : memref<!tpu.dma_semaphore, #tpu.memory_space<semaphore_mem>>
      %dma_start3A = arith.constant 0 : i32
      %dma_start3A_82 = tpu.memref_slice %arg19[%add3A_39, %dma_start3A] : memref<10240x128xf32, #tpu.memory_space<vmem_shared>> -> memref<128x128xf32, #tpu.memory_space<vmem_shared>>
      %dma_start3A_83 = arith.constant 0 : i32
      %dma_start3A_84 = tpu.memref_slice %arg19[%add3A_39, %dma_start3A_83] : memref<10240x128xf32, #tpu.memory_space<vmem_shared>> -> memref<128x128xf32, #tpu.memory_space<vmem_shared>>
      tpu.enqueue_dma source(%arg11 : memref<128x128xf32, #tpu.memory_space<vmem>>) target(%dma_start3A_84 : memref<128x128xf32, #tpu.memory_space<vmem_shared>>) target_semaphore(%run_scoped3A : memref<!tpu.dma_semaphore, #tpu.memory_space<semaphore_mem>>)
      %dma_wait3A_85 = arith.constant 0 : i32
      %dma_wait3A_86 = tpu.memref_slice %arg19[%add3A_39, %dma_wait3A_85] : memref<10240x128xf32, #tpu.memory_space<vmem_shared>> -> memref<128x128xf32, #tpu.memory_space<vmem_shared>>
      %dma_wait3A_87 = arith.constant 0 : i32
      %dma_wait3A_88 = tpu.memref_slice %arg19[%add3A_39, %dma_wait3A_87] : memref<10240x128xf32, #tpu.memory_space<vmem_shared>> -> memref<128x128xf32, #tpu.memory_space<vmem_shared>>
      tpu.wait_dma2 semaphore(%run_scoped3A : memref<!tpu.dma_semaphore, #tpu.memory_space<semaphore_mem>>) src(%arg11 : memref<128x128xf32, #tpu.memory_space<vmem>>) dst(%dma_wait3A_88 : memref<128x128xf32, #tpu.memory_space<vmem_shared>>)
      tpu.yield
    }) : () -> ()
    %mul3A_40 = arith.constant 640 : i32
    %mul3A_41 = arith.muli %arg1, %mul3A_40 : i32
    %add3A_42 = arith.constant 128 : i32
    %add3A_43 = arith.addi %mul3A_41, %add3A_42 : i32
    "tpu.region"() ({
      %run_scoped3A = tpu.sem_alloc : memref<!tpu.dma_semaphore, #tpu.memory_space<semaphore_mem>>
      %dma_start3A = arith.constant 0 : i32
      %dma_start3A_82 = tpu.memref_slice %arg19[%add3A_43, %dma_start3A] : memref<10240x128xf32, #tpu.memory_space<vmem_shared>> -> memref<128x128xf32, #tpu.memory_space<vmem_shared>>
      %dma_start3A_83 = arith.constant 0 : i32
      %dma_start3A_84 = tpu.memref_slice %arg19[%add3A_43, %dma_start3A_83] : memref<10240x128xf32, #tpu.memory_space<vmem_shared>> -> memref<128x128xf32, #tpu.memory_space<vmem_shared>>
      tpu.enqueue_dma source(%arg11 : memref<128x128xf32, #tpu.memory_space<vmem>>) target(%dma_start3A_84 : memref<128x128xf32, #tpu.memory_space<vmem_shared>>) target_semaphore(%run_scoped3A : memref<!tpu.dma_semaphore, #tpu.memory_space<semaphore_mem>>)
      %dma_wait3A_85 = arith.constant 0 : i32
      %dma_wait3A_86 = tpu.memref_slice %arg19[%add3A_43, %dma_wait3A_85] : memref<10240x128xf32, #tpu.memory_space<vmem_shared>> -> memref<128x128xf32, #tpu.memory_space<vmem_shared>>
      %dma_wait3A_87 = arith.constant 0 : i32
      %dma_wait3A_88 = tpu.memref_slice %arg19[%add3A_43, %dma_wait3A_87] : memref<10240x128xf32, #tpu.memory_space<vmem_shared>> -> memref<128x128xf32, #tpu.memory_space<vmem_shared>>
      tpu.wait_dma2 semaphore(%run_scoped3A : memref<!tpu.dma_semaphore, #tpu.memory_space<semaphore_mem>>) src(%arg11 : memref<128x128xf32, #tpu.memory_space<vmem>>) dst(%dma_wait3A_88 : memref<128x128xf32, #tpu.memory_space<vmem_shared>>)
      tpu.yield
    }) : () -> ()
    %mul3A_44 = arith.constant 640 : i32
    %mul3A_45 = arith.muli %arg1, %mul3A_44 : i32
    %add3A_46 = arith.constant 256 : i32
    %add3A_47 = arith.addi %mul3A_45, %add3A_46 : i32
    "tpu.region"() ({
      %run_scoped3A = tpu.sem_alloc : memref<!tpu.dma_semaphore, #tpu.memory_space<semaphore_mem>>
      %dma_start3A = arith.constant 0 : i32
      %dma_start3A_82 = tpu.memref_slice %arg19[%add3A_47, %dma_start3A] : memref<10240x128xf32, #tpu.memory_space<vmem_shared>> -> memref<128x128xf32, #tpu.memory_space<vmem_shared>>
      %dma_start3A_83 = arith.constant 0 : i32
      %dma_start3A_84 = tpu.memref_slice %arg19[%add3A_47, %dma_start3A_83] : memref<10240x128xf32, #tpu.memory_space<vmem_shared>> -> memref<128x128xf32, #tpu.memory_space<vmem_shared>>
      tpu.enqueue_dma source(%arg11 : memref<128x128xf32, #tpu.memory_space<vmem>>) target(%dma_start3A_84 : memref<128x128xf32, #tpu.memory_space<vmem_shared>>) target_semaphore(%run_scoped3A : memref<!tpu.dma_semaphore, #tpu.memory_space<semaphore_mem>>)
      %dma_wait3A_85 = arith.constant 0 : i32
      %dma_wait3A_86 = tpu.memref_slice %arg19[%add3A_47, %dma_wait3A_85] : memref<10240x128xf32, #tpu.memory_space<vmem_shared>> -> memref<128x128xf32, #tpu.memory_space<vmem_shared>>
      %dma_wait3A_87 = arith.constant 0 : i32
      %dma_wait3A_88 = tpu.memref_slice %arg19[%add3A_47, %dma_wait3A_87] : memref<10240x128xf32, #tpu.memory_space<vmem_shared>> -> memref<128x128xf32, #tpu.memory_space<vmem_shared>>
      tpu.wait_dma2 semaphore(%run_scoped3A : memref<!tpu.dma_semaphore, #tpu.memory_space<semaphore_mem>>) src(%arg11 : memref<128x128xf32, #tpu.memory_space<vmem>>) dst(%dma_wait3A_88 : memref<128x128xf32, #tpu.memory_space<vmem_shared>>)
      tpu.yield
    }) : () -> ()
    %mul3A_48 = arith.constant 640 : i32
    %mul3A_49 = arith.muli %arg1, %mul3A_48 : i32
    %add3A_50 = arith.constant 384 : i32
    %add3A_51 = arith.addi %mul3A_49, %add3A_50 : i32
    "tpu.region"() ({
      %run_scoped3A = tpu.sem_alloc : memref<!tpu.dma_semaphore, #tpu.memory_space<semaphore_mem>>
      %dma_start3A = arith.constant 0 : i32
      %dma_start3A_82 = tpu.memref_slice %arg19[%add3A_51, %dma_start3A] : memref<10240x128xf32, #tpu.memory_space<vmem_shared>> -> memref<128x128xf32, #tpu.memory_space<vmem_shared>>
      %dma_start3A_83 = arith.constant 0 : i32
      %dma_start3A_84 = tpu.memref_slice %arg19[%add3A_51, %dma_start3A_83] : memref<10240x128xf32, #tpu.memory_space<vmem_shared>> -> memref<128x128xf32, #tpu.memory_space<vmem_shared>>
      tpu.enqueue_dma source(%arg11 : memref<128x128xf32, #tpu.memory_space<vmem>>) target(%dma_start3A_84 : memref<128x128xf32, #tpu.memory_space<vmem_shared>>) target_semaphore(%run_scoped3A : memref<!tpu.dma_semaphore, #tpu.memory_space<semaphore_mem>>)
      %dma_wait3A_85 = arith.constant 0 : i32
      %dma_wait3A_86 = tpu.memref_slice %arg19[%add3A_51, %dma_wait3A_85] : memref<10240x128xf32, #tpu.memory_space<vmem_shared>> -> memref<128x128xf32, #tpu.memory_space<vmem_shared>>
      %dma_wait3A_87 = arith.constant 0 : i32
      %dma_wait3A_88 = tpu.memref_slice %arg19[%add3A_51, %dma_wait3A_87] : memref<10240x128xf32, #tpu.memory_space<vmem_shared>> -> memref<128x128xf32, #tpu.memory_space<vmem_shared>>
      tpu.wait_dma2 semaphore(%run_scoped3A : memref<!tpu.dma_semaphore, #tpu.memory_space<semaphore_mem>>) src(%arg11 : memref<128x128xf32, #tpu.memory_space<vmem>>) dst(%dma_wait3A_88 : memref<128x128xf32, #tpu.memory_space<vmem_shared>>)
      tpu.yield
    }) : () -> ()
    %mul3A_52 = arith.constant 640 : i32
    %mul3A_53 = arith.muli %arg1, %mul3A_52 : i32
    %add3A_54 = arith.constant 512 : i32
    %add3A_55 = arith.addi %mul3A_53, %add3A_54 : i32
    "tpu.region"() ({
      %run_scoped3A = tpu.sem_alloc : memref<!tpu.dma_semaphore, #tpu.memory_space<semaphore_mem>>
      %dma_start3A = arith.constant 0 : i32
      %dma_start3A_82 = tpu.memref_slice %arg19[%add3A_55, %dma_start3A] : memref<10240x128xf32, #tpu.memory_space<vmem_shared>> -> memref<128x128xf32, #tpu.memory_space<vmem_shared>>
      %dma_start3A_83 = arith.constant 0 : i32
      %dma_start3A_84 = tpu.memref_slice %arg19[%add3A_55, %dma_start3A_83] : memref<10240x128xf32, #tpu.memory_space<vmem_shared>> -> memref<128x128xf32, #tpu.memory_space<vmem_shared>>
      tpu.enqueue_dma source(%arg11 : memref<128x128xf32, #tpu.memory_space<vmem>>) target(%dma_start3A_84 : memref<128x128xf32, #tpu.memory_space<vmem_shared>>) target_semaphore(%run_scoped3A : memref<!tpu.dma_semaphore, #tpu.memory_space<semaphore_mem>>)
      %dma_wait3A_85 = arith.constant 0 : i32
      %dma_wait3A_86 = tpu.memref_slice %arg19[%add3A_55, %dma_wait3A_85] : memref<10240x128xf32, #tpu.memory_space<vmem_shared>> -> memref<128x128xf32, #tpu.memory_space<vmem_shared>>
      %dma_wait3A_87 = arith.constant 0 : i32
      %dma_wait3A_88 = tpu.memref_slice %arg19[%add3A_55, %dma_wait3A_87] : memref<10240x128xf32, #tpu.memory_space<vmem_shared>> -> memref<128x128xf32, #tpu.memory_space<vmem_shared>>
      tpu.wait_dma2 semaphore(%run_scoped3A : memref<!tpu.dma_semaphore, #tpu.memory_space<semaphore_mem>>) src(%arg11 : memref<128x128xf32, #tpu.memory_space<vmem>>) dst(%dma_wait3A_88 : memref<128x128xf32, #tpu.memory_space<vmem_shared>>)
      tpu.yield
    }) : () -> ()
    %lt3A = arith.constant 10 : i32
    %lt3A_56 = arith.cmpi slt, %arg1, %lt3A : i32
    %convert_element_type3A = arith.extui %lt3A_56 : i1 to i32
    %cond3A = arith.constant 0 : i32
    %cond3A_57 = arith.cmpi ne, %convert_element_type3A, %cond3A : i32
    scf.if %cond3A_57 {
      %mul3A_82 = arith.constant 8 : i32
      %mul3A_83 = arith.muli %arg1, %mul3A_82 : i32
      "tpu.region"() ({
        %run_scoped3A = tpu.sem_alloc : memref<!tpu.dma_semaphore, #tpu.memory_space<semaphore_mem>>
        %dma_start3A = arith.constant 0 : i32
        %dma_start3A_84 = arith.constant 0 : i32
        %dma_start3A_85 = tpu.memref_slice %arg11[%dma_start3A, %dma_start3A_84] : memref<128x128xf32, #tpu.memory_space<vmem>> -> memref<8x128xf32, #tpu.memory_space<vmem>>
        %dma_start3A_86 = arith.constant 0 : i32
        %dma_start3A_87 = tpu.memref_slice %arg20[%mul3A_83, %dma_start3A_86] : memref<80x128xf32, #tpu.memory_space<vmem_shared>> -> memref<8x128xf32, #tpu.memory_space<vmem_shared>>
        %dma_start3A_88 = arith.constant 0 : i32
        %dma_start3A_89 = tpu.memref_slice %arg20[%mul3A_83, %dma_start3A_88] : memref<80x128xf32, #tpu.memory_space<vmem_shared>> -> memref<8x128xf32, #tpu.memory_space<vmem_shared>>
        %dma_start3A_90 = arith.constant 0 : i32
        %dma_start3A_91 = arith.constant 0 : i32
        %dma_start3A_92 = tpu.memref_slice %arg11[%dma_start3A_90, %dma_start3A_91] : memref<128x128xf32, #tpu.memory_space<vmem>> -> memref<8x128xf32, #tpu.memory_space<vmem>>
        tpu.enqueue_dma source(%dma_start3A_92 : memref<8x128xf32, #tpu.memory_space<vmem>>) target(%dma_start3A_89 : memref<8x128xf32, #tpu.memory_space<vmem_shared>>) target_semaphore(%run_scoped3A : memref<!tpu.dma_semaphore, #tpu.memory_space<semaphore_mem>>)
        %dma_wait3A_93 = arith.constant 0 : i32
        %dma_wait3A_94 = arith.constant 0 : i32
        %dma_wait3A_95 = tpu.memref_slice %arg11[%dma_wait3A_93, %dma_wait3A_94] : memref<128x128xf32, #tpu.memory_space<vmem>> -> memref<8x128xf32, #tpu.memory_space<vmem>>
        %dma_wait3A_96 = arith.constant 0 : i32
        %dma_wait3A_97 = tpu.memref_slice %arg20[%mul3A_83, %dma_wait3A_96] : memref<80x128xf32, #tpu.memory_space<vmem_shared>> -> memref<8x128xf32, #tpu.memory_space<vmem_shared>>
        %dma_wait3A_98 = arith.constant 0 : i32
        %dma_wait3A_99 = tpu.memref_slice %arg20[%mul3A_83, %dma_wait3A_98] : memref<80x128xf32, #tpu.memory_space<vmem_shared>> -> memref<8x128xf32, #tpu.memory_space<vmem_shared>>
        %dma_wait3A_100 = arith.constant 0 : i32
        %dma_wait3A_101 = arith.constant 0 : i32
        %dma_wait3A_102 = tpu.memref_slice %arg11[%dma_wait3A_100, %dma_wait3A_101] : memref<128x128xf32, #tpu.memory_space<vmem>> -> memref<8x128xf32, #tpu.memory_space<vmem>>
        tpu.wait_dma2 semaphore(%run_scoped3A : memref<!tpu.dma_semaphore, #tpu.memory_space<semaphore_mem>>) src(%dma_wait3A_102 : memref<8x128xf32, #tpu.memory_space<vmem>>) dst(%dma_wait3A_99 : memref<8x128xf32, #tpu.memory_space<vmem_shared>>)
        tpu.yield
      }) : () -> ()
    } else {
    }
    %barrier3A = arith.constant 0 : index
    tpu.barrier barrier_id(%barrier3A)
    %mul3A_58 = arith.constant 10000 : i32
    %mul3A_59 = arith.muli %arg0, %mul3A_58 : i32
    %broadcast_in_dim3A_60 = vector.broadcast %mul3A_59 : i32 to vector<16xi32>
    %scan3A_61 = arith.constant 0 : i32
    %scan3A_62 = arith.constant 0 : i32
    %scan3A_63 = arith.constant 10 : i32
    %scan3A_64 = arith.addi %scan3A_62, %scan3A_63 : i32
    %scan3A_65 = arith.constant 1 : i32
    scf.for %scan3A_82 = %scan3A_62 to %scan3A_64 step %scan3A_65  : i32 {
      %mul3A_83 = arith.constant 8 : i32
      %mul3A_84 = arith.muli %scan3A_82, %mul3A_83 : i32
      "tpu.region"() ({
        %run_scoped3A = tpu.sem_alloc : memref<!tpu.dma_semaphore, #tpu.memory_space<semaphore_mem>>
        %dma_start3A = arith.constant 0 : i32
        %dma_start3A_97 = tpu.memref_slice %arg3[%arg1, %mul3A_84, %dma_start3A] : memref<16x80x128xi32, #tpu.memory_space<hbm>> -> memref<1x8x128xi32, #tpu.memory_space<hbm>>
        %dma_start3A_98 = tpu.memref_squeeze %dma_start3A_97 : memref<1x8x128xi32, #tpu.memory_space<hbm>> -> memref<8x128xi32, #tpu.memory_space<hbm>>
        %dma_start3A_99 = arith.constant 0 : i32
        %dma_start3A_100 = tpu.memref_slice %arg3[%arg1, %mul3A_84, %dma_start3A_99] : memref<16x80x128xi32, #tpu.memory_space<hbm>> -> memref<1x8x128xi32, #tpu.memory_space<hbm>>
        %dma_start3A_101 = tpu.memref_squeeze %dma_start3A_100 : memref<1x8x128xi32, #tpu.memory_space<hbm>> -> memref<8x128xi32, #tpu.memory_space<hbm>>
        tpu.enqueue_dma source(%dma_start3A_101 : memref<8x128xi32, #tpu.memory_space<hbm>>) target(%arg8 : memref<8x128xi32, #tpu.memory_space<vmem>>) target_semaphore(%run_scoped3A : memref<!tpu.dma_semaphore, #tpu.memory_space<semaphore_mem>>)
        %dma_wait3A_102 = arith.constant 0 : i32
        %dma_wait3A_103 = tpu.memref_slice %arg3[%arg1, %mul3A_84, %dma_wait3A_102] : memref<16x80x128xi32, #tpu.memory_space<hbm>> -> memref<1x8x128xi32, #tpu.memory_space<hbm>>
        %dma_wait3A_104 = tpu.memref_squeeze %dma_wait3A_103 : memref<1x8x128xi32, #tpu.memory_space<hbm>> -> memref<8x128xi32, #tpu.memory_space<hbm>>
        %dma_wait3A_105 = arith.constant 0 : i32
        %dma_wait3A_106 = tpu.memref_slice %arg3[%arg1, %mul3A_84, %dma_wait3A_105] : memref<16x80x128xi32, #tpu.memory_space<hbm>> -> memref<1x8x128xi32, #tpu.memory_space<hbm>>
        %dma_wait3A_107 = tpu.memref_squeeze %dma_wait3A_106 : memref<1x8x128xi32, #tpu.memory_space<hbm>> -> memref<8x128xi32, #tpu.memory_space<hbm>>
        tpu.wait_dma2 semaphore(%run_scoped3A : memref<!tpu.dma_semaphore, #tpu.memory_space<semaphore_mem>>) src(%dma_wait3A_107 : memref<8x128xi32, #tpu.memory_space<hbm>>) dst(%arg8 : memref<8x128xi32, #tpu.memory_space<vmem>>)
        tpu.yield
      }) : () -> ()
      "tpu.region"() ({
        %run_scoped3A = tpu.sem_alloc : memref<!tpu.dma_semaphore, #tpu.memory_space<semaphore_mem>>
        %dma_start3A = arith.constant 0 : i32
        %dma_start3A_97 = tpu.memref_slice %arg4[%arg1, %mul3A_84, %dma_start3A] : memref<16x80x128xi32, #tpu.memory_space<hbm>> -> memref<1x8x128xi32, #tpu.memory_space<hbm>>
        %dma_start3A_98 = tpu.memref_squeeze %dma_start3A_97 : memref<1x8x128xi32, #tpu.memory_space<hbm>> -> memref<8x128xi32, #tpu.memory_space<hbm>>
        %dma_start3A_99 = arith.constant 0 : i32
        %dma_start3A_100 = tpu.memref_slice %arg4[%arg1, %mul3A_84, %dma_start3A_99] : memref<16x80x128xi32, #tpu.memory_space<hbm>> -> memref<1x8x128xi32, #tpu.memory_space<hbm>>
        %dma_start3A_101 = tpu.memref_squeeze %dma_start3A_100 : memref<1x8x128xi32, #tpu.memory_space<hbm>> -> memref<8x128xi32, #tpu.memory_space<hbm>>
        tpu.enqueue_dma source(%dma_start3A_101 : memref<8x128xi32, #tpu.memory_space<hbm>>) target(%arg9 : memref<8x128xi32, #tpu.memory_space<vmem>>) target_semaphore(%run_scoped3A : memref<!tpu.dma_semaphore, #tpu.memory_space<semaphore_mem>>)
        %dma_wait3A_102 = arith.constant 0 : i32
        %dma_wait3A_103 = tpu.memref_slice %arg4[%arg1, %mul3A_84, %dma_wait3A_102] : memref<16x80x128xi32, #tpu.memory_space<hbm>> -> memref<1x8x128xi32, #tpu.memory_space<hbm>>
        %dma_wait3A_104 = tpu.memref_squeeze %dma_wait3A_103 : memref<1x8x128xi32, #tpu.memory_space<hbm>> -> memref<8x128xi32, #tpu.memory_space<hbm>>
        %dma_wait3A_105 = arith.constant 0 : i32
        %dma_wait3A_106 = tpu.memref_slice %arg4[%arg1, %mul3A_84, %dma_wait3A_105] : memref<16x80x128xi32, #tpu.memory_space<hbm>> -> memref<1x8x128xi32, #tpu.memory_space<hbm>>
        %dma_wait3A_107 = tpu.memref_squeeze %dma_wait3A_106 : memref<1x8x128xi32, #tpu.memory_space<hbm>> -> memref<8x128xi32, #tpu.memory_space<hbm>>
        tpu.wait_dma2 semaphore(%run_scoped3A : memref<!tpu.dma_semaphore, #tpu.memory_space<semaphore_mem>>) src(%dma_wait3A_107 : memref<8x128xi32, #tpu.memory_space<hbm>>) dst(%arg9 : memref<8x128xi32, #tpu.memory_space<vmem>>)
        tpu.yield
      }) : () -> ()
      "tpu.region"() ({
        %run_scoped3A = tpu.sem_alloc : memref<!tpu.dma_semaphore, #tpu.memory_space<semaphore_mem>>
        %dma_start3A = arith.constant 0 : i32
        %dma_start3A_97 = tpu.memref_slice %arg5[%arg1, %mul3A_84, %dma_start3A] : memref<16x80x128xf32, #tpu.memory_space<hbm>> -> memref<1x8x128xf32, #tpu.memory_space<hbm>>
        %dma_start3A_98 = tpu.memref_squeeze %dma_start3A_97 : memref<1x8x128xf32, #tpu.memory_space<hbm>> -> memref<8x128xf32, #tpu.memory_space<hbm>>
        %dma_start3A_99 = arith.constant 0 : i32
        %dma_start3A_100 = tpu.memref_slice %arg5[%arg1, %mul3A_84, %dma_start3A_99] : memref<16x80x128xf32, #tpu.memory_space<hbm>> -> memref<1x8x128xf32, #tpu.memory_space<hbm>>
        %dma_start3A_101 = tpu.memref_squeeze %dma_start3A_100 : memref<1x8x128xf32, #tpu.memory_space<hbm>> -> memref<8x128xf32, #tpu.memory_space<hbm>>
        tpu.enqueue_dma source(%dma_start3A_101 : memref<8x128xf32, #tpu.memory_space<hbm>>) target(%arg10 : memref<8x128xf32, #tpu.memory_space<vmem>>) target_semaphore(%run_scoped3A : memref<!tpu.dma_semaphore, #tpu.memory_space<semaphore_mem>>)
        %dma_wait3A_102 = arith.constant 0 : i32
        %dma_wait3A_103 = tpu.memref_slice %arg5[%arg1, %mul3A_84, %dma_wait3A_102] : memref<16x80x128xf32, #tpu.memory_space<hbm>> -> memref<1x8x128xf32, #tpu.memory_space<hbm>>
        %dma_wait3A_104 = tpu.memref_squeeze %dma_wait3A_103 : memref<1x8x128xf32, #tpu.memory_space<hbm>> -> memref<8x128xf32, #tpu.memory_space<hbm>>
        %dma_wait3A_105 = arith.constant 0 : i32
        %dma_wait3A_106 = tpu.memref_slice %arg5[%arg1, %mul3A_84, %dma_wait3A_105] : memref<16x80x128xf32, #tpu.memory_space<hbm>> -> memref<1x8x128xf32, #tpu.memory_space<hbm>>
        %dma_wait3A_107 = tpu.memref_squeeze %dma_wait3A_106 : memref<1x8x128xf32, #tpu.memory_space<hbm>> -> memref<8x128xf32, #tpu.memory_space<hbm>>
        tpu.wait_dma2 semaphore(%run_scoped3A : memref<!tpu.dma_semaphore, #tpu.memory_space<semaphore_mem>>) src(%dma_wait3A_107 : memref<8x128xf32, #tpu.memory_space<hbm>>) dst(%arg10 : memref<8x128xf32, #tpu.memory_space<vmem>>)
        tpu.yield
      }) : () -> ()
      %scan3A_85 = arith.constant 0 : i32
      %scan3A_86 = arith.constant 0 : i32
      %scan3A_87 = arith.constant 8 : i32
      %scan3A_88 = arith.addi %scan3A_86, %scan3A_87 : i32
      %scan3A_89 = arith.constant 1 : i32
      scf.for %scan3A_97 = %scan3A_86 to %scan3A_88 step %scan3A_89  : i32 {
        %get3A = arith.index_cast %scan3A_97 : i32 to index
        %get3A_98 = arith.constant 0 : index
        %get3A_99 = tpu.vector_load %arg9[%get3A, %get3A_98] {strides = array<i32>} : memref<8x128xi32, #tpu.memory_space<vmem>>, vector<16xi32>,
        %add3A_100 = arith.addi %get3A_99, %broadcast_in_dim3A_60 : vector<16xi32>
        %swap3A_101 = arith.index_cast %scan3A_97 : i32 to index
        %swap3A_102 = arith.constant 0 : index
        %swap3A_103 = tpu.vector_load %arg9[%swap3A_101, %swap3A_102] {strides = array<i32>} : memref<8x128xi32, #tpu.memory_space<vmem>>, vector<16xi32>,
        tpu.vector_store %arg9[%swap3A_101, %swap3A_102], %add3A_100 {strides = array<i32>} : memref<8x128xi32, #tpu.memory_space<vmem>>, vector<16xi32>,
        %get3A_104 = arith.index_cast %scan3A_97 : i32 to index
        %get3A_105 = arith.constant 16 : index
        %get3A_106 = tpu.vector_load %arg9[%get3A_104, %get3A_105] {strides = array<i32>} : memref<8x128xi32, #tpu.memory_space<vmem>>, vector<16xi32>,
        %add3A_107 = arith.addi %get3A_106, %broadcast_in_dim3A_60 : vector<16xi32>
        %swap3A_108 = arith.index_cast %scan3A_97 : i32 to index
        %swap3A_109 = arith.constant 16 : index
        %swap3A_110 = tpu.vector_load %arg9[%swap3A_108, %swap3A_109] {strides = array<i32>} : memref<8x128xi32, #tpu.memory_space<vmem>>, vector<16xi32>,
        tpu.vector_store %arg9[%swap3A_108, %swap3A_109], %add3A_107 {strides = array<i32>} : memref<8x128xi32, #tpu.memory_space<vmem>>, vector<16xi32>,
        %get3A_111 = arith.index_cast %scan3A_97 : i32 to index
        %get3A_112 = arith.constant 32 : index
        %get3A_113 = tpu.vector_load %arg9[%get3A_111, %get3A_112] {strides = array<i32>} : memref<8x128xi32, #tpu.memory_space<vmem>>, vector<16xi32>,
        %add3A_114 = arith.addi %get3A_113, %broadcast_in_dim3A_60 : vector<16xi32>
        %swap3A_115 = arith.index_cast %scan3A_97 : i32 to index
        %swap3A_116 = arith.constant 32 : index
        %swap3A_117 = tpu.vector_load %arg9[%swap3A_115, %swap3A_116] {strides = array<i32>} : memref<8x128xi32, #tpu.memory_space<vmem>>, vector<16xi32>,
        tpu.vector_store %arg9[%swap3A_115, %swap3A_116], %add3A_114 {strides = array<i32>} : memref<8x128xi32, #tpu.memory_space<vmem>>, vector<16xi32>,
        %get3A_118 = arith.index_cast %scan3A_97 : i32 to index
        %get3A_119 = arith.constant 48 : index
        %get3A_120 = tpu.vector_load %arg9[%get3A_118, %get3A_119] {strides = array<i32>} : memref<8x128xi32, #tpu.memory_space<vmem>>, vector<16xi32>,
        %add3A_121 = arith.addi %get3A_120, %broadcast_in_dim3A_60 : vector<16xi32>
        %swap3A_122 = arith.index_cast %scan3A_97 : i32 to index
        %swap3A_123 = arith.constant 48 : index
        %swap3A_124 = tpu.vector_load %arg9[%swap3A_122, %swap3A_123] {strides = array<i32>} : memref<8x128xi32, #tpu.memory_space<vmem>>, vector<16xi32>,
        tpu.vector_store %arg9[%swap3A_122, %swap3A_123], %add3A_121 {strides = array<i32>} : memref<8x128xi32, #tpu.memory_space<vmem>>, vector<16xi32>,
        %get3A_125 = arith.index_cast %scan3A_97 : i32 to index
        %get3A_126 = arith.constant 64 : index
        %get3A_127 = tpu.vector_load %arg9[%get3A_125, %get3A_126] {strides = array<i32>} : memref<8x128xi32, #tpu.memory_space<vmem>>, vector<16xi32>,
        %add3A_128 = arith.addi %get3A_127, %broadcast_in_dim3A_60 : vector<16xi32>
        %swap3A_129 = arith.index_cast %scan3A_97 : i32 to index
        %swap3A_130 = arith.constant 64 : index
        %swap3A_131 = tpu.vector_load %arg9[%swap3A_129, %swap3A_130] {strides = array<i32>} : memref<8x128xi32, #tpu.memory_space<vmem>>, vector<16xi32>,
        tpu.vector_store %arg9[%swap3A_129, %swap3A_130], %add3A_128 {strides = array<i32>} : memref<8x128xi32, #tpu.memory_space<vmem>>, vector<16xi32>,
        %get3A_132 = arith.index_cast %scan3A_97 : i32 to index
        %get3A_133 = arith.constant 80 : index
        %get3A_134 = tpu.vector_load %arg9[%get3A_132, %get3A_133] {strides = array<i32>} : memref<8x128xi32, #tpu.memory_space<vmem>>, vector<16xi32>,
        %add3A_135 = arith.addi %get3A_134, %broadcast_in_dim3A_60 : vector<16xi32>
        %swap3A_136 = arith.index_cast %scan3A_97 : i32 to index
        %swap3A_137 = arith.constant 80 : index
        %swap3A_138 = tpu.vector_load %arg9[%swap3A_136, %swap3A_137] {strides = array<i32>} : memref<8x128xi32, #tpu.memory_space<vmem>>, vector<16xi32>,
        tpu.vector_store %arg9[%swap3A_136, %swap3A_137], %add3A_135 {strides = array<i32>} : memref<8x128xi32, #tpu.memory_space<vmem>>, vector<16xi32>,
        %get3A_139 = arith.index_cast %scan3A_97 : i32 to index
        %get3A_140 = arith.constant 96 : index
        %get3A_141 = tpu.vector_load %arg9[%get3A_139, %get3A_140] {strides = array<i32>} : memref<8x128xi32, #tpu.memory_space<vmem>>, vector<16xi32>,
        %add3A_142 = arith.addi %get3A_141, %broadcast_in_dim3A_60 : vector<16xi32>
        %swap3A_143 = arith.index_cast %scan3A_97 : i32 to index
        %swap3A_144 = arith.constant 96 : index
        %swap3A_145 = tpu.vector_load %arg9[%swap3A_143, %swap3A_144] {strides = array<i32>} : memref<8x128xi32, #tpu.memory_space<vmem>>, vector<16xi32>,
        tpu.vector_store %arg9[%swap3A_143, %swap3A_144], %add3A_142 {strides = array<i32>} : memref<8x128xi32, #tpu.memory_space<vmem>>, vector<16xi32>,
        %get3A_146 = arith.index_cast %scan3A_97 : i32 to index
        %get3A_147 = arith.constant 112 : index
        %get3A_148 = tpu.vector_load %arg9[%get3A_146, %get3A_147] {strides = array<i32>} : memref<8x128xi32, #tpu.memory_space<vmem>>, vector<16xi32>,
        %add3A_149 = arith.addi %get3A_148, %broadcast_in_dim3A_60 : vector<16xi32>
        %swap3A_150 = arith.index_cast %scan3A_97 : i32 to index
        %swap3A_151 = arith.constant 112 : index
        %swap3A_152 = tpu.vector_load %arg9[%swap3A_150, %swap3A_151] {strides = array<i32>} : memref<8x128xi32, #tpu.memory_space<vmem>>, vector<16xi32>,
        tpu.vector_store %arg9[%swap3A_150, %swap3A_151], %add3A_149 {strides = array<i32>} : memref<8x128xi32, #tpu.memory_space<vmem>>, vector<16xi32>,
      }
      %scan3A_90 = arith.constant 8 : i32
      %scan3A_91 = arith.constant 0 : i32
      %scan3A_92 = arith.constant 0 : i32
      %scan3A_93 = arith.constant 4 : i32
      %scan3A_94 = arith.addi %scan3A_92, %scan3A_93 : i32
      %scan3A_95 = arith.constant 1 : i32
      scf.for %scan3A_97 = %scan3A_92 to %scan3A_94 step %scan3A_95  : i32 {
        %mul3A_98 = arith.constant 2 : i32
        %mul3A_99 = arith.muli %mul3A_98, %scan3A_97 : i32
        %mul3A_100 = arith.constant 2 : i32
        %mul3A_101 = arith.muli %mul3A_100, %scan3A_97 : i32
        %add3A_102 = arith.constant 1 : i32
        %add3A_103 = arith.addi %mul3A_101, %add3A_102 : i32
        %add3A_104 = arith.addi %scan3A_82, %scan3A_97 : i32
        %gt3A = arith.constant 0 : i32
        %gt3A_105 = arith.cmpi sgt, %add3A_104, %gt3A : i32
        %convert_element_type3A_106 = arith.extui %gt3A_105 : i1 to i32
        %cond3A_107 = arith.constant 0 : i32
        %cond3A_108 = arith.cmpi ne, %convert_element_type3A_106, %cond3A_107 : i32
        scf.if %cond3A_108 {
          %dma_wait3A_165 = arith.constant 0 : i32
          %dma_wait3A_166 = tpu.memref_slice %arg8[%add3A_103, %dma_wait3A_165] : memref<8x128xi32, #tpu.memory_space<vmem>> -> memref<1x128xi32, #tpu.memory_space<vmem>>
          %dma_wait3A_167 = tpu.memref_squeeze %dma_wait3A_166 : memref<1x128xi32, #tpu.memory_space<vmem>> -> memref<128xi32, #tpu.memory_space<vmem>>
          %dma_wait3A_168 = arith.constant 0 : i32
          %dma_wait3A_169 = arith.constant 0 : i32
          %dma_wait3A_170 = tpu.memref_slice %arg19[%dma_wait3A_168, %dma_wait3A_169] : memref<10240x128xf32, #tpu.memory_space<vmem_shared>> -> memref<10240x128xf32, #tpu.memory_space<vmem_shared>>
          tpu.wait_indirect_dma semaphore(%arg18 : memref<!tpu.dma_semaphore, #tpu.memory_space<semaphore_mem>>) src(%arg12 : memref<128x128xf32, #tpu.memory_space<vmem>>) dst(%dma_wait3A_170 : memref<10240x128xf32, #tpu.memory_space<vmem_shared>>)
        } else {
        }
        %eq3A = arith.constant 0 : i32
        %eq3A_109 = arith.cmpi eq, %scan3A_97, %eq3A : i32
        %convert_element_type3A_110 = arith.extui %eq3A_109 : i1 to i32
        %cond3A_111 = arith.constant 0 : i32
        %cond3A_112 = arith.cmpi ne, %convert_element_type3A_110, %cond3A_111 : i32
        scf.if %cond3A_112 {
          %dma_start3A_165 = arith.constant 0 : i32
          %dma_start3A_166 = tpu.memref_slice %arg9[%mul3A_99, %dma_start3A_165] : memref<8x128xi32, #tpu.memory_space<vmem>> -> memref<1x128xi32, #tpu.memory_space<vmem>>
          %dma_start3A_167 = tpu.memref_squeeze %dma_start3A_166 : memref<1x128xi32, #tpu.memory_space<vmem>> -> memref<128xi32, #tpu.memory_space<vmem>>
          %dma_start3A_168 = arith.constant 0 : i32
          %dma_start3A_169 = arith.constant 0 : i32
          %dma_start3A_170 = tpu.memref_slice %arg2[%dma_start3A_168, %dma_start3A_169] : memref<20000x128xf32, #tpu.memory_space<hbm>> -> memref<20000x128xf32, #tpu.memory_space<hbm>>
          tpu.enqueue_indirect_dma source(%dma_start3A_170 : memref<20000x128xf32, #tpu.memory_space<hbm>>) target(%arg11 : memref<128x128xf32, #tpu.memory_space<vmem>>) offsets(%dma_start3A_167 : memref<128xi32, #tpu.memory_space<vmem>>) semaphore(%arg15 : memref<!tpu.dma_semaphore, #tpu.memory_space<semaphore_mem>>)
        } else {
        }
        %dma_start3A = arith.constant 0 : i32
        %dma_start3A_113 = tpu.memref_slice %arg9[%add3A_103, %dma_start3A] : memref<8x128xi32, #tpu.memory_space<vmem>> -> memref<1x128xi32, #tpu.memory_space<vmem>>
        %dma_start3A_114 = tpu.memref_squeeze %dma_start3A_113 : memref<1x128xi32, #tpu.memory_space<vmem>> -> memref<128xi32, #tpu.memory_space<vmem>>
        %dma_start3A_115 = arith.constant 0 : i32
        %dma_start3A_116 = arith.constant 0 : i32
        %dma_start3A_117 = tpu.memref_slice %arg2[%dma_start3A_115, %dma_start3A_116] : memref<20000x128xf32, #tpu.memory_space<hbm>> -> memref<20000x128xf32, #tpu.memory_space<hbm>>
        tpu.enqueue_indirect_dma source(%dma_start3A_117 : memref<20000x128xf32, #tpu.memory_space<hbm>>) target(%arg12 : memref<128x128xf32, #tpu.memory_space<vmem>>) offsets(%dma_start3A_114 : memref<128xi32, #tpu.memory_space<vmem>>) semaphore(%arg16 : memref<!tpu.dma_semaphore, #tpu.memory_space<semaphore_mem>>)
        %dma_wait3A_118 = arith.constant 0 : i32
        %dma_wait3A_119 = tpu.memref_slice %arg9[%mul3A_99, %dma_wait3A_118] : memref<8x128xi32, #tpu.memory_space<vmem>> -> memref<1x128xi32, #tpu.memory_space<vmem>>
        %dma_wait3A_120 = tpu.memref_squeeze %dma_wait3A_119 : memref<1x128xi32, #tpu.memory_space<vmem>> -> memref<128xi32, #tpu.memory_space<vmem>>
        %dma_wait3A_121 = arith.constant 0 : i32
        %dma_wait3A_122 = arith.constant 0 : i32
        %dma_wait3A_123 = tpu.memref_slice %arg2[%dma_wait3A_121, %dma_wait3A_122] : memref<20000x128xf32, #tpu.memory_space<hbm>> -> memref<20000x128xf32, #tpu.memory_space<hbm>>
        tpu.wait_indirect_dma semaphore(%arg15 : memref<!tpu.dma_semaphore, #tpu.memory_space<semaphore_mem>>) src(%dma_wait3A_123 : memref<20000x128xf32, #tpu.memory_space<hbm>>) dst(%arg11 : memref<128x128xf32, #tpu.memory_space<vmem>>)
        %scan3A_124 = arith.constant 0 : i32
        %scan3A_125 = arith.constant 0 : i32
        %scan3A_126 = arith.constant 8 : i32
        %scan3A_127 = arith.addi %scan3A_125, %scan3A_126 : i32
        %scan3A_128 = arith.constant 1 : i32
        scf.for %scan3A_165 = %scan3A_125 to %scan3A_127 step %scan3A_128  : i32 {
          %mul3A_166 = arith.constant 16 : i32
          %mul3A_167 = arith.muli %scan3A_165, %mul3A_166 : i32
          %get3A = arith.index_cast %mul3A_99 : i32 to index
          %get3A_168 = arith.index_cast %mul3A_167 : i32 to index
          %get3A_169 = tpu.vector_load %arg10[%get3A, %get3A_168] {strides = array<i32>} : memref<8x128xf32, #tpu.memory_space<vmem>>, vector<16xf32>,
          %mul3A_170 = arith.constant 16 : i32
          %mul3A_171 = arith.muli %scan3A_165, %mul3A_170 : i32
          %get3A_172 = arith.index_cast %mul3A_99 : i32 to index
          %get3A_173 = arith.index_cast %mul3A_171 : i32 to index
          %get3A_174 = tpu.vector_load %arg8[%get3A_172, %get3A_173] {strides = array<i32>} : memref<8x128xi32, #tpu.memory_space<vmem>>, vector<16xi32>,
          %shift_right_logical3A = arith.constant 7 : i32
          %shift_right_logical3A_175 = vector.broadcast %shift_right_logical3A : i32 to vector<16xi32>
          %shift_right_logical3A_176 = arith.shrui %get3A_174, %shift_right_logical3A_175 : vector<16xi32>
          %and3A = arith.constant 127 : i32
          %and3A_177 = vector.broadcast %and3A : i32 to vector<16xi32>
          %and3A_178 = arith.andi %get3A_174, %and3A_177 : vector<16xi32>
          tpu.vector_store_idx %arg13[%shift_right_logical3A_176, %and3A_178], %broadcast_in_dim3A_2 {add = true} : memref<80x128xf32, #tpu.memory_space<vmem>>[vector<16xi32>, vector<16xi32>], vector<16xf32>,
          %slice3A = vector.extract_strided_slice %get3A_169 {offsets = [0], sizes = [1], strides = [1]} : vector<16xf32> to vector<1xf32>
          %squeeze3A = vector.extract %slice3A[0] : f32 from vector<1xf32>
          %broadcast_in_dim3A_179 = vector.broadcast %squeeze3A : f32 to vector<16xf32>
          %mul3A_180 = arith.constant 16 : i32
          %mul3A_181 = arith.muli %scan3A_165, %mul3A_180 : i32
          %add3A_182 = arith.constant 0 : i32
          %add3A_183 = arith.addi %mul3A_181, %add3A_182 : i32
          %get3A_184 = arith.index_cast %add3A_183 : i32 to index
          %get3A_185 = arith.constant 0 : index
          %get3A_186 = tpu.vector_load %arg11[%get3A_184, %get3A_185] {strides = array<i32>} : memref<128x128xf32, #tpu.memory_space<vmem>>, vector<16xf32>,
          %mul3A_187 = arith.mulf %get3A_186, %broadcast_in_dim3A_179 : vector<16xf32>
          %swap3A_188 = arith.index_cast %add3A_183 : i32 to index
          %swap3A_189 = arith.constant 0 : index
          %swap3A_190 = tpu.vector_load %arg11[%swap3A_188, %swap3A_189] {strides = array<i32>} : memref<128x128xf32, #tpu.memory_space<vmem>>, vector<16xf32>,
          tpu.vector_store %arg11[%swap3A_188, %swap3A_189], %mul3A_187 {strides = array<i32>} : memref<128x128xf32, #tpu.memory_space<vmem>>, vector<16xf32>,
          %get3A_191 = arith.index_cast %add3A_183 : i32 to index
          %get3A_192 = arith.constant 16 : index
          %get3A_193 = tpu.vector_load %arg11[%get3A_191, %get3A_192] {strides = array<i32>} : memref<128x128xf32, #tpu.memory_space<vmem>>, vector<16xf32>,
          %mul3A_194 = arith.mulf %get3A_193, %broadcast_in_dim3A_179 : vector<16xf32>
          %swap3A_195 = arith.index_cast %add3A_183 : i32 to index
          %swap3A_196 = arith.constant 16 : index
          %swap3A_197 = tpu.vector_load %arg11[%swap3A_195, %swap3A_196] {strides = array<i32>} : memref<128x128xf32, #tpu.memory_space<vmem>>, vector<16xf32>,
          tpu.vector_store %arg11[%swap3A_195, %swap3A_196], %mul3A_194 {strides = array<i32>} : memref<128x128xf32, #tpu.memory_space<vmem>>, vector<16xf32>,
          %get3A_198 = arith.index_cast %add3A_183 : i32 to index
          %get3A_199 = arith.constant 32 : index
          %get3A_200 = tpu.vector_load %arg11[%get3A_198, %get3A_199] {strides = array<i32>} : memref<128x128xf32, #tpu.memory_space<vmem>>, vector<16xf32>,
          %mul3A_201 = arith.mulf %get3A_200, %broadcast_in_dim3A_179 : vector<16xf32>
          %swap3A_202 = arith.index_cast %add3A_183 : i32 to index
          %swap3A_203 = arith.constant 32 : index
          %swap3A_204 = tpu.vector_load %arg11[%swap3A_202, %swap3A_203] {strides = array<i32>} : memref<128x128xf32, #tpu.memory_space<vmem>>, vector<16xf32>,
          tpu.vector_store %arg11[%swap3A_202, %swap3A_203], %mul3A_201 {strides = array<i32>} : memref<128x128xf32, #tpu.memory_space<vmem>>, vector<16xf32>,
          %get3A_205 = arith.index_cast %add3A_183 : i32 to index
          %get3A_206 = arith.constant 48 : index
          %get3A_207 = tpu.vector_load %arg11[%get3A_205, %get3A_206] {strides = array<i32>} : memref<128x128xf32, #tpu.memory_space<vmem>>, vector<16xf32>,
          %mul3A_208 = arith.mulf %get3A_207, %broadcast_in_dim3A_179 : vector<16xf32>
          %swap3A_209 = arith.index_cast %add3A_183 : i32 to index
          %swap3A_210 = arith.constant 48 : index
          %swap3A_211 = tpu.vector_load %arg11[%swap3A_209, %swap3A_210] {strides = array<i32>} : memref<128x128xf32, #tpu.memory_space<vmem>>, vector<16xf32>,
          tpu.vector_store %arg11[%swap3A_209, %swap3A_210], %mul3A_208 {strides = array<i32>} : memref<128x128xf32, #tpu.memory_space<vmem>>, vector<16xf32>,
          %get3A_212 = arith.index_cast %add3A_183 : i32 to index
          %get3A_213 = arith.constant 64 : index
          %get3A_214 = tpu.vector_load %arg11[%get3A_212, %get3A_213] {strides = array<i32>} : memref<128x128xf32, #tpu.memory_space<vmem>>, vector<16xf32>,
          %mul3A_215 = arith.mulf %get3A_214, %broadcast_in_dim3A_179 : vector<16xf32>
          %swap3A_216 = arith.index_cast %add3A_183 : i32 to index
          %swap3A_217 = arith.constant 64 : index
          %swap3A_218 = tpu.vector_load %arg11[%swap3A_216, %swap3A_217] {strides = array<i32>} : memref<128x128xf32, #tpu.memory_space<vmem>>, vector<16xf32>,
          tpu.vector_store %arg11[%swap3A_216, %swap3A_217], %mul3A_215 {strides = array<i32>} : memref<128x128xf32, #tpu.memory_space<vmem>>, vector<16xf32>,
          %get3A_219 = arith.index_cast %add3A_183 : i32 to index
          %get3A_220 = arith.constant 80 : index
          %get3A_221 = tpu.vector_load %arg11[%get3A_219, %get3A_220] {strides = array<i32>} : memref<128x128xf32, #tpu.memory_space<vmem>>, vector<16xf32>,
          %mul3A_222 = arith.mulf %get3A_221, %broadcast_in_dim3A_179 : vector<16xf32>
          %swap3A_223 = arith.index_cast %add3A_183 : i32 to index
          %swap3A_224 = arith.constant 80 : index
          %swap3A_225 = tpu.vector_load %arg11[%swap3A_223, %swap3A_224] {strides = array<i32>} : memref<128x128xf32, #tpu.memory_space<vmem>>, vector<16xf32>,
          tpu.vector_store %arg11[%swap3A_223, %swap3A_224], %mul3A_222 {strides = array<i32>} : memref<128x128xf32, #tpu.memory_space<vmem>>, vector<16xf32>,
          %get3A_226 = arith.index_cast %add3A_183 : i32 to index
          %get3A_227 = arith.constant 96 : index
          %get3A_228 = tpu.vector_load %arg11[%get3A_226, %get3A_227] {strides = array<i32>} : memref<128x128xf32, #tpu.memory_space<vmem>>, vector<16xf32>,
          %mul3A_229 = arith.mulf %get3A_228, %broadcast_in_dim3A_179 : vector<16xf32>
          %swap3A_230 = arith.index_cast %add3A_183 : i32 to index
          %swap3A_231 = arith.constant 96 : index
          %swap3A_232 = tpu.vector_load %arg11[%swap3A_230, %swap3A_231] {strides = array<i32>} : memref<128x128xf32, #tpu.memory_space<vmem>>, vector<16xf32>,
          tpu.vector_store %arg11[%swap3A_230, %swap3A_231], %mul3A_229 {strides = array<i32>} : memref<128x128xf32, #tpu.memory_space<vmem>>, vector<16xf32>,
          %get3A_233 = arith.index_cast %add3A_183 : i32 to index
          %get3A_234 = arith.constant 112 : index
          %get3A_235 = tpu.vector_load %arg11[%get3A_233, %get3A_234] {strides = array<i32>} : memref<128x128xf32, #tpu.memory_space<vmem>>, vector<16xf32>,
          %mul3A_236 = arith.mulf %get3A_235, %broadcast_in_dim3A_179 : vector<16xf32>
          %swap3A_237 = arith.index_cast %add3A_183 : i32 to index
          %swap3A_238 = arith.constant 112 : index
          %swap3A_239 = tpu.vector_load %arg11[%swap3A_237, %swap3A_238] {strides = array<i32>} : memref<128x128xf32, #tpu.memory_space<vmem>>, vector<16xf32>,
          tpu.vector_store %arg11[%swap3A_237, %swap3A_238], %mul3A_236 {strides = array<i32>} : memref<128x128xf32, #tpu.memory_space<vmem>>, vector<16xf32>,
          %slice3A_240 = vector.extract_strided_slice %get3A_169 {offsets = [1], sizes = [1], strides = [1]} : vector<16xf32> to vector<1xf32>
          %squeeze3A_241 = vector.extract %slice3A_240[0] : f32 from vector<1xf32>
          %broadcast_in_dim3A_242 = vector.broadcast %squeeze3A_241 : f32 to vector<16xf32>
          %mul3A_243 = arith.constant 16 : i32
          %mul3A_244 = arith.muli %scan3A_165, %mul3A_243 : i32
          %add3A_245 = arith.constant 1 : i32
          %add3A_246 = arith.addi %mul3A_244, %add3A_245 : i32
          %get3A_247 = arith.index_cast %add3A_246 : i32 to index
          %get3A_248 = arith.constant 0 : index
          %get3A_249 = tpu.vector_load %arg11[%get3A_247, %get3A_248] {strides = array<i32>} : memref<128x128xf32, #tpu.memory_space<vmem>>, vector<16xf32>,
          %mul3A_250 = arith.mulf %get3A_249, %broadcast_in_dim3A_242 : vector<16xf32>
          %swap3A_251 = arith.index_cast %add3A_246 : i32 to index
          %swap3A_252 = arith.constant 0 : index
          %swap3A_253 = tpu.vector_load %arg11[%swap3A_251, %swap3A_252] {strides = array<i32>} : memref<128x128xf32, #tpu.memory_space<vmem>>, vector<16xf32>,
          tpu.vector_store %arg11[%swap3A_251, %swap3A_252], %mul3A_250 {strides = array<i32>} : memref<128x128xf32, #tpu.memory_space<vmem>>, vector<16xf32>,
          %get3A_254 = arith.index_cast %add3A_246 : i32 to index
          %get3A_255 = arith.constant 16 : index
          %get3A_256 = tpu.vector_load %arg11[%get3A_254, %get3A_255] {strides = array<i32>} : memref<128x128xf32, #tpu.memory_space<vmem>>, vector<16xf32>,
          %mul3A_257 = arith.mulf %get3A_256, %broadcast_in_dim3A_242 : vector<16xf32>
          %swap3A_258 = arith.index_cast %add3A_246 : i32 to index
          %swap3A_259 = arith.constant 16 : index
          %swap3A_260 = tpu.vector_load %arg11[%swap3A_258, %swap3A_259] {strides = array<i32>} : memref<128x128xf32, #tpu.memory_space<vmem>>, vector<16xf32>,
          tpu.vector_store %arg11[%swap3A_258, %swap3A_259], %mul3A_257 {strides = array<i32>} : memref<128x128xf32, #tpu.memory_space<vmem>>, vector<16xf32>,
          %get3A_261 = arith.index_cast %add3A_246 : i32 to index
          %get3A_262 = arith.constant 32 : index
          %get3A_263 = tpu.vector_load %arg11[%get3A_261, %get3A_262] {strides = array<i32>} : memref<128x128xf32, #tpu.memory_space<vmem>>, vector<16xf32>,
          %mul3A_264 = arith.mulf %get3A_263, %broadcast_in_dim3A_242 : vector<16xf32>
          %swap3A_265 = arith.index_cast %add3A_246 : i32 to index
          %swap3A_266 = arith.constant 32 : index
          %swap3A_267 = tpu.vector_load %arg11[%swap3A_265, %swap3A_266] {strides = array<i32>} : memref<128x128xf32, #tpu.memory_space<vmem>>, vector<16xf32>,
          tpu.vector_store %arg11[%swap3A_265, %swap3A_266], %mul3A_264 {strides = array<i32>} : memref<128x128xf32, #tpu.memory_space<vmem>>, vector<16xf32>,
          %get3A_268 = arith.index_cast %add3A_246 : i32 to index
          %get3A_269 = arith.constant 48 : index
          %get3A_270 = tpu.vector_load %arg11[%get3A_268, %get3A_269] {strides = array<i32>} : memref<128x128xf32, #tpu.memory_space<vmem>>, vector<16xf32>,
          %mul3A_271 = arith.mulf %get3A_270, %broadcast_in_dim3A_242 : vector<16xf32>
          %swap3A_272 = arith.index_cast %add3A_246 : i32 to index
          %swap3A_273 = arith.constant 48 : index
          %swap3A_274 = tpu.vector_load %arg11[%swap3A_272, %swap3A_273] {strides = array<i32>} : memref<128x128xf32, #tpu.memory_space<vmem>>, vector<16xf32>,
          tpu.vector_store %arg11[%swap3A_272, %swap3A_273], %mul3A_271 {strides = array<i32>} : memref<128x128xf32, #tpu.memory_space<vmem>>, vector<16xf32>,
          %get3A_275 = arith.index_cast %add3A_246 : i32 to index
          %get3A_276 = arith.constant 64 : index
          %get3A_277 = tpu.vector_load %arg11[%get3A_275, %get3A_276] {strides = array<i32>} : memref<128x128xf32, #tpu.memory_space<vmem>>, vector<16xf32>,
          %mul3A_278 = arith.mulf %get3A_277, %broadcast_in_dim3A_242 : vector<16xf32>
          %swap3A_279 = arith.index_cast %add3A_246 : i32 to index
          %swap3A_280 = arith.constant 64 : index
          %swap3A_281 = tpu.vector_load %arg11[%swap3A_279, %swap3A_280] {strides = array<i32>} : memref<128x128xf32, #tpu.memory_space<vmem>>, vector<16xf32>,
          tpu.vector_store %arg11[%swap3A_279, %swap3A_280], %mul3A_278 {strides = array<i32>} : memref<128x128xf32, #tpu.memory_space<vmem>>, vector<16xf32>,
          %get3A_282 = arith.index_cast %add3A_246 : i32 to index
          %get3A_283 = arith.constant 80 : index
          %get3A_284 = tpu.vector_load %arg11[%get3A_282, %get3A_283] {strides = array<i32>} : memref<128x128xf32, #tpu.memory_space<vmem>>, vector<16xf32>,
          %mul3A_285 = arith.mulf %get3A_284, %broadcast_in_dim3A_242 : vector<16xf32>
          %swap3A_286 = arith.index_cast %add3A_246 : i32 to index
          %swap3A_287 = arith.constant 80 : index
          %swap3A_288 = tpu.vector_load %arg11[%swap3A_286, %swap3A_287] {strides = array<i32>} : memref<128x128xf32, #tpu.memory_space<vmem>>, vector<16xf32>,
          tpu.vector_store %arg11[%swap3A_286, %swap3A_287], %mul3A_285 {strides = array<i32>} : memref<128x128xf32, #tpu.memory_space<vmem>>, vector<16xf32>,
          %get3A_289 = arith.index_cast %add3A_246 : i32 to index
          %get3A_290 = arith.constant 96 : index
          %get3A_291 = tpu.vector_load %arg11[%get3A_289, %get3A_290] {strides = array<i32>} : memref<128x128xf32, #tpu.memory_space<vmem>>, vector<16xf32>,
          %mul3A_292 = arith.mulf %get3A_291, %broadcast_in_dim3A_242 : vector<16xf32>
          %swap3A_293 = arith.index_cast %add3A_246 : i32 to index
          %swap3A_294 = arith.constant 96 : index
          %swap3A_295 = tpu.vector_load %arg11[%swap3A_293, %swap3A_294] {strides = array<i32>} : memref<128x128xf32, #tpu.memory_space<vmem>>, vector<16xf32>,
          tpu.vector_store %arg11[%swap3A_293, %swap3A_294], %mul3A_292 {strides = array<i32>} : memref<128x128xf32, #tpu.memory_space<vmem>>, vector<16xf32>,
          %get3A_296 = arith.index_cast %add3A_246 : i32 to index
          %get3A_297 = arith.constant 112 : index
          %get3A_298 = tpu.vector_load %arg11[%get3A_296, %get3A_297] {strides = array<i32>} : memref<128x128xf32, #tpu.memory_space<vmem>>, vector<16xf32>,
          %mul3A_299 = arith.mulf %get3A_298, %broadcast_in_dim3A_242 : vector<16xf32>
          %swap3A_300 = arith.index_cast %add3A_246 : i32 to index
          %swap3A_301 = arith.constant 112 : index
          %swap3A_302 = tpu.vector_load %arg11[%swap3A_300, %swap3A_301] {strides = array<i32>} : memref<128x128xf32, #tpu.memory_space<vmem>>, vector<16xf32>,
          tpu.vector_store %arg11[%swap3A_300, %swap3A_301], %mul3A_299 {strides = array<i32>} : memref<128x128xf32, #tpu.memory_space<vmem>>, vector<16xf32>,
          %slice3A_303 = vector.extract_strided_slice %get3A_169 {offsets = [2], sizes = [1], strides = [1]} : vector<16xf32> to vector<1xf32>
          %squeeze3A_304 = vector.extract %slice3A_303[0] : f32 from vector<1xf32>
          %broadcast_in_dim3A_305 = vector.broadcast %squeeze3A_304 : f32 to vector<16xf32>
          %mul3A_306 = arith.constant 16 : i32
          %mul3A_307 = arith.muli %scan3A_165, %mul3A_306 : i32
          %add3A_308 = arith.constant 2 : i32
          %add3A_309 = arith.addi %mul3A_307, %add3A_308 : i32
          %get3A_310 = arith.index_cast %add3A_309 : i32 to index
          %get3A_311 = arith.constant 0 : index
          %get3A_312 = tpu.vector_load %arg11[%get3A_310, %get3A_311] {strides = array<i32>} : memref<128x128xf32, #tpu.memory_space<vmem>>, vector<16xf32>,
          %mul3A_313 = arith.mulf %get3A_312, %broadcast_in_dim3A_305 : vector<16xf32>
          %swap3A_314 = arith.index_cast %add3A_309 : i32 to index
          %swap3A_315 = arith.constant 0 : index
          %swap3A_316 = tpu.vector_load %arg11[%swap3A_314, %swap3A_315] {strides = array<i32>} : memref<128x128xf32, #tpu.memory_space<vmem>>, vector<16xf32>,
          tpu.vector_store %arg11[%swap3A_314, %swap3A_315], %mul3A_313 {strides = array<i32>} : memref<128x128xf32, #tpu.memory_space<vmem>>, vector<16xf32>,
          %get3A_317 = arith.index_cast %add3A_309 : i32 to index
          %get3A_318 = arith.constant 16 : index
          %get3A_319 = tpu.vector_load %arg11[%get3A_317, %get3A_318] {strides = array<i32>} : memref<128x128xf32, #tpu.memory_space<vmem>>, vector<16xf32>,
          %mul3A_320 = arith.mulf %get3A_319, %broadcast_in_dim3A_305 : vector<16xf32>
          %swap3A_321 = arith.index_cast %add3A_309 : i32 to index
          %swap3A_322 = arith.constant 16 : index
          %swap3A_323 = tpu.vector_load %arg11[%swap3A_321, %swap3A_322] {strides = array<i32>} : memref<128x128xf32, #tpu.memory_space<vmem>>, vector<16xf32>,
          tpu.vector_store %arg11[%swap3A_321, %swap3A_322], %mul3A_320 {strides = array<i32>} : memref<128x128xf32, #tpu.memory_space<vmem>>, vector<16xf32>,
          %get3A_324 = arith.index_cast %add3A_309 : i32 to index
          %get3A_325 = arith.constant 32 : index
          %get3A_326 = tpu.vector_load %arg11[%get3A_324, %get3A_325] {strides = array<i32>} : memref<128x128xf32, #tpu.memory_space<vmem>>, vector<16xf32>,
          %mul3A_327 = arith.mulf %get3A_326, %broadcast_in_dim3A_305 : vector<16xf32>
          %swap3A_328 = arith.index_cast %add3A_309 : i32 to index
          %swap3A_329 = arith.constant 32 : index
          %swap3A_330 = tpu.vector_load %arg11[%swap3A_328, %swap3A_329] {strides = array<i32>} : memref<128x128xf32, #tpu.memory_space<vmem>>, vector<16xf32>,
          tpu.vector_store %arg11[%swap3A_328, %swap3A_329], %mul3A_327 {strides = array<i32>} : memref<128x128xf32, #tpu.memory_space<vmem>>, vector<16xf32>,
          %get3A_331 = arith.index_cast %add3A_309 : i32 to index
          %get3A_332 = arith.constant 48 : index
          %get3A_333 = tpu.vector_load %arg11[%get3A_331, %get3A_332] {strides = array<i32>} : memref<128x128xf32, #tpu.memory_space<vmem>>, vector<16xf32>,
          %mul3A_334 = arith.mulf %get3A_333, %broadcast_in_dim3A_305 : vector<16xf32>
          %swap3A_335 = arith.index_cast %add3A_309 : i32 to index
          %swap3A_336 = arith.constant 48 : index
          %swap3A_337 = tpu.vector_load %arg11[%swap3A_335, %swap3A_336] {strides = array<i32>} : memref<128x128xf32, #tpu.memory_space<vmem>>, vector<16xf32>,
          tpu.vector_store %arg11[%swap3A_335, %swap3A_336], %mul3A_334 {strides = array<i32>} : memref<128x128xf32, #tpu.memory_space<vmem>>, vector<16xf32>,
          %get3A_338 = arith.index_cast %add3A_309 : i32 to index
          %get3A_339 = arith.constant 64 : index
          %get3A_340 = tpu.vector_load %arg11[%get3A_338, %get3A_339] {strides = array<i32>} : memref<128x128xf32, #tpu.memory_space<vmem>>, vector<16xf32>,
          %mul3A_341 = arith.mulf %get3A_340, %broadcast_in_dim3A_305 : vector<16xf32>
          %swap3A_342 = arith.index_cast %add3A_309 : i32 to index
          %swap3A_343 = arith.constant 64 : index
          %swap3A_344 = tpu.vector_load %arg11[%swap3A_342, %swap3A_343] {strides = array<i32>} : memref<128x128xf32, #tpu.memory_space<vmem>>, vector<16xf32>,
          tpu.vector_store %arg11[%swap3A_342, %swap3A_343], %mul3A_341 {strides = array<i32>} : memref<128x128xf32, #tpu.memory_space<vmem>>, vector<16xf32>,
          %get3A_345 = arith.index_cast %add3A_309 : i32 to index
          %get3A_346 = arith.constant 80 : index
          %get3A_347 = tpu.vector_load %arg11[%get3A_345, %get3A_346] {strides = array<i32>} : memref<128x128xf32, #tpu.memory_space<vmem>>, vector<16xf32>,
          %mul3A_348 = arith.mulf %get3A_347, %broadcast_in_dim3A_305 : vector<16xf32>
          %swap3A_349 = arith.index_cast %add3A_309 : i32 to index
          %swap3A_350 = arith.constant 80 : index
          %swap3A_351 = tpu.vector_load %arg11[%swap3A_349, %swap3A_350] {strides = array<i32>} : memref<128x128xf32, #tpu.memory_space<vmem>>, vector<16xf32>,
          tpu.vector_store %arg11[%swap3A_349, %swap3A_350], %mul3A_348 {strides = array<i32>} : memref<128x128xf32, #tpu.memory_space<vmem>>, vector<16xf32>,
          %get3A_352 = arith.index_cast %add3A_309 : i32 to index
          %get3A_353 = arith.constant 96 : index
          %get3A_354 = tpu.vector_load %arg11[%get3A_352, %get3A_353] {strides = array<i32>} : memref<128x128xf32, #tpu.memory_space<vmem>>, vector<16xf32>,
          %mul3A_355 = arith.mulf %get3A_354, %broadcast_in_dim3A_305 : vector<16xf32>
          %swap3A_356 = arith.index_cast %add3A_309 : i32 to index
          %swap3A_357 = arith.constant 96 : index
          %swap3A_358 = tpu.vector_load %arg11[%swap3A_356, %swap3A_357] {strides = array<i32>} : memref<128x128xf32, #tpu.memory_space<vmem>>, vector<16xf32>,
          tpu.vector_store %arg11[%swap3A_356, %swap3A_357], %mul3A_355 {strides = array<i32>} : memref<128x128xf32, #tpu.memory_space<vmem>>, vector<16xf32>,
          %get3A_359 = arith.index_cast %add3A_309 : i32 to index
          %get3A_360 = arith.constant 112 : index
          %get3A_361 = tpu.vector_load %arg11[%get3A_359, %get3A_360] {strides = array<i32>} : memref<128x128xf32, #tpu.memory_space<vmem>>, vector<16xf32>,
          %mul3A_362 = arith.mulf %get3A_361, %broadcast_in_dim3A_305 : vector<16xf32>
          %swap3A_363 = arith.index_cast %add3A_309 : i32 to index
          %swap3A_364 = arith.constant 112 : index
          %swap3A_365 = tpu.vector_load %arg11[%swap3A_363, %swap3A_364] {strides = array<i32>} : memref<128x128xf32, #tpu.memory_space<vmem>>, vector<16xf32>,
          tpu.vector_store %arg11[%swap3A_363, %swap3A_364], %mul3A_362 {strides = array<i32>} : memref<128x128xf32, #tpu.memory_space<vmem>>, vector<16xf32>,
          %slice3A_366 = vector.extract_strided_slice %get3A_169 {offsets = [3], sizes = [1], strides = [1]} : vector<16xf32> to vector<1xf32>
          %squeeze3A_367 = vector.extract %slice3A_366[0] : f32 from vector<1xf32>
          %broadcast_in_dim3A_368 = vector.broadcast %squeeze3A_367 : f32 to vector<16xf32>
          %mul3A_369 = arith.constant 16 : i32
          %mul3A_370 = arith.muli %scan3A_165, %mul3A_369 : i32
          %add3A_371 = arith.constant 3 : i32
          %add3A_372 = arith.addi %mul3A_370, %add3A_371 : i32
          %get3A_373 = arith.index_cast %add3A_372 : i32 to index
          %get3A_374 = arith.constant 0 : index
          %get3A_375 = tpu.vector_load %arg11[%get3A_373, %get3A_374] {strides = array<i32>} : memref<128x128xf32, #tpu.memory_space<vmem>>, vector<16xf32>,
          %mul3A_376 = arith.mulf %get3A_375, %broadcast_in_dim3A_368 : vector<16xf32>
          %swap3A_377 = arith.index_cast %add3A_372 : i32 to index
          %swap3A_378 = arith.constant 0 : index
          %swap3A_379 = tpu.vector_load %arg11[%swap3A_377, %swap3A_378] {strides = array<i32>} : memref<128x128xf32, #tpu.memory_space<vmem>>, vector<16xf32>,
          tpu.vector_store %arg11[%swap3A_377, %swap3A_378], %mul3A_376 {strides = array<i32>} : memref<128x128xf32, #tpu.memory_space<vmem>>, vector<16xf32>,
          %get3A_380 = arith.index_cast %add3A_372 : i32 to index
          %get3A_381 = arith.constant 16 : index
          %get3A_382 = tpu.vector_load %arg11[%get3A_380, %get3A_381] {strides = array<i32>} : memref<128x128xf32, #tpu.memory_space<vmem>>, vector<16xf32>,
          %mul3A_383 = arith.mulf %get3A_382, %broadcast_in_dim3A_368 : vector<16xf32>
          %swap3A_384 = arith.index_cast %add3A_372 : i32 to index
          %swap3A_385 = arith.constant 16 : index
          %swap3A_386 = tpu.vector_load %arg11[%swap3A_384, %swap3A_385] {strides = array<i32>} : memref<128x128xf32, #tpu.memory_space<vmem>>, vector<16xf32>,
          tpu.vector_store %arg11[%swap3A_384, %swap3A_385], %mul3A_383 {strides = array<i32>} : memref<128x128xf32, #tpu.memory_space<vmem>>, vector<16xf32>,
          %get3A_387 = arith.index_cast %add3A_372 : i32 to index
          %get3A_388 = arith.constant 32 : index
          %get3A_389 = tpu.vector_load %arg11[%get3A_387, %get3A_388] {strides = array<i32>} : memref<128x128xf32, #tpu.memory_space<vmem>>, vector<16xf32>,
          %mul3A_390 = arith.mulf %get3A_389, %broadcast_in_dim3A_368 : vector<16xf32>
          %swap3A_391 = arith.index_cast %add3A_372 : i32 to index
          %swap3A_392 = arith.constant 32 : index
          %swap3A_393 = tpu.vector_load %arg11[%swap3A_391, %swap3A_392] {strides = array<i32>} : memref<128x128xf32, #tpu.memory_space<vmem>>, vector<16xf32>,
          tpu.vector_store %arg11[%swap3A_391, %swap3A_392], %mul3A_390 {strides = array<i32>} : memref<128x128xf32, #tpu.memory_space<vmem>>, vector<16xf32>,
          %get3A_394 = arith.index_cast %add3A_372 : i32 to index
          %get3A_395 = arith.constant 48 : index
          %get3A_396 = tpu.vector_load %arg11[%get3A_394, %get3A_395] {strides = array<i32>} : memref<128x128xf32, #tpu.memory_space<vmem>>, vector<16xf32>,
          %mul3A_397 = arith.mulf %get3A_396, %broadcast_in_dim3A_368 : vector<16xf32>
          %swap3A_398 = arith.index_cast %add3A_372 : i32 to index
          %swap3A_399 = arith.constant 48 : index
          %swap3A_400 = tpu.vector_load %arg11[%swap3A_398, %swap3A_399] {strides = array<i32>} : memref<128x128xf32, #tpu.memory_space<vmem>>, vector<16xf32>,
          tpu.vector_store %arg11[%swap3A_398, %swap3A_399], %mul3A_397 {strides = array<i32>} : memref<128x128xf32, #tpu.memory_space<vmem>>, vector<16xf32>,
          %get3A_401 = arith.index_cast %add3A_372 : i32 to index
          %get3A_402 = arith.constant 64 : index
          %get3A_403 = tpu.vector_load %arg11[%get3A_401, %get3A_402] {strides = array<i32>} : memref<128x128xf32, #tpu.memory_space<vmem>>, vector<16xf32>,
          %mul3A_404 = arith.mulf %get3A_403, %broadcast_in_dim3A_368 : vector<16xf32>
          %swap3A_405 = arith.index_cast %add3A_372 : i32 to index
          %swap3A_406 = arith.constant 64 : index
          %swap3A_407 = tpu.vector_load %arg11[%swap3A_405, %swap3A_406] {strides = array<i32>} : memref<128x128xf32, #tpu.memory_space<vmem>>, vector<16xf32>,
          tpu.vector_store %arg11[%swap3A_405, %swap3A_406], %mul3A_404 {strides = array<i32>} : memref<128x128xf32, #tpu.memory_space<vmem>>, vector<16xf32>,
          %get3A_408 = arith.index_cast %add3A_372 : i32 to index
          %get3A_409 = arith.constant 80 : index
          %get3A_410 = tpu.vector_load %arg11[%get3A_408, %get3A_409] {strides = array<i32>} : memref<128x128xf32, #tpu.memory_space<vmem>>, vector<16xf32>,
          %mul3A_411 = arith.mulf %get3A_410, %broadcast_in_dim3A_368 : vector<16xf32>
          %swap3A_412 = arith.index_cast %add3A_372 : i32 to index
          %swap3A_413 = arith.constant 80 : index
          %swap3A_414 = tpu.vector_load %arg11[%swap3A_412, %swap3A_413] {strides = array<i32>} : memref<128x128xf32, #tpu.memory_space<vmem>>, vector<16xf32>,
          tpu.vector_store %arg11[%swap3A_412, %swap3A_413], %mul3A_411 {strides = array<i32>} : memref<128x128xf32, #tpu.memory_space<vmem>>, vector<16xf32>,
          %get3A_415 = arith.index_cast %add3A_372 : i32 to index
          %get3A_416 = arith.constant 96 : index
          %get3A_417 = tpu.vector_load %arg11[%get3A_415, %get3A_416] {strides = array<i32>} : memref<128x128xf32, #tpu.memory_space<vmem>>, vector<16xf32>,
          %mul3A_418 = arith.mulf %get3A_417, %broadcast_in_dim3A_368 : vector<16xf32>
          %swap3A_419 = arith.index_cast %add3A_372 : i32 to index
          %swap3A_420 = arith.constant 96 : index
          %swap3A_421 = tpu.vector_load %arg11[%swap3A_419, %swap3A_420] {strides = array<i32>} : memref<128x128xf32, #tpu.memory_space<vmem>>, vector<16xf32>,
          tpu.vector_store %arg11[%swap3A_419, %swap3A_420], %mul3A_418 {strides = array<i32>} : memref<128x128xf32, #tpu.memory_space<vmem>>, vector<16xf32>,
          %get3A_422 = arith.index_cast %add3A_372 : i32 to index
          %get3A_423 = arith.constant 112 : index
          %get3A_424 = tpu.vector_load %arg11[%get3A_422, %get3A_423] {strides = array<i32>} : memref<128x128xf32, #tpu.memory_space<vmem>>, vector<16xf32>,
          %mul3A_425 = arith.mulf %get3A_424, %broadcast_in_dim3A_368 : vector<16xf32>
          %swap3A_426 = arith.index_cast %add3A_372 : i32 to index
          %swap3A_427 = arith.constant 112 : index
          %swap3A_428 = tpu.vector_load %arg11[%swap3A_426, %swap3A_427] {strides = array<i32>} : memref<128x128xf32, #tpu.memory_space<vmem>>, vector<16xf32>,
          tpu.vector_store %arg11[%swap3A_426, %swap3A_427], %mul3A_425 {strides = array<i32>} : memref<128x128xf32, #tpu.memory_space<vmem>>, vector<16xf32>,
          %slice3A_429 = vector.extract_strided_slice %get3A_169 {offsets = [4], sizes = [1], strides = [1]} : vector<16xf32> to vector<1xf32>
          %squeeze3A_430 = vector.extract %slice3A_429[0] : f32 from vector<1xf32>
          %broadcast_in_dim3A_431 = vector.broadcast %squeeze3A_430 : f32 to vector<16xf32>
          %mul3A_432 = arith.constant 16 : i32
          %mul3A_433 = arith.muli %scan3A_165, %mul3A_432 : i32
          %add3A_434 = arith.constant 4 : i32
          %add3A_435 = arith.addi %mul3A_433, %add3A_434 : i32
          %get3A_436 = arith.index_cast %add3A_435 : i32 to index
          %get3A_437 = arith.constant 0 : index
          %get3A_438 = tpu.vector_load %arg11[%get3A_436, %get3A_437] {strides = array<i32>} : memref<128x128xf32, #tpu.memory_space<vmem>>, vector<16xf32>,
          %mul3A_439 = arith.mulf %get3A_438, %broadcast_in_dim3A_431 : vector<16xf32>
          %swap3A_440 = arith.index_cast %add3A_435 : i32 to index
          %swap3A_441 = arith.constant 0 : index
          %swap3A_442 = tpu.vector_load %arg11[%swap3A_440, %swap3A_441] {strides = array<i32>} : memref<128x128xf32, #tpu.memory_space<vmem>>, vector<16xf32>,
          tpu.vector_store %arg11[%swap3A_440, %swap3A_441], %mul3A_439 {strides = array<i32>} : memref<128x128xf32, #tpu.memory_space<vmem>>, vector<16xf32>,
          %get3A_443 = arith.index_cast %add3A_435 : i32 to index
          %get3A_444 = arith.constant 16 : index
          %get3A_445 = tpu.vector_load %arg11[%get3A_443, %get3A_444] {strides = array<i32>} : memref<128x128xf32, #tpu.memory_space<vmem>>, vector<16xf32>,
          %mul3A_446 = arith.mulf %get3A_445, %broadcast_in_dim3A_431 : vector<16xf32>
          %swap3A_447 = arith.index_cast %add3A_435 : i32 to index
          %swap3A_448 = arith.constant 16 : index
          %swap3A_449 = tpu.vector_load %arg11[%swap3A_447, %swap3A_448] {strides = array<i32>} : memref<128x128xf32, #tpu.memory_space<vmem>>, vector<16xf32>,
          tpu.vector_store %arg11[%swap3A_447, %swap3A_448], %mul3A_446 {strides = array<i32>} : memref<128x128xf32, #tpu.memory_space<vmem>>, vector<16xf32>,
          %get3A_450 = arith.index_cast %add3A_435 : i32 to index
          %get3A_451 = arith.constant 32 : index
          %get3A_452 = tpu.vector_load %arg11[%get3A_450, %get3A_451] {strides = array<i32>} : memref<128x128xf32, #tpu.memory_space<vmem>>, vector<16xf32>,
          %mul3A_453 = arith.mulf %get3A_452, %broadcast_in_dim3A_431 : vector<16xf32>
          %swap3A_454 = arith.index_cast %add3A_435 : i32 to index
          %swap3A_455 = arith.constant 32 : index
          %swap3A_456 = tpu.vector_load %arg11[%swap3A_454, %swap3A_455] {strides = array<i32>} : memref<128x128xf32, #tpu.memory_space<vmem>>, vector<16xf32>,
          tpu.vector_store %arg11[%swap3A_454, %swap3A_455], %mul3A_453 {strides = array<i32>} : memref<128x128xf32, #tpu.memory_space<vmem>>, vector<16xf32>,
          %get3A_457 = arith.index_cast %add3A_435 : i32 to index
          %get3A_458 = arith.constant 48 : index
          %get3A_459 = tpu.vector_load %arg11[%get3A_457, %get3A_458] {strides = array<i32>} : memref<128x128xf32, #tpu.memory_space<vmem>>, vector<16xf32>,
          %mul3A_460 = arith.mulf %get3A_459, %broadcast_in_dim3A_431 : vector<16xf32>
          %swap3A_461 = arith.index_cast %add3A_435 : i32 to index
          %swap3A_462 = arith.constant 48 : index
          %swap3A_463 = tpu.vector_load %arg11[%swap3A_461, %swap3A_462] {strides = array<i32>} : memref<128x128xf32, #tpu.memory_space<vmem>>, vector<16xf32>,
          tpu.vector_store %arg11[%swap3A_461, %swap3A_462], %mul3A_460 {strides = array<i32>} : memref<128x128xf32, #tpu.memory_space<vmem>>, vector<16xf32>,
          %get3A_464 = arith.index_cast %add3A_435 : i32 to index
          %get3A_465 = arith.constant 64 : index
          %get3A_466 = tpu.vector_load %arg11[%get3A_464, %get3A_465] {strides = array<i32>} : memref<128x128xf32, #tpu.memory_space<vmem>>, vector<16xf32>,
          %mul3A_467 = arith.mulf %get3A_466, %broadcast_in_dim3A_431 : vector<16xf32>
          %swap3A_468 = arith.index_cast %add3A_435 : i32 to index
          %swap3A_469 = arith.constant 64 : index
          %swap3A_470 = tpu.vector_load %arg11[%swap3A_468, %swap3A_469] {strides = array<i32>} : memref<128x128xf32, #tpu.memory_space<vmem>>, vector<16xf32>,
          tpu.vector_store %arg11[%swap3A_468, %swap3A_469], %mul3A_467 {strides = array<i32>} : memref<128x128xf32, #tpu.memory_space<vmem>>, vector<16xf32>,
          %get3A_471 = arith.index_cast %add3A_435 : i32 to index
          %get3A_472 = arith.constant 80 : index
          %get3A_473 = tpu.vector_load %arg11[%get3A_471, %get3A_472] {strides = array<i32>} : memref<128x128xf32, #tpu.memory_space<vmem>>, vector<16xf32>,
          %mul3A_474 = arith.mulf %get3A_473, %broadcast_in_dim3A_431 : vector<16xf32>
          %swap3A_475 = arith.index_cast %add3A_435 : i32 to index
          %swap3A_476 = arith.constant 80 : index
          %swap3A_477 = tpu.vector_load %arg11[%swap3A_475, %swap3A_476] {strides = array<i32>} : memref<128x128xf32, #tpu.memory_space<vmem>>, vector<16xf32>,
          tpu.vector_store %arg11[%swap3A_475, %swap3A_476], %mul3A_474 {strides = array<i32>} : memref<128x128xf32, #tpu.memory_space<vmem>>, vector<16xf32>,
          %get3A_478 = arith.index_cast %add3A_435 : i32 to index
          %get3A_479 = arith.constant 96 : index
          %get3A_480 = tpu.vector_load %arg11[%get3A_478, %get3A_479] {strides = array<i32>} : memref<128x128xf32, #tpu.memory_space<vmem>>, vector<16xf32>,
          %mul3A_481 = arith.mulf %get3A_480, %broadcast_in_dim3A_431 : vector<16xf32>
          %swap3A_482 = arith.index_cast %add3A_435 : i32 to index
          %swap3A_483 = arith.constant 96 : index
          %swap3A_484 = tpu.vector_load %arg11[%swap3A_482, %swap3A_483] {strides = array<i32>} : memref<128x128xf32, #tpu.memory_space<vmem>>, vector<16xf32>,
          tpu.vector_store %arg11[%swap3A_482, %swap3A_483], %mul3A_481 {strides = array<i32>} : memref<128x128xf32, #tpu.memory_space<vmem>>, vector<16xf32>,
          %get3A_485 = arith.index_cast %add3A_435 : i32 to index
          %get3A_486 = arith.constant 112 : index
          %get3A_487 = tpu.vector_load %arg11[%get3A_485, %get3A_486] {strides = array<i32>} : memref<128x128xf32, #tpu.memory_space<vmem>>, vector<16xf32>,
          %mul3A_488 = arith.mulf %get3A_487, %broadcast_in_dim3A_431 : vector<16xf32>
          %swap3A_489 = arith.index_cast %add3A_435 : i32 to index
          %swap3A_490 = arith.constant 112 : index
          %swap3A_491 = tpu.vector_load %arg11[%swap3A_489, %swap3A_490] {strides = array<i32>} : memref<128x128xf32, #tpu.memory_space<vmem>>, vector<16xf32>,
          tpu.vector_store %arg11[%swap3A_489, %swap3A_490], %mul3A_488 {strides = array<i32>} : memref<128x128xf32, #tpu.memory_space<vmem>>, vector<16xf32>,
          %slice3A_492 = vector.extract_strided_slice %get3A_169 {offsets = [5], sizes = [1], strides = [1]} : vector<16xf32> to vector<1xf32>
          %squeeze3A_493 = vector.extract %slice3A_492[0] : f32 from vector<1xf32>
          %broadcast_in_dim3A_494 = vector.broadcast %squeeze3A_493 : f32 to vector<16xf32>
          %mul3A_495 = arith.constant 16 : i32
          %mul3A_496 = arith.muli %scan3A_165, %mul3A_495 : i32
          %add3A_497 = arith.constant 5 : i32
          %add3A_498 = arith.addi %mul3A_496, %add3A_497 : i32
          %get3A_499 = arith.index_cast %add3A_498 : i32 to index
          %get3A_500 = arith.constant 0 : index
          %get3A_501 = tpu.vector_load %arg11[%get3A_499, %get3A_500] {strides = array<i32>} : memref<128x128xf32, #tpu.memory_space<vmem>>, vector<16xf32>,
          %mul3A_502 = arith.mulf %get3A_501, %broadcast_in_dim3A_494 : vector<16xf32>
          %swap3A_503 = arith.index_cast %add3A_498 : i32 to index
          %swap3A_504 = arith.constant 0 : index
          %swap3A_505 = tpu.vector_load %arg11[%swap3A_503, %swap3A_504] {strides = array<i32>} : memref<128x128xf32, #tpu.memory_space<vmem>>, vector<16xf32>,
          tpu.vector_store %arg11[%swap3A_503, %swap3A_504], %mul3A_502 {strides = array<i32>} : memref<128x128xf32, #tpu.memory_space<vmem>>, vector<16xf32>,
          %get3A_506 = arith.index_cast %add3A_498 : i32 to index
          %get3A_507 = arith.constant 16 : index
          %get3A_508 = tpu.vector_load %arg11[%get3A_506, %get3A_507] {strides = array<i32>} : memref<128x128xf32, #tpu.memory_space<vmem>>, vector<16xf32>,
          %mul3A_509 = arith.mulf %get3A_508, %broadcast_in_dim3A_494 : vector<16xf32>
          %swap3A_510 = arith.index_cast %add3A_498 : i32 to index
          %swap3A_511 = arith.constant 16 : index
          %swap3A_512 = tpu.vector_load %arg11[%swap3A_510, %swap3A_511] {strides = array<i32>} : memref<128x128xf32, #tpu.memory_space<vmem>>, vector<16xf32>,
          tpu.vector_store %arg11[%swap3A_510, %swap3A_511], %mul3A_509 {strides = array<i32>} : memref<128x128xf32, #tpu.memory_space<vmem>>, vector<16xf32>,
          %get3A_513 = arith.index_cast %add3A_498 : i32 to index
          %get3A_514 = arith.constant 32 : index
          %get3A_515 = tpu.vector_load %arg11[%get3A_513, %get3A_514] {strides = array<i32>} : memref<128x128xf32, #tpu.memory_space<vmem>>, vector<16xf32>,
          %mul3A_516 = arith.mulf %get3A_515, %broadcast_in_dim3A_494 : vector<16xf32>
          %swap3A_517 = arith.index_cast %add3A_498 : i32 to index
          %swap3A_518 = arith.constant 32 : index
          %swap3A_519 = tpu.vector_load %arg11[%swap3A_517, %swap3A_518] {strides = array<i32>} : memref<128x128xf32, #tpu.memory_space<vmem>>, vector<16xf32>,
          tpu.vector_store %arg11[%swap3A_517, %swap3A_518], %mul3A_516 {strides = array<i32>} : memref<128x128xf32, #tpu.memory_space<vmem>>, vector<16xf32>,
          %get3A_520 = arith.index_cast %add3A_498 : i32 to index
          %get3A_521 = arith.constant 48 : index
          %get3A_522 = tpu.vector_load %arg11[%get3A_520, %get3A_521] {strides = array<i32>} : memref<128x128xf32, #tpu.memory_space<vmem>>, vector<16xf32>,
          %mul3A_523 = arith.mulf %get3A_522, %broadcast_in_dim3A_494 : vector<16xf32>
          %swap3A_524 = arith.index_cast %add3A_498 : i32 to index
          %swap3A_525 = arith.constant 48 : index
          %swap3A_526 = tpu.vector_load %arg11[%swap3A_524, %swap3A_525] {strides = array<i32>} : memref<128x128xf32, #tpu.memory_space<vmem>>, vector<16xf32>,
          tpu.vector_store %arg11[%swap3A_524, %swap3A_525], %mul3A_523 {strides = array<i32>} : memref<128x128xf32, #tpu.memory_space<vmem>>, vector<16xf32>,
          %get3A_527 = arith.index_cast %add3A_498 : i32 to index
          %get3A_528 = arith.constant 64 : index
          %get3A_529 = tpu.vector_load %arg11[%get3A_527, %get3A_528] {strides = array<i32>} : memref<128x128xf32, #tpu.memory_space<vmem>>, vector<16xf32>,
          %mul3A_530 = arith.mulf %get3A_529, %broadcast_in_dim3A_494 : vector<16xf32>
          %swap3A_531 = arith.index_cast %add3A_498 : i32 to index
          %swap3A_532 = arith.constant 64 : index
          %swap3A_533 = tpu.vector_load %arg11[%swap3A_531, %swap3A_532] {strides = array<i32>} : memref<128x128xf32, #tpu.memory_space<vmem>>, vector<16xf32>,
          tpu.vector_store %arg11[%swap3A_531, %swap3A_532], %mul3A_530 {strides = array<i32>} : memref<128x128xf32, #tpu.memory_space<vmem>>, vector<16xf32>,
          %get3A_534 = arith.index_cast %add3A_498 : i32 to index
          %get3A_535 = arith.constant 80 : index
          %get3A_536 = tpu.vector_load %arg11[%get3A_534, %get3A_535] {strides = array<i32>} : memref<128x128xf32, #tpu.memory_space<vmem>>, vector<16xf32>,
          %mul3A_537 = arith.mulf %get3A_536, %broadcast_in_dim3A_494 : vector<16xf32>
          %swap3A_538 = arith.index_cast %add3A_498 : i32 to index
          %swap3A_539 = arith.constant 80 : index
          %swap3A_540 = tpu.vector_load %arg11[%swap3A_538, %swap3A_539] {strides = array<i32>} : memref<128x128xf32, #tpu.memory_space<vmem>>, vector<16xf32>,
          tpu.vector_store %arg11[%swap3A_538, %swap3A_539], %mul3A_537 {strides = array<i32>} : memref<128x128xf32, #tpu.memory_space<vmem>>, vector<16xf32>,
          %get3A_541 = arith.index_cast %add3A_498 : i32 to index
          %get3A_542 = arith.constant 96 : index
          %get3A_543 = tpu.vector_load %arg11[%get3A_541, %get3A_542] {strides = array<i32>} : memref<128x128xf32, #tpu.memory_space<vmem>>, vector<16xf32>,
          %mul3A_544 = arith.mulf %get3A_543, %broadcast_in_dim3A_494 : vector<16xf32>
          %swap3A_545 = arith.index_cast %add3A_498 : i32 to index
          %swap3A_546 = arith.constant 96 : index
          %swap3A_547 = tpu.vector_load %arg11[%swap3A_545, %swap3A_546] {strides = array<i32>} : memref<128x128xf32, #tpu.memory_space<vmem>>, vector<16xf32>,
          tpu.vector_store %arg11[%swap3A_545, %swap3A_546], %mul3A_544 {strides = array<i32>} : memref<128x128xf32, #tpu.memory_space<vmem>>, vector<16xf32>,
          %get3A_548 = arith.index_cast %add3A_498 : i32 to index
          %get3A_549 = arith.constant 112 : index
          %get3A_550 = tpu.vector_load %arg11[%get3A_548, %get3A_549] {strides = array<i32>} : memref<128x128xf32, #tpu.memory_space<vmem>>, vector<16xf32>,
          %mul3A_551 = arith.mulf %get3A_550, %broadcast_in_dim3A_494 : vector<16xf32>
          %swap3A_552 = arith.index_cast %add3A_498 : i32 to index
          %swap3A_553 = arith.constant 112 : index
          %swap3A_554 = tpu.vector_load %arg11[%swap3A_552, %swap3A_553] {strides = array<i32>} : memref<128x128xf32, #tpu.memory_space<vmem>>, vector<16xf32>,
          tpu.vector_store %arg11[%swap3A_552, %swap3A_553], %mul3A_551 {strides = array<i32>} : memref<128x128xf32, #tpu.memory_space<vmem>>, vector<16xf32>,
          %slice3A_555 = vector.extract_strided_slice %get3A_169 {offsets = [6], sizes = [1], strides = [1]} : vector<16xf32> to vector<1xf32>
          %squeeze3A_556 = vector.extract %slice3A_555[0] : f32 from vector<1xf32>
          %broadcast_in_dim3A_557 = vector.broadcast %squeeze3A_556 : f32 to vector<16xf32>
          %mul3A_558 = arith.constant 16 : i32
          %mul3A_559 = arith.muli %scan3A_165, %mul3A_558 : i32
          %add3A_560 = arith.constant 6 : i32
          %add3A_561 = arith.addi %mul3A_559, %add3A_560 : i32
          %get3A_562 = arith.index_cast %add3A_561 : i32 to index
          %get3A_563 = arith.constant 0 : index
          %get3A_564 = tpu.vector_load %arg11[%get3A_562, %get3A_563] {strides = array<i32>} : memref<128x128xf32, #tpu.memory_space<vmem>>, vector<16xf32>,
          %mul3A_565 = arith.mulf %get3A_564, %broadcast_in_dim3A_557 : vector<16xf32>
          %swap3A_566 = arith.index_cast %add3A_561 : i32 to index
          %swap3A_567 = arith.constant 0 : index
          %swap3A_568 = tpu.vector_load %arg11[%swap3A_566, %swap3A_567] {strides = array<i32>} : memref<128x128xf32, #tpu.memory_space<vmem>>, vector<16xf32>,
          tpu.vector_store %arg11[%swap3A_566, %swap3A_567], %mul3A_565 {strides = array<i32>} : memref<128x128xf32, #tpu.memory_space<vmem>>, vector<16xf32>,
          %get3A_569 = arith.index_cast %add3A_561 : i32 to index
          %get3A_570 = arith.constant 16 : index
          %get3A_571 = tpu.vector_load %arg11[%get3A_569, %get3A_570] {strides = array<i32>} : memref<128x128xf32, #tpu.memory_space<vmem>>, vector<16xf32>,
          %mul3A_572 = arith.mulf %get3A_571, %broadcast_in_dim3A_557 : vector<16xf32>
          %swap3A_573 = arith.index_cast %add3A_561 : i32 to index
          %swap3A_574 = arith.constant 16 : index
          %swap3A_575 = tpu.vector_load %arg11[%swap3A_573, %swap3A_574] {strides = array<i32>} : memref<128x128xf32, #tpu.memory_space<vmem>>, vector<16xf32>,
          tpu.vector_store %arg11[%swap3A_573, %swap3A_574], %mul3A_572 {strides = array<i32>} : memref<128x128xf32, #tpu.memory_space<vmem>>, vector<16xf32>,
          %get3A_576 = arith.index_cast %add3A_561 : i32 to index
          %get3A_577 = arith.constant 32 : index
          %get3A_578 = tpu.vector_load %arg11[%get3A_576, %get3A_577] {strides = array<i32>} : memref<128x128xf32, #tpu.memory_space<vmem>>, vector<16xf32>,
          %mul3A_579 = arith.mulf %get3A_578, %broadcast_in_dim3A_557 : vector<16xf32>
          %swap3A_580 = arith.index_cast %add3A_561 : i32 to index
          %swap3A_581 = arith.constant 32 : index
          %swap3A_582 = tpu.vector_load %arg11[%swap3A_580, %swap3A_581] {strides = array<i32>} : memref<128x128xf32, #tpu.memory_space<vmem>>, vector<16xf32>,
          tpu.vector_store %arg11[%swap3A_580, %swap3A_581], %mul3A_579 {strides = array<i32>} : memref<128x128xf32, #tpu.memory_space<vmem>>, vector<16xf32>,
          %get3A_583 = arith.index_cast %add3A_561 : i32 to index
          %get3A_584 = arith.constant 48 : index
          %get3A_585 = tpu.vector_load %arg11[%get3A_583, %get3A_584] {strides = array<i32>} : memref<128x128xf32, #tpu.memory_space<vmem>>, vector<16xf32>,
          %mul3A_586 = arith.mulf %get3A_585, %broadcast_in_dim3A_557 : vector<16xf32>
          %swap3A_587 = arith.index_cast %add3A_561 : i32 to index
          %swap3A_588 = arith.constant 48 : index
          %swap3A_589 = tpu.vector_load %arg11[%swap3A_587, %swap3A_588] {strides = array<i32>} : memref<128x128xf32, #tpu.memory_space<vmem>>, vector<16xf32>,
          tpu.vector_store %arg11[%swap3A_587, %swap3A_588], %mul3A_586 {strides = array<i32>} : memref<128x128xf32, #tpu.memory_space<vmem>>, vector<16xf32>,
          %get3A_590 = arith.index_cast %add3A_561 : i32 to index
          %get3A_591 = arith.constant 64 : index
          %get3A_592 = tpu.vector_load %arg11[%get3A_590, %get3A_591] {strides = array<i32>} : memref<128x128xf32, #tpu.memory_space<vmem>>, vector<16xf32>,
          %mul3A_593 = arith.mulf %get3A_592, %broadcast_in_dim3A_557 : vector<16xf32>
          %swap3A_594 = arith.index_cast %add3A_561 : i32 to index
          %swap3A_595 = arith.constant 64 : index
          %swap3A_596 = tpu.vector_load %arg11[%swap3A_594, %swap3A_595] {strides = array<i32>} : memref<128x128xf32, #tpu.memory_space<vmem>>, vector<16xf32>,
          tpu.vector_store %arg11[%swap3A_594, %swap3A_595], %mul3A_593 {strides = array<i32>} : memref<128x128xf32, #tpu.memory_space<vmem>>, vector<16xf32>,
          %get3A_597 = arith.index_cast %add3A_561 : i32 to index
          %get3A_598 = arith.constant 80 : index
          %get3A_599 = tpu.vector_load %arg11[%get3A_597, %get3A_598] {strides = array<i32>} : memref<128x128xf32, #tpu.memory_space<vmem>>, vector<16xf32>,
          %mul3A_600 = arith.mulf %get3A_599, %broadcast_in_dim3A_557 : vector<16xf32>
          %swap3A_601 = arith.index_cast %add3A_561 : i32 to index
          %swap3A_602 = arith.constant 80 : index
          %swap3A_603 = tpu.vector_load %arg11[%swap3A_601, %swap3A_602] {strides = array<i32>} : memref<128x128xf32, #tpu.memory_space<vmem>>, vector<16xf32>,
          tpu.vector_store %arg11[%swap3A_601, %swap3A_602], %mul3A_600 {strides = array<i32>} : memref<128x128xf32, #tpu.memory_space<vmem>>, vector<16xf32>,
          %get3A_604 = arith.index_cast %add3A_561 : i32 to index
          %get3A_605 = arith.constant 96 : index
          %get3A_606 = tpu.vector_load %arg11[%get3A_604, %get3A_605] {strides = array<i32>} : memref<128x128xf32, #tpu.memory_space<vmem>>, vector<16xf32>,
          %mul3A_607 = arith.mulf %get3A_606, %broadcast_in_dim3A_557 : vector<16xf32>
          %swap3A_608 = arith.index_cast %add3A_561 : i32 to index
          %swap3A_609 = arith.constant 96 : index
          %swap3A_610 = tpu.vector_load %arg11[%swap3A_608, %swap3A_609] {strides = array<i32>} : memref<128x128xf32, #tpu.memory_space<vmem>>, vector<16xf32>,
          tpu.vector_store %arg11[%swap3A_608, %swap3A_609], %mul3A_607 {strides = array<i32>} : memref<128x128xf32, #tpu.memory_space<vmem>>, vector<16xf32>,
          %get3A_611 = arith.index_cast %add3A_561 : i32 to index
          %get3A_612 = arith.constant 112 : index
          %get3A_613 = tpu.vector_load %arg11[%get3A_611, %get3A_612] {strides = array<i32>} : memref<128x128xf32, #tpu.memory_space<vmem>>, vector<16xf32>,
          %mul3A_614 = arith.mulf %get3A_613, %broadcast_in_dim3A_557 : vector<16xf32>
          %swap3A_615 = arith.index_cast %add3A_561 : i32 to index
          %swap3A_616 = arith.constant 112 : index
          %swap3A_617 = tpu.vector_load %arg11[%swap3A_615, %swap3A_616] {strides = array<i32>} : memref<128x128xf32, #tpu.memory_space<vmem>>, vector<16xf32>,
          tpu.vector_store %arg11[%swap3A_615, %swap3A_616], %mul3A_614 {strides = array<i32>} : memref<128x128xf32, #tpu.memory_space<vmem>>, vector<16xf32>,
          %slice3A_618 = vector.extract_strided_slice %get3A_169 {offsets = [7], sizes = [1], strides = [1]} : vector<16xf32> to vector<1xf32>
          %squeeze3A_619 = vector.extract %slice3A_618[0] : f32 from vector<1xf32>
          %broadcast_in_dim3A_620 = vector.broadcast %squeeze3A_619 : f32 to vector<16xf32>
          %mul3A_621 = arith.constant 16 : i32
          %mul3A_622 = arith.muli %scan3A_165, %mul3A_621 : i32
          %add3A_623 = arith.constant 7 : i32
          %add3A_624 = arith.addi %mul3A_622, %add3A_623 : i32
          %get3A_625 = arith.index_cast %add3A_624 : i32 to index
          %get3A_626 = arith.constant 0 : index
          %get3A_627 = tpu.vector_load %arg11[%get3A_625, %get3A_626] {strides = array<i32>} : memref<128x128xf32, #tpu.memory_space<vmem>>, vector<16xf32>,
          %mul3A_628 = arith.mulf %get3A_627, %broadcast_in_dim3A_620 : vector<16xf32>
          %swap3A_629 = arith.index_cast %add3A_624 : i32 to index
          %swap3A_630 = arith.constant 0 : index
          %swap3A_631 = tpu.vector_load %arg11[%swap3A_629, %swap3A_630] {strides = array<i32>} : memref<128x128xf32, #tpu.memory_space<vmem>>, vector<16xf32>,
          tpu.vector_store %arg11[%swap3A_629, %swap3A_630], %mul3A_628 {strides = array<i32>} : memref<128x128xf32, #tpu.memory_space<vmem>>, vector<16xf32>,
          %get3A_632 = arith.index_cast %add3A_624 : i32 to index
          %get3A_633 = arith.constant 16 : index
          %get3A_634 = tpu.vector_load %arg11[%get3A_632, %get3A_633] {strides = array<i32>} : memref<128x128xf32, #tpu.memory_space<vmem>>, vector<16xf32>,
          %mul3A_635 = arith.mulf %get3A_634, %broadcast_in_dim3A_620 : vector<16xf32>
          %swap3A_636 = arith.index_cast %add3A_624 : i32 to index
          %swap3A_637 = arith.constant 16 : index
          %swap3A_638 = tpu.vector_load %arg11[%swap3A_636, %swap3A_637] {strides = array<i32>} : memref<128x128xf32, #tpu.memory_space<vmem>>, vector<16xf32>,
          tpu.vector_store %arg11[%swap3A_636, %swap3A_637], %mul3A_635 {strides = array<i32>} : memref<128x128xf32, #tpu.memory_space<vmem>>, vector<16xf32>,
          %get3A_639 = arith.index_cast %add3A_624 : i32 to index
          %get3A_640 = arith.constant 32 : index
          %get3A_641 = tpu.vector_load %arg11[%get3A_639, %get3A_640] {strides = array<i32>} : memref<128x128xf32, #tpu.memory_space<vmem>>, vector<16xf32>,
          %mul3A_642 = arith.mulf %get3A_641, %broadcast_in_dim3A_620 : vector<16xf32>
          %swap3A_643 = arith.index_cast %add3A_624 : i32 to index
          %swap3A_644 = arith.constant 32 : index
          %swap3A_645 = tpu.vector_load %arg11[%swap3A_643, %swap3A_644] {strides = array<i32>} : memref<128x128xf32, #tpu.memory_space<vmem>>, vector<16xf32>,
          tpu.vector_store %arg11[%swap3A_643, %swap3A_644], %mul3A_642 {strides = array<i32>} : memref<128x128xf32, #tpu.memory_space<vmem>>, vector<16xf32>,
          %get3A_646 = arith.index_cast %add3A_624 : i32 to index
          %get3A_647 = arith.constant 48 : index
          %get3A_648 = tpu.vector_load %arg11[%get3A_646, %get3A_647] {strides = array<i32>} : memref<128x128xf32, #tpu.memory_space<vmem>>, vector<16xf32>,
          %mul3A_649 = arith.mulf %get3A_648, %broadcast_in_dim3A_620 : vector<16xf32>
          %swap3A_650 = arith.index_cast %add3A_624 : i32 to index
          %swap3A_651 = arith.constant 48 : index
          %swap3A_652 = tpu.vector_load %arg11[%swap3A_650, %swap3A_651] {strides = array<i32>} : memref<128x128xf32, #tpu.memory_space<vmem>>, vector<16xf32>,
          tpu.vector_store %arg11[%swap3A_650, %swap3A_651], %mul3A_649 {strides = array<i32>} : memref<128x128xf32, #tpu.memory_space<vmem>>, vector<16xf32>,
          %get3A_653 = arith.index_cast %add3A_624 : i32 to index
          %get3A_654 = arith.constant 64 : index
          %get3A_655 = tpu.vector_load %arg11[%get3A_653, %get3A_654] {strides = array<i32>} : memref<128x128xf32, #tpu.memory_space<vmem>>, vector<16xf32>,
          %mul3A_656 = arith.mulf %get3A_655, %broadcast_in_dim3A_620 : vector<16xf32>
          %swap3A_657 = arith.index_cast %add3A_624 : i32 to index
          %swap3A_658 = arith.constant 64 : index
          %swap3A_659 = tpu.vector_load %arg11[%swap3A_657, %swap3A_658] {strides = array<i32>} : memref<128x128xf32, #tpu.memory_space<vmem>>, vector<16xf32>,
          tpu.vector_store %arg11[%swap3A_657, %swap3A_658], %mul3A_656 {strides = array<i32>} : memref<128x128xf32, #tpu.memory_space<vmem>>, vector<16xf32>,
          %get3A_660 = arith.index_cast %add3A_624 : i32 to index
          %get3A_661 = arith.constant 80 : index
          %get3A_662 = tpu.vector_load %arg11[%get3A_660, %get3A_661] {strides = array<i32>} : memref<128x128xf32, #tpu.memory_space<vmem>>, vector<16xf32>,
          %mul3A_663 = arith.mulf %get3A_662, %broadcast_in_dim3A_620 : vector<16xf32>
          %swap3A_664 = arith.index_cast %add3A_624 : i32 to index
          %swap3A_665 = arith.constant 80 : index
          %swap3A_666 = tpu.vector_load %arg11[%swap3A_664, %swap3A_665] {strides = array<i32>} : memref<128x128xf32, #tpu.memory_space<vmem>>, vector<16xf32>,
          tpu.vector_store %arg11[%swap3A_664, %swap3A_665], %mul3A_663 {strides = array<i32>} : memref<128x128xf32, #tpu.memory_space<vmem>>, vector<16xf32>,
          %get3A_667 = arith.index_cast %add3A_624 : i32 to index
          %get3A_668 = arith.constant 96 : index
          %get3A_669 = tpu.vector_load %arg11[%get3A_667, %get3A_668] {strides = array<i32>} : memref<128x128xf32, #tpu.memory_space<vmem>>, vector<16xf32>,
          %mul3A_670 = arith.mulf %get3A_669, %broadcast_in_dim3A_620 : vector<16xf32>
          %swap3A_671 = arith.index_cast %add3A_624 : i32 to index
          %swap3A_672 = arith.constant 96 : index
          %swap3A_673 = tpu.vector_load %arg11[%swap3A_671, %swap3A_672] {strides = array<i32>} : memref<128x128xf32, #tpu.memory_space<vmem>>, vector<16xf32>,
          tpu.vector_store %arg11[%swap3A_671, %swap3A_672], %mul3A_670 {strides = array<i32>} : memref<128x128xf32, #tpu.memory_space<vmem>>, vector<16xf32>,
          %get3A_674 = arith.index_cast %add3A_624 : i32 to index
          %get3A_675 = arith.constant 112 : index
          %get3A_676 = tpu.vector_load %arg11[%get3A_674, %get3A_675] {strides = array<i32>} : memref<128x128xf32, #tpu.memory_space<vmem>>, vector<16xf32>,
          %mul3A_677 = arith.mulf %get3A_676, %broadcast_in_dim3A_620 : vector<16xf32>
          %swap3A_678 = arith.index_cast %add3A_624 : i32 to index
          %swap3A_679 = arith.constant 112 : index
          %swap3A_680 = tpu.vector_load %arg11[%swap3A_678, %swap3A_679] {strides = array<i32>} : memref<128x128xf32, #tpu.memory_space<vmem>>, vector<16xf32>,
          tpu.vector_store %arg11[%swap3A_678, %swap3A_679], %mul3A_677 {strides = array<i32>} : memref<128x128xf32, #tpu.memory_space<vmem>>, vector<16xf32>,
          %slice3A_681 = vector.extract_strided_slice %get3A_169 {offsets = [8], sizes = [1], strides = [1]} : vector<16xf32> to vector<1xf32>
          %squeeze3A_682 = vector.extract %slice3A_681[0] : f32 from vector<1xf32>
          %broadcast_in_dim3A_683 = vector.broadcast %squeeze3A_682 : f32 to vector<16xf32>
          %mul3A_684 = arith.constant 16 : i32
          %mul3A_685 = arith.muli %scan3A_165, %mul3A_684 : i32
          %add3A_686 = arith.constant 8 : i32
          %add3A_687 = arith.addi %mul3A_685, %add3A_686 : i32
          %get3A_688 = arith.index_cast %add3A_687 : i32 to index
          %get3A_689 = arith.constant 0 : index
          %get3A_690 = tpu.vector_load %arg11[%get3A_688, %get3A_689] {strides = array<i32>} : memref<128x128xf32, #tpu.memory_space<vmem>>, vector<16xf32>,
          %mul3A_691 = arith.mulf %get3A_690, %broadcast_in_dim3A_683 : vector<16xf32>
          %swap3A_692 = arith.index_cast %add3A_687 : i32 to index
          %swap3A_693 = arith.constant 0 : index
          %swap3A_694 = tpu.vector_load %arg11[%swap3A_692, %swap3A_693] {strides = array<i32>} : memref<128x128xf32, #tpu.memory_space<vmem>>, vector<16xf32>,
          tpu.vector_store %arg11[%swap3A_692, %swap3A_693], %mul3A_691 {strides = array<i32>} : memref<128x128xf32, #tpu.memory_space<vmem>>, vector<16xf32>,
          %get3A_695 = arith.index_cast %add3A_687 : i32 to index
          %get3A_696 = arith.constant 16 : index
          %get3A_697 = tpu.vector_load %arg11[%get3A_695, %get3A_696] {strides = array<i32>} : memref<128x128xf32, #tpu.memory_space<vmem>>, vector<16xf32>,
          %mul3A_698 = arith.mulf %get3A_697, %broadcast_in_dim3A_683 : vector<16xf32>
          %swap3A_699 = arith.index_cast %add3A_687 : i32 to index
          %swap3A_700 = arith.constant 16 : index
          %swap3A_701 = tpu.vector_load %arg11[%swap3A_699, %swap3A_700] {strides = array<i32>} : memref<128x128xf32, #tpu.memory_space<vmem>>, vector<16xf32>,
          tpu.vector_store %arg11[%swap3A_699, %swap3A_700], %mul3A_698 {strides = array<i32>} : memref<128x128xf32, #tpu.memory_space<vmem>>, vector<16xf32>,
          %get3A_702 = arith.index_cast %add3A_687 : i32 to index
          %get3A_703 = arith.constant 32 : index
          %get3A_704 = tpu.vector_load %arg11[%get3A_702, %get3A_703] {strides = array<i32>} : memref<128x128xf32, #tpu.memory_space<vmem>>, vector<16xf32>,
          %mul3A_705 = arith.mulf %get3A_704, %broadcast_in_dim3A_683 : vector<16xf32>
          %swap3A_706 = arith.index_cast %add3A_687 : i32 to index
          %swap3A_707 = arith.constant 32 : index
          %swap3A_708 = tpu.vector_load %arg11[%swap3A_706, %swap3A_707] {strides = array<i32>} : memref<128x128xf32, #tpu.memory_space<vmem>>, vector<16xf32>,
          tpu.vector_store %arg11[%swap3A_706, %swap3A_707], %mul3A_705 {strides = array<i32>} : memref<128x128xf32, #tpu.memory_space<vmem>>, vector<16xf32>,
          %get3A_709 = arith.index_cast %add3A_687 : i32 to index
          %get3A_710 = arith.constant 48 : index
          %get3A_711 = tpu.vector_load %arg11[%get3A_709, %get3A_710] {strides = array<i32>} : memref<128x128xf32, #tpu.memory_space<vmem>>, vector<16xf32>,
          %mul3A_712 = arith.mulf %get3A_711, %broadcast_in_dim3A_683 : vector<16xf32>
          %swap3A_713 = arith.index_cast %add3A_687 : i32 to index
          %swap3A_714 = arith.constant 48 : index
          %swap3A_715 = tpu.vector_load %arg11[%swap3A_713, %swap3A_714] {strides = array<i32>} : memref<128x128xf32, #tpu.memory_space<vmem>>, vector<16xf32>,
          tpu.vector_store %arg11[%swap3A_713, %swap3A_714], %mul3A_712 {strides = array<i32>} : memref<128x128xf32, #tpu.memory_space<vmem>>, vector<16xf32>,
          %get3A_716 = arith.index_cast %add3A_687 : i32 to index
          %get3A_717 = arith.constant 64 : index
          %get3A_718 = tpu.vector_load %arg11[%get3A_716, %get3A_717] {strides = array<i32>} : memref<128x128xf32, #tpu.memory_space<vmem>>, vector<16xf32>,
          %mul3A_719 = arith.mulf %get3A_718, %broadcast_in_dim3A_683 : vector<16xf32>
          %swap3A_720 = arith.index_cast %add3A_687 : i32 to index
          %swap3A_721 = arith.constant 64 : index
          %swap3A_722 = tpu.vector_load %arg11[%swap3A_720, %swap3A_721] {strides = array<i32>} : memref<128x128xf32, #tpu.memory_space<vmem>>, vector<16xf32>,
          tpu.vector_store %arg11[%swap3A_720, %swap3A_721], %mul3A_719 {strides = array<i32>} : memref<128x128xf32, #tpu.memory_space<vmem>>, vector<16xf32>,
          %get3A_723 = arith.index_cast %add3A_687 : i32 to index
          %get3A_724 = arith.constant 80 : index
          %get3A_725 = tpu.vector_load %arg11[%get3A_723, %get3A_724] {strides = array<i32>} : memref<128x128xf32, #tpu.memory_space<vmem>>, vector<16xf32>,
          %mul3A_726 = arith.mulf %get3A_725, %broadcast_in_dim3A_683 : vector<16xf32>
          %swap3A_727 = arith.index_cast %add3A_687 : i32 to index
          %swap3A_728 = arith.constant 80 : index
          %swap3A_729 = tpu.vector_load %arg11[%swap3A_727, %swap3A_728] {strides = array<i32>} : memref<128x128xf32, #tpu.memory_space<vmem>>, vector<16xf32>,
          tpu.vector_store %arg11[%swap3A_727, %swap3A_728], %mul3A_726 {strides = array<i32>} : memref<128x128xf32, #tpu.memory_space<vmem>>, vector<16xf32>,
          %get3A_730 = arith.index_cast %add3A_687 : i32 to index
          %get3A_731 = arith.constant 96 : index
          %get3A_732 = tpu.vector_load %arg11[%get3A_730, %get3A_731] {strides = array<i32>} : memref<128x128xf32, #tpu.memory_space<vmem>>, vector<16xf32>,
          %mul3A_733 = arith.mulf %get3A_732, %broadcast_in_dim3A_683 : vector<16xf32>
          %swap3A_734 = arith.index_cast %add3A_687 : i32 to index
          %swap3A_735 = arith.constant 96 : index
          %swap3A_736 = tpu.vector_load %arg11[%swap3A_734, %swap3A_735] {strides = array<i32>} : memref<128x128xf32, #tpu.memory_space<vmem>>, vector<16xf32>,
          tpu.vector_store %arg11[%swap3A_734, %swap3A_735], %mul3A_733 {strides = array<i32>} : memref<128x128xf32, #tpu.memory_space<vmem>>, vector<16xf32>,
          %get3A_737 = arith.index_cast %add3A_687 : i32 to index
          %get3A_738 = arith.constant 112 : index
          %get3A_739 = tpu.vector_load %arg11[%get3A_737, %get3A_738] {strides = array<i32>} : memref<128x128xf32, #tpu.memory_space<vmem>>, vector<16xf32>,
          %mul3A_740 = arith.mulf %get3A_739, %broadcast_in_dim3A_683 : vector<16xf32>
          %swap3A_741 = arith.index_cast %add3A_687 : i32 to index
          %swap3A_742 = arith.constant 112 : index
          %swap3A_743 = tpu.vector_load %arg11[%swap3A_741, %swap3A_742] {strides = array<i32>} : memref<128x128xf32, #tpu.memory_space<vmem>>, vector<16xf32>,
          tpu.vector_store %arg11[%swap3A_741, %swap3A_742], %mul3A_740 {strides = array<i32>} : memref<128x128xf32, #tpu.memory_space<vmem>>, vector<16xf32>,
          %slice3A_744 = vector.extract_strided_slice %get3A_169 {offsets = [9], sizes = [1], strides = [1]} : vector<16xf32> to vector<1xf32>
          %squeeze3A_745 = vector.extract %slice3A_744[0] : f32 from vector<1xf32>
          %broadcast_in_dim3A_746 = vector.broadcast %squeeze3A_745 : f32 to vector<16xf32>
          %mul3A_747 = arith.constant 16 : i32
          %mul3A_748 = arith.muli %scan3A_165, %mul3A_747 : i32
          %add3A_749 = arith.constant 9 : i32
          %add3A_750 = arith.addi %mul3A_748, %add3A_749 : i32
          %get3A_751 = arith.index_cast %add3A_750 : i32 to index
          %get3A_752 = arith.constant 0 : index
          %get3A_753 = tpu.vector_load %arg11[%get3A_751, %get3A_752] {strides = array<i32>} : memref<128x128xf32, #tpu.memory_space<vmem>>, vector<16xf32>,
          %mul3A_754 = arith.mulf %get3A_753, %broadcast_in_dim3A_746 : vector<16xf32>
          %swap3A_755 = arith.index_cast %add3A_750 : i32 to index
          %swap3A_756 = arith.constant 0 : index
          %swap3A_757 = tpu.vector_load %arg11[%swap3A_755, %swap3A_756] {strides = array<i32>} : memref<128x128xf32, #tpu.memory_space<vmem>>, vector<16xf32>,
          tpu.vector_store %arg11[%swap3A_755, %swap3A_756], %mul3A_754 {strides = array<i32>} : memref<128x128xf32, #tpu.memory_space<vmem>>, vector<16xf32>,
          %get3A_758 = arith.index_cast %add3A_750 : i32 to index
          %get3A_759 = arith.constant 16 : index
          %get3A_760 = tpu.vector_load %arg11[%get3A_758, %get3A_759] {strides = array<i32>} : memref<128x128xf32, #tpu.memory_space<vmem>>, vector<16xf32>,
          %mul3A_761 = arith.mulf %get3A_760, %broadcast_in_dim3A_746 : vector<16xf32>
          %swap3A_762 = arith.index_cast %add3A_750 : i32 to index
          %swap3A_763 = arith.constant 16 : index
          %swap3A_764 = tpu.vector_load %arg11[%swap3A_762, %swap3A_763] {strides = array<i32>} : memref<128x128xf32, #tpu.memory_space<vmem>>, vector<16xf32>,
          tpu.vector_store %arg11[%swap3A_762, %swap3A_763], %mul3A_761 {strides = array<i32>} : memref<128x128xf32, #tpu.memory_space<vmem>>, vector<16xf32>,
          %get3A_765 = arith.index_cast %add3A_750 : i32 to index
          %get3A_766 = arith.constant 32 : index
          %get3A_767 = tpu.vector_load %arg11[%get3A_765, %get3A_766] {strides = array<i32>} : memref<128x128xf32, #tpu.memory_space<vmem>>, vector<16xf32>,
          %mul3A_768 = arith.mulf %get3A_767, %broadcast_in_dim3A_746 : vector<16xf32>
          %swap3A_769 = arith.index_cast %add3A_750 : i32 to index
          %swap3A_770 = arith.constant 32 : index
          %swap3A_771 = tpu.vector_load %arg11[%swap3A_769, %swap3A_770] {strides = array<i32>} : memref<128x128xf32, #tpu.memory_space<vmem>>, vector<16xf32>,
          tpu.vector_store %arg11[%swap3A_769, %swap3A_770], %mul3A_768 {strides = array<i32>} : memref<128x128xf32, #tpu.memory_space<vmem>>, vector<16xf32>,
          %get3A_772 = arith.index_cast %add3A_750 : i32 to index
          %get3A_773 = arith.constant 48 : index
          %get3A_774 = tpu.vector_load %arg11[%get3A_772, %get3A_773] {strides = array<i32>} : memref<128x128xf32, #tpu.memory_space<vmem>>, vector<16xf32>,
          %mul3A_775 = arith.mulf %get3A_774, %broadcast_in_dim3A_746 : vector<16xf32>
          %swap3A_776 = arith.index_cast %add3A_750 : i32 to index
          %swap3A_777 = arith.constant 48 : index
          %swap3A_778 = tpu.vector_load %arg11[%swap3A_776, %swap3A_777] {strides = array<i32>} : memref<128x128xf32, #tpu.memory_space<vmem>>, vector<16xf32>,
          tpu.vector_store %arg11[%swap3A_776, %swap3A_777], %mul3A_775 {strides = array<i32>} : memref<128x128xf32, #tpu.memory_space<vmem>>, vector<16xf32>,
          %get3A_779 = arith.index_cast %add3A_750 : i32 to index
          %get3A_780 = arith.constant 64 : index
          %get3A_781 = tpu.vector_load %arg11[%get3A_779, %get3A_780] {strides = array<i32>} : memref<128x128xf32, #tpu.memory_space<vmem>>, vector<16xf32>,
          %mul3A_782 = arith.mulf %get3A_781, %broadcast_in_dim3A_746 : vector<16xf32>
          %swap3A_783 = arith.index_cast %add3A_750 : i32 to index
          %swap3A_784 = arith.constant 64 : index
          %swap3A_785 = tpu.vector_load %arg11[%swap3A_783, %swap3A_784] {strides = array<i32>} : memref<128x128xf32, #tpu.memory_space<vmem>>, vector<16xf32>,
          tpu.vector_store %arg11[%swap3A_783, %swap3A_784], %mul3A_782 {strides = array<i32>} : memref<128x128xf32, #tpu.memory_space<vmem>>, vector<16xf32>,
          %get3A_786 = arith.index_cast %add3A_750 : i32 to index
          %get3A_787 = arith.constant 80 : index
          %get3A_788 = tpu.vector_load %arg11[%get3A_786, %get3A_787] {strides = array<i32>} : memref<128x128xf32, #tpu.memory_space<vmem>>, vector<16xf32>,
          %mul3A_789 = arith.mulf %get3A_788, %broadcast_in_dim3A_746 : vector<16xf32>
          %swap3A_790 = arith.index_cast %add3A_750 : i32 to index
          %swap3A_791 = arith.constant 80 : index
          %swap3A_792 = tpu.vector_load %arg11[%swap3A_790, %swap3A_791] {strides = array<i32>} : memref<128x128xf32, #tpu.memory_space<vmem>>, vector<16xf32>,
          tpu.vector_store %arg11[%swap3A_790, %swap3A_791], %mul3A_789 {strides = array<i32>} : memref<128x128xf32, #tpu.memory_space<vmem>>, vector<16xf32>,
          %get3A_793 = arith.index_cast %add3A_750 : i32 to index
          %get3A_794 = arith.constant 96 : index
          %get3A_795 = tpu.vector_load %arg11[%get3A_793, %get3A_794] {strides = array<i32>} : memref<128x128xf32, #tpu.memory_space<vmem>>, vector<16xf32>,
          %mul3A_796 = arith.mulf %get3A_795, %broadcast_in_dim3A_746 : vector<16xf32>
          %swap3A_797 = arith.index_cast %add3A_750 : i32 to index
          %swap3A_798 = arith.constant 96 : index
          %swap3A_799 = tpu.vector_load %arg11[%swap3A_797, %swap3A_798] {strides = array<i32>} : memref<128x128xf32, #tpu.memory_space<vmem>>, vector<16xf32>,
          tpu.vector_store %arg11[%swap3A_797, %swap3A_798], %mul3A_796 {strides = array<i32>} : memref<128x128xf32, #tpu.memory_space<vmem>>, vector<16xf32>,
          %get3A_800 = arith.index_cast %add3A_750 : i32 to index
          %get3A_801 = arith.constant 112 : index
          %get3A_802 = tpu.vector_load %arg11[%get3A_800, %get3A_801] {strides = array<i32>} : memref<128x128xf32, #tpu.memory_space<vmem>>, vector<16xf32>,
          %mul3A_803 = arith.mulf %get3A_802, %broadcast_in_dim3A_746 : vector<16xf32>
          %swap3A_804 = arith.index_cast %add3A_750 : i32 to index
          %swap3A_805 = arith.constant 112 : index
          %swap3A_806 = tpu.vector_load %arg11[%swap3A_804, %swap3A_805] {strides = array<i32>} : memref<128x128xf32, #tpu.memory_space<vmem>>, vector<16xf32>,
          tpu.vector_store %arg11[%swap3A_804, %swap3A_805], %mul3A_803 {strides = array<i32>} : memref<128x128xf32, #tpu.memory_space<vmem>>, vector<16xf32>,
          %slice3A_807 = vector.extract_strided_slice %get3A_169 {offsets = [10], sizes = [1], strides = [1]} : vector<16xf32> to vector<1xf32>
          %squeeze3A_808 = vector.extract %slice3A_807[0] : f32 from vector<1xf32>
          %broadcast_in_dim3A_809 = vector.broadcast %squeeze3A_808 : f32 to vector<16xf32>
          %mul3A_810 = arith.constant 16 : i32
          %mul3A_811 = arith.muli %scan3A_165, %mul3A_810 : i32
          %add3A_812 = arith.constant 10 : i32
          %add3A_813 = arith.addi %mul3A_811, %add3A_812 : i32
          %get3A_814 = arith.index_cast %add3A_813 : i32 to index
          %get3A_815 = arith.constant 0 : index
          %get3A_816 = tpu.vector_load %arg11[%get3A_814, %get3A_815] {strides = array<i32>} : memref<128x128xf32, #tpu.memory_space<vmem>>, vector<16xf32>,
          %mul3A_817 = arith.mulf %get3A_816, %broadcast_in_dim3A_809 : vector<16xf32>
          %swap3A_818 = arith.index_cast %add3A_813 : i32 to index
          %swap3A_819 = arith.constant 0 : index
          %swap3A_820 = tpu.vector_load %arg11[%swap3A_818, %swap3A_819] {strides = array<i32>} : memref<128x128xf32, #tpu.memory_space<vmem>>, vector<16xf32>,
          tpu.vector_store %arg11[%swap3A_818, %swap3A_819], %mul3A_817 {strides = array<i32>} : memref<128x128xf32, #tpu.memory_space<vmem>>, vector<16xf32>,
          %get3A_821 = arith.index_cast %add3A_813 : i32 to index
          %get3A_822 = arith.constant 16 : index
          %get3A_823 = tpu.vector_load %arg11[%get3A_821, %get3A_822] {strides = array<i32>} : memref<128x128xf32, #tpu.memory_space<vmem>>, vector<16xf32>,
          %mul3A_824 = arith.mulf %get3A_823, %broadcast_in_dim3A_809 : vector<16xf32>
          %swap3A_825 = arith.index_cast %add3A_813 : i32 to index
          %swap3A_826 = arith.constant 16 : index
          %swap3A_827 = tpu.vector_load %arg11[%swap3A_825, %swap3A_826] {strides = array<i32>} : memref<128x128xf32, #tpu.memory_space<vmem>>, vector<16xf32>,
          tpu.vector_store %arg11[%swap3A_825, %swap3A_826], %mul3A_824 {strides = array<i32>} : memref<128x128xf32, #tpu.memory_space<vmem>>, vector<16xf32>,
          %get3A_828 = arith.index_cast %add3A_813 : i32 to index
          %get3A_829 = arith.constant 32 : index
          %get3A_830 = tpu.vector_load %arg11[%get3A_828, %get3A_829] {strides = array<i32>} : memref<128x128xf32, #tpu.memory_space<vmem>>, vector<16xf32>,
          %mul3A_831 = arith.mulf %get3A_830, %broadcast_in_dim3A_809 : vector<16xf32>
          %swap3A_832 = arith.index_cast %add3A_813 : i32 to index
          %swap3A_833 = arith.constant 32 : index
          %swap3A_834 = tpu.vector_load %arg11[%swap3A_832, %swap3A_833] {strides = array<i32>} : memref<128x128xf32, #tpu.memory_space<vmem>>, vector<16xf32>,
          tpu.vector_store %arg11[%swap3A_832, %swap3A_833], %mul3A_831 {strides = array<i32>} : memref<128x128xf32, #tpu.memory_space<vmem>>, vector<16xf32>,
          %get3A_835 = arith.index_cast %add3A_813 : i32 to index
          %get3A_836 = arith.constant 48 : index
          %get3A_837 = tpu.vector_load %arg11[%get3A_835, %get3A_836] {strides = array<i32>} : memref<128x128xf32, #tpu.memory_space<vmem>>, vector<16xf32>,
          %mul3A_838 = arith.mulf %get3A_837, %broadcast_in_dim3A_809 : vector<16xf32>
          %swap3A_839 = arith.index_cast %add3A_813 : i32 to index
          %swap3A_840 = arith.constant 48 : index
          %swap3A_841 = tpu.vector_load %arg11[%swap3A_839, %swap3A_840] {strides = array<i32>} : memref<128x128xf32, #tpu.memory_space<vmem>>, vector<16xf32>,
          tpu.vector_store %arg11[%swap3A_839, %swap3A_840], %mul3A_838 {strides = array<i32>} : memref<128x128xf32, #tpu.memory_space<vmem>>, vector<16xf32>,
          %get3A_842 = arith.index_cast %add3A_813 : i32 to index
          %get3A_843 = arith.constant 64 : index
          %get3A_844 = tpu.vector_load %arg11[%get3A_842, %get3A_843] {strides = array<i32>} : memref<128x128xf32, #tpu.memory_space<vmem>>, vector<16xf32>,
          %mul3A_845 = arith.mulf %get3A_844, %broadcast_in_dim3A_809 : vector<16xf32>
          %swap3A_846 = arith.index_cast %add3A_813 : i32 to index
          %swap3A_847 = arith.constant 64 : index
          %swap3A_848 = tpu.vector_load %arg11[%swap3A_846, %swap3A_847] {strides = array<i32>} : memref<128x128xf32, #tpu.memory_space<vmem>>, vector<16xf32>,
          tpu.vector_store %arg11[%swap3A_846, %swap3A_847], %mul3A_845 {strides = array<i32>} : memref<128x128xf32, #tpu.memory_space<vmem>>, vector<16xf32>,
          %get3A_849 = arith.index_cast %add3A_813 : i32 to index
          %get3A_850 = arith.constant 80 : index
          %get3A_851 = tpu.vector_load %arg11[%get3A_849, %get3A_850] {strides = array<i32>} : memref<128x128xf32, #tpu.memory_space<vmem>>, vector<16xf32>,
          %mul3A_852 = arith.mulf %get3A_851, %broadcast_in_dim3A_809 : vector<16xf32>
          %swap3A_853 = arith.index_cast %add3A_813 : i32 to index
          %swap3A_854 = arith.constant 80 : index
          %swap3A_855 = tpu.vector_load %arg11[%swap3A_853, %swap3A_854] {strides = array<i32>} : memref<128x128xf32, #tpu.memory_space<vmem>>, vector<16xf32>,
          tpu.vector_store %arg11[%swap3A_853, %swap3A_854], %mul3A_852 {strides = array<i32>} : memref<128x128xf32, #tpu.memory_space<vmem>>, vector<16xf32>,
          %get3A_856 = arith.index_cast %add3A_813 : i32 to index
          %get3A_857 = arith.constant 96 : index
          %get3A_858 = tpu.vector_load %arg11[%get3A_856, %get3A_857] {strides = array<i32>} : memref<128x128xf32, #tpu.memory_space<vmem>>, vector<16xf32>,
          %mul3A_859 = arith.mulf %get3A_858, %broadcast_in_dim3A_809 : vector<16xf32>
          %swap3A_860 = arith.index_cast %add3A_813 : i32 to index
          %swap3A_861 = arith.constant 96 : index
          %swap3A_862 = tpu.vector_load %arg11[%swap3A_860, %swap3A_861] {strides = array<i32>} : memref<128x128xf32, #tpu.memory_space<vmem>>, vector<16xf32>,
          tpu.vector_store %arg11[%swap3A_860, %swap3A_861], %mul3A_859 {strides = array<i32>} : memref<128x128xf32, #tpu.memory_space<vmem>>, vector<16xf32>,
          %get3A_863 = arith.index_cast %add3A_813 : i32 to index
          %get3A_864 = arith.constant 112 : index
          %get3A_865 = tpu.vector_load %arg11[%get3A_863, %get3A_864] {strides = array<i32>} : memref<128x128xf32, #tpu.memory_space<vmem>>, vector<16xf32>,
          %mul3A_866 = arith.mulf %get3A_865, %broadcast_in_dim3A_809 : vector<16xf32>
          %swap3A_867 = arith.index_cast %add3A_813 : i32 to index
          %swap3A_868 = arith.constant 112 : index
          %swap3A_869 = tpu.vector_load %arg11[%swap3A_867, %swap3A_868] {strides = array<i32>} : memref<128x128xf32, #tpu.memory_space<vmem>>, vector<16xf32>,
          tpu.vector_store %arg11[%swap3A_867, %swap3A_868], %mul3A_866 {strides = array<i32>} : memref<128x128xf32, #tpu.memory_space<vmem>>, vector<16xf32>,
          %slice3A_870 = vector.extract_strided_slice %get3A_169 {offsets = [11], sizes = [1], strides = [1]} : vector<16xf32> to vector<1xf32>
          %squeeze3A_871 = vector.extract %slice3A_870[0] : f32 from vector<1xf32>
          %broadcast_in_dim3A_872 = vector.broadcast %squeeze3A_871 : f32 to vector<16xf32>
          %mul3A_873 = arith.constant 16 : i32
          %mul3A_874 = arith.muli %scan3A_165, %mul3A_873 : i32
          %add3A_875 = arith.constant 11 : i32
          %add3A_876 = arith.addi %mul3A_874, %add3A_875 : i32
          %get3A_877 = arith.index_cast %add3A_876 : i32 to index
          %get3A_878 = arith.constant 0 : index
          %get3A_879 = tpu.vector_load %arg11[%get3A_877, %get3A_878] {strides = array<i32>} : memref<128x128xf32, #tpu.memory_space<vmem>>, vector<16xf32>,
          %mul3A_880 = arith.mulf %get3A_879, %broadcast_in_dim3A_872 : vector<16xf32>
          %swap3A_881 = arith.index_cast %add3A_876 : i32 to index
          %swap3A_882 = arith.constant 0 : index
          %swap3A_883 = tpu.vector_load %arg11[%swap3A_881, %swap3A_882] {strides = array<i32>} : memref<128x128xf32, #tpu.memory_space<vmem>>, vector<16xf32>,
          tpu.vector_store %arg11[%swap3A_881, %swap3A_882], %mul3A_880 {strides = array<i32>} : memref<128x128xf32, #tpu.memory_space<vmem>>, vector<16xf32>,
          %get3A_884 = arith.index_cast %add3A_876 : i32 to index
          %get3A_885 = arith.constant 16 : index
          %get3A_886 = tpu.vector_load %arg11[%get3A_884, %get3A_885] {strides = array<i32>} : memref<128x128xf32, #tpu.memory_space<vmem>>, vector<16xf32>,
          %mul3A_887 = arith.mulf %get3A_886, %broadcast_in_dim3A_872 : vector<16xf32>
          %swap3A_888 = arith.index_cast %add3A_876 : i32 to index
          %swap3A_889 = arith.constant 16 : index
          %swap3A_890 = tpu.vector_load %arg11[%swap3A_888, %swap3A_889] {strides = array<i32>} : memref<128x128xf32, #tpu.memory_space<vmem>>, vector<16xf32>,
          tpu.vector_store %arg11[%swap3A_888, %swap3A_889], %mul3A_887 {strides = array<i32>} : memref<128x128xf32, #tpu.memory_space<vmem>>, vector<16xf32>,
          %get3A_891 = arith.index_cast %add3A_876 : i32 to index
          %get3A_892 = arith.constant 32 : index
          %get3A_893 = tpu.vector_load %arg11[%get3A_891, %get3A_892] {strides = array<i32>} : memref<128x128xf32, #tpu.memory_space<vmem>>, vector<16xf32>,
          %mul3A_894 = arith.mulf %get3A_893, %broadcast_in_dim3A_872 : vector<16xf32>
          %swap3A_895 = arith.index_cast %add3A_876 : i32 to index
          %swap3A_896 = arith.constant 32 : index
          %swap3A_897 = tpu.vector_load %arg11[%swap3A_895, %swap3A_896] {strides = array<i32>} : memref<128x128xf32, #tpu.memory_space<vmem>>, vector<16xf32>,
          tpu.vector_store %arg11[%swap3A_895, %swap3A_896], %mul3A_894 {strides = array<i32>} : memref<128x128xf32, #tpu.memory_space<vmem>>, vector<16xf32>,
          %get3A_898 = arith.index_cast %add3A_876 : i32 to index
          %get3A_899 = arith.constant 48 : index
          %get3A_900 = tpu.vector_load %arg11[%get3A_898, %get3A_899] {strides = array<i32>} : memref<128x128xf32, #tpu.memory_space<vmem>>, vector<16xf32>,
          %mul3A_901 = arith.mulf %get3A_900, %broadcast_in_dim3A_872 : vector<16xf32>
          %swap3A_902 = arith.index_cast %add3A_876 : i32 to index
          %swap3A_903 = arith.constant 48 : index
          %swap3A_904 = tpu.vector_load %arg11[%swap3A_902, %swap3A_903] {strides = array<i32>} : memref<128x128xf32, #tpu.memory_space<vmem>>, vector<16xf32>,
          tpu.vector_store %arg11[%swap3A_902, %swap3A_903], %mul3A_901 {strides = array<i32>} : memref<128x128xf32, #tpu.memory_space<vmem>>, vector<16xf32>,
          %get3A_905 = arith.index_cast %add3A_876 : i32 to index
          %get3A_906 = arith.constant 64 : index
          %get3A_907 = tpu.vector_load %arg11[%get3A_905, %get3A_906] {strides = array<i32>} : memref<128x128xf32, #tpu.memory_space<vmem>>, vector<16xf32>,
          %mul3A_908 = arith.mulf %get3A_907, %broadcast_in_dim3A_872 : vector<16xf32>
          %swap3A_909 = arith.index_cast %add3A_876 : i32 to index
          %swap3A_910 = arith.constant 64 : index
          %swap3A_911 = tpu.vector_load %arg11[%swap3A_909, %swap3A_910] {strides = array<i32>} : memref<128x128xf32, #tpu.memory_space<vmem>>, vector<16xf32>,
          tpu.vector_store %arg11[%swap3A_909, %swap3A_910], %mul3A_908 {strides = array<i32>} : memref<128x128xf32, #tpu.memory_space<vmem>>, vector<16xf32>,
          %get3A_912 = arith.index_cast %add3A_876 : i32 to index
          %get3A_913 = arith.constant 80 : index
          %get3A_914 = tpu.vector_load %arg11[%get3A_912, %get3A_913] {strides = array<i32>} : memref<128x128xf32, #tpu.memory_space<vmem>>, vector<16xf32>,
          %mul3A_915 = arith.mulf %get3A_914, %broadcast_in_dim3A_872 : vector<16xf32>
          %swap3A_916 = arith.index_cast %add3A_876 : i32 to index
          %swap3A_917 = arith.constant 80 : index
          %swap3A_918 = tpu.vector_load %arg11[%swap3A_916, %swap3A_917] {strides = array<i32>} : memref<128x128xf32, #tpu.memory_space<vmem>>, vector<16xf32>,
          tpu.vector_store %arg11[%swap3A_916, %swap3A_917], %mul3A_915 {strides = array<i32>} : memref<128x128xf32, #tpu.memory_space<vmem>>, vector<16xf32>,
          %get3A_919 = arith.index_cast %add3A_876 : i32 to index
          %get3A_920 = arith.constant 96 : index
          %get3A_921 = tpu.vector_load %arg11[%get3A_919, %get3A_920] {strides = array<i32>} : memref<128x128xf32, #tpu.memory_space<vmem>>, vector<16xf32>,
          %mul3A_922 = arith.mulf %get3A_921, %broadcast_in_dim3A_872 : vector<16xf32>
          %swap3A_923 = arith.index_cast %add3A_876 : i32 to index
          %swap3A_924 = arith.constant 96 : index
          %swap3A_925 = tpu.vector_load %arg11[%swap3A_923, %swap3A_924] {strides = array<i32>} : memref<128x128xf32, #tpu.memory_space<vmem>>, vector<16xf32>,
          tpu.vector_store %arg11[%swap3A_923, %swap3A_924], %mul3A_922 {strides = array<i32>} : memref<128x128xf32, #tpu.memory_space<vmem>>, vector<16xf32>,
          %get3A_926 = arith.index_cast %add3A_876 : i32 to index
          %get3A_927 = arith.constant 112 : index
          %get3A_928 = tpu.vector_load %arg11[%get3A_926, %get3A_927] {strides = array<i32>} : memref<128x128xf32, #tpu.memory_space<vmem>>, vector<16xf32>,
          %mul3A_929 = arith.mulf %get3A_928, %broadcast_in_dim3A_872 : vector<16xf32>
          %swap3A_930 = arith.index_cast %add3A_876 : i32 to index
          %swap3A_931 = arith.constant 112 : index
          %swap3A_932 = tpu.vector_load %arg11[%swap3A_930, %swap3A_931] {strides = array<i32>} : memref<128x128xf32, #tpu.memory_space<vmem>>, vector<16xf32>,
          tpu.vector_store %arg11[%swap3A_930, %swap3A_931], %mul3A_929 {strides = array<i32>} : memref<128x128xf32, #tpu.memory_space<vmem>>, vector<16xf32>,
          %slice3A_933 = vector.extract_strided_slice %get3A_169 {offsets = [12], sizes = [1], strides = [1]} : vector<16xf32> to vector<1xf32>
          %squeeze3A_934 = vector.extract %slice3A_933[0] : f32 from vector<1xf32>
          %broadcast_in_dim3A_935 = vector.broadcast %squeeze3A_934 : f32 to vector<16xf32>
          %mul3A_936 = arith.constant 16 : i32
          %mul3A_937 = arith.muli %scan3A_165, %mul3A_936 : i32
          %add3A_938 = arith.constant 12 : i32
          %add3A_939 = arith.addi %mul3A_937, %add3A_938 : i32
          %get3A_940 = arith.index_cast %add3A_939 : i32 to index
          %get3A_941 = arith.constant 0 : index
          %get3A_942 = tpu.vector_load %arg11[%get3A_940, %get3A_941] {strides = array<i32>} : memref<128x128xf32, #tpu.memory_space<vmem>>, vector<16xf32>,
          %mul3A_943 = arith.mulf %get3A_942, %broadcast_in_dim3A_935 : vector<16xf32>
          %swap3A_944 = arith.index_cast %add3A_939 : i32 to index
          %swap3A_945 = arith.constant 0 : index
          %swap3A_946 = tpu.vector_load %arg11[%swap3A_944, %swap3A_945] {strides = array<i32>} : memref<128x128xf32, #tpu.memory_space<vmem>>, vector<16xf32>,
          tpu.vector_store %arg11[%swap3A_944, %swap3A_945], %mul3A_943 {strides = array<i32>} : memref<128x128xf32, #tpu.memory_space<vmem>>, vector<16xf32>,
          %get3A_947 = arith.index_cast %add3A_939 : i32 to index
          %get3A_948 = arith.constant 16 : index
          %get3A_949 = tpu.vector_load %arg11[%get3A_947, %get3A_948] {strides = array<i32>} : memref<128x128xf32, #tpu.memory_space<vmem>>, vector<16xf32>,
          %mul3A_950 = arith.mulf %get3A_949, %broadcast_in_dim3A_935 : vector<16xf32>
          %swap3A_951 = arith.index_cast %add3A_939 : i32 to index
          %swap3A_952 = arith.constant 16 : index
          %swap3A_953 = tpu.vector_load %arg11[%swap3A_951, %swap3A_952] {strides = array<i32>} : memref<128x128xf32, #tpu.memory_space<vmem>>, vector<16xf32>,
          tpu.vector_store %arg11[%swap3A_951, %swap3A_952], %mul3A_950 {strides = array<i32>} : memref<128x128xf32, #tpu.memory_space<vmem>>, vector<16xf32>,
          %get3A_954 = arith.index_cast %add3A_939 : i32 to index
          %get3A_955 = arith.constant 32 : index
          %get3A_956 = tpu.vector_load %arg11[%get3A_954, %get3A_955] {strides = array<i32>} : memref<128x128xf32, #tpu.memory_space<vmem>>, vector<16xf32>,
          %mul3A_957 = arith.mulf %get3A_956, %broadcast_in_dim3A_935 : vector<16xf32>
          %swap3A_958 = arith.index_cast %add3A_939 : i32 to index
          %swap3A_959 = arith.constant 32 : index
          %swap3A_960 = tpu.vector_load %arg11[%swap3A_958, %swap3A_959] {strides = array<i32>} : memref<128x128xf32, #tpu.memory_space<vmem>>, vector<16xf32>,
          tpu.vector_store %arg11[%swap3A_958, %swap3A_959], %mul3A_957 {strides = array<i32>} : memref<128x128xf32, #tpu.memory_space<vmem>>, vector<16xf32>,
          %get3A_961 = arith.index_cast %add3A_939 : i32 to index
          %get3A_962 = arith.constant 48 : index
          %get3A_963 = tpu.vector_load %arg11[%get3A_961, %get3A_962] {strides = array<i32>} : memref<128x128xf32, #tpu.memory_space<vmem>>, vector<16xf32>,
          %mul3A_964 = arith.mulf %get3A_963, %broadcast_in_dim3A_935 : vector<16xf32>
          %swap3A_965 = arith.index_cast %add3A_939 : i32 to index
          %swap3A_966 = arith.constant 48 : index
          %swap3A_967 = tpu.vector_load %arg11[%swap3A_965, %swap3A_966] {strides = array<i32>} : memref<128x128xf32, #tpu.memory_space<vmem>>, vector<16xf32>,
          tpu.vector_store %arg11[%swap3A_965, %swap3A_966], %mul3A_964 {strides = array<i32>} : memref<128x128xf32, #tpu.memory_space<vmem>>, vector<16xf32>,
          %get3A_968 = arith.index_cast %add3A_939 : i32 to index
          %get3A_969 = arith.constant 64 : index
          %get3A_970 = tpu.vector_load %arg11[%get3A_968, %get3A_969] {strides = array<i32>} : memref<128x128xf32, #tpu.memory_space<vmem>>, vector<16xf32>,
          %mul3A_971 = arith.mulf %get3A_970, %broadcast_in_dim3A_935 : vector<16xf32>
          %swap3A_972 = arith.index_cast %add3A_939 : i32 to index
          %swap3A_973 = arith.constant 64 : index
          %swap3A_974 = tpu.vector_load %arg11[%swap3A_972, %swap3A_973] {strides = array<i32>} : memref<128x128xf32, #tpu.memory_space<vmem>>, vector<16xf32>,
          tpu.vector_store %arg11[%swap3A_972, %swap3A_973], %mul3A_971 {strides = array<i32>} : memref<128x128xf32, #tpu.memory_space<vmem>>, vector<16xf32>,
          %get3A_975 = arith.index_cast %add3A_939 : i32 to index
          %get3A_976 = arith.constant 80 : index
          %get3A_977 = tpu.vector_load %arg11[%get3A_975, %get3A_976] {strides = array<i32>} : memref<128x128xf32, #tpu.memory_space<vmem>>, vector<16xf32>,
          %mul3A_978 = arith.mulf %get3A_977, %broadcast_in_dim3A_935 : vector<16xf32>
          %swap3A_979 = arith.index_cast %add3A_939 : i32 to index
          %swap3A_980 = arith.constant 80 : index
          %swap3A_981 = tpu.vector_load %arg11[%swap3A_979, %swap3A_980] {strides = array<i32>} : memref<128x128xf32, #tpu.memory_space<vmem>>, vector<16xf32>,
          tpu.vector_store %arg11[%swap3A_979, %swap3A_980], %mul3A_978 {strides = array<i32>} : memref<128x128xf32, #tpu.memory_space<vmem>>, vector<16xf32>,
          %get3A_982 = arith.index_cast %add3A_939 : i32 to index
          %get3A_983 = arith.constant 96 : index
          %get3A_984 = tpu.vector_load %arg11[%get3A_982, %get3A_983] {strides = array<i32>} : memref<128x128xf32, #tpu.memory_space<vmem>>, vector<16xf32>,
          %mul3A_985 = arith.mulf %get3A_984, %broadcast_in_dim3A_935 : vector<16xf32>
          %swap3A_986 = arith.index_cast %add3A_939 : i32 to index
          %swap3A_987 = arith.constant 96 : index
          %swap3A_988 = tpu.vector_load %arg11[%swap3A_986, %swap3A_987] {strides = array<i32>} : memref<128x128xf32, #tpu.memory_space<vmem>>, vector<16xf32>,
          tpu.vector_store %arg11[%swap3A_986, %swap3A_987], %mul3A_985 {strides = array<i32>} : memref<128x128xf32, #tpu.memory_space<vmem>>, vector<16xf32>,
          %get3A_989 = arith.index_cast %add3A_939 : i32 to index
          %get3A_990 = arith.constant 112 : index
          %get3A_991 = tpu.vector_load %arg11[%get3A_989, %get3A_990] {strides = array<i32>} : memref<128x128xf32, #tpu.memory_space<vmem>>, vector<16xf32>,
          %mul3A_992 = arith.mulf %get3A_991, %broadcast_in_dim3A_935 : vector<16xf32>
          %swap3A_993 = arith.index_cast %add3A_939 : i32 to index
          %swap3A_994 = arith.constant 112 : index
          %swap3A_995 = tpu.vector_load %arg11[%swap3A_993, %swap3A_994] {strides = array<i32>} : memref<128x128xf32, #tpu.memory_space<vmem>>, vector<16xf32>,
          tpu.vector_store %arg11[%swap3A_993, %swap3A_994], %mul3A_992 {strides = array<i32>} : memref<128x128xf32, #tpu.memory_space<vmem>>, vector<16xf32>,
          %slice3A_996 = vector.extract_strided_slice %get3A_169 {offsets = [13], sizes = [1], strides = [1]} : vector<16xf32> to vector<1xf32>
          %squeeze3A_997 = vector.extract %slice3A_996[0] : f32 from vector<1xf32>
          %broadcast_in_dim3A_998 = vector.broadcast %squeeze3A_997 : f32 to vector<16xf32>
          %mul3A_999 = arith.constant 16 : i32
          %mul3A_1000 = arith.muli %scan3A_165, %mul3A_999 : i32
          %add3A_1001 = arith.constant 13 : i32
          %add3A_1002 = arith.addi %mul3A_1000, %add3A_1001 : i32
          %get3A_1003 = arith.index_cast %add3A_1002 : i32 to index
          %get3A_1004 = arith.constant 0 : index
          %get3A_1005 = tpu.vector_load %arg11[%get3A_1003, %get3A_1004] {strides = array<i32>} : memref<128x128xf32, #tpu.memory_space<vmem>>, vector<16xf32>,
          %mul3A_1006 = arith.mulf %get3A_1005, %broadcast_in_dim3A_998 : vector<16xf32>
          %swap3A_1007 = arith.index_cast %add3A_1002 : i32 to index
          %swap3A_1008 = arith.constant 0 : index
          %swap3A_1009 = tpu.vector_load %arg11[%swap3A_1007, %swap3A_1008] {strides = array<i32>} : memref<128x128xf32, #tpu.memory_space<vmem>>, vector<16xf32>,
          tpu.vector_store %arg11[%swap3A_1007, %swap3A_1008], %mul3A_1006 {strides = array<i32>} : memref<128x128xf32, #tpu.memory_space<vmem>>, vector<16xf32>,
          %get3A_1010 = arith.index_cast %add3A_1002 : i32 to index
          %get3A_1011 = arith.constant 16 : index
          %get3A_1012 = tpu.vector_load %arg11[%get3A_1010, %get3A_1011] {strides = array<i32>} : memref<128x128xf32, #tpu.memory_space<vmem>>, vector<16xf32>,
          %mul3A_1013 = arith.mulf %get3A_1012, %broadcast_in_dim3A_998 : vector<16xf32>
          %swap3A_1014 = arith.index_cast %add3A_1002 : i32 to index
          %swap3A_1015 = arith.constant 16 : index
          %swap3A_1016 = tpu.vector_load %arg11[%swap3A_1014, %swap3A_1015] {strides = array<i32>} : memref<128x128xf32, #tpu.memory_space<vmem>>, vector<16xf32>,
          tpu.vector_store %arg11[%swap3A_1014, %swap3A_1015], %mul3A_1013 {strides = array<i32>} : memref<128x128xf32, #tpu.memory_space<vmem>>, vector<16xf32>,
          %get3A_1017 = arith.index_cast %add3A_1002 : i32 to index
          %get3A_1018 = arith.constant 32 : index
          %get3A_1019 = tpu.vector_load %arg11[%get3A_1017, %get3A_1018] {strides = array<i32>} : memref<128x128xf32, #tpu.memory_space<vmem>>, vector<16xf32>,
          %mul3A_1020 = arith.mulf %get3A_1019, %broadcast_in_dim3A_998 : vector<16xf32>
          %swap3A_1021 = arith.index_cast %add3A_1002 : i32 to index
          %swap3A_1022 = arith.constant 32 : index
          %swap3A_1023 = tpu.vector_load %arg11[%swap3A_1021, %swap3A_1022] {strides = array<i32>} : memref<128x128xf32, #tpu.memory_space<vmem>>, vector<16xf32>,
          tpu.vector_store %arg11[%swap3A_1021, %swap3A_1022], %mul3A_1020 {strides = array<i32>} : memref<128x128xf32, #tpu.memory_space<vmem>>, vector<16xf32>,
          %get3A_1024 = arith.index_cast %add3A_1002 : i32 to index
          %get3A_1025 = arith.constant 48 : index
          %get3A_1026 = tpu.vector_load %arg11[%get3A_1024, %get3A_1025] {strides = array<i32>} : memref<128x128xf32, #tpu.memory_space<vmem>>, vector<16xf32>,
          %mul3A_1027 = arith.mulf %get3A_1026, %broadcast_in_dim3A_998 : vector<16xf32>
          %swap3A_1028 = arith.index_cast %add3A_1002 : i32 to index
          %swap3A_1029 = arith.constant 48 : index
          %swap3A_1030 = tpu.vector_load %arg11[%swap3A_1028, %swap3A_1029] {strides = array<i32>} : memref<128x128xf32, #tpu.memory_space<vmem>>, vector<16xf32>,
          tpu.vector_store %arg11[%swap3A_1028, %swap3A_1029], %mul3A_1027 {strides = array<i32>} : memref<128x128xf32, #tpu.memory_space<vmem>>, vector<16xf32>,
          %get3A_1031 = arith.index_cast %add3A_1002 : i32 to index
          %get3A_1032 = arith.constant 64 : index
          %get3A_1033 = tpu.vector_load %arg11[%get3A_1031, %get3A_1032] {strides = array<i32>} : memref<128x128xf32, #tpu.memory_space<vmem>>, vector<16xf32>,
          %mul3A_1034 = arith.mulf %get3A_1033, %broadcast_in_dim3A_998 : vector<16xf32>
          %swap3A_1035 = arith.index_cast %add3A_1002 : i32 to index
          %swap3A_1036 = arith.constant 64 : index
          %swap3A_1037 = tpu.vector_load %arg11[%swap3A_1035, %swap3A_1036] {strides = array<i32>} : memref<128x128xf32, #tpu.memory_space<vmem>>, vector<16xf32>,
          tpu.vector_store %arg11[%swap3A_1035, %swap3A_1036], %mul3A_1034 {strides = array<i32>} : memref<128x128xf32, #tpu.memory_space<vmem>>, vector<16xf32>,
          %get3A_1038 = arith.index_cast %add3A_1002 : i32 to index
          %get3A_1039 = arith.constant 80 : index
          %get3A_1040 = tpu.vector_load %arg11[%get3A_1038, %get3A_1039] {strides = array<i32>} : memref<128x128xf32, #tpu.memory_space<vmem>>, vector<16xf32>,
          %mul3A_1041 = arith.mulf %get3A_1040, %broadcast_in_dim3A_998 : vector<16xf32>
          %swap3A_1042 = arith.index_cast %add3A_1002 : i32 to index
          %swap3A_1043 = arith.constant 80 : index
          %swap3A_1044 = tpu.vector_load %arg11[%swap3A_1042, %swap3A_1043] {strides = array<i32>} : memref<128x128xf32, #tpu.memory_space<vmem>>, vector<16xf32>,
          tpu.vector_store %arg11[%swap3A_1042, %swap3A_1043], %mul3A_1041 {strides = array<i32>} : memref<128x128xf32, #tpu.memory_space<vmem>>, vector<16xf32>,
          %get3A_1045 = arith.index_cast %add3A_1002 : i32 to index
          %get3A_1046 = arith.constant 96 : index
          %get3A_1047 = tpu.vector_load %arg11[%get3A_1045, %get3A_1046] {strides = array<i32>} : memref<128x128xf32, #tpu.memory_space<vmem>>, vector<16xf32>,
          %mul3A_1048 = arith.mulf %get3A_1047, %broadcast_in_dim3A_998 : vector<16xf32>
          %swap3A_1049 = arith.index_cast %add3A_1002 : i32 to index
          %swap3A_1050 = arith.constant 96 : index
          %swap3A_1051 = tpu.vector_load %arg11[%swap3A_1049, %swap3A_1050] {strides = array<i32>} : memref<128x128xf32, #tpu.memory_space<vmem>>, vector<16xf32>,
          tpu.vector_store %arg11[%swap3A_1049, %swap3A_1050], %mul3A_1048 {strides = array<i32>} : memref<128x128xf32, #tpu.memory_space<vmem>>, vector<16xf32>,
          %get3A_1052 = arith.index_cast %add3A_1002 : i32 to index
          %get3A_1053 = arith.constant 112 : index
          %get3A_1054 = tpu.vector_load %arg11[%get3A_1052, %get3A_1053] {strides = array<i32>} : memref<128x128xf32, #tpu.memory_space<vmem>>, vector<16xf32>,
          %mul3A_1055 = arith.mulf %get3A_1054, %broadcast_in_dim3A_998 : vector<16xf32>
          %swap3A_1056 = arith.index_cast %add3A_1002 : i32 to index
          %swap3A_1057 = arith.constant 112 : index
          %swap3A_1058 = tpu.vector_load %arg11[%swap3A_1056, %swap3A_1057] {strides = array<i32>} : memref<128x128xf32, #tpu.memory_space<vmem>>, vector<16xf32>,
          tpu.vector_store %arg11[%swap3A_1056, %swap3A_1057], %mul3A_1055 {strides = array<i32>} : memref<128x128xf32, #tpu.memory_space<vmem>>, vector<16xf32>,
          %slice3A_1059 = vector.extract_strided_slice %get3A_169 {offsets = [14], sizes = [1], strides = [1]} : vector<16xf32> to vector<1xf32>
          %squeeze3A_1060 = vector.extract %slice3A_1059[0] : f32 from vector<1xf32>
          %broadcast_in_dim3A_1061 = vector.broadcast %squeeze3A_1060 : f32 to vector<16xf32>
          %mul3A_1062 = arith.constant 16 : i32
          %mul3A_1063 = arith.muli %scan3A_165, %mul3A_1062 : i32
          %add3A_1064 = arith.constant 14 : i32
          %add3A_1065 = arith.addi %mul3A_1063, %add3A_1064 : i32
          %get3A_1066 = arith.index_cast %add3A_1065 : i32 to index
          %get3A_1067 = arith.constant 0 : index
          %get3A_1068 = tpu.vector_load %arg11[%get3A_1066, %get3A_1067] {strides = array<i32>} : memref<128x128xf32, #tpu.memory_space<vmem>>, vector<16xf32>,
          %mul3A_1069 = arith.mulf %get3A_1068, %broadcast_in_dim3A_1061 : vector<16xf32>
          %swap3A_1070 = arith.index_cast %add3A_1065 : i32 to index
          %swap3A_1071 = arith.constant 0 : index
          %swap3A_1072 = tpu.vector_load %arg11[%swap3A_1070, %swap3A_1071] {strides = array<i32>} : memref<128x128xf32, #tpu.memory_space<vmem>>, vector<16xf32>,
          tpu.vector_store %arg11[%swap3A_1070, %swap3A_1071], %mul3A_1069 {strides = array<i32>} : memref<128x128xf32, #tpu.memory_space<vmem>>, vector<16xf32>,
          %get3A_1073 = arith.index_cast %add3A_1065 : i32 to index
          %get3A_1074 = arith.constant 16 : index
          %get3A_1075 = tpu.vector_load %arg11[%get3A_1073, %get3A_1074] {strides = array<i32>} : memref<128x128xf32, #tpu.memory_space<vmem>>, vector<16xf32>,
          %mul3A_1076 = arith.mulf %get3A_1075, %broadcast_in_dim3A_1061 : vector<16xf32>
          %swap3A_1077 = arith.index_cast %add3A_1065 : i32 to index
          %swap3A_1078 = arith.constant 16 : index
          %swap3A_1079 = tpu.vector_load %arg11[%swap3A_1077, %swap3A_1078] {strides = array<i32>} : memref<128x128xf32, #tpu.memory_space<vmem>>, vector<16xf32>,
          tpu.vector_store %arg11[%swap3A_1077, %swap3A_1078], %mul3A_1076 {strides = array<i32>} : memref<128x128xf32, #tpu.memory_space<vmem>>, vector<16xf32>,
          %get3A_1080 = arith.index_cast %add3A_1065 : i32 to index
          %get3A_1081 = arith.constant 32 : index
          %get3A_1082 = tpu.vector_load %arg11[%get3A_1080, %get3A_1081] {strides = array<i32>} : memref<128x128xf32, #tpu.memory_space<vmem>>, vector<16xf32>,
          %mul3A_1083 = arith.mulf %get3A_1082, %broadcast_in_dim3A_1061 : vector<16xf32>
          %swap3A_1084 = arith.index_cast %add3A_1065 : i32 to index
          %swap3A_1085 = arith.constant 32 : index
          %swap3A_1086 = tpu.vector_load %arg11[%swap3A_1084, %swap3A_1085] {strides = array<i32>} : memref<128x128xf32, #tpu.memory_space<vmem>>, vector<16xf32>,
          tpu.vector_store %arg11[%swap3A_1084, %swap3A_1085], %mul3A_1083 {strides = array<i32>} : memref<128x128xf32, #tpu.memory_space<vmem>>, vector<16xf32>,
          %get3A_1087 = arith.index_cast %add3A_1065 : i32 to index
          %get3A_1088 = arith.constant 48 : index
          %get3A_1089 = tpu.vector_load %arg11[%get3A_1087, %get3A_1088] {strides = array<i32>} : memref<128x128xf32, #tpu.memory_space<vmem>>, vector<16xf32>,
          %mul3A_1090 = arith.mulf %get3A_1089, %broadcast_in_dim3A_1061 : vector<16xf32>
          %swap3A_1091 = arith.index_cast %add3A_1065 : i32 to index
          %swap3A_1092 = arith.constant 48 : index
          %swap3A_1093 = tpu.vector_load %arg11[%swap3A_1091, %swap3A_1092] {strides = array<i32>} : memref<128x128xf32, #tpu.memory_space<vmem>>, vector<16xf32>,
          tpu.vector_store %arg11[%swap3A_1091, %swap3A_1092], %mul3A_1090 {strides = array<i32>} : memref<128x128xf32, #tpu.memory_space<vmem>>, vector<16xf32>,
          %get3A_1094 = arith.index_cast %add3A_1065 : i32 to index
          %get3A_1095 = arith.constant 64 : index
          %get3A_1096 = tpu.vector_load %arg11[%get3A_1094, %get3A_1095] {strides = array<i32>} : memref<128x128xf32, #tpu.memory_space<vmem>>, vector<16xf32>,
          %mul3A_1097 = arith.mulf %get3A_1096, %broadcast_in_dim3A_1061 : vector<16xf32>
          %swap3A_1098 = arith.index_cast %add3A_1065 : i32 to index
          %swap3A_1099 = arith.constant 64 : index
          %swap3A_1100 = tpu.vector_load %arg11[%swap3A_1098, %swap3A_1099] {strides = array<i32>} : memref<128x128xf32, #tpu.memory_space<vmem>>, vector<16xf32>,
          tpu.vector_store %arg11[%swap3A_1098, %swap3A_1099], %mul3A_1097 {strides = array<i32>} : memref<128x128xf32, #tpu.memory_space<vmem>>, vector<16xf32>,
          %get3A_1101 = arith.index_cast %add3A_1065 : i32 to index
          %get3A_1102 = arith.constant 80 : index
          %get3A_1103 = tpu.vector_load %arg11[%get3A_1101, %get3A_1102] {strides = array<i32>} : memref<128x128xf32, #tpu.memory_space<vmem>>, vector<16xf32>,
          %mul3A_1104 = arith.mulf %get3A_1103, %broadcast_in_dim3A_1061 : vector<16xf32>
          %swap3A_1105 = arith.index_cast %add3A_1065 : i32 to index
          %swap3A_1106 = arith.constant 80 : index
          %swap3A_1107 = tpu.vector_load %arg11[%swap3A_1105, %swap3A_1106] {strides = array<i32>} : memref<128x128xf32, #tpu.memory_space<vmem>>, vector<16xf32>,
          tpu.vector_store %arg11[%swap3A_1105, %swap3A_1106], %mul3A_1104 {strides = array<i32>} : memref<128x128xf32, #tpu.memory_space<vmem>>, vector<16xf32>,
          %get3A_1108 = arith.index_cast %add3A_1065 : i32 to index
          %get3A_1109 = arith.constant 96 : index
          %get3A_1110 = tpu.vector_load %arg11[%get3A_1108, %get3A_1109] {strides = array<i32>} : memref<128x128xf32, #tpu.memory_space<vmem>>, vector<16xf32>,
          %mul3A_1111 = arith.mulf %get3A_1110, %broadcast_in_dim3A_1061 : vector<16xf32>
          %swap3A_1112 = arith.index_cast %add3A_1065 : i32 to index
          %swap3A_1113 = arith.constant 96 : index
          %swap3A_1114 = tpu.vector_load %arg11[%swap3A_1112, %swap3A_1113] {strides = array<i32>} : memref<128x128xf32, #tpu.memory_space<vmem>>, vector<16xf32>,
          tpu.vector_store %arg11[%swap3A_1112, %swap3A_1113], %mul3A_1111 {strides = array<i32>} : memref<128x128xf32, #tpu.memory_space<vmem>>, vector<16xf32>,
          %get3A_1115 = arith.index_cast %add3A_1065 : i32 to index
          %get3A_1116 = arith.constant 112 : index
          %get3A_1117 = tpu.vector_load %arg11[%get3A_1115, %get3A_1116] {strides = array<i32>} : memref<128x128xf32, #tpu.memory_space<vmem>>, vector<16xf32>,
          %mul3A_1118 = arith.mulf %get3A_1117, %broadcast_in_dim3A_1061 : vector<16xf32>
          %swap3A_1119 = arith.index_cast %add3A_1065 : i32 to index
          %swap3A_1120 = arith.constant 112 : index
          %swap3A_1121 = tpu.vector_load %arg11[%swap3A_1119, %swap3A_1120] {strides = array<i32>} : memref<128x128xf32, #tpu.memory_space<vmem>>, vector<16xf32>,
          tpu.vector_store %arg11[%swap3A_1119, %swap3A_1120], %mul3A_1118 {strides = array<i32>} : memref<128x128xf32, #tpu.memory_space<vmem>>, vector<16xf32>,
          %slice3A_1122 = vector.extract_strided_slice %get3A_169 {offsets = [15], sizes = [1], strides = [1]} : vector<16xf32> to vector<1xf32>
          %squeeze3A_1123 = vector.extract %slice3A_1122[0] : f32 from vector<1xf32>
          %broadcast_in_dim3A_1124 = vector.broadcast %squeeze3A_1123 : f32 to vector<16xf32>
          %mul3A_1125 = arith.constant 16 : i32
          %mul3A_1126 = arith.muli %scan3A_165, %mul3A_1125 : i32
          %add3A_1127 = arith.constant 15 : i32
          %add3A_1128 = arith.addi %mul3A_1126, %add3A_1127 : i32
          %get3A_1129 = arith.index_cast %add3A_1128 : i32 to index
          %get3A_1130 = arith.constant 0 : index
          %get3A_1131 = tpu.vector_load %arg11[%get3A_1129, %get3A_1130] {strides = array<i32>} : memref<128x128xf32, #tpu.memory_space<vmem>>, vector<16xf32>,
          %mul3A_1132 = arith.mulf %get3A_1131, %broadcast_in_dim3A_1124 : vector<16xf32>
          %swap3A_1133 = arith.index_cast %add3A_1128 : i32 to index
          %swap3A_1134 = arith.constant 0 : index
          %swap3A_1135 = tpu.vector_load %arg11[%swap3A_1133, %swap3A_1134] {strides = array<i32>} : memref<128x128xf32, #tpu.memory_space<vmem>>, vector<16xf32>,
          tpu.vector_store %arg11[%swap3A_1133, %swap3A_1134], %mul3A_1132 {strides = array<i32>} : memref<128x128xf32, #tpu.memory_space<vmem>>, vector<16xf32>,
          %get3A_1136 = arith.index_cast %add3A_1128 : i32 to index
          %get3A_1137 = arith.constant 16 : index
          %get3A_1138 = tpu.vector_load %arg11[%get3A_1136, %get3A_1137] {strides = array<i32>} : memref<128x128xf32, #tpu.memory_space<vmem>>, vector<16xf32>,
          %mul3A_1139 = arith.mulf %get3A_1138, %broadcast_in_dim3A_1124 : vector<16xf32>
          %swap3A_1140 = arith.index_cast %add3A_1128 : i32 to index
          %swap3A_1141 = arith.constant 16 : index
          %swap3A_1142 = tpu.vector_load %arg11[%swap3A_1140, %swap3A_1141] {strides = array<i32>} : memref<128x128xf32, #tpu.memory_space<vmem>>, vector<16xf32>,
          tpu.vector_store %arg11[%swap3A_1140, %swap3A_1141], %mul3A_1139 {strides = array<i32>} : memref<128x128xf32, #tpu.memory_space<vmem>>, vector<16xf32>,
          %get3A_1143 = arith.index_cast %add3A_1128 : i32 to index
          %get3A_1144 = arith.constant 32 : index
          %get3A_1145 = tpu.vector_load %arg11[%get3A_1143, %get3A_1144] {strides = array<i32>} : memref<128x128xf32, #tpu.memory_space<vmem>>, vector<16xf32>,
          %mul3A_1146 = arith.mulf %get3A_1145, %broadcast_in_dim3A_1124 : vector<16xf32>
          %swap3A_1147 = arith.index_cast %add3A_1128 : i32 to index
          %swap3A_1148 = arith.constant 32 : index
          %swap3A_1149 = tpu.vector_load %arg11[%swap3A_1147, %swap3A_1148] {strides = array<i32>} : memref<128x128xf32, #tpu.memory_space<vmem>>, vector<16xf32>,
          tpu.vector_store %arg11[%swap3A_1147, %swap3A_1148], %mul3A_1146 {strides = array<i32>} : memref<128x128xf32, #tpu.memory_space<vmem>>, vector<16xf32>,
          %get3A_1150 = arith.index_cast %add3A_1128 : i32 to index
          %get3A_1151 = arith.constant 48 : index
          %get3A_1152 = tpu.vector_load %arg11[%get3A_1150, %get3A_1151] {strides = array<i32>} : memref<128x128xf32, #tpu.memory_space<vmem>>, vector<16xf32>,
          %mul3A_1153 = arith.mulf %get3A_1152, %broadcast_in_dim3A_1124 : vector<16xf32>
          %swap3A_1154 = arith.index_cast %add3A_1128 : i32 to index
          %swap3A_1155 = arith.constant 48 : index
          %swap3A_1156 = tpu.vector_load %arg11[%swap3A_1154, %swap3A_1155] {strides = array<i32>} : memref<128x128xf32, #tpu.memory_space<vmem>>, vector<16xf32>,
          tpu.vector_store %arg11[%swap3A_1154, %swap3A_1155], %mul3A_1153 {strides = array<i32>} : memref<128x128xf32, #tpu.memory_space<vmem>>, vector<16xf32>,
          %get3A_1157 = arith.index_cast %add3A_1128 : i32 to index
          %get3A_1158 = arith.constant 64 : index
          %get3A_1159 = tpu.vector_load %arg11[%get3A_1157, %get3A_1158] {strides = array<i32>} : memref<128x128xf32, #tpu.memory_space<vmem>>, vector<16xf32>,
          %mul3A_1160 = arith.mulf %get3A_1159, %broadcast_in_dim3A_1124 : vector<16xf32>
          %swap3A_1161 = arith.index_cast %add3A_1128 : i32 to index
          %swap3A_1162 = arith.constant 64 : index
          %swap3A_1163 = tpu.vector_load %arg11[%swap3A_1161, %swap3A_1162] {strides = array<i32>} : memref<128x128xf32, #tpu.memory_space<vmem>>, vector<16xf32>,
          tpu.vector_store %arg11[%swap3A_1161, %swap3A_1162], %mul3A_1160 {strides = array<i32>} : memref<128x128xf32, #tpu.memory_space<vmem>>, vector<16xf32>,
          %get3A_1164 = arith.index_cast %add3A_1128 : i32 to index
          %get3A_1165 = arith.constant 80 : index
          %get3A_1166 = tpu.vector_load %arg11[%get3A_1164, %get3A_1165] {strides = array<i32>} : memref<128x128xf32, #tpu.memory_space<vmem>>, vector<16xf32>,
          %mul3A_1167 = arith.mulf %get3A_1166, %broadcast_in_dim3A_1124 : vector<16xf32>
          %swap3A_1168 = arith.index_cast %add3A_1128 : i32 to index
          %swap3A_1169 = arith.constant 80 : index
          %swap3A_1170 = tpu.vector_load %arg11[%swap3A_1168, %swap3A_1169] {strides = array<i32>} : memref<128x128xf32, #tpu.memory_space<vmem>>, vector<16xf32>,
          tpu.vector_store %arg11[%swap3A_1168, %swap3A_1169], %mul3A_1167 {strides = array<i32>} : memref<128x128xf32, #tpu.memory_space<vmem>>, vector<16xf32>,
          %get3A_1171 = arith.index_cast %add3A_1128 : i32 to index
          %get3A_1172 = arith.constant 96 : index
          %get3A_1173 = tpu.vector_load %arg11[%get3A_1171, %get3A_1172] {strides = array<i32>} : memref<128x128xf32, #tpu.memory_space<vmem>>, vector<16xf32>,
          %mul3A_1174 = arith.mulf %get3A_1173, %broadcast_in_dim3A_1124 : vector<16xf32>
          %swap3A_1175 = arith.index_cast %add3A_1128 : i32 to index
          %swap3A_1176 = arith.constant 96 : index
          %swap3A_1177 = tpu.vector_load %arg11[%swap3A_1175, %swap3A_1176] {strides = array<i32>} : memref<128x128xf32, #tpu.memory_space<vmem>>, vector<16xf32>,
          tpu.vector_store %arg11[%swap3A_1175, %swap3A_1176], %mul3A_1174 {strides = array<i32>} : memref<128x128xf32, #tpu.memory_space<vmem>>, vector<16xf32>,
          %get3A_1178 = arith.index_cast %add3A_1128 : i32 to index
          %get3A_1179 = arith.constant 112 : index
          %get3A_1180 = tpu.vector_load %arg11[%get3A_1178, %get3A_1179] {strides = array<i32>} : memref<128x128xf32, #tpu.memory_space<vmem>>, vector<16xf32>,
          %mul3A_1181 = arith.mulf %get3A_1180, %broadcast_in_dim3A_1124 : vector<16xf32>
          %swap3A_1182 = arith.index_cast %add3A_1128 : i32 to index
          %swap3A_1183 = arith.constant 112 : index
          %swap3A_1184 = tpu.vector_load %arg11[%swap3A_1182, %swap3A_1183] {strides = array<i32>} : memref<128x128xf32, #tpu.memory_space<vmem>>, vector<16xf32>,
          tpu.vector_store %arg11[%swap3A_1182, %swap3A_1183], %mul3A_1181 {strides = array<i32>} : memref<128x128xf32, #tpu.memory_space<vmem>>, vector<16xf32>,
        }
        %scan3A_129 = arith.constant 8 : i32
        %dma_start3A_130 = arith.constant 0 : i32
        %dma_start3A_131 = tpu.memref_slice %arg8[%mul3A_99, %dma_start3A_130] : memref<8x128xi32, #tpu.memory_space<vmem>> -> memref<1x128xi32, #tpu.memory_space<vmem>>
        %dma_start3A_132 = tpu.memref_squeeze %dma_start3A_131 : memref<1x128xi32, #tpu.memory_space<vmem>> -> memref<128xi32, #tpu.memory_space<vmem>>
        %dma_start3A_133 = arith.constant 0 : i32
        %dma_start3A_134 = arith.constant 0 : i32
        %dma_start3A_135 = tpu.memref_slice %arg19[%dma_start3A_133, %dma_start3A_134] : memref<10240x128xf32, #tpu.memory_space<vmem_shared>> -> memref<10240x128xf32, #tpu.memory_space<vmem_shared>>
        tpu.enqueue_indirect_dma source(%arg11 : memref<128x128xf32, #tpu.memory_space<vmem>>) target(%dma_start3A_135 : memref<10240x128xf32, #tpu.memory_space<vmem_shared>>) offsets(%dma_start3A_132 : memref<128xi32, #tpu.memory_space<vmem>>) semaphore(%arg17 : memref<!tpu.dma_semaphore, #tpu.memory_space<semaphore_mem>>) {add = true}
        %dma_wait3A_136 = arith.constant 0 : i32
        %dma_wait3A_137 = tpu.memref_slice %arg9[%add3A_103, %dma_wait3A_136] : memref<8x128xi32, #tpu.memory_space<vmem>> -> memref<1x128xi32, #tpu.memory_space<vmem>>
        %dma_wait3A_138 = tpu.memref_squeeze %dma_wait3A_137 : memref<1x128xi32, #tpu.memory_space<vmem>> -> memref<128xi32, #tpu.memory_space<vmem>>
        %dma_wait3A_139 = arith.constant 0 : i32
        %dma_wait3A_140 = arith.constant 0 : i32
        %dma_wait3A_141 = tpu.memref_slice %arg2[%dma_wait3A_139, %dma_wait3A_140] : memref<20000x128xf32, #tpu.memory_space<hbm>> -> memref<20000x128xf32, #tpu.memory_space<hbm>>
        tpu.wait_indirect_dma semaphore(%arg16 : memref<!tpu.dma_semaphore, #tpu.memory_space<semaphore_mem>>) src(%dma_wait3A_141 : memref<20000x128xf32, #tpu.memory_space<hbm>>) dst(%arg12 : memref<128x128xf32, #tpu.memory_space<vmem>>)
        %scan3A_142 = arith.constant 0 : i32
        %scan3A_143 = arith.constant 0 : i32
        %scan3A_144 = arith.constant 8 : i32
        %scan3A_145 = arith.addi %scan3A_143, %scan3A_144 : i32
        %scan3A_146 = arith.constant 1 : i32
        scf.for %scan3A_165 = %scan3A_143 to %scan3A_145 step %scan3A_146  : i32 {
          %mul3A_166 = arith.constant 16 : i32
          %mul3A_167 = arith.muli %scan3A_165, %mul3A_166 : i32
          %get3A = arith.index_cast %add3A_103 : i32 to index
          %get3A_168 = arith.index_cast %mul3A_167 : i32 to index
          %get3A_169 = tpu.vector_load %arg10[%get3A, %get3A_168] {strides = array<i32>} : memref<8x128xf32, #tpu.memory_space<vmem>>, vector<16xf32>,
          %mul3A_170 = arith.constant 16 : i32
          %mul3A_171 = arith.muli %scan3A_165, %mul3A_170 : i32
          %get3A_172 = arith.index_cast %add3A_103 : i32 to index
          %get3A_173 = arith.index_cast %mul3A_171 : i32 to index
          %get3A_174 = tpu.vector_load %arg8[%get3A_172, %get3A_173] {strides = array<i32>} : memref<8x128xi32, #tpu.memory_space<vmem>>, vector<16xi32>,
          %shift_right_logical3A = arith.constant 7 : i32
          %shift_right_logical3A_175 = vector.broadcast %shift_right_logical3A : i32 to vector<16xi32>
          %shift_right_logical3A_176 = arith.shrui %get3A_174, %shift_right_logical3A_175 : vector<16xi32>
          %and3A = arith.constant 127 : i32
          %and3A_177 = vector.broadcast %and3A : i32 to vector<16xi32>
          %and3A_178 = arith.andi %get3A_174, %and3A_177 : vector<16xi32>
          tpu.vector_store_idx %arg13[%shift_right_logical3A_176, %and3A_178], %broadcast_in_dim3A_2 {add = true} : memref<80x128xf32, #tpu.memory_space<vmem>>[vector<16xi32>, vector<16xi32>], vector<16xf32>,
          %slice3A = vector.extract_strided_slice %get3A_169 {offsets = [0], sizes = [1], strides = [1]} : vector<16xf32> to vector<1xf32>
          %squeeze3A = vector.extract %slice3A[0] : f32 from vector<1xf32>
          %broadcast_in_dim3A_179 = vector.broadcast %squeeze3A : f32 to vector<16xf32>
          %mul3A_180 = arith.constant 16 : i32
          %mul3A_181 = arith.muli %scan3A_165, %mul3A_180 : i32
          %add3A_182 = arith.constant 0 : i32
          %add3A_183 = arith.addi %mul3A_181, %add3A_182 : i32
          %get3A_184 = arith.index_cast %add3A_183 : i32 to index
          %get3A_185 = arith.constant 0 : index
          %get3A_186 = tpu.vector_load %arg12[%get3A_184, %get3A_185] {strides = array<i32>} : memref<128x128xf32, #tpu.memory_space<vmem>>, vector<16xf32>,
          %mul3A_187 = arith.mulf %get3A_186, %broadcast_in_dim3A_179 : vector<16xf32>
          %swap3A_188 = arith.index_cast %add3A_183 : i32 to index
          %swap3A_189 = arith.constant 0 : index
          %swap3A_190 = tpu.vector_load %arg12[%swap3A_188, %swap3A_189] {strides = array<i32>} : memref<128x128xf32, #tpu.memory_space<vmem>>, vector<16xf32>,
          tpu.vector_store %arg12[%swap3A_188, %swap3A_189], %mul3A_187 {strides = array<i32>} : memref<128x128xf32, #tpu.memory_space<vmem>>, vector<16xf32>,
          %get3A_191 = arith.index_cast %add3A_183 : i32 to index
          %get3A_192 = arith.constant 16 : index
          %get3A_193 = tpu.vector_load %arg12[%get3A_191, %get3A_192] {strides = array<i32>} : memref<128x128xf32, #tpu.memory_space<vmem>>, vector<16xf32>,
          %mul3A_194 = arith.mulf %get3A_193, %broadcast_in_dim3A_179 : vector<16xf32>
          %swap3A_195 = arith.index_cast %add3A_183 : i32 to index
          %swap3A_196 = arith.constant 16 : index
          %swap3A_197 = tpu.vector_load %arg12[%swap3A_195, %swap3A_196] {strides = array<i32>} : memref<128x128xf32, #tpu.memory_space<vmem>>, vector<16xf32>,
          tpu.vector_store %arg12[%swap3A_195, %swap3A_196], %mul3A_194 {strides = array<i32>} : memref<128x128xf32, #tpu.memory_space<vmem>>, vector<16xf32>,
          %get3A_198 = arith.index_cast %add3A_183 : i32 to index
          %get3A_199 = arith.constant 32 : index
          %get3A_200 = tpu.vector_load %arg12[%get3A_198, %get3A_199] {strides = array<i32>} : memref<128x128xf32, #tpu.memory_space<vmem>>, vector<16xf32>,
          %mul3A_201 = arith.mulf %get3A_200, %broadcast_in_dim3A_179 : vector<16xf32>
          %swap3A_202 = arith.index_cast %add3A_183 : i32 to index
          %swap3A_203 = arith.constant 32 : index
          %swap3A_204 = tpu.vector_load %arg12[%swap3A_202, %swap3A_203] {strides = array<i32>} : memref<128x128xf32, #tpu.memory_space<vmem>>, vector<16xf32>,
          tpu.vector_store %arg12[%swap3A_202, %swap3A_203], %mul3A_201 {strides = array<i32>} : memref<128x128xf32, #tpu.memory_space<vmem>>, vector<16xf32>,
          %get3A_205 = arith.index_cast %add3A_183 : i32 to index
          %get3A_206 = arith.constant 48 : index
          %get3A_207 = tpu.vector_load %arg12[%get3A_205, %get3A_206] {strides = array<i32>} : memref<128x128xf32, #tpu.memory_space<vmem>>, vector<16xf32>,
          %mul3A_208 = arith.mulf %get3A_207, %broadcast_in_dim3A_179 : vector<16xf32>
          %swap3A_209 = arith.index_cast %add3A_183 : i32 to index
          %swap3A_210 = arith.constant 48 : index
          %swap3A_211 = tpu.vector_load %arg12[%swap3A_209, %swap3A_210] {strides = array<i32>} : memref<128x128xf32, #tpu.memory_space<vmem>>, vector<16xf32>,
          tpu.vector_store %arg12[%swap3A_209, %swap3A_210], %mul3A_208 {strides = array<i32>} : memref<128x128xf32, #tpu.memory_space<vmem>>, vector<16xf32>,
          %get3A_212 = arith.index_cast %add3A_183 : i32 to index
          %get3A_213 = arith.constant 64 : index
          %get3A_214 = tpu.vector_load %arg12[%get3A_212, %get3A_213] {strides = array<i32>} : memref<128x128xf32, #tpu.memory_space<vmem>>, vector<16xf32>,
          %mul3A_215 = arith.mulf %get3A_214, %broadcast_in_dim3A_179 : vector<16xf32>
          %swap3A_216 = arith.index_cast %add3A_183 : i32 to index
          %swap3A_217 = arith.constant 64 : index
          %swap3A_218 = tpu.vector_load %arg12[%swap3A_216, %swap3A_217] {strides = array<i32>} : memref<128x128xf32, #tpu.memory_space<vmem>>, vector<16xf32>,
          tpu.vector_store %arg12[%swap3A_216, %swap3A_217], %mul3A_215 {strides = array<i32>} : memref<128x128xf32, #tpu.memory_space<vmem>>, vector<16xf32>,
          %get3A_219 = arith.index_cast %add3A_183 : i32 to index
          %get3A_220 = arith.constant 80 : index
          %get3A_221 = tpu.vector_load %arg12[%get3A_219, %get3A_220] {strides = array<i32>} : memref<128x128xf32, #tpu.memory_space<vmem>>, vector<16xf32>,
          %mul3A_222 = arith.mulf %get3A_221, %broadcast_in_dim3A_179 : vector<16xf32>
          %swap3A_223 = arith.index_cast %add3A_183 : i32 to index
          %swap3A_224 = arith.constant 80 : index
          %swap3A_225 = tpu.vector_load %arg12[%swap3A_223, %swap3A_224] {strides = array<i32>} : memref<128x128xf32, #tpu.memory_space<vmem>>, vector<16xf32>,
          tpu.vector_store %arg12[%swap3A_223, %swap3A_224], %mul3A_222 {strides = array<i32>} : memref<128x128xf32, #tpu.memory_space<vmem>>, vector<16xf32>,
          %get3A_226 = arith.index_cast %add3A_183 : i32 to index
          %get3A_227 = arith.constant 96 : index
          %get3A_228 = tpu.vector_load %arg12[%get3A_226, %get3A_227] {strides = array<i32>} : memref<128x128xf32, #tpu.memory_space<vmem>>, vector<16xf32>,
          %mul3A_229 = arith.mulf %get3A_228, %broadcast_in_dim3A_179 : vector<16xf32>
          %swap3A_230 = arith.index_cast %add3A_183 : i32 to index
          %swap3A_231 = arith.constant 96 : index
          %swap3A_232 = tpu.vector_load %arg12[%swap3A_230, %swap3A_231] {strides = array<i32>} : memref<128x128xf32, #tpu.memory_space<vmem>>, vector<16xf32>,
          tpu.vector_store %arg12[%swap3A_230, %swap3A_231], %mul3A_229 {strides = array<i32>} : memref<128x128xf32, #tpu.memory_space<vmem>>, vector<16xf32>,
          %get3A_233 = arith.index_cast %add3A_183 : i32 to index
          %get3A_234 = arith.constant 112 : index
          %get3A_235 = tpu.vector_load %arg12[%get3A_233, %get3A_234] {strides = array<i32>} : memref<128x128xf32, #tpu.memory_space<vmem>>, vector<16xf32>,
          %mul3A_236 = arith.mulf %get3A_235, %broadcast_in_dim3A_179 : vector<16xf32>
          %swap3A_237 = arith.index_cast %add3A_183 : i32 to index
          %swap3A_238 = arith.constant 112 : index
          %swap3A_239 = tpu.vector_load %arg12[%swap3A_237, %swap3A_238] {strides = array<i32>} : memref<128x128xf32, #tpu.memory_space<vmem>>, vector<16xf32>,
          tpu.vector_store %arg12[%swap3A_237, %swap3A_238], %mul3A_236 {strides = array<i32>} : memref<128x128xf32, #tpu.memory_space<vmem>>, vector<16xf32>,
          %slice3A_240 = vector.extract_strided_slice %get3A_169 {offsets = [1], sizes = [1], strides = [1]} : vector<16xf32> to vector<1xf32>
          %squeeze3A_241 = vector.extract %slice3A_240[0] : f32 from vector<1xf32>
          %broadcast_in_dim3A_242 = vector.broadcast %squeeze3A_241 : f32 to vector<16xf32>
          %mul3A_243 = arith.constant 16 : i32
          %mul3A_244 = arith.muli %scan3A_165, %mul3A_243 : i32
          %add3A_245 = arith.constant 1 : i32
          %add3A_246 = arith.addi %mul3A_244, %add3A_245 : i32
          %get3A_247 = arith.index_cast %add3A_246 : i32 to index
          %get3A_248 = arith.constant 0 : index
          %get3A_249 = tpu.vector_load %arg12[%get3A_247, %get3A_248] {strides = array<i32>} : memref<128x128xf32, #tpu.memory_space<vmem>>, vector<16xf32>,
          %mul3A_250 = arith.mulf %get3A_249, %broadcast_in_dim3A_242 : vector<16xf32>
          %swap3A_251 = arith.index_cast %add3A_246 : i32 to index
          %swap3A_252 = arith.constant 0 : index
          %swap3A_253 = tpu.vector_load %arg12[%swap3A_251, %swap3A_252] {strides = array<i32>} : memref<128x128xf32, #tpu.memory_space<vmem>>, vector<16xf32>,
          tpu.vector_store %arg12[%swap3A_251, %swap3A_252], %mul3A_250 {strides = array<i32>} : memref<128x128xf32, #tpu.memory_space<vmem>>, vector<16xf32>,
          %get3A_254 = arith.index_cast %add3A_246 : i32 to index
          %get3A_255 = arith.constant 16 : index
          %get3A_256 = tpu.vector_load %arg12[%get3A_254, %get3A_255] {strides = array<i32>} : memref<128x128xf32, #tpu.memory_space<vmem>>, vector<16xf32>,
          %mul3A_257 = arith.mulf %get3A_256, %broadcast_in_dim3A_242 : vector<16xf32>
          %swap3A_258 = arith.index_cast %add3A_246 : i32 to index
          %swap3A_259 = arith.constant 16 : index
          %swap3A_260 = tpu.vector_load %arg12[%swap3A_258, %swap3A_259] {strides = array<i32>} : memref<128x128xf32, #tpu.memory_space<vmem>>, vector<16xf32>,
          tpu.vector_store %arg12[%swap3A_258, %swap3A_259], %mul3A_257 {strides = array<i32>} : memref<128x128xf32, #tpu.memory_space<vmem>>, vector<16xf32>,
          %get3A_261 = arith.index_cast %add3A_246 : i32 to index
          %get3A_262 = arith.constant 32 : index
          %get3A_263 = tpu.vector_load %arg12[%get3A_261, %get3A_262] {strides = array<i32>} : memref<128x128xf32, #tpu.memory_space<vmem>>, vector<16xf32>,
          %mul3A_264 = arith.mulf %get3A_263, %broadcast_in_dim3A_242 : vector<16xf32>
          %swap3A_265 = arith.index_cast %add3A_246 : i32 to index
          %swap3A_266 = arith.constant 32 : index
          %swap3A_267 = tpu.vector_load %arg12[%swap3A_265, %swap3A_266] {strides = array<i32>} : memref<128x128xf32, #tpu.memory_space<vmem>>, vector<16xf32>,
          tpu.vector_store %arg12[%swap3A_265, %swap3A_266], %mul3A_264 {strides = array<i32>} : memref<128x128xf32, #tpu.memory_space<vmem>>, vector<16xf32>,
          %get3A_268 = arith.index_cast %add3A_246 : i32 to index
          %get3A_269 = arith.constant 48 : index
          %get3A_270 = tpu.vector_load %arg12[%get3A_268, %get3A_269] {strides = array<i32>} : memref<128x128xf32, #tpu.memory_space<vmem>>, vector<16xf32>,
          %mul3A_271 = arith.mulf %get3A_270, %broadcast_in_dim3A_242 : vector<16xf32>
          %swap3A_272 = arith.index_cast %add3A_246 : i32 to index
          %swap3A_273 = arith.constant 48 : index
          %swap3A_274 = tpu.vector_load %arg12[%swap3A_272, %swap3A_273] {strides = array<i32>} : memref<128x128xf32, #tpu.memory_space<vmem>>, vector<16xf32>,
          tpu.vector_store %arg12[%swap3A_272, %swap3A_273], %mul3A_271 {strides = array<i32>} : memref<128x128xf32, #tpu.memory_space<vmem>>, vector<16xf32>,
          %get3A_275 = arith.index_cast %add3A_246 : i32 to index
          %get3A_276 = arith.constant 64 : index
          %get3A_277 = tpu.vector_load %arg12[%get3A_275, %get3A_276] {strides = array<i32>} : memref<128x128xf32, #tpu.memory_space<vmem>>, vector<16xf32>,
          %mul3A_278 = arith.mulf %get3A_277, %broadcast_in_dim3A_242 : vector<16xf32>
          %swap3A_279 = arith.index_cast %add3A_246 : i32 to index
          %swap3A_280 = arith.constant 64 : index
          %swap3A_281 = tpu.vector_load %arg12[%swap3A_279, %swap3A_280] {strides = array<i32>} : memref<128x128xf32, #tpu.memory_space<vmem>>, vector<16xf32>,
          tpu.vector_store %arg12[%swap3A_279, %swap3A_280], %mul3A_278 {strides = array<i32>} : memref<128x128xf32, #tpu.memory_space<vmem>>, vector<16xf32>,
          %get3A_282 = arith.index_cast %add3A_246 : i32 to index
          %get3A_283 = arith.constant 80 : index
          %get3A_284 = tpu.vector_load %arg12[%get3A_282, %get3A_283] {strides = array<i32>} : memref<128x128xf32, #tpu.memory_space<vmem>>, vector<16xf32>,
          %mul3A_285 = arith.mulf %get3A_284, %broadcast_in_dim3A_242 : vector<16xf32>
          %swap3A_286 = arith.index_cast %add3A_246 : i32 to index
          %swap3A_287 = arith.constant 80 : index
          %swap3A_288 = tpu.vector_load %arg12[%swap3A_286, %swap3A_287] {strides = array<i32>} : memref<128x128xf32, #tpu.memory_space<vmem>>, vector<16xf32>,
          tpu.vector_store %arg12[%swap3A_286, %swap3A_287], %mul3A_285 {strides = array<i32>} : memref<128x128xf32, #tpu.memory_space<vmem>>, vector<16xf32>,
          %get3A_289 = arith.index_cast %add3A_246 : i32 to index
          %get3A_290 = arith.constant 96 : index
          %get3A_291 = tpu.vector_load %arg12[%get3A_289, %get3A_290] {strides = array<i32>} : memref<128x128xf32, #tpu.memory_space<vmem>>, vector<16xf32>,
          %mul3A_292 = arith.mulf %get3A_291, %broadcast_in_dim3A_242 : vector<16xf32>
          %swap3A_293 = arith.index_cast %add3A_246 : i32 to index
          %swap3A_294 = arith.constant 96 : index
          %swap3A_295 = tpu.vector_load %arg12[%swap3A_293, %swap3A_294] {strides = array<i32>} : memref<128x128xf32, #tpu.memory_space<vmem>>, vector<16xf32>,
          tpu.vector_store %arg12[%swap3A_293, %swap3A_294], %mul3A_292 {strides = array<i32>} : memref<128x128xf32, #tpu.memory_space<vmem>>, vector<16xf32>,
          %get3A_296 = arith.index_cast %add3A_246 : i32 to index
          %get3A_297 = arith.constant 112 : index
          %get3A_298 = tpu.vector_load %arg12[%get3A_296, %get3A_297] {strides = array<i32>} : memref<128x128xf32, #tpu.memory_space<vmem>>, vector<16xf32>,
          %mul3A_299 = arith.mulf %get3A_298, %broadcast_in_dim3A_242 : vector<16xf32>
          %swap3A_300 = arith.index_cast %add3A_246 : i32 to index
          %swap3A_301 = arith.constant 112 : index
          %swap3A_302 = tpu.vector_load %arg12[%swap3A_300, %swap3A_301] {strides = array<i32>} : memref<128x128xf32, #tpu.memory_space<vmem>>, vector<16xf32>,
          tpu.vector_store %arg12[%swap3A_300, %swap3A_301], %mul3A_299 {strides = array<i32>} : memref<128x128xf32, #tpu.memory_space<vmem>>, vector<16xf32>,
          %slice3A_303 = vector.extract_strided_slice %get3A_169 {offsets = [2], sizes = [1], strides = [1]} : vector<16xf32> to vector<1xf32>
          %squeeze3A_304 = vector.extract %slice3A_303[0] : f32 from vector<1xf32>
          %broadcast_in_dim3A_305 = vector.broadcast %squeeze3A_304 : f32 to vector<16xf32>
          %mul3A_306 = arith.constant 16 : i32
          %mul3A_307 = arith.muli %scan3A_165, %mul3A_306 : i32
          %add3A_308 = arith.constant 2 : i32
          %add3A_309 = arith.addi %mul3A_307, %add3A_308 : i32
          %get3A_310 = arith.index_cast %add3A_309 : i32 to index
          %get3A_311 = arith.constant 0 : index
          %get3A_312 = tpu.vector_load %arg12[%get3A_310, %get3A_311] {strides = array<i32>} : memref<128x128xf32, #tpu.memory_space<vmem>>, vector<16xf32>,
          %mul3A_313 = arith.mulf %get3A_312, %broadcast_in_dim3A_305 : vector<16xf32>
          %swap3A_314 = arith.index_cast %add3A_309 : i32 to index
          %swap3A_315 = arith.constant 0 : index
          %swap3A_316 = tpu.vector_load %arg12[%swap3A_314, %swap3A_315] {strides = array<i32>} : memref<128x128xf32, #tpu.memory_space<vmem>>, vector<16xf32>,
          tpu.vector_store %arg12[%swap3A_314, %swap3A_315], %mul3A_313 {strides = array<i32>} : memref<128x128xf32, #tpu.memory_space<vmem>>, vector<16xf32>,
          %get3A_317 = arith.index_cast %add3A_309 : i32 to index
          %get3A_318 = arith.constant 16 : index
          %get3A_319 = tpu.vector_load %arg12[%get3A_317, %get3A_318] {strides = array<i32>} : memref<128x128xf32, #tpu.memory_space<vmem>>, vector<16xf32>,
          %mul3A_320 = arith.mulf %get3A_319, %broadcast_in_dim3A_305 : vector<16xf32>
          %swap3A_321 = arith.index_cast %add3A_309 : i32 to index
          %swap3A_322 = arith.constant 16 : index
          %swap3A_323 = tpu.vector_load %arg12[%swap3A_321, %swap3A_322] {strides = array<i32>} : memref<128x128xf32, #tpu.memory_space<vmem>>, vector<16xf32>,
          tpu.vector_store %arg12[%swap3A_321, %swap3A_322], %mul3A_320 {strides = array<i32>} : memref<128x128xf32, #tpu.memory_space<vmem>>, vector<16xf32>,
          %get3A_324 = arith.index_cast %add3A_309 : i32 to index
          %get3A_325 = arith.constant 32 : index
          %get3A_326 = tpu.vector_load %arg12[%get3A_324, %get3A_325] {strides = array<i32>} : memref<128x128xf32, #tpu.memory_space<vmem>>, vector<16xf32>,
          %mul3A_327 = arith.mulf %get3A_326, %broadcast_in_dim3A_305 : vector<16xf32>
          %swap3A_328 = arith.index_cast %add3A_309 : i32 to index
          %swap3A_329 = arith.constant 32 : index
          %swap3A_330 = tpu.vector_load %arg12[%swap3A_328, %swap3A_329] {strides = array<i32>} : memref<128x128xf32, #tpu.memory_space<vmem>>, vector<16xf32>,
          tpu.vector_store %arg12[%swap3A_328, %swap3A_329], %mul3A_327 {strides = array<i32>} : memref<128x128xf32, #tpu.memory_space<vmem>>, vector<16xf32>,
          %get3A_331 = arith.index_cast %add3A_309 : i32 to index
          %get3A_332 = arith.constant 48 : index
          %get3A_333 = tpu.vector_load %arg12[%get3A_331, %get3A_332] {strides = array<i32>} : memref<128x128xf32, #tpu.memory_space<vmem>>, vector<16xf32>,
          %mul3A_334 = arith.mulf %get3A_333, %broadcast_in_dim3A_305 : vector<16xf32>
          %swap3A_335 = arith.index_cast %add3A_309 : i32 to index
          %swap3A_336 = arith.constant 48 : index
          %swap3A_337 = tpu.vector_load %arg12[%swap3A_335, %swap3A_336] {strides = array<i32>} : memref<128x128xf32, #tpu.memory_space<vmem>>, vector<16xf32>,
          tpu.vector_store %arg12[%swap3A_335, %swap3A_336], %mul3A_334 {strides = array<i32>} : memref<128x128xf32, #tpu.memory_space<vmem>>, vector<16xf32>,
          %get3A_338 = arith.index_cast %add3A_309 : i32 to index
          %get3A_339 = arith.constant 64 : index
          %get3A_340 = tpu.vector_load %arg12[%get3A_338, %get3A_339] {strides = array<i32>} : memref<128x128xf32, #tpu.memory_space<vmem>>, vector<16xf32>,
          %mul3A_341 = arith.mulf %get3A_340, %broadcast_in_dim3A_305 : vector<16xf32>
          %swap3A_342 = arith.index_cast %add3A_309 : i32 to index
          %swap3A_343 = arith.constant 64 : index
          %swap3A_344 = tpu.vector_load %arg12[%swap3A_342, %swap3A_343] {strides = array<i32>} : memref<128x128xf32, #tpu.memory_space<vmem>>, vector<16xf32>,
          tpu.vector_store %arg12[%swap3A_342, %swap3A_343], %mul3A_341 {strides = array<i32>} : memref<128x128xf32, #tpu.memory_space<vmem>>, vector<16xf32>,
          %get3A_345 = arith.index_cast %add3A_309 : i32 to index
          %get3A_346 = arith.constant 80 : index
          %get3A_347 = tpu.vector_load %arg12[%get3A_345, %get3A_346] {strides = array<i32>} : memref<128x128xf32, #tpu.memory_space<vmem>>, vector<16xf32>,
          %mul3A_348 = arith.mulf %get3A_347, %broadcast_in_dim3A_305 : vector<16xf32>
          %swap3A_349 = arith.index_cast %add3A_309 : i32 to index
          %swap3A_350 = arith.constant 80 : index
          %swap3A_351 = tpu.vector_load %arg12[%swap3A_349, %swap3A_350] {strides = array<i32>} : memref<128x128xf32, #tpu.memory_space<vmem>>, vector<16xf32>,
          tpu.vector_store %arg12[%swap3A_349, %swap3A_350], %mul3A_348 {strides = array<i32>} : memref<128x128xf32, #tpu.memory_space<vmem>>, vector<16xf32>,
          %get3A_352 = arith.index_cast %add3A_309 : i32 to index
          %get3A_353 = arith.constant 96 : index
          %get3A_354 = tpu.vector_load %arg12[%get3A_352, %get3A_353] {strides = array<i32>} : memref<128x128xf32, #tpu.memory_space<vmem>>, vector<16xf32>,
          %mul3A_355 = arith.mulf %get3A_354, %broadcast_in_dim3A_305 : vector<16xf32>
          %swap3A_356 = arith.index_cast %add3A_309 : i32 to index
          %swap3A_357 = arith.constant 96 : index
          %swap3A_358 = tpu.vector_load %arg12[%swap3A_356, %swap3A_357] {strides = array<i32>} : memref<128x128xf32, #tpu.memory_space<vmem>>, vector<16xf32>,
          tpu.vector_store %arg12[%swap3A_356, %swap3A_357], %mul3A_355 {strides = array<i32>} : memref<128x128xf32, #tpu.memory_space<vmem>>, vector<16xf32>,
          %get3A_359 = arith.index_cast %add3A_309 : i32 to index
          %get3A_360 = arith.constant 112 : index
          %get3A_361 = tpu.vector_load %arg12[%get3A_359, %get3A_360] {strides = array<i32>} : memref<128x128xf32, #tpu.memory_space<vmem>>, vector<16xf32>,
          %mul3A_362 = arith.mulf %get3A_361, %broadcast_in_dim3A_305 : vector<16xf32>
          %swap3A_363 = arith.index_cast %add3A_309 : i32 to index
          %swap3A_364 = arith.constant 112 : index
          %swap3A_365 = tpu.vector_load %arg12[%swap3A_363, %swap3A_364] {strides = array<i32>} : memref<128x128xf32, #tpu.memory_space<vmem>>, vector<16xf32>,
          tpu.vector_store %arg12[%swap3A_363, %swap3A_364], %mul3A_362 {strides = array<i32>} : memref<128x128xf32, #tpu.memory_space<vmem>>, vector<16xf32>,
          %slice3A_366 = vector.extract_strided_slice %get3A_169 {offsets = [3], sizes = [1], strides = [1]} : vector<16xf32> to vector<1xf32>
          %squeeze3A_367 = vector.extract %slice3A_366[0] : f32 from vector<1xf32>
          %broadcast_in_dim3A_368 = vector.broadcast %squeeze3A_367 : f32 to vector<16xf32>
          %mul3A_369 = arith.constant 16 : i32
          %mul3A_370 = arith.muli %scan3A_165, %mul3A_369 : i32
          %add3A_371 = arith.constant 3 : i32
          %add3A_372 = arith.addi %mul3A_370, %add3A_371 : i32
          %get3A_373 = arith.index_cast %add3A_372 : i32 to index
          %get3A_374 = arith.constant 0 : index
          %get3A_375 = tpu.vector_load %arg12[%get3A_373, %get3A_374] {strides = array<i32>} : memref<128x128xf32, #tpu.memory_space<vmem>>, vector<16xf32>,
          %mul3A_376 = arith.mulf %get3A_375, %broadcast_in_dim3A_368 : vector<16xf32>
          %swap3A_377 = arith.index_cast %add3A_372 : i32 to index
          %swap3A_378 = arith.constant 0 : index
          %swap3A_379 = tpu.vector_load %arg12[%swap3A_377, %swap3A_378] {strides = array<i32>} : memref<128x128xf32, #tpu.memory_space<vmem>>, vector<16xf32>,
          tpu.vector_store %arg12[%swap3A_377, %swap3A_378], %mul3A_376 {strides = array<i32>} : memref<128x128xf32, #tpu.memory_space<vmem>>, vector<16xf32>,
          %get3A_380 = arith.index_cast %add3A_372 : i32 to index
          %get3A_381 = arith.constant 16 : index
          %get3A_382 = tpu.vector_load %arg12[%get3A_380, %get3A_381] {strides = array<i32>} : memref<128x128xf32, #tpu.memory_space<vmem>>, vector<16xf32>,
          %mul3A_383 = arith.mulf %get3A_382, %broadcast_in_dim3A_368 : vector<16xf32>
          %swap3A_384 = arith.index_cast %add3A_372 : i32 to index
          %swap3A_385 = arith.constant 16 : index
          %swap3A_386 = tpu.vector_load %arg12[%swap3A_384, %swap3A_385] {strides = array<i32>} : memref<128x128xf32, #tpu.memory_space<vmem>>, vector<16xf32>,
          tpu.vector_store %arg12[%swap3A_384, %swap3A_385], %mul3A_383 {strides = array<i32>} : memref<128x128xf32, #tpu.memory_space<vmem>>, vector<16xf32>,
          %get3A_387 = arith.index_cast %add3A_372 : i32 to index
          %get3A_388 = arith.constant 32 : index
          %get3A_389 = tpu.vector_load %arg12[%get3A_387, %get3A_388] {strides = array<i32>} : memref<128x128xf32, #tpu.memory_space<vmem>>, vector<16xf32>,
          %mul3A_390 = arith.mulf %get3A_389, %broadcast_in_dim3A_368 : vector<16xf32>
          %swap3A_391 = arith.index_cast %add3A_372 : i32 to index
          %swap3A_392 = arith.constant 32 : index
          %swap3A_393 = tpu.vector_load %arg12[%swap3A_391, %swap3A_392] {strides = array<i32>} : memref<128x128xf32, #tpu.memory_space<vmem>>, vector<16xf32>,
          tpu.vector_store %arg12[%swap3A_391, %swap3A_392], %mul3A_390 {strides = array<i32>} : memref<128x128xf32, #tpu.memory_space<vmem>>, vector<16xf32>,
          %get3A_394 = arith.index_cast %add3A_372 : i32 to index
          %get3A_395 = arith.constant 48 : index
          %get3A_396 = tpu.vector_load %arg12[%get3A_394, %get3A_395] {strides = array<i32>} : memref<128x128xf32, #tpu.memory_space<vmem>>, vector<16xf32>,
          %mul3A_397 = arith.mulf %get3A_396, %broadcast_in_dim3A_368 : vector<16xf32>
          %swap3A_398 = arith.index_cast %add3A_372 : i32 to index
          %swap3A_399 = arith.constant 48 : index
          %swap3A_400 = tpu.vector_load %arg12[%swap3A_398, %swap3A_399] {strides = array<i32>} : memref<128x128xf32, #tpu.memory_space<vmem>>, vector<16xf32>,
          tpu.vector_store %arg12[%swap3A_398, %swap3A_399], %mul3A_397 {strides = array<i32>} : memref<128x128xf32, #tpu.memory_space<vmem>>, vector<16xf32>,
          %get3A_401 = arith.index_cast %add3A_372 : i32 to index
          %get3A_402 = arith.constant 64 : index
          %get3A_403 = tpu.vector_load %arg12[%get3A_401, %get3A_402] {strides = array<i32>} : memref<128x128xf32, #tpu.memory_space<vmem>>, vector<16xf32>,
          %mul3A_404 = arith.mulf %get3A_403, %broadcast_in_dim3A_368 : vector<16xf32>
          %swap3A_405 = arith.index_cast %add3A_372 : i32 to index
          %swap3A_406 = arith.constant 64 : index
          %swap3A_407 = tpu.vector_load %arg12[%swap3A_405, %swap3A_406] {strides = array<i32>} : memref<128x128xf32, #tpu.memory_space<vmem>>, vector<16xf32>,
          tpu.vector_store %arg12[%swap3A_405, %swap3A_406], %mul3A_404 {strides = array<i32>} : memref<128x128xf32, #tpu.memory_space<vmem>>, vector<16xf32>,
          %get3A_408 = arith.index_cast %add3A_372 : i32 to index
          %get3A_409 = arith.constant 80 : index
          %get3A_410 = tpu.vector_load %arg12[%get3A_408, %get3A_409] {strides = array<i32>} : memref<128x128xf32, #tpu.memory_space<vmem>>, vector<16xf32>,
          %mul3A_411 = arith.mulf %get3A_410, %broadcast_in_dim3A_368 : vector<16xf32>
          %swap3A_412 = arith.index_cast %add3A_372 : i32 to index
          %swap3A_413 = arith.constant 80 : index
          %swap3A_414 = tpu.vector_load %arg12[%swap3A_412, %swap3A_413] {strides = array<i32>} : memref<128x128xf32, #tpu.memory_space<vmem>>, vector<16xf32>,
          tpu.vector_store %arg12[%swap3A_412, %swap3A_413], %mul3A_411 {strides = array<i32>} : memref<128x128xf32, #tpu.memory_space<vmem>>, vector<16xf32>,
          %get3A_415 = arith.index_cast %add3A_372 : i32 to index
          %get3A_416 = arith.constant 96 : index
          %get3A_417 = tpu.vector_load %arg12[%get3A_415, %get3A_416] {strides = array<i32>} : memref<128x128xf32, #tpu.memory_space<vmem>>, vector<16xf32>,
          %mul3A_418 = arith.mulf %get3A_417, %broadcast_in_dim3A_368 : vector<16xf32>
          %swap3A_419 = arith.index_cast %add3A_372 : i32 to index
          %swap3A_420 = arith.constant 96 : index
          %swap3A_421 = tpu.vector_load %arg12[%swap3A_419, %swap3A_420] {strides = array<i32>} : memref<128x128xf32, #tpu.memory_space<vmem>>, vector<16xf32>,
          tpu.vector_store %arg12[%swap3A_419, %swap3A_420], %mul3A_418 {strides = array<i32>} : memref<128x128xf32, #tpu.memory_space<vmem>>, vector<16xf32>,
          %get3A_422 = arith.index_cast %add3A_372 : i32 to index
          %get3A_423 = arith.constant 112 : index
          %get3A_424 = tpu.vector_load %arg12[%get3A_422, %get3A_423] {strides = array<i32>} : memref<128x128xf32, #tpu.memory_space<vmem>>, vector<16xf32>,
          %mul3A_425 = arith.mulf %get3A_424, %broadcast_in_dim3A_368 : vector<16xf32>
          %swap3A_426 = arith.index_cast %add3A_372 : i32 to index
          %swap3A_427 = arith.constant 112 : index
          %swap3A_428 = tpu.vector_load %arg12[%swap3A_426, %swap3A_427] {strides = array<i32>} : memref<128x128xf32, #tpu.memory_space<vmem>>, vector<16xf32>,
          tpu.vector_store %arg12[%swap3A_426, %swap3A_427], %mul3A_425 {strides = array<i32>} : memref<128x128xf32, #tpu.memory_space<vmem>>, vector<16xf32>,
          %slice3A_429 = vector.extract_strided_slice %get3A_169 {offsets = [4], sizes = [1], strides = [1]} : vector<16xf32> to vector<1xf32>
          %squeeze3A_430 = vector.extract %slice3A_429[0] : f32 from vector<1xf32>
          %broadcast_in_dim3A_431 = vector.broadcast %squeeze3A_430 : f32 to vector<16xf32>
          %mul3A_432 = arith.constant 16 : i32
          %mul3A_433 = arith.muli %scan3A_165, %mul3A_432 : i32
          %add3A_434 = arith.constant 4 : i32
          %add3A_435 = arith.addi %mul3A_433, %add3A_434 : i32
          %get3A_436 = arith.index_cast %add3A_435 : i32 to index
          %get3A_437 = arith.constant 0 : index
          %get3A_438 = tpu.vector_load %arg12[%get3A_436, %get3A_437] {strides = array<i32>} : memref<128x128xf32, #tpu.memory_space<vmem>>, vector<16xf32>,
          %mul3A_439 = arith.mulf %get3A_438, %broadcast_in_dim3A_431 : vector<16xf32>
          %swap3A_440 = arith.index_cast %add3A_435 : i32 to index
          %swap3A_441 = arith.constant 0 : index
          %swap3A_442 = tpu.vector_load %arg12[%swap3A_440, %swap3A_441] {strides = array<i32>} : memref<128x128xf32, #tpu.memory_space<vmem>>, vector<16xf32>,
          tpu.vector_store %arg12[%swap3A_440, %swap3A_441], %mul3A_439 {strides = array<i32>} : memref<128x128xf32, #tpu.memory_space<vmem>>, vector<16xf32>,
          %get3A_443 = arith.index_cast %add3A_435 : i32 to index
          %get3A_444 = arith.constant 16 : index
          %get3A_445 = tpu.vector_load %arg12[%get3A_443, %get3A_444] {strides = array<i32>} : memref<128x128xf32, #tpu.memory_space<vmem>>, vector<16xf32>,
          %mul3A_446 = arith.mulf %get3A_445, %broadcast_in_dim3A_431 : vector<16xf32>
          %swap3A_447 = arith.index_cast %add3A_435 : i32 to index
          %swap3A_448 = arith.constant 16 : index
          %swap3A_449 = tpu.vector_load %arg12[%swap3A_447, %swap3A_448] {strides = array<i32>} : memref<128x128xf32, #tpu.memory_space<vmem>>, vector<16xf32>,
          tpu.vector_store %arg12[%swap3A_447, %swap3A_448], %mul3A_446 {strides = array<i32>} : memref<128x128xf32, #tpu.memory_space<vmem>>, vector<16xf32>,
          %get3A_450 = arith.index_cast %add3A_435 : i32 to index
          %get3A_451 = arith.constant 32 : index
          %get3A_452 = tpu.vector_load %arg12[%get3A_450, %get3A_451] {strides = array<i32>} : memref<128x128xf32, #tpu.memory_space<vmem>>, vector<16xf32>,
          %mul3A_453 = arith.mulf %get3A_452, %broadcast_in_dim3A_431 : vector<16xf32>
          %swap3A_454 = arith.index_cast %add3A_435 : i32 to index
          %swap3A_455 = arith.constant 32 : index
          %swap3A_456 = tpu.vector_load %arg12[%swap3A_454, %swap3A_455] {strides = array<i32>} : memref<128x128xf32, #tpu.memory_space<vmem>>, vector<16xf32>,
          tpu.vector_store %arg12[%swap3A_454, %swap3A_455], %mul3A_453 {strides = array<i32>} : memref<128x128xf32, #tpu.memory_space<vmem>>, vector<16xf32>,
          %get3A_457 = arith.index_cast %add3A_435 : i32 to index
          %get3A_458 = arith.constant 48 : index
          %get3A_459 = tpu.vector_load %arg12[%get3A_457, %get3A_458] {strides = array<i32>} : memref<128x128xf32, #tpu.memory_space<vmem>>, vector<16xf32>,
          %mul3A_460 = arith.mulf %get3A_459, %broadcast_in_dim3A_431 : vector<16xf32>
          %swap3A_461 = arith.index_cast %add3A_435 : i32 to index
          %swap3A_462 = arith.constant 48 : index
          %swap3A_463 = tpu.vector_load %arg12[%swap3A_461, %swap3A_462] {strides = array<i32>} : memref<128x128xf32, #tpu.memory_space<vmem>>, vector<16xf32>,
          tpu.vector_store %arg12[%swap3A_461, %swap3A_462], %mul3A_460 {strides = array<i32>} : memref<128x128xf32, #tpu.memory_space<vmem>>, vector<16xf32>,
          %get3A_464 = arith.index_cast %add3A_435 : i32 to index
          %get3A_465 = arith.constant 64 : index
          %get3A_466 = tpu.vector_load %arg12[%get3A_464, %get3A_465] {strides = array<i32>} : memref<128x128xf32, #tpu.memory_space<vmem>>, vector<16xf32>,
          %mul3A_467 = arith.mulf %get3A_466, %broadcast_in_dim3A_431 : vector<16xf32>
          %swap3A_468 = arith.index_cast %add3A_435 : i32 to index
          %swap3A_469 = arith.constant 64 : index
          %swap3A_470 = tpu.vector_load %arg12[%swap3A_468, %swap3A_469] {strides = array<i32>} : memref<128x128xf32, #tpu.memory_space<vmem>>, vector<16xf32>,
          tpu.vector_store %arg12[%swap3A_468, %swap3A_469], %mul3A_467 {strides = array<i32>} : memref<128x128xf32, #tpu.memory_space<vmem>>, vector<16xf32>,
          %get3A_471 = arith.index_cast %add3A_435 : i32 to index
          %get3A_472 = arith.constant 80 : index
          %get3A_473 = tpu.vector_load %arg12[%get3A_471, %get3A_472] {strides = array<i32>} : memref<128x128xf32, #tpu.memory_space<vmem>>, vector<16xf32>,
          %mul3A_474 = arith.mulf %get3A_473, %broadcast_in_dim3A_431 : vector<16xf32>
          %swap3A_475 = arith.index_cast %add3A_435 : i32 to index
          %swap3A_476 = arith.constant 80 : index
          %swap3A_477 = tpu.vector_load %arg12[%swap3A_475, %swap3A_476] {strides = array<i32>} : memref<128x128xf32, #tpu.memory_space<vmem>>, vector<16xf32>,
          tpu.vector_store %arg12[%swap3A_475, %swap3A_476], %mul3A_474 {strides = array<i32>} : memref<128x128xf32, #tpu.memory_space<vmem>>, vector<16xf32>,
          %get3A_478 = arith.index_cast %add3A_435 : i32 to index
          %get3A_479 = arith.constant 96 : index
          %get3A_480 = tpu.vector_load %arg12[%get3A_478, %get3A_479] {strides = array<i32>} : memref<128x128xf32, #tpu.memory_space<vmem>>, vector<16xf32>,
          %mul3A_481 = arith.mulf %get3A_480, %broadcast_in_dim3A_431 : vector<16xf32>
          %swap3A_482 = arith.index_cast %add3A_435 : i32 to index
          %swap3A_483 = arith.constant 96 : index
          %swap3A_484 = tpu.vector_load %arg12[%swap3A_482, %swap3A_483] {strides = array<i32>} : memref<128x128xf32, #tpu.memory_space<vmem>>, vector<16xf32>,
          tpu.vector_store %arg12[%swap3A_482, %swap3A_483], %mul3A_481 {strides = array<i32>} : memref<128x128xf32, #tpu.memory_space<vmem>>, vector<16xf32>,
          %get3A_485 = arith.index_cast %add3A_435 : i32 to index
          %get3A_486 = arith.constant 112 : index
          %get3A_487 = tpu.vector_load %arg12[%get3A_485, %get3A_486] {strides = array<i32>} : memref<128x128xf32, #tpu.memory_space<vmem>>, vector<16xf32>,
          %mul3A_488 = arith.mulf %get3A_487, %broadcast_in_dim3A_431 : vector<16xf32>
          %swap3A_489 = arith.index_cast %add3A_435 : i32 to index
          %swap3A_490 = arith.constant 112 : index
          %swap3A_491 = tpu.vector_load %arg12[%swap3A_489, %swap3A_490] {strides = array<i32>} : memref<128x128xf32, #tpu.memory_space<vmem>>, vector<16xf32>,
          tpu.vector_store %arg12[%swap3A_489, %swap3A_490], %mul3A_488 {strides = array<i32>} : memref<128x128xf32, #tpu.memory_space<vmem>>, vector<16xf32>,
          %slice3A_492 = vector.extract_strided_slice %get3A_169 {offsets = [5], sizes = [1], strides = [1]} : vector<16xf32> to vector<1xf32>
          %squeeze3A_493 = vector.extract %slice3A_492[0] : f32 from vector<1xf32>
          %broadcast_in_dim3A_494 = vector.broadcast %squeeze3A_493 : f32 to vector<16xf32>
          %mul3A_495 = arith.constant 16 : i32
          %mul3A_496 = arith.muli %scan3A_165, %mul3A_495 : i32
          %add3A_497 = arith.constant 5 : i32
          %add3A_498 = arith.addi %mul3A_496, %add3A_497 : i32
          %get3A_499 = arith.index_cast %add3A_498 : i32 to index
          %get3A_500 = arith.constant 0 : index
          %get3A_501 = tpu.vector_load %arg12[%get3A_499, %get3A_500] {strides = array<i32>} : memref<128x128xf32, #tpu.memory_space<vmem>>, vector<16xf32>,
          %mul3A_502 = arith.mulf %get3A_501, %broadcast_in_dim3A_494 : vector<16xf32>
          %swap3A_503 = arith.index_cast %add3A_498 : i32 to index
          %swap3A_504 = arith.constant 0 : index
          %swap3A_505 = tpu.vector_load %arg12[%swap3A_503, %swap3A_504] {strides = array<i32>} : memref<128x128xf32, #tpu.memory_space<vmem>>, vector<16xf32>,
          tpu.vector_store %arg12[%swap3A_503, %swap3A_504], %mul3A_502 {strides = array<i32>} : memref<128x128xf32, #tpu.memory_space<vmem>>, vector<16xf32>,
          %get3A_506 = arith.index_cast %add3A_498 : i32 to index
          %get3A_507 = arith.constant 16 : index
          %get3A_508 = tpu.vector_load %arg12[%get3A_506, %get3A_507] {strides = array<i32>} : memref<128x128xf32, #tpu.memory_space<vmem>>, vector<16xf32>,
          %mul3A_509 = arith.mulf %get3A_508, %broadcast_in_dim3A_494 : vector<16xf32>
          %swap3A_510 = arith.index_cast %add3A_498 : i32 to index
          %swap3A_511 = arith.constant 16 : index
          %swap3A_512 = tpu.vector_load %arg12[%swap3A_510, %swap3A_511] {strides = array<i32>} : memref<128x128xf32, #tpu.memory_space<vmem>>, vector<16xf32>,
          tpu.vector_store %arg12[%swap3A_510, %swap3A_511], %mul3A_509 {strides = array<i32>} : memref<128x128xf32, #tpu.memory_space<vmem>>, vector<16xf32>,
          %get3A_513 = arith.index_cast %add3A_498 : i32 to index
          %get3A_514 = arith.constant 32 : index
          %get3A_515 = tpu.vector_load %arg12[%get3A_513, %get3A_514] {strides = array<i32>} : memref<128x128xf32, #tpu.memory_space<vmem>>, vector<16xf32>,
          %mul3A_516 = arith.mulf %get3A_515, %broadcast_in_dim3A_494 : vector<16xf32>
          %swap3A_517 = arith.index_cast %add3A_498 : i32 to index
          %swap3A_518 = arith.constant 32 : index
          %swap3A_519 = tpu.vector_load %arg12[%swap3A_517, %swap3A_518] {strides = array<i32>} : memref<128x128xf32, #tpu.memory_space<vmem>>, vector<16xf32>,
          tpu.vector_store %arg12[%swap3A_517, %swap3A_518], %mul3A_516 {strides = array<i32>} : memref<128x128xf32, #tpu.memory_space<vmem>>, vector<16xf32>,
          %get3A_520 = arith.index_cast %add3A_498 : i32 to index
          %get3A_521 = arith.constant 48 : index
          %get3A_522 = tpu.vector_load %arg12[%get3A_520, %get3A_521] {strides = array<i32>} : memref<128x128xf32, #tpu.memory_space<vmem>>, vector<16xf32>,
          %mul3A_523 = arith.mulf %get3A_522, %broadcast_in_dim3A_494 : vector<16xf32>
          %swap3A_524 = arith.index_cast %add3A_498 : i32 to index
          %swap3A_525 = arith.constant 48 : index
          %swap3A_526 = tpu.vector_load %arg12[%swap3A_524, %swap3A_525] {strides = array<i32>} : memref<128x128xf32, #tpu.memory_space<vmem>>, vector<16xf32>,
          tpu.vector_store %arg12[%swap3A_524, %swap3A_525], %mul3A_523 {strides = array<i32>} : memref<128x128xf32, #tpu.memory_space<vmem>>, vector<16xf32>,
          %get3A_527 = arith.index_cast %add3A_498 : i32 to index
          %get3A_528 = arith.constant 64 : index
          %get3A_529 = tpu.vector_load %arg12[%get3A_527, %get3A_528] {strides = array<i32>} : memref<128x128xf32, #tpu.memory_space<vmem>>, vector<16xf32>,
          %mul3A_530 = arith.mulf %get3A_529, %broadcast_in_dim3A_494 : vector<16xf32>
          %swap3A_531 = arith.index_cast %add3A_498 : i32 to index
          %swap3A_532 = arith.constant 64 : index
          %swap3A_533 = tpu.vector_load %arg12[%swap3A_531, %swap3A_532] {strides = array<i32>} : memref<128x128xf32, #tpu.memory_space<vmem>>, vector<16xf32>,
          tpu.vector_store %arg12[%swap3A_531, %swap3A_532], %mul3A_530 {strides = array<i32>} : memref<128x128xf32, #tpu.memory_space<vmem>>, vector<16xf32>,
          %get3A_534 = arith.index_cast %add3A_498 : i32 to index
          %get3A_535 = arith.constant 80 : index
          %get3A_536 = tpu.vector_load %arg12[%get3A_534, %get3A_535] {strides = array<i32>} : memref<128x128xf32, #tpu.memory_space<vmem>>, vector<16xf32>,
          %mul3A_537 = arith.mulf %get3A_536, %broadcast_in_dim3A_494 : vector<16xf32>
          %swap3A_538 = arith.index_cast %add3A_498 : i32 to index
          %swap3A_539 = arith.constant 80 : index
          %swap3A_540 = tpu.vector_load %arg12[%swap3A_538, %swap3A_539] {strides = array<i32>} : memref<128x128xf32, #tpu.memory_space<vmem>>, vector<16xf32>,
          tpu.vector_store %arg12[%swap3A_538, %swap3A_539], %mul3A_537 {strides = array<i32>} : memref<128x128xf32, #tpu.memory_space<vmem>>, vector<16xf32>,
          %get3A_541 = arith.index_cast %add3A_498 : i32 to index
          %get3A_542 = arith.constant 96 : index
          %get3A_543 = tpu.vector_load %arg12[%get3A_541, %get3A_542] {strides = array<i32>} : memref<128x128xf32, #tpu.memory_space<vmem>>, vector<16xf32>,
          %mul3A_544 = arith.mulf %get3A_543, %broadcast_in_dim3A_494 : vector<16xf32>
          %swap3A_545 = arith.index_cast %add3A_498 : i32 to index
          %swap3A_546 = arith.constant 96 : index
          %swap3A_547 = tpu.vector_load %arg12[%swap3A_545, %swap3A_546] {strides = array<i32>} : memref<128x128xf32, #tpu.memory_space<vmem>>, vector<16xf32>,
          tpu.vector_store %arg12[%swap3A_545, %swap3A_546], %mul3A_544 {strides = array<i32>} : memref<128x128xf32, #tpu.memory_space<vmem>>, vector<16xf32>,
          %get3A_548 = arith.index_cast %add3A_498 : i32 to index
          %get3A_549 = arith.constant 112 : index
          %get3A_550 = tpu.vector_load %arg12[%get3A_548, %get3A_549] {strides = array<i32>} : memref<128x128xf32, #tpu.memory_space<vmem>>, vector<16xf32>,
          %mul3A_551 = arith.mulf %get3A_550, %broadcast_in_dim3A_494 : vector<16xf32>
          %swap3A_552 = arith.index_cast %add3A_498 : i32 to index
          %swap3A_553 = arith.constant 112 : index
          %swap3A_554 = tpu.vector_load %arg12[%swap3A_552, %swap3A_553] {strides = array<i32>} : memref<128x128xf32, #tpu.memory_space<vmem>>, vector<16xf32>,
          tpu.vector_store %arg12[%swap3A_552, %swap3A_553], %mul3A_551 {strides = array<i32>} : memref<128x128xf32, #tpu.memory_space<vmem>>, vector<16xf32>,
          %slice3A_555 = vector.extract_strided_slice %get3A_169 {offsets = [6], sizes = [1], strides = [1]} : vector<16xf32> to vector<1xf32>
          %squeeze3A_556 = vector.extract %slice3A_555[0] : f32 from vector<1xf32>
          %broadcast_in_dim3A_557 = vector.broadcast %squeeze3A_556 : f32 to vector<16xf32>
          %mul3A_558 = arith.constant 16 : i32
          %mul3A_559 = arith.muli %scan3A_165, %mul3A_558 : i32
          %add3A_560 = arith.constant 6 : i32
          %add3A_561 = arith.addi %mul3A_559, %add3A_560 : i32
          %get3A_562 = arith.index_cast %add3A_561 : i32 to index
          %get3A_563 = arith.constant 0 : index
          %get3A_564 = tpu.vector_load %arg12[%get3A_562, %get3A_563] {strides = array<i32>} : memref<128x128xf32, #tpu.memory_space<vmem>>, vector<16xf32>,
          %mul3A_565 = arith.mulf %get3A_564, %broadcast_in_dim3A_557 : vector<16xf32>
          %swap3A_566 = arith.index_cast %add3A_561 : i32 to index
          %swap3A_567 = arith.constant 0 : index
          %swap3A_568 = tpu.vector_load %arg12[%swap3A_566, %swap3A_567] {strides = array<i32>} : memref<128x128xf32, #tpu.memory_space<vmem>>, vector<16xf32>,
          tpu.vector_store %arg12[%swap3A_566, %swap3A_567], %mul3A_565 {strides = array<i32>} : memref<128x128xf32, #tpu.memory_space<vmem>>, vector<16xf32>,
          %get3A_569 = arith.index_cast %add3A_561 : i32 to index
          %get3A_570 = arith.constant 16 : index
          %get3A_571 = tpu.vector_load %arg12[%get3A_569, %get3A_570] {strides = array<i32>} : memref<128x128xf32, #tpu.memory_space<vmem>>, vector<16xf32>,
          %mul3A_572 = arith.mulf %get3A_571, %broadcast_in_dim3A_557 : vector<16xf32>
          %swap3A_573 = arith.index_cast %add3A_561 : i32 to index
          %swap3A_574 = arith.constant 16 : index
          %swap3A_575 = tpu.vector_load %arg12[%swap3A_573, %swap3A_574] {strides = array<i32>} : memref<128x128xf32, #tpu.memory_space<vmem>>, vector<16xf32>,
          tpu.vector_store %arg12[%swap3A_573, %swap3A_574], %mul3A_572 {strides = array<i32>} : memref<128x128xf32, #tpu.memory_space<vmem>>, vector<16xf32>,
          %get3A_576 = arith.index_cast %add3A_561 : i32 to index
          %get3A_577 = arith.constant 32 : index
          %get3A_578 = tpu.vector_load %arg12[%get3A_576, %get3A_577] {strides = array<i32>} : memref<128x128xf32, #tpu.memory_space<vmem>>, vector<16xf32>,
          %mul3A_579 = arith.mulf %get3A_578, %broadcast_in_dim3A_557 : vector<16xf32>
          %swap3A_580 = arith.index_cast %add3A_561 : i32 to index
          %swap3A_581 = arith.constant 32 : index
          %swap3A_582 = tpu.vector_load %arg12[%swap3A_580, %swap3A_581] {strides = array<i32>} : memref<128x128xf32, #tpu.memory_space<vmem>>, vector<16xf32>,
          tpu.vector_store %arg12[%swap3A_580, %swap3A_581], %mul3A_579 {strides = array<i32>} : memref<128x128xf32, #tpu.memory_space<vmem>>, vector<16xf32>,
          %get3A_583 = arith.index_cast %add3A_561 : i32 to index
          %get3A_584 = arith.constant 48 : index
          %get3A_585 = tpu.vector_load %arg12[%get3A_583, %get3A_584] {strides = array<i32>} : memref<128x128xf32, #tpu.memory_space<vmem>>, vector<16xf32>,
          %mul3A_586 = arith.mulf %get3A_585, %broadcast_in_dim3A_557 : vector<16xf32>
          %swap3A_587 = arith.index_cast %add3A_561 : i32 to index
          %swap3A_588 = arith.constant 48 : index
          %swap3A_589 = tpu.vector_load %arg12[%swap3A_587, %swap3A_588] {strides = array<i32>} : memref<128x128xf32, #tpu.memory_space<vmem>>, vector<16xf32>,
          tpu.vector_store %arg12[%swap3A_587, %swap3A_588], %mul3A_586 {strides = array<i32>} : memref<128x128xf32, #tpu.memory_space<vmem>>, vector<16xf32>,
          %get3A_590 = arith.index_cast %add3A_561 : i32 to index
          %get3A_591 = arith.constant 64 : index
          %get3A_592 = tpu.vector_load %arg12[%get3A_590, %get3A_591] {strides = array<i32>} : memref<128x128xf32, #tpu.memory_space<vmem>>, vector<16xf32>,
          %mul3A_593 = arith.mulf %get3A_592, %broadcast_in_dim3A_557 : vector<16xf32>
          %swap3A_594 = arith.index_cast %add3A_561 : i32 to index
          %swap3A_595 = arith.constant 64 : index
          %swap3A_596 = tpu.vector_load %arg12[%swap3A_594, %swap3A_595] {strides = array<i32>} : memref<128x128xf32, #tpu.memory_space<vmem>>, vector<16xf32>,
          tpu.vector_store %arg12[%swap3A_594, %swap3A_595], %mul3A_593 {strides = array<i32>} : memref<128x128xf32, #tpu.memory_space<vmem>>, vector<16xf32>,
          %get3A_597 = arith.index_cast %add3A_561 : i32 to index
          %get3A_598 = arith.constant 80 : index
          %get3A_599 = tpu.vector_load %arg12[%get3A_597, %get3A_598] {strides = array<i32>} : memref<128x128xf32, #tpu.memory_space<vmem>>, vector<16xf32>,
          %mul3A_600 = arith.mulf %get3A_599, %broadcast_in_dim3A_557 : vector<16xf32>
          %swap3A_601 = arith.index_cast %add3A_561 : i32 to index
          %swap3A_602 = arith.constant 80 : index
          %swap3A_603 = tpu.vector_load %arg12[%swap3A_601, %swap3A_602] {strides = array<i32>} : memref<128x128xf32, #tpu.memory_space<vmem>>, vector<16xf32>,
          tpu.vector_store %arg12[%swap3A_601, %swap3A_602], %mul3A_600 {strides = array<i32>} : memref<128x128xf32, #tpu.memory_space<vmem>>, vector<16xf32>,
          %get3A_604 = arith.index_cast %add3A_561 : i32 to index
          %get3A_605 = arith.constant 96 : index
          %get3A_606 = tpu.vector_load %arg12[%get3A_604, %get3A_605] {strides = array<i32>} : memref<128x128xf32, #tpu.memory_space<vmem>>, vector<16xf32>,
          %mul3A_607 = arith.mulf %get3A_606, %broadcast_in_dim3A_557 : vector<16xf32>
          %swap3A_608 = arith.index_cast %add3A_561 : i32 to index
          %swap3A_609 = arith.constant 96 : index
          %swap3A_610 = tpu.vector_load %arg12[%swap3A_608, %swap3A_609] {strides = array<i32>} : memref<128x128xf32, #tpu.memory_space<vmem>>, vector<16xf32>,
          tpu.vector_store %arg12[%swap3A_608, %swap3A_609], %mul3A_607 {strides = array<i32>} : memref<128x128xf32, #tpu.memory_space<vmem>>, vector<16xf32>,
          %get3A_611 = arith.index_cast %add3A_561 : i32 to index
          %get3A_612 = arith.constant 112 : index
          %get3A_613 = tpu.vector_load %arg12[%get3A_611, %get3A_612] {strides = array<i32>} : memref<128x128xf32, #tpu.memory_space<vmem>>, vector<16xf32>,
          %mul3A_614 = arith.mulf %get3A_613, %broadcast_in_dim3A_557 : vector<16xf32>
          %swap3A_615 = arith.index_cast %add3A_561 : i32 to index
          %swap3A_616 = arith.constant 112 : index
          %swap3A_617 = tpu.vector_load %arg12[%swap3A_615, %swap3A_616] {strides = array<i32>} : memref<128x128xf32, #tpu.memory_space<vmem>>, vector<16xf32>,
          tpu.vector_store %arg12[%swap3A_615, %swap3A_616], %mul3A_614 {strides = array<i32>} : memref<128x128xf32, #tpu.memory_space<vmem>>, vector<16xf32>,
          %slice3A_618 = vector.extract_strided_slice %get3A_169 {offsets = [7], sizes = [1], strides = [1]} : vector<16xf32> to vector<1xf32>
          %squeeze3A_619 = vector.extract %slice3A_618[0] : f32 from vector<1xf32>
          %broadcast_in_dim3A_620 = vector.broadcast %squeeze3A_619 : f32 to vector<16xf32>
          %mul3A_621 = arith.constant 16 : i32
          %mul3A_622 = arith.muli %scan3A_165, %mul3A_621 : i32
          %add3A_623 = arith.constant 7 : i32
          %add3A_624 = arith.addi %mul3A_622, %add3A_623 : i32
          %get3A_625 = arith.index_cast %add3A_624 : i32 to index
          %get3A_626 = arith.constant 0 : index
          %get3A_627 = tpu.vector_load %arg12[%get3A_625, %get3A_626] {strides = array<i32>} : memref<128x128xf32, #tpu.memory_space<vmem>>, vector<16xf32>,
          %mul3A_628 = arith.mulf %get3A_627, %broadcast_in_dim3A_620 : vector<16xf32>
          %swap3A_629 = arith.index_cast %add3A_624 : i32 to index
          %swap3A_630 = arith.constant 0 : index
          %swap3A_631 = tpu.vector_load %arg12[%swap3A_629, %swap3A_630] {strides = array<i32>} : memref<128x128xf32, #tpu.memory_space<vmem>>, vector<16xf32>,
          tpu.vector_store %arg12[%swap3A_629, %swap3A_630], %mul3A_628 {strides = array<i32>} : memref<128x128xf32, #tpu.memory_space<vmem>>, vector<16xf32>,
          %get3A_632 = arith.index_cast %add3A_624 : i32 to index
          %get3A_633 = arith.constant 16 : index
          %get3A_634 = tpu.vector_load %arg12[%get3A_632, %get3A_633] {strides = array<i32>} : memref<128x128xf32, #tpu.memory_space<vmem>>, vector<16xf32>,
          %mul3A_635 = arith.mulf %get3A_634, %broadcast_in_dim3A_620 : vector<16xf32>
          %swap3A_636 = arith.index_cast %add3A_624 : i32 to index
          %swap3A_637 = arith.constant 16 : index
          %swap3A_638 = tpu.vector_load %arg12[%swap3A_636, %swap3A_637] {strides = array<i32>} : memref<128x128xf32, #tpu.memory_space<vmem>>, vector<16xf32>,
          tpu.vector_store %arg12[%swap3A_636, %swap3A_637], %mul3A_635 {strides = array<i32>} : memref<128x128xf32, #tpu.memory_space<vmem>>, vector<16xf32>,
          %get3A_639 = arith.index_cast %add3A_624 : i32 to index
          %get3A_640 = arith.constant 32 : index
          %get3A_641 = tpu.vector_load %arg12[%get3A_639, %get3A_640] {strides = array<i32>} : memref<128x128xf32, #tpu.memory_space<vmem>>, vector<16xf32>,
          %mul3A_642 = arith.mulf %get3A_641, %broadcast_in_dim3A_620 : vector<16xf32>
          %swap3A_643 = arith.index_cast %add3A_624 : i32 to index
          %swap3A_644 = arith.constant 32 : index
          %swap3A_645 = tpu.vector_load %arg12[%swap3A_643, %swap3A_644] {strides = array<i32>} : memref<128x128xf32, #tpu.memory_space<vmem>>, vector<16xf32>,
          tpu.vector_store %arg12[%swap3A_643, %swap3A_644], %mul3A_642 {strides = array<i32>} : memref<128x128xf32, #tpu.memory_space<vmem>>, vector<16xf32>,
          %get3A_646 = arith.index_cast %add3A_624 : i32 to index
          %get3A_647 = arith.constant 48 : index
          %get3A_648 = tpu.vector_load %arg12[%get3A_646, %get3A_647] {strides = array<i32>} : memref<128x128xf32, #tpu.memory_space<vmem>>, vector<16xf32>,
          %mul3A_649 = arith.mulf %get3A_648, %broadcast_in_dim3A_620 : vector<16xf32>
          %swap3A_650 = arith.index_cast %add3A_624 : i32 to index
          %swap3A_651 = arith.constant 48 : index
          %swap3A_652 = tpu.vector_load %arg12[%swap3A_650, %swap3A_651] {strides = array<i32>} : memref<128x128xf32, #tpu.memory_space<vmem>>, vector<16xf32>,
          tpu.vector_store %arg12[%swap3A_650, %swap3A_651], %mul3A_649 {strides = array<i32>} : memref<128x128xf32, #tpu.memory_space<vmem>>, vector<16xf32>,
          %get3A_653 = arith.index_cast %add3A_624 : i32 to index
          %get3A_654 = arith.constant 64 : index
          %get3A_655 = tpu.vector_load %arg12[%get3A_653, %get3A_654] {strides = array<i32>} : memref<128x128xf32, #tpu.memory_space<vmem>>, vector<16xf32>,
          %mul3A_656 = arith.mulf %get3A_655, %broadcast_in_dim3A_620 : vector<16xf32>
          %swap3A_657 = arith.index_cast %add3A_624 : i32 to index
          %swap3A_658 = arith.constant 64 : index
          %swap3A_659 = tpu.vector_load %arg12[%swap3A_657, %swap3A_658] {strides = array<i32>} : memref<128x128xf32, #tpu.memory_space<vmem>>, vector<16xf32>,
          tpu.vector_store %arg12[%swap3A_657, %swap3A_658], %mul3A_656 {strides = array<i32>} : memref<128x128xf32, #tpu.memory_space<vmem>>, vector<16xf32>,
          %get3A_660 = arith.index_cast %add3A_624 : i32 to index
          %get3A_661 = arith.constant 80 : index
          %get3A_662 = tpu.vector_load %arg12[%get3A_660, %get3A_661] {strides = array<i32>} : memref<128x128xf32, #tpu.memory_space<vmem>>, vector<16xf32>,
          %mul3A_663 = arith.mulf %get3A_662, %broadcast_in_dim3A_620 : vector<16xf32>
          %swap3A_664 = arith.index_cast %add3A_624 : i32 to index
          %swap3A_665 = arith.constant 80 : index
          %swap3A_666 = tpu.vector_load %arg12[%swap3A_664, %swap3A_665] {strides = array<i32>} : memref<128x128xf32, #tpu.memory_space<vmem>>, vector<16xf32>,
          tpu.vector_store %arg12[%swap3A_664, %swap3A_665], %mul3A_663 {strides = array<i32>} : memref<128x128xf32, #tpu.memory_space<vmem>>, vector<16xf32>,
          %get3A_667 = arith.index_cast %add3A_624 : i32 to index
          %get3A_668 = arith.constant 96 : index
          %get3A_669 = tpu.vector_load %arg12[%get3A_667, %get3A_668] {strides = array<i32>} : memref<128x128xf32, #tpu.memory_space<vmem>>, vector<16xf32>,
          %mul3A_670 = arith.mulf %get3A_669, %broadcast_in_dim3A_620 : vector<16xf32>
          %swap3A_671 = arith.index_cast %add3A_624 : i32 to index
          %swap3A_672 = arith.constant 96 : index
          %swap3A_673 = tpu.vector_load %arg12[%swap3A_671, %swap3A_672] {strides = array<i32>} : memref<128x128xf32, #tpu.memory_space<vmem>>, vector<16xf32>,
          tpu.vector_store %arg12[%swap3A_671, %swap3A_672], %mul3A_670 {strides = array<i32>} : memref<128x128xf32, #tpu.memory_space<vmem>>, vector<16xf32>,
          %get3A_674 = arith.index_cast %add3A_624 : i32 to index
          %get3A_675 = arith.constant 112 : index
          %get3A_676 = tpu.vector_load %arg12[%get3A_674, %get3A_675] {strides = array<i32>} : memref<128x128xf32, #tpu.memory_space<vmem>>, vector<16xf32>,
          %mul3A_677 = arith.mulf %get3A_676, %broadcast_in_dim3A_620 : vector<16xf32>
          %swap3A_678 = arith.index_cast %add3A_624 : i32 to index
          %swap3A_679 = arith.constant 112 : index
          %swap3A_680 = tpu.vector_load %arg12[%swap3A_678, %swap3A_679] {strides = array<i32>} : memref<128x128xf32, #tpu.memory_space<vmem>>, vector<16xf32>,
          tpu.vector_store %arg12[%swap3A_678, %swap3A_679], %mul3A_677 {strides = array<i32>} : memref<128x128xf32, #tpu.memory_space<vmem>>, vector<16xf32>,
          %slice3A_681 = vector.extract_strided_slice %get3A_169 {offsets = [8], sizes = [1], strides = [1]} : vector<16xf32> to vector<1xf32>
          %squeeze3A_682 = vector.extract %slice3A_681[0] : f32 from vector<1xf32>
          %broadcast_in_dim3A_683 = vector.broadcast %squeeze3A_682 : f32 to vector<16xf32>
          %mul3A_684 = arith.constant 16 : i32
          %mul3A_685 = arith.muli %scan3A_165, %mul3A_684 : i32
          %add3A_686 = arith.constant 8 : i32
          %add3A_687 = arith.addi %mul3A_685, %add3A_686 : i32
          %get3A_688 = arith.index_cast %add3A_687 : i32 to index
          %get3A_689 = arith.constant 0 : index
          %get3A_690 = tpu.vector_load %arg12[%get3A_688, %get3A_689] {strides = array<i32>} : memref<128x128xf32, #tpu.memory_space<vmem>>, vector<16xf32>,
          %mul3A_691 = arith.mulf %get3A_690, %broadcast_in_dim3A_683 : vector<16xf32>
          %swap3A_692 = arith.index_cast %add3A_687 : i32 to index
          %swap3A_693 = arith.constant 0 : index
          %swap3A_694 = tpu.vector_load %arg12[%swap3A_692, %swap3A_693] {strides = array<i32>} : memref<128x128xf32, #tpu.memory_space<vmem>>, vector<16xf32>,
          tpu.vector_store %arg12[%swap3A_692, %swap3A_693], %mul3A_691 {strides = array<i32>} : memref<128x128xf32, #tpu.memory_space<vmem>>, vector<16xf32>,
          %get3A_695 = arith.index_cast %add3A_687 : i32 to index
          %get3A_696 = arith.constant 16 : index
          %get3A_697 = tpu.vector_load %arg12[%get3A_695, %get3A_696] {strides = array<i32>} : memref<128x128xf32, #tpu.memory_space<vmem>>, vector<16xf32>,
          %mul3A_698 = arith.mulf %get3A_697, %broadcast_in_dim3A_683 : vector<16xf32>
          %swap3A_699 = arith.index_cast %add3A_687 : i32 to index
          %swap3A_700 = arith.constant 16 : index
          %swap3A_701 = tpu.vector_load %arg12[%swap3A_699, %swap3A_700] {strides = array<i32>} : memref<128x128xf32, #tpu.memory_space<vmem>>, vector<16xf32>,
          tpu.vector_store %arg12[%swap3A_699, %swap3A_700], %mul3A_698 {strides = array<i32>} : memref<128x128xf32, #tpu.memory_space<vmem>>, vector<16xf32>,
          %get3A_702 = arith.index_cast %add3A_687 : i32 to index
          %get3A_703 = arith.constant 32 : index
          %get3A_704 = tpu.vector_load %arg12[%get3A_702, %get3A_703] {strides = array<i32>} : memref<128x128xf32, #tpu.memory_space<vmem>>, vector<16xf32>,
          %mul3A_705 = arith.mulf %get3A_704, %broadcast_in_dim3A_683 : vector<16xf32>
          %swap3A_706 = arith.index_cast %add3A_687 : i32 to index
          %swap3A_707 = arith.constant 32 : index
          %swap3A_708 = tpu.vector_load %arg12[%swap3A_706, %swap3A_707] {strides = array<i32>} : memref<128x128xf32, #tpu.memory_space<vmem>>, vector<16xf32>,
          tpu.vector_store %arg12[%swap3A_706, %swap3A_707], %mul3A_705 {strides = array<i32>} : memref<128x128xf32, #tpu.memory_space<vmem>>, vector<16xf32>,
          %get3A_709 = arith.index_cast %add3A_687 : i32 to index
          %get3A_710 = arith.constant 48 : index
          %get3A_711 = tpu.vector_load %arg12[%get3A_709, %get3A_710] {strides = array<i32>} : memref<128x128xf32, #tpu.memory_space<vmem>>, vector<16xf32>,
          %mul3A_712 = arith.mulf %get3A_711, %broadcast_in_dim3A_683 : vector<16xf32>
          %swap3A_713 = arith.index_cast %add3A_687 : i32 to index
          %swap3A_714 = arith.constant 48 : index
          %swap3A_715 = tpu.vector_load %arg12[%swap3A_713, %swap3A_714] {strides = array<i32>} : memref<128x128xf32, #tpu.memory_space<vmem>>, vector<16xf32>,
          tpu.vector_store %arg12[%swap3A_713, %swap3A_714], %mul3A_712 {strides = array<i32>} : memref<128x128xf32, #tpu.memory_space<vmem>>, vector<16xf32>,
          %get3A_716 = arith.index_cast %add3A_687 : i32 to index
          %get3A_717 = arith.constant 64 : index
          %get3A_718 = tpu.vector_load %arg12[%get3A_716, %get3A_717] {strides = array<i32>} : memref<128x128xf32, #tpu.memory_space<vmem>>, vector<16xf32>,
          %mul3A_719 = arith.mulf %get3A_718, %broadcast_in_dim3A_683 : vector<16xf32>
          %swap3A_720 = arith.index_cast %add3A_687 : i32 to index
          %swap3A_721 = arith.constant 64 : index
          %swap3A_722 = tpu.vector_load %arg12[%swap3A_720, %swap3A_721] {strides = array<i32>} : memref<128x128xf32, #tpu.memory_space<vmem>>, vector<16xf32>,
          tpu.vector_store %arg12[%swap3A_720, %swap3A_721], %mul3A_719 {strides = array<i32>} : memref<128x128xf32, #tpu.memory_space<vmem>>, vector<16xf32>,
          %get3A_723 = arith.index_cast %add3A_687 : i32 to index
          %get3A_724 = arith.constant 80 : index
          %get3A_725 = tpu.vector_load %arg12[%get3A_723, %get3A_724] {strides = array<i32>} : memref<128x128xf32, #tpu.memory_space<vmem>>, vector<16xf32>,
          %mul3A_726 = arith.mulf %get3A_725, %broadcast_in_dim3A_683 : vector<16xf32>
          %swap3A_727 = arith.index_cast %add3A_687 : i32 to index
          %swap3A_728 = arith.constant 80 : index
          %swap3A_729 = tpu.vector_load %arg12[%swap3A_727, %swap3A_728] {strides = array<i32>} : memref<128x128xf32, #tpu.memory_space<vmem>>, vector<16xf32>,
          tpu.vector_store %arg12[%swap3A_727, %swap3A_728], %mul3A_726 {strides = array<i32>} : memref<128x128xf32, #tpu.memory_space<vmem>>, vector<16xf32>,
          %get3A_730 = arith.index_cast %add3A_687 : i32 to index
          %get3A_731 = arith.constant 96 : index
          %get3A_732 = tpu.vector_load %arg12[%get3A_730, %get3A_731] {strides = array<i32>} : memref<128x128xf32, #tpu.memory_space<vmem>>, vector<16xf32>,
          %mul3A_733 = arith.mulf %get3A_732, %broadcast_in_dim3A_683 : vector<16xf32>
          %swap3A_734 = arith.index_cast %add3A_687 : i32 to index
          %swap3A_735 = arith.constant 96 : index
          %swap3A_736 = tpu.vector_load %arg12[%swap3A_734, %swap3A_735] {strides = array<i32>} : memref<128x128xf32, #tpu.memory_space<vmem>>, vector<16xf32>,
          tpu.vector_store %arg12[%swap3A_734, %swap3A_735], %mul3A_733 {strides = array<i32>} : memref<128x128xf32, #tpu.memory_space<vmem>>, vector<16xf32>,
          %get3A_737 = arith.index_cast %add3A_687 : i32 to index
          %get3A_738 = arith.constant 112 : index
          %get3A_739 = tpu.vector_load %arg12[%get3A_737, %get3A_738] {strides = array<i32>} : memref<128x128xf32, #tpu.memory_space<vmem>>, vector<16xf32>,
          %mul3A_740 = arith.mulf %get3A_739, %broadcast_in_dim3A_683 : vector<16xf32>
          %swap3A_741 = arith.index_cast %add3A_687 : i32 to index
          %swap3A_742 = arith.constant 112 : index
          %swap3A_743 = tpu.vector_load %arg12[%swap3A_741, %swap3A_742] {strides = array<i32>} : memref<128x128xf32, #tpu.memory_space<vmem>>, vector<16xf32>,
          tpu.vector_store %arg12[%swap3A_741, %swap3A_742], %mul3A_740 {strides = array<i32>} : memref<128x128xf32, #tpu.memory_space<vmem>>, vector<16xf32>,
          %slice3A_744 = vector.extract_strided_slice %get3A_169 {offsets = [9], sizes = [1], strides = [1]} : vector<16xf32> to vector<1xf32>
          %squeeze3A_745 = vector.extract %slice3A_744[0] : f32 from vector<1xf32>
          %broadcast_in_dim3A_746 = vector.broadcast %squeeze3A_745 : f32 to vector<16xf32>
          %mul3A_747 = arith.constant 16 : i32
          %mul3A_748 = arith.muli %scan3A_165, %mul3A_747 : i32
          %add3A_749 = arith.constant 9 : i32
          %add3A_750 = arith.addi %mul3A_748, %add3A_749 : i32
          %get3A_751 = arith.index_cast %add3A_750 : i32 to index
          %get3A_752 = arith.constant 0 : index
          %get3A_753 = tpu.vector_load %arg12[%get3A_751, %get3A_752] {strides = array<i32>} : memref<128x128xf32, #tpu.memory_space<vmem>>, vector<16xf32>,
          %mul3A_754 = arith.mulf %get3A_753, %broadcast_in_dim3A_746 : vector<16xf32>
          %swap3A_755 = arith.index_cast %add3A_750 : i32 to index
          %swap3A_756 = arith.constant 0 : index
          %swap3A_757 = tpu.vector_load %arg12[%swap3A_755, %swap3A_756] {strides = array<i32>} : memref<128x128xf32, #tpu.memory_space<vmem>>, vector<16xf32>,
          tpu.vector_store %arg12[%swap3A_755, %swap3A_756], %mul3A_754 {strides = array<i32>} : memref<128x128xf32, #tpu.memory_space<vmem>>, vector<16xf32>,
          %get3A_758 = arith.index_cast %add3A_750 : i32 to index
          %get3A_759 = arith.constant 16 : index
          %get3A_760 = tpu.vector_load %arg12[%get3A_758, %get3A_759] {strides = array<i32>} : memref<128x128xf32, #tpu.memory_space<vmem>>, vector<16xf32>,
          %mul3A_761 = arith.mulf %get3A_760, %broadcast_in_dim3A_746 : vector<16xf32>
          %swap3A_762 = arith.index_cast %add3A_750 : i32 to index
          %swap3A_763 = arith.constant 16 : index
          %swap3A_764 = tpu.vector_load %arg12[%swap3A_762, %swap3A_763] {strides = array<i32>} : memref<128x128xf32, #tpu.memory_space<vmem>>, vector<16xf32>,
          tpu.vector_store %arg12[%swap3A_762, %swap3A_763], %mul3A_761 {strides = array<i32>} : memref<128x128xf32, #tpu.memory_space<vmem>>, vector<16xf32>,
          %get3A_765 = arith.index_cast %add3A_750 : i32 to index
          %get3A_766 = arith.constant 32 : index
          %get3A_767 = tpu.vector_load %arg12[%get3A_765, %get3A_766] {strides = array<i32>} : memref<128x128xf32, #tpu.memory_space<vmem>>, vector<16xf32>,
          %mul3A_768 = arith.mulf %get3A_767, %broadcast_in_dim3A_746 : vector<16xf32>
          %swap3A_769 = arith.index_cast %add3A_750 : i32 to index
          %swap3A_770 = arith.constant 32 : index
          %swap3A_771 = tpu.vector_load %arg12[%swap3A_769, %swap3A_770] {strides = array<i32>} : memref<128x128xf32, #tpu.memory_space<vmem>>, vector<16xf32>,
          tpu.vector_store %arg12[%swap3A_769, %swap3A_770], %mul3A_768 {strides = array<i32>} : memref<128x128xf32, #tpu.memory_space<vmem>>, vector<16xf32>,
          %get3A_772 = arith.index_cast %add3A_750 : i32 to index
          %get3A_773 = arith.constant 48 : index
          %get3A_774 = tpu.vector_load %arg12[%get3A_772, %get3A_773] {strides = array<i32>} : memref<128x128xf32, #tpu.memory_space<vmem>>, vector<16xf32>,
          %mul3A_775 = arith.mulf %get3A_774, %broadcast_in_dim3A_746 : vector<16xf32>
          %swap3A_776 = arith.index_cast %add3A_750 : i32 to index
          %swap3A_777 = arith.constant 48 : index
          %swap3A_778 = tpu.vector_load %arg12[%swap3A_776, %swap3A_777] {strides = array<i32>} : memref<128x128xf32, #tpu.memory_space<vmem>>, vector<16xf32>,
          tpu.vector_store %arg12[%swap3A_776, %swap3A_777], %mul3A_775 {strides = array<i32>} : memref<128x128xf32, #tpu.memory_space<vmem>>, vector<16xf32>,
          %get3A_779 = arith.index_cast %add3A_750 : i32 to index
          %get3A_780 = arith.constant 64 : index
          %get3A_781 = tpu.vector_load %arg12[%get3A_779, %get3A_780] {strides = array<i32>} : memref<128x128xf32, #tpu.memory_space<vmem>>, vector<16xf32>,
          %mul3A_782 = arith.mulf %get3A_781, %broadcast_in_dim3A_746 : vector<16xf32>
          %swap3A_783 = arith.index_cast %add3A_750 : i32 to index
          %swap3A_784 = arith.constant 64 : index
          %swap3A_785 = tpu.vector_load %arg12[%swap3A_783, %swap3A_784] {strides = array<i32>} : memref<128x128xf32, #tpu.memory_space<vmem>>, vector<16xf32>,
          tpu.vector_store %arg12[%swap3A_783, %swap3A_784], %mul3A_782 {strides = array<i32>} : memref<128x128xf32, #tpu.memory_space<vmem>>, vector<16xf32>,
          %get3A_786 = arith.index_cast %add3A_750 : i32 to index
          %get3A_787 = arith.constant 80 : index
          %get3A_788 = tpu.vector_load %arg12[%get3A_786, %get3A_787] {strides = array<i32>} : memref<128x128xf32, #tpu.memory_space<vmem>>, vector<16xf32>,
          %mul3A_789 = arith.mulf %get3A_788, %broadcast_in_dim3A_746 : vector<16xf32>
          %swap3A_790 = arith.index_cast %add3A_750 : i32 to index
          %swap3A_791 = arith.constant 80 : index
          %swap3A_792 = tpu.vector_load %arg12[%swap3A_790, %swap3A_791] {strides = array<i32>} : memref<128x128xf32, #tpu.memory_space<vmem>>, vector<16xf32>,
          tpu.vector_store %arg12[%swap3A_790, %swap3A_791], %mul3A_789 {strides = array<i32>} : memref<128x128xf32, #tpu.memory_space<vmem>>, vector<16xf32>,
          %get3A_793 = arith.index_cast %add3A_750 : i32 to index
          %get3A_794 = arith.constant 96 : index
          %get3A_795 = tpu.vector_load %arg12[%get3A_793, %get3A_794] {strides = array<i32>} : memref<128x128xf32, #tpu.memory_space<vmem>>, vector<16xf32>,
          %mul3A_796 = arith.mulf %get3A_795, %broadcast_in_dim3A_746 : vector<16xf32>
          %swap3A_797 = arith.index_cast %add3A_750 : i32 to index
          %swap3A_798 = arith.constant 96 : index
          %swap3A_799 = tpu.vector_load %arg12[%swap3A_797, %swap3A_798] {strides = array<i32>} : memref<128x128xf32, #tpu.memory_space<vmem>>, vector<16xf32>,
          tpu.vector_store %arg12[%swap3A_797, %swap3A_798], %mul3A_796 {strides = array<i32>} : memref<128x128xf32, #tpu.memory_space<vmem>>, vector<16xf32>,
          %get3A_800 = arith.index_cast %add3A_750 : i32 to index
          %get3A_801 = arith.constant 112 : index
          %get3A_802 = tpu.vector_load %arg12[%get3A_800, %get3A_801] {strides = array<i32>} : memref<128x128xf32, #tpu.memory_space<vmem>>, vector<16xf32>,
          %mul3A_803 = arith.mulf %get3A_802, %broadcast_in_dim3A_746 : vector<16xf32>
          %swap3A_804 = arith.index_cast %add3A_750 : i32 to index
          %swap3A_805 = arith.constant 112 : index
          %swap3A_806 = tpu.vector_load %arg12[%swap3A_804, %swap3A_805] {strides = array<i32>} : memref<128x128xf32, #tpu.memory_space<vmem>>, vector<16xf32>,
          tpu.vector_store %arg12[%swap3A_804, %swap3A_805], %mul3A_803 {strides = array<i32>} : memref<128x128xf32, #tpu.memory_space<vmem>>, vector<16xf32>,
          %slice3A_807 = vector.extract_strided_slice %get3A_169 {offsets = [10], sizes = [1], strides = [1]} : vector<16xf32> to vector<1xf32>
          %squeeze3A_808 = vector.extract %slice3A_807[0] : f32 from vector<1xf32>
          %broadcast_in_dim3A_809 = vector.broadcast %squeeze3A_808 : f32 to vector<16xf32>
          %mul3A_810 = arith.constant 16 : i32
          %mul3A_811 = arith.muli %scan3A_165, %mul3A_810 : i32
          %add3A_812 = arith.constant 10 : i32
          %add3A_813 = arith.addi %mul3A_811, %add3A_812 : i32
          %get3A_814 = arith.index_cast %add3A_813 : i32 to index
          %get3A_815 = arith.constant 0 : index
          %get3A_816 = tpu.vector_load %arg12[%get3A_814, %get3A_815] {strides = array<i32>} : memref<128x128xf32, #tpu.memory_space<vmem>>, vector<16xf32>,
          %mul3A_817 = arith.mulf %get3A_816, %broadcast_in_dim3A_809 : vector<16xf32>
          %swap3A_818 = arith.index_cast %add3A_813 : i32 to index
          %swap3A_819 = arith.constant 0 : index
          %swap3A_820 = tpu.vector_load %arg12[%swap3A_818, %swap3A_819] {strides = array<i32>} : memref<128x128xf32, #tpu.memory_space<vmem>>, vector<16xf32>,
          tpu.vector_store %arg12[%swap3A_818, %swap3A_819], %mul3A_817 {strides = array<i32>} : memref<128x128xf32, #tpu.memory_space<vmem>>, vector<16xf32>,
          %get3A_821 = arith.index_cast %add3A_813 : i32 to index
          %get3A_822 = arith.constant 16 : index
          %get3A_823 = tpu.vector_load %arg12[%get3A_821, %get3A_822] {strides = array<i32>} : memref<128x128xf32, #tpu.memory_space<vmem>>, vector<16xf32>,
          %mul3A_824 = arith.mulf %get3A_823, %broadcast_in_dim3A_809 : vector<16xf32>
          %swap3A_825 = arith.index_cast %add3A_813 : i32 to index
          %swap3A_826 = arith.constant 16 : index
          %swap3A_827 = tpu.vector_load %arg12[%swap3A_825, %swap3A_826] {strides = array<i32>} : memref<128x128xf32, #tpu.memory_space<vmem>>, vector<16xf32>,
          tpu.vector_store %arg12[%swap3A_825, %swap3A_826], %mul3A_824 {strides = array<i32>} : memref<128x128xf32, #tpu.memory_space<vmem>>, vector<16xf32>,
          %get3A_828 = arith.index_cast %add3A_813 : i32 to index
          %get3A_829 = arith.constant 32 : index
          %get3A_830 = tpu.vector_load %arg12[%get3A_828, %get3A_829] {strides = array<i32>} : memref<128x128xf32, #tpu.memory_space<vmem>>, vector<16xf32>,
          %mul3A_831 = arith.mulf %get3A_830, %broadcast_in_dim3A_809 : vector<16xf32>
          %swap3A_832 = arith.index_cast %add3A_813 : i32 to index
          %swap3A_833 = arith.constant 32 : index
          %swap3A_834 = tpu.vector_load %arg12[%swap3A_832, %swap3A_833] {strides = array<i32>} : memref<128x128xf32, #tpu.memory_space<vmem>>, vector<16xf32>,
          tpu.vector_store %arg12[%swap3A_832, %swap3A_833], %mul3A_831 {strides = array<i32>} : memref<128x128xf32, #tpu.memory_space<vmem>>, vector<16xf32>,
          %get3A_835 = arith.index_cast %add3A_813 : i32 to index
          %get3A_836 = arith.constant 48 : index
          %get3A_837 = tpu.vector_load %arg12[%get3A_835, %get3A_836] {strides = array<i32>} : memref<128x128xf32, #tpu.memory_space<vmem>>, vector<16xf32>,
          %mul3A_838 = arith.mulf %get3A_837, %broadcast_in_dim3A_809 : vector<16xf32>
          %swap3A_839 = arith.index_cast %add3A_813 : i32 to index
          %swap3A_840 = arith.constant 48 : index
          %swap3A_841 = tpu.vector_load %arg12[%swap3A_839, %swap3A_840] {strides = array<i32>} : memref<128x128xf32, #tpu.memory_space<vmem>>, vector<16xf32>,
          tpu.vector_store %arg12[%swap3A_839, %swap3A_840], %mul3A_838 {strides = array<i32>} : memref<128x128xf32, #tpu.memory_space<vmem>>, vector<16xf32>,
          %get3A_842 = arith.index_cast %add3A_813 : i32 to index
          %get3A_843 = arith.constant 64 : index
          %get3A_844 = tpu.vector_load %arg12[%get3A_842, %get3A_843] {strides = array<i32>} : memref<128x128xf32, #tpu.memory_space<vmem>>, vector<16xf32>,
          %mul3A_845 = arith.mulf %get3A_844, %broadcast_in_dim3A_809 : vector<16xf32>
          %swap3A_846 = arith.index_cast %add3A_813 : i32 to index
          %swap3A_847 = arith.constant 64 : index
          %swap3A_848 = tpu.vector_load %arg12[%swap3A_846, %swap3A_847] {strides = array<i32>} : memref<128x128xf32, #tpu.memory_space<vmem>>, vector<16xf32>,
          tpu.vector_store %arg12[%swap3A_846, %swap3A_847], %mul3A_845 {strides = array<i32>} : memref<128x128xf32, #tpu.memory_space<vmem>>, vector<16xf32>,
          %get3A_849 = arith.index_cast %add3A_813 : i32 to index
          %get3A_850 = arith.constant 80 : index
          %get3A_851 = tpu.vector_load %arg12[%get3A_849, %get3A_850] {strides = array<i32>} : memref<128x128xf32, #tpu.memory_space<vmem>>, vector<16xf32>,
          %mul3A_852 = arith.mulf %get3A_851, %broadcast_in_dim3A_809 : vector<16xf32>
          %swap3A_853 = arith.index_cast %add3A_813 : i32 to index
          %swap3A_854 = arith.constant 80 : index
          %swap3A_855 = tpu.vector_load %arg12[%swap3A_853, %swap3A_854] {strides = array<i32>} : memref<128x128xf32, #tpu.memory_space<vmem>>, vector<16xf32>,
          tpu.vector_store %arg12[%swap3A_853, %swap3A_854], %mul3A_852 {strides = array<i32>} : memref<128x128xf32, #tpu.memory_space<vmem>>, vector<16xf32>,
          %get3A_856 = arith.index_cast %add3A_813 : i32 to index
          %get3A_857 = arith.constant 96 : index
          %get3A_858 = tpu.vector_load %arg12[%get3A_856, %get3A_857] {strides = array<i32>} : memref<128x128xf32, #tpu.memory_space<vmem>>, vector<16xf32>,
          %mul3A_859 = arith.mulf %get3A_858, %broadcast_in_dim3A_809 : vector<16xf32>
          %swap3A_860 = arith.index_cast %add3A_813 : i32 to index
          %swap3A_861 = arith.constant 96 : index
          %swap3A_862 = tpu.vector_load %arg12[%swap3A_860, %swap3A_861] {strides = array<i32>} : memref<128x128xf32, #tpu.memory_space<vmem>>, vector<16xf32>,
          tpu.vector_store %arg12[%swap3A_860, %swap3A_861], %mul3A_859 {strides = array<i32>} : memref<128x128xf32, #tpu.memory_space<vmem>>, vector<16xf32>,
          %get3A_863 = arith.index_cast %add3A_813 : i32 to index
          %get3A_864 = arith.constant 112 : index
          %get3A_865 = tpu.vector_load %arg12[%get3A_863, %get3A_864] {strides = array<i32>} : memref<128x128xf32, #tpu.memory_space<vmem>>, vector<16xf32>,
          %mul3A_866 = arith.mulf %get3A_865, %broadcast_in_dim3A_809 : vector<16xf32>
          %swap3A_867 = arith.index_cast %add3A_813 : i32 to index
          %swap3A_868 = arith.constant 112 : index
          %swap3A_869 = tpu.vector_load %arg12[%swap3A_867, %swap3A_868] {strides = array<i32>} : memref<128x128xf32, #tpu.memory_space<vmem>>, vector<16xf32>,
          tpu.vector_store %arg12[%swap3A_867, %swap3A_868], %mul3A_866 {strides = array<i32>} : memref<128x128xf32, #tpu.memory_space<vmem>>, vector<16xf32>,
          %slice3A_870 = vector.extract_strided_slice %get3A_169 {offsets = [11], sizes = [1], strides = [1]} : vector<16xf32> to vector<1xf32>
          %squeeze3A_871 = vector.extract %slice3A_870[0] : f32 from vector<1xf32>
          %broadcast_in_dim3A_872 = vector.broadcast %squeeze3A_871 : f32 to vector<16xf32>
          %mul3A_873 = arith.constant 16 : i32
          %mul3A_874 = arith.muli %scan3A_165, %mul3A_873 : i32
          %add3A_875 = arith.constant 11 : i32
          %add3A_876 = arith.addi %mul3A_874, %add3A_875 : i32
          %get3A_877 = arith.index_cast %add3A_876 : i32 to index
          %get3A_878 = arith.constant 0 : index
          %get3A_879 = tpu.vector_load %arg12[%get3A_877, %get3A_878] {strides = array<i32>} : memref<128x128xf32, #tpu.memory_space<vmem>>, vector<16xf32>,
          %mul3A_880 = arith.mulf %get3A_879, %broadcast_in_dim3A_872 : vector<16xf32>
          %swap3A_881 = arith.index_cast %add3A_876 : i32 to index
          %swap3A_882 = arith.constant 0 : index
          %swap3A_883 = tpu.vector_load %arg12[%swap3A_881, %swap3A_882] {strides = array<i32>} : memref<128x128xf32, #tpu.memory_space<vmem>>, vector<16xf32>,
          tpu.vector_store %arg12[%swap3A_881, %swap3A_882], %mul3A_880 {strides = array<i32>} : memref<128x128xf32, #tpu.memory_space<vmem>>, vector<16xf32>,
          %get3A_884 = arith.index_cast %add3A_876 : i32 to index
          %get3A_885 = arith.constant 16 : index
          %get3A_886 = tpu.vector_load %arg12[%get3A_884, %get3A_885] {strides = array<i32>} : memref<128x128xf32, #tpu.memory_space<vmem>>, vector<16xf32>,
          %mul3A_887 = arith.mulf %get3A_886, %broadcast_in_dim3A_872 : vector<16xf32>
          %swap3A_888 = arith.index_cast %add3A_876 : i32 to index
          %swap3A_889 = arith.constant 16 : index
          %swap3A_890 = tpu.vector_load %arg12[%swap3A_888, %swap3A_889] {strides = array<i32>} : memref<128x128xf32, #tpu.memory_space<vmem>>, vector<16xf32>,
          tpu.vector_store %arg12[%swap3A_888, %swap3A_889], %mul3A_887 {strides = array<i32>} : memref<128x128xf32, #tpu.memory_space<vmem>>, vector<16xf32>,
          %get3A_891 = arith.index_cast %add3A_876 : i32 to index
          %get3A_892 = arith.constant 32 : index
          %get3A_893 = tpu.vector_load %arg12[%get3A_891, %get3A_892] {strides = array<i32>} : memref<128x128xf32, #tpu.memory_space<vmem>>, vector<16xf32>,
          %mul3A_894 = arith.mulf %get3A_893, %broadcast_in_dim3A_872 : vector<16xf32>
          %swap3A_895 = arith.index_cast %add3A_876 : i32 to index
          %swap3A_896 = arith.constant 32 : index
          %swap3A_897 = tpu.vector_load %arg12[%swap3A_895, %swap3A_896] {strides = array<i32>} : memref<128x128xf32, #tpu.memory_space<vmem>>, vector<16xf32>,
          tpu.vector_store %arg12[%swap3A_895, %swap3A_896], %mul3A_894 {strides = array<i32>} : memref<128x128xf32, #tpu.memory_space<vmem>>, vector<16xf32>,
          %get3A_898 = arith.index_cast %add3A_876 : i32 to index
          %get3A_899 = arith.constant 48 : index
          %get3A_900 = tpu.vector_load %arg12[%get3A_898, %get3A_899] {strides = array<i32>} : memref<128x128xf32, #tpu.memory_space<vmem>>, vector<16xf32>,
          %mul3A_901 = arith.mulf %get3A_900, %broadcast_in_dim3A_872 : vector<16xf32>
          %swap3A_902 = arith.index_cast %add3A_876 : i32 to index
          %swap3A_903 = arith.constant 48 : index
          %swap3A_904 = tpu.vector_load %arg12[%swap3A_902, %swap3A_903] {strides = array<i32>} : memref<128x128xf32, #tpu.memory_space<vmem>>, vector<16xf32>,
          tpu.vector_store %arg12[%swap3A_902, %swap3A_903], %mul3A_901 {strides = array<i32>} : memref<128x128xf32, #tpu.memory_space<vmem>>, vector<16xf32>,
          %get3A_905 = arith.index_cast %add3A_876 : i32 to index
          %get3A_906 = arith.constant 64 : index
          %get3A_907 = tpu.vector_load %arg12[%get3A_905, %get3A_906] {strides = array<i32>} : memref<128x128xf32, #tpu.memory_space<vmem>>, vector<16xf32>,
          %mul3A_908 = arith.mulf %get3A_907, %broadcast_in_dim3A_872 : vector<16xf32>
          %swap3A_909 = arith.index_cast %add3A_876 : i32 to index
          %swap3A_910 = arith.constant 64 : index
          %swap3A_911 = tpu.vector_load %arg12[%swap3A_909, %swap3A_910] {strides = array<i32>} : memref<128x128xf32, #tpu.memory_space<vmem>>, vector<16xf32>,
          tpu.vector_store %arg12[%swap3A_909, %swap3A_910], %mul3A_908 {strides = array<i32>} : memref<128x128xf32, #tpu.memory_space<vmem>>, vector<16xf32>,
          %get3A_912 = arith.index_cast %add3A_876 : i32 to index
          %get3A_913 = arith.constant 80 : index
          %get3A_914 = tpu.vector_load %arg12[%get3A_912, %get3A_913] {strides = array<i32>} : memref<128x128xf32, #tpu.memory_space<vmem>>, vector<16xf32>,
          %mul3A_915 = arith.mulf %get3A_914, %broadcast_in_dim3A_872 : vector<16xf32>
          %swap3A_916 = arith.index_cast %add3A_876 : i32 to index
          %swap3A_917 = arith.constant 80 : index
          %swap3A_918 = tpu.vector_load %arg12[%swap3A_916, %swap3A_917] {strides = array<i32>} : memref<128x128xf32, #tpu.memory_space<vmem>>, vector<16xf32>,
          tpu.vector_store %arg12[%swap3A_916, %swap3A_917], %mul3A_915 {strides = array<i32>} : memref<128x128xf32, #tpu.memory_space<vmem>>, vector<16xf32>,
          %get3A_919 = arith.index_cast %add3A_876 : i32 to index
          %get3A_920 = arith.constant 96 : index
          %get3A_921 = tpu.vector_load %arg12[%get3A_919, %get3A_920] {strides = array<i32>} : memref<128x128xf32, #tpu.memory_space<vmem>>, vector<16xf32>,
          %mul3A_922 = arith.mulf %get3A_921, %broadcast_in_dim3A_872 : vector<16xf32>
          %swap3A_923 = arith.index_cast %add3A_876 : i32 to index
          %swap3A_924 = arith.constant 96 : index
          %swap3A_925 = tpu.vector_load %arg12[%swap3A_923, %swap3A_924] {strides = array<i32>} : memref<128x128xf32, #tpu.memory_space<vmem>>, vector<16xf32>,
          tpu.vector_store %arg12[%swap3A_923, %swap3A_924], %mul3A_922 {strides = array<i32>} : memref<128x128xf32, #tpu.memory_space<vmem>>, vector<16xf32>,
          %get3A_926 = arith.index_cast %add3A_876 : i32 to index
          %get3A_927 = arith.constant 112 : index
          %get3A_928 = tpu.vector_load %arg12[%get3A_926, %get3A_927] {strides = array<i32>} : memref<128x128xf32, #tpu.memory_space<vmem>>, vector<16xf32>,
          %mul3A_929 = arith.mulf %get3A_928, %broadcast_in_dim3A_872 : vector<16xf32>
          %swap3A_930 = arith.index_cast %add3A_876 : i32 to index
          %swap3A_931 = arith.constant 112 : index
          %swap3A_932 = tpu.vector_load %arg12[%swap3A_930, %swap3A_931] {strides = array<i32>} : memref<128x128xf32, #tpu.memory_space<vmem>>, vector<16xf32>,
          tpu.vector_store %arg12[%swap3A_930, %swap3A_931], %mul3A_929 {strides = array<i32>} : memref<128x128xf32, #tpu.memory_space<vmem>>, vector<16xf32>,
          %slice3A_933 = vector.extract_strided_slice %get3A_169 {offsets = [12], sizes = [1], strides = [1]} : vector<16xf32> to vector<1xf32>
          %squeeze3A_934 = vector.extract %slice3A_933[0] : f32 from vector<1xf32>
          %broadcast_in_dim3A_935 = vector.broadcast %squeeze3A_934 : f32 to vector<16xf32>
          %mul3A_936 = arith.constant 16 : i32
          %mul3A_937 = arith.muli %scan3A_165, %mul3A_936 : i32
          %add3A_938 = arith.constant 12 : i32
          %add3A_939 = arith.addi %mul3A_937, %add3A_938 : i32
          %get3A_940 = arith.index_cast %add3A_939 : i32 to index
          %get3A_941 = arith.constant 0 : index
          %get3A_942 = tpu.vector_load %arg12[%get3A_940, %get3A_941] {strides = array<i32>} : memref<128x128xf32, #tpu.memory_space<vmem>>, vector<16xf32>,
          %mul3A_943 = arith.mulf %get3A_942, %broadcast_in_dim3A_935 : vector<16xf32>
          %swap3A_944 = arith.index_cast %add3A_939 : i32 to index
          %swap3A_945 = arith.constant 0 : index
          %swap3A_946 = tpu.vector_load %arg12[%swap3A_944, %swap3A_945] {strides = array<i32>} : memref<128x128xf32, #tpu.memory_space<vmem>>, vector<16xf32>,
          tpu.vector_store %arg12[%swap3A_944, %swap3A_945], %mul3A_943 {strides = array<i32>} : memref<128x128xf32, #tpu.memory_space<vmem>>, vector<16xf32>,
          %get3A_947 = arith.index_cast %add3A_939 : i32 to index
          %get3A_948 = arith.constant 16 : index
          %get3A_949 = tpu.vector_load %arg12[%get3A_947, %get3A_948] {strides = array<i32>} : memref<128x128xf32, #tpu.memory_space<vmem>>, vector<16xf32>,
          %mul3A_950 = arith.mulf %get3A_949, %broadcast_in_dim3A_935 : vector<16xf32>
          %swap3A_951 = arith.index_cast %add3A_939 : i32 to index
          %swap3A_952 = arith.constant 16 : index
          %swap3A_953 = tpu.vector_load %arg12[%swap3A_951, %swap3A_952] {strides = array<i32>} : memref<128x128xf32, #tpu.memory_space<vmem>>, vector<16xf32>,
          tpu.vector_store %arg12[%swap3A_951, %swap3A_952], %mul3A_950 {strides = array<i32>} : memref<128x128xf32, #tpu.memory_space<vmem>>, vector<16xf32>,
          %get3A_954 = arith.index_cast %add3A_939 : i32 to index
          %get3A_955 = arith.constant 32 : index
          %get3A_956 = tpu.vector_load %arg12[%get3A_954, %get3A_955] {strides = array<i32>} : memref<128x128xf32, #tpu.memory_space<vmem>>, vector<16xf32>,
          %mul3A_957 = arith.mulf %get3A_956, %broadcast_in_dim3A_935 : vector<16xf32>
          %swap3A_958 = arith.index_cast %add3A_939 : i32 to index
          %swap3A_959 = arith.constant 32 : index
          %swap3A_960 = tpu.vector_load %arg12[%swap3A_958, %swap3A_959] {strides = array<i32>} : memref<128x128xf32, #tpu.memory_space<vmem>>, vector<16xf32>,
          tpu.vector_store %arg12[%swap3A_958, %swap3A_959], %mul3A_957 {strides = array<i32>} : memref<128x128xf32, #tpu.memory_space<vmem>>, vector<16xf32>,
          %get3A_961 = arith.index_cast %add3A_939 : i32 to index
          %get3A_962 = arith.constant 48 : index
          %get3A_963 = tpu.vector_load %arg12[%get3A_961, %get3A_962] {strides = array<i32>} : memref<128x128xf32, #tpu.memory_space<vmem>>, vector<16xf32>,
          %mul3A_964 = arith.mulf %get3A_963, %broadcast_in_dim3A_935 : vector<16xf32>
          %swap3A_965 = arith.index_cast %add3A_939 : i32 to index
          %swap3A_966 = arith.constant 48 : index
          %swap3A_967 = tpu.vector_load %arg12[%swap3A_965, %swap3A_966] {strides = array<i32>} : memref<128x128xf32, #tpu.memory_space<vmem>>, vector<16xf32>,
          tpu.vector_store %arg12[%swap3A_965, %swap3A_966], %mul3A_964 {strides = array<i32>} : memref<128x128xf32, #tpu.memory_space<vmem>>, vector<16xf32>,
          %get3A_968 = arith.index_cast %add3A_939 : i32 to index
          %get3A_969 = arith.constant 64 : index
          %get3A_970 = tpu.vector_load %arg12[%get3A_968, %get3A_969] {strides = array<i32>} : memref<128x128xf32, #tpu.memory_space<vmem>>, vector<16xf32>,
          %mul3A_971 = arith.mulf %get3A_970, %broadcast_in_dim3A_935 : vector<16xf32>
          %swap3A_972 = arith.index_cast %add3A_939 : i32 to index
          %swap3A_973 = arith.constant 64 : index
          %swap3A_974 = tpu.vector_load %arg12[%swap3A_972, %swap3A_973] {strides = array<i32>} : memref<128x128xf32, #tpu.memory_space<vmem>>, vector<16xf32>,
          tpu.vector_store %arg12[%swap3A_972, %swap3A_973], %mul3A_971 {strides = array<i32>} : memref<128x128xf32, #tpu.memory_space<vmem>>, vector<16xf32>,
          %get3A_975 = arith.index_cast %add3A_939 : i32 to index
          %get3A_976 = arith.constant 80 : index
          %get3A_977 = tpu.vector_load %arg12[%get3A_975, %get3A_976] {strides = array<i32>} : memref<128x128xf32, #tpu.memory_space<vmem>>, vector<16xf32>,
          %mul3A_978 = arith.mulf %get3A_977, %broadcast_in_dim3A_935 : vector<16xf32>
          %swap3A_979 = arith.index_cast %add3A_939 : i32 to index
          %swap3A_980 = arith.constant 80 : index
          %swap3A_981 = tpu.vector_load %arg12[%swap3A_979, %swap3A_980] {strides = array<i32>} : memref<128x128xf32, #tpu.memory_space<vmem>>, vector<16xf32>,
          tpu.vector_store %arg12[%swap3A_979, %swap3A_980], %mul3A_978 {strides = array<i32>} : memref<128x128xf32, #tpu.memory_space<vmem>>, vector<16xf32>,
          %get3A_982 = arith.index_cast %add3A_939 : i32 to index
          %get3A_983 = arith.constant 96 : index
          %get3A_984 = tpu.vector_load %arg12[%get3A_982, %get3A_983] {strides = array<i32>} : memref<128x128xf32, #tpu.memory_space<vmem>>, vector<16xf32>,
          %mul3A_985 = arith.mulf %get3A_984, %broadcast_in_dim3A_935 : vector<16xf32>
          %swap3A_986 = arith.index_cast %add3A_939 : i32 to index
          %swap3A_987 = arith.constant 96 : index
          %swap3A_988 = tpu.vector_load %arg12[%swap3A_986, %swap3A_987] {strides = array<i32>} : memref<128x128xf32, #tpu.memory_space<vmem>>, vector<16xf32>,
          tpu.vector_store %arg12[%swap3A_986, %swap3A_987], %mul3A_985 {strides = array<i32>} : memref<128x128xf32, #tpu.memory_space<vmem>>, vector<16xf32>,
          %get3A_989 = arith.index_cast %add3A_939 : i32 to index
          %get3A_990 = arith.constant 112 : index
          %get3A_991 = tpu.vector_load %arg12[%get3A_989, %get3A_990] {strides = array<i32>} : memref<128x128xf32, #tpu.memory_space<vmem>>, vector<16xf32>,
          %mul3A_992 = arith.mulf %get3A_991, %broadcast_in_dim3A_935 : vector<16xf32>
          %swap3A_993 = arith.index_cast %add3A_939 : i32 to index
          %swap3A_994 = arith.constant 112 : index
          %swap3A_995 = tpu.vector_load %arg12[%swap3A_993, %swap3A_994] {strides = array<i32>} : memref<128x128xf32, #tpu.memory_space<vmem>>, vector<16xf32>,
          tpu.vector_store %arg12[%swap3A_993, %swap3A_994], %mul3A_992 {strides = array<i32>} : memref<128x128xf32, #tpu.memory_space<vmem>>, vector<16xf32>,
          %slice3A_996 = vector.extract_strided_slice %get3A_169 {offsets = [13], sizes = [1], strides = [1]} : vector<16xf32> to vector<1xf32>
          %squeeze3A_997 = vector.extract %slice3A_996[0] : f32 from vector<1xf32>
          %broadcast_in_dim3A_998 = vector.broadcast %squeeze3A_997 : f32 to vector<16xf32>
          %mul3A_999 = arith.constant 16 : i32
          %mul3A_1000 = arith.muli %scan3A_165, %mul3A_999 : i32
          %add3A_1001 = arith.constant 13 : i32
          %add3A_1002 = arith.addi %mul3A_1000, %add3A_1001 : i32
          %get3A_1003 = arith.index_cast %add3A_1002 : i32 to index
          %get3A_1004 = arith.constant 0 : index
          %get3A_1005 = tpu.vector_load %arg12[%get3A_1003, %get3A_1004] {strides = array<i32>} : memref<128x128xf32, #tpu.memory_space<vmem>>, vector<16xf32>,
          %mul3A_1006 = arith.mulf %get3A_1005, %broadcast_in_dim3A_998 : vector<16xf32>
          %swap3A_1007 = arith.index_cast %add3A_1002 : i32 to index
          %swap3A_1008 = arith.constant 0 : index
          %swap3A_1009 = tpu.vector_load %arg12[%swap3A_1007, %swap3A_1008] {strides = array<i32>} : memref<128x128xf32, #tpu.memory_space<vmem>>, vector<16xf32>,
          tpu.vector_store %arg12[%swap3A_1007, %swap3A_1008], %mul3A_1006 {strides = array<i32>} : memref<128x128xf32, #tpu.memory_space<vmem>>, vector<16xf32>,
          %get3A_1010 = arith.index_cast %add3A_1002 : i32 to index
          %get3A_1011 = arith.constant 16 : index
          %get3A_1012 = tpu.vector_load %arg12[%get3A_1010, %get3A_1011] {strides = array<i32>} : memref<128x128xf32, #tpu.memory_space<vmem>>, vector<16xf32>,
          %mul3A_1013 = arith.mulf %get3A_1012, %broadcast_in_dim3A_998 : vector<16xf32>
          %swap3A_1014 = arith.index_cast %add3A_1002 : i32 to index
          %swap3A_1015 = arith.constant 16 : index
          %swap3A_1016 = tpu.vector_load %arg12[%swap3A_1014, %swap3A_1015] {strides = array<i32>} : memref<128x128xf32, #tpu.memory_space<vmem>>, vector<16xf32>,
          tpu.vector_store %arg12[%swap3A_1014, %swap3A_1015], %mul3A_1013 {strides = array<i32>} : memref<128x128xf32, #tpu.memory_space<vmem>>, vector<16xf32>,
          %get3A_1017 = arith.index_cast %add3A_1002 : i32 to index
          %get3A_1018 = arith.constant 32 : index
          %get3A_1019 = tpu.vector_load %arg12[%get3A_1017, %get3A_1018] {strides = array<i32>} : memref<128x128xf32, #tpu.memory_space<vmem>>, vector<16xf32>,
          %mul3A_1020 = arith.mulf %get3A_1019, %broadcast_in_dim3A_998 : vector<16xf32>
          %swap3A_1021 = arith.index_cast %add3A_1002 : i32 to index
          %swap3A_1022 = arith.constant 32 : index
          %swap3A_1023 = tpu.vector_load %arg12[%swap3A_1021, %swap3A_1022] {strides = array<i32>} : memref<128x128xf32, #tpu.memory_space<vmem>>, vector<16xf32>,
          tpu.vector_store %arg12[%swap3A_1021, %swap3A_1022], %mul3A_1020 {strides = array<i32>} : memref<128x128xf32, #tpu.memory_space<vmem>>, vector<16xf32>,
          %get3A_1024 = arith.index_cast %add3A_1002 : i32 to index
          %get3A_1025 = arith.constant 48 : index
          %get3A_1026 = tpu.vector_load %arg12[%get3A_1024, %get3A_1025] {strides = array<i32>} : memref<128x128xf32, #tpu.memory_space<vmem>>, vector<16xf32>,
          %mul3A_1027 = arith.mulf %get3A_1026, %broadcast_in_dim3A_998 : vector<16xf32>
          %swap3A_1028 = arith.index_cast %add3A_1002 : i32 to index
          %swap3A_1029 = arith.constant 48 : index
          %swap3A_1030 = tpu.vector_load %arg12[%swap3A_1028, %swap3A_1029] {strides = array<i32>} : memref<128x128xf32, #tpu.memory_space<vmem>>, vector<16xf32>,
          tpu.vector_store %arg12[%swap3A_1028, %swap3A_1029], %mul3A_1027 {strides = array<i32>} : memref<128x128xf32, #tpu.memory_space<vmem>>, vector<16xf32>,
          %get3A_1031 = arith.index_cast %add3A_1002 : i32 to index
          %get3A_1032 = arith.constant 64 : index
          %get3A_1033 = tpu.vector_load %arg12[%get3A_1031, %get3A_1032] {strides = array<i32>} : memref<128x128xf32, #tpu.memory_space<vmem>>, vector<16xf32>,
          %mul3A_1034 = arith.mulf %get3A_1033, %broadcast_in_dim3A_998 : vector<16xf32>
          %swap3A_1035 = arith.index_cast %add3A_1002 : i32 to index
          %swap3A_1036 = arith.constant 64 : index
          %swap3A_1037 = tpu.vector_load %arg12[%swap3A_1035, %swap3A_1036] {strides = array<i32>} : memref<128x128xf32, #tpu.memory_space<vmem>>, vector<16xf32>,
          tpu.vector_store %arg12[%swap3A_1035, %swap3A_1036], %mul3A_1034 {strides = array<i32>} : memref<128x128xf32, #tpu.memory_space<vmem>>, vector<16xf32>,
          %get3A_1038 = arith.index_cast %add3A_1002 : i32 to index
          %get3A_1039 = arith.constant 80 : index
          %get3A_1040 = tpu.vector_load %arg12[%get3A_1038, %get3A_1039] {strides = array<i32>} : memref<128x128xf32, #tpu.memory_space<vmem>>, vector<16xf32>,
          %mul3A_1041 = arith.mulf %get3A_1040, %broadcast_in_dim3A_998 : vector<16xf32>
          %swap3A_1042 = arith.index_cast %add3A_1002 : i32 to index
          %swap3A_1043 = arith.constant 80 : index
          %swap3A_1044 = tpu.vector_load %arg12[%swap3A_1042, %swap3A_1043] {strides = array<i32>} : memref<128x128xf32, #tpu.memory_space<vmem>>, vector<16xf32>,
          tpu.vector_store %arg12[%swap3A_1042, %swap3A_1043], %mul3A_1041 {strides = array<i32>} : memref<128x128xf32, #tpu.memory_space<vmem>>, vector<16xf32>,
          %get3A_1045 = arith.index_cast %add3A_1002 : i32 to index
          %get3A_1046 = arith.constant 96 : index
          %get3A_1047 = tpu.vector_load %arg12[%get3A_1045, %get3A_1046] {strides = array<i32>} : memref<128x128xf32, #tpu.memory_space<vmem>>, vector<16xf32>,
          %mul3A_1048 = arith.mulf %get3A_1047, %broadcast_in_dim3A_998 : vector<16xf32>
          %swap3A_1049 = arith.index_cast %add3A_1002 : i32 to index
          %swap3A_1050 = arith.constant 96 : index
          %swap3A_1051 = tpu.vector_load %arg12[%swap3A_1049, %swap3A_1050] {strides = array<i32>} : memref<128x128xf32, #tpu.memory_space<vmem>>, vector<16xf32>,
          tpu.vector_store %arg12[%swap3A_1049, %swap3A_1050], %mul3A_1048 {strides = array<i32>} : memref<128x128xf32, #tpu.memory_space<vmem>>, vector<16xf32>,
          %get3A_1052 = arith.index_cast %add3A_1002 : i32 to index
          %get3A_1053 = arith.constant 112 : index
          %get3A_1054 = tpu.vector_load %arg12[%get3A_1052, %get3A_1053] {strides = array<i32>} : memref<128x128xf32, #tpu.memory_space<vmem>>, vector<16xf32>,
          %mul3A_1055 = arith.mulf %get3A_1054, %broadcast_in_dim3A_998 : vector<16xf32>
          %swap3A_1056 = arith.index_cast %add3A_1002 : i32 to index
          %swap3A_1057 = arith.constant 112 : index
          %swap3A_1058 = tpu.vector_load %arg12[%swap3A_1056, %swap3A_1057] {strides = array<i32>} : memref<128x128xf32, #tpu.memory_space<vmem>>, vector<16xf32>,
          tpu.vector_store %arg12[%swap3A_1056, %swap3A_1057], %mul3A_1055 {strides = array<i32>} : memref<128x128xf32, #tpu.memory_space<vmem>>, vector<16xf32>,
          %slice3A_1059 = vector.extract_strided_slice %get3A_169 {offsets = [14], sizes = [1], strides = [1]} : vector<16xf32> to vector<1xf32>
          %squeeze3A_1060 = vector.extract %slice3A_1059[0] : f32 from vector<1xf32>
          %broadcast_in_dim3A_1061 = vector.broadcast %squeeze3A_1060 : f32 to vector<16xf32>
          %mul3A_1062 = arith.constant 16 : i32
          %mul3A_1063 = arith.muli %scan3A_165, %mul3A_1062 : i32
          %add3A_1064 = arith.constant 14 : i32
          %add3A_1065 = arith.addi %mul3A_1063, %add3A_1064 : i32
          %get3A_1066 = arith.index_cast %add3A_1065 : i32 to index
          %get3A_1067 = arith.constant 0 : index
          %get3A_1068 = tpu.vector_load %arg12[%get3A_1066, %get3A_1067] {strides = array<i32>} : memref<128x128xf32, #tpu.memory_space<vmem>>, vector<16xf32>,
          %mul3A_1069 = arith.mulf %get3A_1068, %broadcast_in_dim3A_1061 : vector<16xf32>
          %swap3A_1070 = arith.index_cast %add3A_1065 : i32 to index
          %swap3A_1071 = arith.constant 0 : index
          %swap3A_1072 = tpu.vector_load %arg12[%swap3A_1070, %swap3A_1071] {strides = array<i32>} : memref<128x128xf32, #tpu.memory_space<vmem>>, vector<16xf32>,
          tpu.vector_store %arg12[%swap3A_1070, %swap3A_1071], %mul3A_1069 {strides = array<i32>} : memref<128x128xf32, #tpu.memory_space<vmem>>, vector<16xf32>,
          %get3A_1073 = arith.index_cast %add3A_1065 : i32 to index
          %get3A_1074 = arith.constant 16 : index
          %get3A_1075 = tpu.vector_load %arg12[%get3A_1073, %get3A_1074] {strides = array<i32>} : memref<128x128xf32, #tpu.memory_space<vmem>>, vector<16xf32>,
          %mul3A_1076 = arith.mulf %get3A_1075, %broadcast_in_dim3A_1061 : vector<16xf32>
          %swap3A_1077 = arith.index_cast %add3A_1065 : i32 to index
          %swap3A_1078 = arith.constant 16 : index
          %swap3A_1079 = tpu.vector_load %arg12[%swap3A_1077, %swap3A_1078] {strides = array<i32>} : memref<128x128xf32, #tpu.memory_space<vmem>>, vector<16xf32>,
          tpu.vector_store %arg12[%swap3A_1077, %swap3A_1078], %mul3A_1076 {strides = array<i32>} : memref<128x128xf32, #tpu.memory_space<vmem>>, vector<16xf32>,
          %get3A_1080 = arith.index_cast %add3A_1065 : i32 to index
          %get3A_1081 = arith.constant 32 : index
          %get3A_1082 = tpu.vector_load %arg12[%get3A_1080, %get3A_1081] {strides = array<i32>} : memref<128x128xf32, #tpu.memory_space<vmem>>, vector<16xf32>,
          %mul3A_1083 = arith.mulf %get3A_1082, %broadcast_in_dim3A_1061 : vector<16xf32>
          %swap3A_1084 = arith.index_cast %add3A_1065 : i32 to index
          %swap3A_1085 = arith.constant 32 : index
          %swap3A_1086 = tpu.vector_load %arg12[%swap3A_1084, %swap3A_1085] {strides = array<i32>} : memref<128x128xf32, #tpu.memory_space<vmem>>, vector<16xf32>,
          tpu.vector_store %arg12[%swap3A_1084, %swap3A_1085], %mul3A_1083 {strides = array<i32>} : memref<128x128xf32, #tpu.memory_space<vmem>>, vector<16xf32>,
          %get3A_1087 = arith.index_cast %add3A_1065 : i32 to index
          %get3A_1088 = arith.constant 48 : index
          %get3A_1089 = tpu.vector_load %arg12[%get3A_1087, %get3A_1088] {strides = array<i32>} : memref<128x128xf32, #tpu.memory_space<vmem>>, vector<16xf32>,
          %mul3A_1090 = arith.mulf %get3A_1089, %broadcast_in_dim3A_1061 : vector<16xf32>
          %swap3A_1091 = arith.index_cast %add3A_1065 : i32 to index
          %swap3A_1092 = arith.constant 48 : index
          %swap3A_1093 = tpu.vector_load %arg12[%swap3A_1091, %swap3A_1092] {strides = array<i32>} : memref<128x128xf32, #tpu.memory_space<vmem>>, vector<16xf32>,
          tpu.vector_store %arg12[%swap3A_1091, %swap3A_1092], %mul3A_1090 {strides = array<i32>} : memref<128x128xf32, #tpu.memory_space<vmem>>, vector<16xf32>,
          %get3A_1094 = arith.index_cast %add3A_1065 : i32 to index
          %get3A_1095 = arith.constant 64 : index
          %get3A_1096 = tpu.vector_load %arg12[%get3A_1094, %get3A_1095] {strides = array<i32>} : memref<128x128xf32, #tpu.memory_space<vmem>>, vector<16xf32>,
          %mul3A_1097 = arith.mulf %get3A_1096, %broadcast_in_dim3A_1061 : vector<16xf32>
          %swap3A_1098 = arith.index_cast %add3A_1065 : i32 to index
          %swap3A_1099 = arith.constant 64 : index
          %swap3A_1100 = tpu.vector_load %arg12[%swap3A_1098, %swap3A_1099] {strides = array<i32>} : memref<128x128xf32, #tpu.memory_space<vmem>>, vector<16xf32>,
          tpu.vector_store %arg12[%swap3A_1098, %swap3A_1099], %mul3A_1097 {strides = array<i32>} : memref<128x128xf32, #tpu.memory_space<vmem>>, vector<16xf32>,
          %get3A_1101 = arith.index_cast %add3A_1065 : i32 to index
          %get3A_1102 = arith.constant 80 : index
          %get3A_1103 = tpu.vector_load %arg12[%get3A_1101, %get3A_1102] {strides = array<i32>} : memref<128x128xf32, #tpu.memory_space<vmem>>, vector<16xf32>,
          %mul3A_1104 = arith.mulf %get3A_1103, %broadcast_in_dim3A_1061 : vector<16xf32>
          %swap3A_1105 = arith.index_cast %add3A_1065 : i32 to index
          %swap3A_1106 = arith.constant 80 : index
          %swap3A_1107 = tpu.vector_load %arg12[%swap3A_1105, %swap3A_1106] {strides = array<i32>} : memref<128x128xf32, #tpu.memory_space<vmem>>, vector<16xf32>,
          tpu.vector_store %arg12[%swap3A_1105, %swap3A_1106], %mul3A_1104 {strides = array<i32>} : memref<128x128xf32, #tpu.memory_space<vmem>>, vector<16xf32>,
          %get3A_1108 = arith.index_cast %add3A_1065 : i32 to index
          %get3A_1109 = arith.constant 96 : index
          %get3A_1110 = tpu.vector_load %arg12[%get3A_1108, %get3A_1109] {strides = array<i32>} : memref<128x128xf32, #tpu.memory_space<vmem>>, vector<16xf32>,
          %mul3A_1111 = arith.mulf %get3A_1110, %broadcast_in_dim3A_1061 : vector<16xf32>
          %swap3A_1112 = arith.index_cast %add3A_1065 : i32 to index
          %swap3A_1113 = arith.constant 96 : index
          %swap3A_1114 = tpu.vector_load %arg12[%swap3A_1112, %swap3A_1113] {strides = array<i32>} : memref<128x128xf32, #tpu.memory_space<vmem>>, vector<16xf32>,
          tpu.vector_store %arg12[%swap3A_1112, %swap3A_1113], %mul3A_1111 {strides = array<i32>} : memref<128x128xf32, #tpu.memory_space<vmem>>, vector<16xf32>,
          %get3A_1115 = arith.index_cast %add3A_1065 : i32 to index
          %get3A_1116 = arith.constant 112 : index
          %get3A_1117 = tpu.vector_load %arg12[%get3A_1115, %get3A_1116] {strides = array<i32>} : memref<128x128xf32, #tpu.memory_space<vmem>>, vector<16xf32>,
          %mul3A_1118 = arith.mulf %get3A_1117, %broadcast_in_dim3A_1061 : vector<16xf32>
          %swap3A_1119 = arith.index_cast %add3A_1065 : i32 to index
          %swap3A_1120 = arith.constant 112 : index
          %swap3A_1121 = tpu.vector_load %arg12[%swap3A_1119, %swap3A_1120] {strides = array<i32>} : memref<128x128xf32, #tpu.memory_space<vmem>>, vector<16xf32>,
          tpu.vector_store %arg12[%swap3A_1119, %swap3A_1120], %mul3A_1118 {strides = array<i32>} : memref<128x128xf32, #tpu.memory_space<vmem>>, vector<16xf32>,
          %slice3A_1122 = vector.extract_strided_slice %get3A_169 {offsets = [15], sizes = [1], strides = [1]} : vector<16xf32> to vector<1xf32>
          %squeeze3A_1123 = vector.extract %slice3A_1122[0] : f32 from vector<1xf32>
          %broadcast_in_dim3A_1124 = vector.broadcast %squeeze3A_1123 : f32 to vector<16xf32>
          %mul3A_1125 = arith.constant 16 : i32
          %mul3A_1126 = arith.muli %scan3A_165, %mul3A_1125 : i32
          %add3A_1127 = arith.constant 15 : i32
          %add3A_1128 = arith.addi %mul3A_1126, %add3A_1127 : i32
          %get3A_1129 = arith.index_cast %add3A_1128 : i32 to index
          %get3A_1130 = arith.constant 0 : index
          %get3A_1131 = tpu.vector_load %arg12[%get3A_1129, %get3A_1130] {strides = array<i32>} : memref<128x128xf32, #tpu.memory_space<vmem>>, vector<16xf32>,
          %mul3A_1132 = arith.mulf %get3A_1131, %broadcast_in_dim3A_1124 : vector<16xf32>
          %swap3A_1133 = arith.index_cast %add3A_1128 : i32 to index
          %swap3A_1134 = arith.constant 0 : index
          %swap3A_1135 = tpu.vector_load %arg12[%swap3A_1133, %swap3A_1134] {strides = array<i32>} : memref<128x128xf32, #tpu.memory_space<vmem>>, vector<16xf32>,
          tpu.vector_store %arg12[%swap3A_1133, %swap3A_1134], %mul3A_1132 {strides = array<i32>} : memref<128x128xf32, #tpu.memory_space<vmem>>, vector<16xf32>,
          %get3A_1136 = arith.index_cast %add3A_1128 : i32 to index
          %get3A_1137 = arith.constant 16 : index
          %get3A_1138 = tpu.vector_load %arg12[%get3A_1136, %get3A_1137] {strides = array<i32>} : memref<128x128xf32, #tpu.memory_space<vmem>>, vector<16xf32>,
          %mul3A_1139 = arith.mulf %get3A_1138, %broadcast_in_dim3A_1124 : vector<16xf32>
          %swap3A_1140 = arith.index_cast %add3A_1128 : i32 to index
          %swap3A_1141 = arith.constant 16 : index
          %swap3A_1142 = tpu.vector_load %arg12[%swap3A_1140, %swap3A_1141] {strides = array<i32>} : memref<128x128xf32, #tpu.memory_space<vmem>>, vector<16xf32>,
          tpu.vector_store %arg12[%swap3A_1140, %swap3A_1141], %mul3A_1139 {strides = array<i32>} : memref<128x128xf32, #tpu.memory_space<vmem>>, vector<16xf32>,
          %get3A_1143 = arith.index_cast %add3A_1128 : i32 to index
          %get3A_1144 = arith.constant 32 : index
          %get3A_1145 = tpu.vector_load %arg12[%get3A_1143, %get3A_1144] {strides = array<i32>} : memref<128x128xf32, #tpu.memory_space<vmem>>, vector<16xf32>,
          %mul3A_1146 = arith.mulf %get3A_1145, %broadcast_in_dim3A_1124 : vector<16xf32>
          %swap3A_1147 = arith.index_cast %add3A_1128 : i32 to index
          %swap3A_1148 = arith.constant 32 : index
          %swap3A_1149 = tpu.vector_load %arg12[%swap3A_1147, %swap3A_1148] {strides = array<i32>} : memref<128x128xf32, #tpu.memory_space<vmem>>, vector<16xf32>,
          tpu.vector_store %arg12[%swap3A_1147, %swap3A_1148], %mul3A_1146 {strides = array<i32>} : memref<128x128xf32, #tpu.memory_space<vmem>>, vector<16xf32>,
          %get3A_1150 = arith.index_cast %add3A_1128 : i32 to index
          %get3A_1151 = arith.constant 48 : index
          %get3A_1152 = tpu.vector_load %arg12[%get3A_1150, %get3A_1151] {strides = array<i32>} : memref<128x128xf32, #tpu.memory_space<vmem>>, vector<16xf32>,
          %mul3A_1153 = arith.mulf %get3A_1152, %broadcast_in_dim3A_1124 : vector<16xf32>
          %swap3A_1154 = arith.index_cast %add3A_1128 : i32 to index
          %swap3A_1155 = arith.constant 48 : index
          %swap3A_1156 = tpu.vector_load %arg12[%swap3A_1154, %swap3A_1155] {strides = array<i32>} : memref<128x128xf32, #tpu.memory_space<vmem>>, vector<16xf32>,
          tpu.vector_store %arg12[%swap3A_1154, %swap3A_1155], %mul3A_1153 {strides = array<i32>} : memref<128x128xf32, #tpu.memory_space<vmem>>, vector<16xf32>,
          %get3A_1157 = arith.index_cast %add3A_1128 : i32 to index
          %get3A_1158 = arith.constant 64 : index
          %get3A_1159 = tpu.vector_load %arg12[%get3A_1157, %get3A_1158] {strides = array<i32>} : memref<128x128xf32, #tpu.memory_space<vmem>>, vector<16xf32>,
          %mul3A_1160 = arith.mulf %get3A_1159, %broadcast_in_dim3A_1124 : vector<16xf32>
          %swap3A_1161 = arith.index_cast %add3A_1128 : i32 to index
          %swap3A_1162 = arith.constant 64 : index
          %swap3A_1163 = tpu.vector_load %arg12[%swap3A_1161, %swap3A_1162] {strides = array<i32>} : memref<128x128xf32, #tpu.memory_space<vmem>>, vector<16xf32>,
          tpu.vector_store %arg12[%swap3A_1161, %swap3A_1162], %mul3A_1160 {strides = array<i32>} : memref<128x128xf32, #tpu.memory_space<vmem>>, vector<16xf32>,
          %get3A_1164 = arith.index_cast %add3A_1128 : i32 to index
          %get3A_1165 = arith.constant 80 : index
          %get3A_1166 = tpu.vector_load %arg12[%get3A_1164, %get3A_1165] {strides = array<i32>} : memref<128x128xf32, #tpu.memory_space<vmem>>, vector<16xf32>,
          %mul3A_1167 = arith.mulf %get3A_1166, %broadcast_in_dim3A_1124 : vector<16xf32>
          %swap3A_1168 = arith.index_cast %add3A_1128 : i32 to index
          %swap3A_1169 = arith.constant 80 : index
          %swap3A_1170 = tpu.vector_load %arg12[%swap3A_1168, %swap3A_1169] {strides = array<i32>} : memref<128x128xf32, #tpu.memory_space<vmem>>, vector<16xf32>,
          tpu.vector_store %arg12[%swap3A_1168, %swap3A_1169], %mul3A_1167 {strides = array<i32>} : memref<128x128xf32, #tpu.memory_space<vmem>>, vector<16xf32>,
          %get3A_1171 = arith.index_cast %add3A_1128 : i32 to index
          %get3A_1172 = arith.constant 96 : index
          %get3A_1173 = tpu.vector_load %arg12[%get3A_1171, %get3A_1172] {strides = array<i32>} : memref<128x128xf32, #tpu.memory_space<vmem>>, vector<16xf32>,
          %mul3A_1174 = arith.mulf %get3A_1173, %broadcast_in_dim3A_1124 : vector<16xf32>
          %swap3A_1175 = arith.index_cast %add3A_1128 : i32 to index
          %swap3A_1176 = arith.constant 96 : index
          %swap3A_1177 = tpu.vector_load %arg12[%swap3A_1175, %swap3A_1176] {strides = array<i32>} : memref<128x128xf32, #tpu.memory_space<vmem>>, vector<16xf32>,
          tpu.vector_store %arg12[%swap3A_1175, %swap3A_1176], %mul3A_1174 {strides = array<i32>} : memref<128x128xf32, #tpu.memory_space<vmem>>, vector<16xf32>,
          %get3A_1178 = arith.index_cast %add3A_1128 : i32 to index
          %get3A_1179 = arith.constant 112 : index
          %get3A_1180 = tpu.vector_load %arg12[%get3A_1178, %get3A_1179] {strides = array<i32>} : memref<128x128xf32, #tpu.memory_space<vmem>>, vector<16xf32>,
          %mul3A_1181 = arith.mulf %get3A_1180, %broadcast_in_dim3A_1124 : vector<16xf32>
          %swap3A_1182 = arith.index_cast %add3A_1128 : i32 to index
          %swap3A_1183 = arith.constant 112 : index
          %swap3A_1184 = tpu.vector_load %arg12[%swap3A_1182, %swap3A_1183] {strides = array<i32>} : memref<128x128xf32, #tpu.memory_space<vmem>>, vector<16xf32>,
          tpu.vector_store %arg12[%swap3A_1182, %swap3A_1183], %mul3A_1181 {strides = array<i32>} : memref<128x128xf32, #tpu.memory_space<vmem>>, vector<16xf32>,
        }
        %scan3A_147 = arith.constant 8 : i32
        %dma_wait3A_148 = arith.constant 0 : i32
        %dma_wait3A_149 = tpu.memref_slice %arg8[%mul3A_99, %dma_wait3A_148] : memref<8x128xi32, #tpu.memory_space<vmem>> -> memref<1x128xi32, #tpu.memory_space<vmem>>
        %dma_wait3A_150 = tpu.memref_squeeze %dma_wait3A_149 : memref<1x128xi32, #tpu.memory_space<vmem>> -> memref<128xi32, #tpu.memory_space<vmem>>
        %dma_wait3A_151 = arith.constant 0 : i32
        %dma_wait3A_152 = arith.constant 0 : i32
        %dma_wait3A_153 = tpu.memref_slice %arg19[%dma_wait3A_151, %dma_wait3A_152] : memref<10240x128xf32, #tpu.memory_space<vmem_shared>> -> memref<10240x128xf32, #tpu.memory_space<vmem_shared>>
        tpu.wait_indirect_dma semaphore(%arg17 : memref<!tpu.dma_semaphore, #tpu.memory_space<semaphore_mem>>) src(%arg11 : memref<128x128xf32, #tpu.memory_space<vmem>>) dst(%dma_wait3A_153 : memref<10240x128xf32, #tpu.memory_space<vmem_shared>>)
        %lt3A_154 = arith.constant 3 : i32
        %lt3A_155 = arith.cmpi slt, %scan3A_97, %lt3A_154 : i32
        %convert_element_type3A_156 = arith.extui %lt3A_155 : i1 to i32
        %cond3A_157 = arith.constant 0 : i32
        %cond3A_158 = arith.cmpi ne, %convert_element_type3A_156, %cond3A_157 : i32
        scf.if %cond3A_158 {
          %add3A_165 = arith.constant 2 : i32
          %add3A_166 = arith.addi %mul3A_99, %add3A_165 : i32
          %dma_start3A_167 = arith.constant 0 : i32
          %dma_start3A_168 = tpu.memref_slice %arg9[%add3A_166, %dma_start3A_167] : memref<8x128xi32, #tpu.memory_space<vmem>> -> memref<1x128xi32, #tpu.memory_space<vmem>>
          %dma_start3A_169 = tpu.memref_squeeze %dma_start3A_168 : memref<1x128xi32, #tpu.memory_space<vmem>> -> memref<128xi32, #tpu.memory_space<vmem>>
          %dma_start3A_170 = arith.constant 0 : i32
          %dma_start3A_171 = arith.constant 0 : i32
          %dma_start3A_172 = tpu.memref_slice %arg2[%dma_start3A_170, %dma_start3A_171] : memref<20000x128xf32, #tpu.memory_space<hbm>> -> memref<20000x128xf32, #tpu.memory_space<hbm>>
          tpu.enqueue_indirect_dma source(%dma_start3A_172 : memref<20000x128xf32, #tpu.memory_space<hbm>>) target(%arg11 : memref<128x128xf32, #tpu.memory_space<vmem>>) offsets(%dma_start3A_169 : memref<128xi32, #tpu.memory_space<vmem>>) semaphore(%arg15 : memref<!tpu.dma_semaphore, #tpu.memory_space<semaphore_mem>>)
        } else {
        }
        %dma_start3A_159 = arith.constant 0 : i32
        %dma_start3A_160 = tpu.memref_slice %arg8[%add3A_103, %dma_start3A_159] : memref<8x128xi32, #tpu.memory_space<vmem>> -> memref<1x128xi32, #tpu.memory_space<vmem>>
        %dma_start3A_161 = tpu.memref_squeeze %dma_start3A_160 : memref<1x128xi32, #tpu.memory_space<vmem>> -> memref<128xi32, #tpu.memory_space<vmem>>
        %dma_start3A_162 = arith.constant 0 : i32
        %dma_start3A_163 = arith.constant 0 : i32
        %dma_start3A_164 = tpu.memref_slice %arg19[%dma_start3A_162, %dma_start3A_163] : memref<10240x128xf32, #tpu.memory_space<vmem_shared>> -> memref<10240x128xf32, #tpu.memory_space<vmem_shared>>
        tpu.enqueue_indirect_dma source(%arg12 : memref<128x128xf32, #tpu.memory_space<vmem>>) target(%dma_start3A_164 : memref<10240x128xf32, #tpu.memory_space<vmem_shared>>) offsets(%dma_start3A_161 : memref<128xi32, #tpu.memory_space<vmem>>) semaphore(%arg18 : memref<!tpu.dma_semaphore, #tpu.memory_space<semaphore_mem>>) {add = true}
      }
      %scan3A_96 = arith.constant 4 : i32
    }
    %scan3A_66 = arith.constant 10 : i32
    %dma_wait3A = arith.constant 7 : i32
    %dma_wait3A_67 = arith.constant 0 : i32
    %dma_wait3A_68 = tpu.memref_slice %arg8[%dma_wait3A, %dma_wait3A_67] : memref<8x128xi32, #tpu.memory_space<vmem>> -> memref<1x128xi32, #tpu.memory_space<vmem>>
    %dma_wait3A_69 = tpu.memref_squeeze %dma_wait3A_68 : memref<1x128xi32, #tpu.memory_space<vmem>> -> memref<128xi32, #tpu.memory_space<vmem>>
    %dma_wait3A_70 = arith.constant 0 : i32
    %dma_wait3A_71 = arith.constant 0 : i32
    %dma_wait3A_72 = tpu.memref_slice %arg19[%dma_wait3A_70, %dma_wait3A_71] : memref<10240x128xf32, #tpu.memory_space<vmem_shared>> -> memref<10240x128xf32, #tpu.memory_space<vmem_shared>>
    tpu.wait_indirect_dma semaphore(%arg18 : memref<!tpu.dma_semaphore, #tpu.memory_space<semaphore_mem>>) src(%arg12 : memref<128x128xf32, #tpu.memory_space<vmem>>) dst(%dma_wait3A_72 : memref<10240x128xf32, #tpu.memory_space<vmem_shared>>)
    "tpu.region"() ({
      %run_scoped3A = tpu.sem_alloc : memref<!tpu.dma_semaphore, #tpu.memory_space<semaphore_mem>>
      %dma_start3A = arith.constant 0 : i32
      %dma_start3A_82 = arith.constant 0 : i32
      %dma_start3A_83 = tpu.memref_slice %arg20[%dma_start3A, %dma_start3A_82] : memref<80x128xf32, #tpu.memory_space<vmem_shared>> -> memref<80x128xf32, #tpu.memory_space<vmem_shared>>
      tpu.enqueue_indirect_dma source(%arg13 : memref<80x128xf32, #tpu.memory_space<vmem>>) target(%dma_start3A_83 : memref<80x128xf32, #tpu.memory_space<vmem_shared>>) offsets(%arg14 : memref<80xi32, #tpu.memory_space<vmem>>) semaphore(%run_scoped3A : memref<!tpu.dma_semaphore, #tpu.memory_space<semaphore_mem>>) {add = true}
      %dma_wait3A_84 = arith.constant 0 : i32
      %dma_wait3A_85 = arith.constant 0 : i32
      %dma_wait3A_86 = tpu.memref_slice %arg20[%dma_wait3A_84, %dma_wait3A_85] : memref<80x128xf32, #tpu.memory_space<vmem_shared>> -> memref<80x128xf32, #tpu.memory_space<vmem_shared>>
      tpu.wait_indirect_dma semaphore(%run_scoped3A : memref<!tpu.dma_semaphore, #tpu.memory_space<semaphore_mem>>) src(%arg13 : memref<80x128xf32, #tpu.memory_space<vmem>>) dst(%dma_wait3A_86 : memref<80x128xf32, #tpu.memory_space<vmem_shared>>)
      tpu.yield
    }) : () -> ()
    %barrier3A_73 = arith.constant 0 : index
    tpu.barrier barrier_id(%barrier3A_73)
    %mul3A_74 = arith.constant 5 : i32
    %mul3A_75 = arith.muli %arg1, %mul3A_74 : i32
    "tpu.region"() ({
      %run_scoped3A = tpu.sem_alloc : memref<!tpu.dma_semaphore, #tpu.memory_space<semaphore_mem>>
      %dma_start3A = arith.constant 0 : i32
      %dma_start3A_82 = arith.constant 0 : i32
      %dma_start3A_83 = tpu.memref_slice %arg13[%dma_start3A, %dma_start3A_82] : memref<80x128xf32, #tpu.memory_space<vmem>> -> memref<5x128xf32, #tpu.memory_space<vmem>>
      %dma_start3A_84 = arith.constant 0 : i32
      %dma_start3A_85 = tpu.memref_slice %arg20[%mul3A_75, %dma_start3A_84] : memref<80x128xf32, #tpu.memory_space<vmem_shared>> -> memref<5x128xf32, #tpu.memory_space<vmem_shared>>
      %dma_start3A_86 = arith.constant 0 : i32
      %dma_start3A_87 = arith.constant 0 : i32
      %dma_start3A_88 = tpu.memref_slice %arg13[%dma_start3A_86, %dma_start3A_87] : memref<80x128xf32, #tpu.memory_space<vmem>> -> memref<5x128xf32, #tpu.memory_space<vmem>>
      %dma_start3A_89 = arith.constant 0 : i32
      %dma_start3A_90 = tpu.memref_slice %arg20[%mul3A_75, %dma_start3A_89] : memref<80x128xf32, #tpu.memory_space<vmem_shared>> -> memref<5x128xf32, #tpu.memory_space<vmem_shared>>
      tpu.enqueue_dma source(%dma_start3A_90 : memref<5x128xf32, #tpu.memory_space<vmem_shared>>) target(%dma_start3A_88 : memref<5x128xf32, #tpu.memory_space<vmem>>) target_semaphore(%run_scoped3A : memref<!tpu.dma_semaphore, #tpu.memory_space<semaphore_mem>>)
      %dma_wait3A_91 = arith.constant 0 : i32
      %dma_wait3A_92 = arith.constant 0 : i32
      %dma_wait3A_93 = tpu.memref_slice %arg13[%dma_wait3A_91, %dma_wait3A_92] : memref<80x128xf32, #tpu.memory_space<vmem>> -> memref<5x128xf32, #tpu.memory_space<vmem>>
      %dma_wait3A_94 = arith.constant 0 : i32
      %dma_wait3A_95 = tpu.memref_slice %arg20[%mul3A_75, %dma_wait3A_94] : memref<80x128xf32, #tpu.memory_space<vmem_shared>> -> memref<5x128xf32, #tpu.memory_space<vmem_shared>>
      %dma_wait3A_96 = arith.constant 0 : i32
      %dma_wait3A_97 = arith.constant 0 : i32
      %dma_wait3A_98 = tpu.memref_slice %arg13[%dma_wait3A_96, %dma_wait3A_97] : memref<80x128xf32, #tpu.memory_space<vmem>> -> memref<5x128xf32, #tpu.memory_space<vmem>>
      %dma_wait3A_99 = arith.constant 0 : i32
      %dma_wait3A_100 = tpu.memref_slice %arg20[%mul3A_75, %dma_wait3A_99] : memref<80x128xf32, #tpu.memory_space<vmem_shared>> -> memref<5x128xf32, #tpu.memory_space<vmem_shared>>
      tpu.wait_dma2 semaphore(%run_scoped3A : memref<!tpu.dma_semaphore, #tpu.memory_space<semaphore_mem>>) src(%dma_wait3A_100 : memref<5x128xf32, #tpu.memory_space<vmem_shared>>) dst(%dma_wait3A_98 : memref<5x128xf32, #tpu.memory_space<vmem>>)
      tpu.yield
    }) : () -> ()
    %scan3A_76 = arith.constant 0 : i32
    %scan3A_77 = arith.constant 0 : i32
    %scan3A_78 = arith.constant 5 : i32
    %scan3A_79 = arith.addi %scan3A_77, %scan3A_78 : i32
    %scan3A_80 = arith.constant 1 : i32
    scf.for %scan3A_82 = %scan3A_77 to %scan3A_79 step %scan3A_80  : i32 {
      %mul3A_83 = arith.constant 640 : i32
      %mul3A_84 = arith.muli %arg1, %mul3A_83 : i32
      %mul3A_85 = arith.constant 128 : i32
      %mul3A_86 = arith.muli %scan3A_82, %mul3A_85 : i32
      %add3A_87 = arith.addi %mul3A_84, %mul3A_86 : i32
      "tpu.region"() ({
        %run_scoped3A = tpu.sem_alloc : memref<!tpu.dma_semaphore, #tpu.memory_space<semaphore_mem>>
        %dma_start3A = arith.constant 0 : i32
        %dma_start3A_103 = tpu.memref_slice %arg19[%add3A_87, %dma_start3A] : memref<10240x128xf32, #tpu.memory_space<vmem_shared>> -> memref<128x128xf32, #tpu.memory_space<vmem_shared>>
        %dma_start3A_104 = arith.constant 0 : i32
        %dma_start3A_105 = tpu.memref_slice %arg19[%add3A_87, %dma_start3A_104] : memref<10240x128xf32, #tpu.memory_space<vmem_shared>> -> memref<128x128xf32, #tpu.memory_space<vmem_shared>>
        tpu.enqueue_dma source(%dma_start3A_105 : memref<128x128xf32, #tpu.memory_space<vmem_shared>>) target(%arg11 : memref<128x128xf32, #tpu.memory_space<vmem>>) target_semaphore(%run_scoped3A : memref<!tpu.dma_semaphore, #tpu.memory_space<semaphore_mem>>)
        %dma_wait3A_106 = arith.constant 0 : i32
        %dma_wait3A_107 = tpu.memref_slice %arg19[%add3A_87, %dma_wait3A_106] : memref<10240x128xf32, #tpu.memory_space<vmem_shared>> -> memref<128x128xf32, #tpu.memory_space<vmem_shared>>
        %dma_wait3A_108 = arith.constant 0 : i32
        %dma_wait3A_109 = tpu.memref_slice %arg19[%add3A_87, %dma_wait3A_108] : memref<10240x128xf32, #tpu.memory_space<vmem_shared>> -> memref<128x128xf32, #tpu.memory_space<vmem_shared>>
        tpu.wait_dma2 semaphore(%run_scoped3A : memref<!tpu.dma_semaphore, #tpu.memory_space<semaphore_mem>>) src(%dma_wait3A_109 : memref<128x128xf32, #tpu.memory_space<vmem_shared>>) dst(%arg11 : memref<128x128xf32, #tpu.memory_space<vmem>>)
        tpu.yield
      }) : () -> ()
      %scan3A_88 = arith.constant 0 : i32
      %scan3A_89 = arith.constant 0 : i32
      %scan3A_90 = arith.constant 8 : i32
      %scan3A_91 = arith.addi %scan3A_89, %scan3A_90 : i32
      %scan3A_92 = arith.constant 1 : i32
      scf.for %scan3A_103 = %scan3A_89 to %scan3A_91 step %scan3A_92  : i32 {
        %mul3A_104 = arith.constant 16 : i32
        %mul3A_105 = arith.muli %scan3A_103, %mul3A_104 : i32
        %get3A = arith.index_cast %scan3A_82 : i32 to index
        %get3A_106 = arith.index_cast %mul3A_105 : i32 to index
        %get3A_107 = tpu.vector_load %arg13[%get3A, %get3A_106] {strides = array<i32>} : memref<80x128xf32, #tpu.memory_space<vmem>>, vector<16xf32>,
        %max3A = arith.constant 1.000000e+00 : f32
        %max3A_108 = vector.broadcast %max3A : f32 to vector<16xf32>
        %max3A_109 = arith.maximumf %get3A_107, %max3A_108 : vector<16xf32>
        %div3A = arith.constant 1.000000e+00 : f32
        %div3A_110 = vector.broadcast %div3A : f32 to vector<16xf32>
        %div3A_111 = arith.divf %div3A_110, %max3A_109 : vector<16xf32>
        %slice3A = vector.extract_strided_slice %div3A_111 {offsets = [0], sizes = [1], strides = [1]} : vector<16xf32> to vector<1xf32>
        %squeeze3A = vector.extract %slice3A[0] : f32 from vector<1xf32>
        %broadcast_in_dim3A_112 = vector.broadcast %squeeze3A : f32 to vector<16xf32>
        %mul3A_113 = arith.constant 16 : i32
        %mul3A_114 = arith.muli %scan3A_103, %mul3A_113 : i32
        %add3A_115 = arith.constant 0 : i32
        %add3A_116 = arith.addi %mul3A_114, %add3A_115 : i32
        %get3A_117 = arith.index_cast %add3A_116 : i32 to index
        %get3A_118 = arith.constant 0 : index
        %get3A_119 = tpu.vector_load %arg11[%get3A_117, %get3A_118] {strides = array<i32>} : memref<128x128xf32, #tpu.memory_space<vmem>>, vector<16xf32>,
        %mul3A_120 = arith.mulf %get3A_119, %broadcast_in_dim3A_112 : vector<16xf32>
        %swap3A_121 = arith.index_cast %add3A_116 : i32 to index
        %swap3A_122 = arith.constant 0 : index
        %swap3A_123 = tpu.vector_load %arg11[%swap3A_121, %swap3A_122] {strides = array<i32>} : memref<128x128xf32, #tpu.memory_space<vmem>>, vector<16xf32>,
        tpu.vector_store %arg11[%swap3A_121, %swap3A_122], %mul3A_120 {strides = array<i32>} : memref<128x128xf32, #tpu.memory_space<vmem>>, vector<16xf32>,
        %get3A_124 = arith.index_cast %add3A_116 : i32 to index
        %get3A_125 = arith.constant 16 : index
        %get3A_126 = tpu.vector_load %arg11[%get3A_124, %get3A_125] {strides = array<i32>} : memref<128x128xf32, #tpu.memory_space<vmem>>, vector<16xf32>,
        %mul3A_127 = arith.mulf %get3A_126, %broadcast_in_dim3A_112 : vector<16xf32>
        %swap3A_128 = arith.index_cast %add3A_116 : i32 to index
        %swap3A_129 = arith.constant 16 : index
        %swap3A_130 = tpu.vector_load %arg11[%swap3A_128, %swap3A_129] {strides = array<i32>} : memref<128x128xf32, #tpu.memory_space<vmem>>, vector<16xf32>,
        tpu.vector_store %arg11[%swap3A_128, %swap3A_129], %mul3A_127 {strides = array<i32>} : memref<128x128xf32, #tpu.memory_space<vmem>>, vector<16xf32>,
        %get3A_131 = arith.index_cast %add3A_116 : i32 to index
        %get3A_132 = arith.constant 32 : index
        %get3A_133 = tpu.vector_load %arg11[%get3A_131, %get3A_132] {strides = array<i32>} : memref<128x128xf32, #tpu.memory_space<vmem>>, vector<16xf32>,
        %mul3A_134 = arith.mulf %get3A_133, %broadcast_in_dim3A_112 : vector<16xf32>
        %swap3A_135 = arith.index_cast %add3A_116 : i32 to index
        %swap3A_136 = arith.constant 32 : index
        %swap3A_137 = tpu.vector_load %arg11[%swap3A_135, %swap3A_136] {strides = array<i32>} : memref<128x128xf32, #tpu.memory_space<vmem>>, vector<16xf32>,
        tpu.vector_store %arg11[%swap3A_135, %swap3A_136], %mul3A_134 {strides = array<i32>} : memref<128x128xf32, #tpu.memory_space<vmem>>, vector<16xf32>,
        %get3A_138 = arith.index_cast %add3A_116 : i32 to index
        %get3A_139 = arith.constant 48 : index
        %get3A_140 = tpu.vector_load %arg11[%get3A_138, %get3A_139] {strides = array<i32>} : memref<128x128xf32, #tpu.memory_space<vmem>>, vector<16xf32>,
        %mul3A_141 = arith.mulf %get3A_140, %broadcast_in_dim3A_112 : vector<16xf32>
        %swap3A_142 = arith.index_cast %add3A_116 : i32 to index
        %swap3A_143 = arith.constant 48 : index
        %swap3A_144 = tpu.vector_load %arg11[%swap3A_142, %swap3A_143] {strides = array<i32>} : memref<128x128xf32, #tpu.memory_space<vmem>>, vector<16xf32>,
        tpu.vector_store %arg11[%swap3A_142, %swap3A_143], %mul3A_141 {strides = array<i32>} : memref<128x128xf32, #tpu.memory_space<vmem>>, vector<16xf32>,
        %get3A_145 = arith.index_cast %add3A_116 : i32 to index
        %get3A_146 = arith.constant 64 : index
        %get3A_147 = tpu.vector_load %arg11[%get3A_145, %get3A_146] {strides = array<i32>} : memref<128x128xf32, #tpu.memory_space<vmem>>, vector<16xf32>,
        %mul3A_148 = arith.mulf %get3A_147, %broadcast_in_dim3A_112 : vector<16xf32>
        %swap3A_149 = arith.index_cast %add3A_116 : i32 to index
        %swap3A_150 = arith.constant 64 : index
        %swap3A_151 = tpu.vector_load %arg11[%swap3A_149, %swap3A_150] {strides = array<i32>} : memref<128x128xf32, #tpu.memory_space<vmem>>, vector<16xf32>,
        tpu.vector_store %arg11[%swap3A_149, %swap3A_150], %mul3A_148 {strides = array<i32>} : memref<128x128xf32, #tpu.memory_space<vmem>>, vector<16xf32>,
        %get3A_152 = arith.index_cast %add3A_116 : i32 to index
        %get3A_153 = arith.constant 80 : index
        %get3A_154 = tpu.vector_load %arg11[%get3A_152, %get3A_153] {strides = array<i32>} : memref<128x128xf32, #tpu.memory_space<vmem>>, vector<16xf32>,
        %mul3A_155 = arith.mulf %get3A_154, %broadcast_in_dim3A_112 : vector<16xf32>
        %swap3A_156 = arith.index_cast %add3A_116 : i32 to index
        %swap3A_157 = arith.constant 80 : index
        %swap3A_158 = tpu.vector_load %arg11[%swap3A_156, %swap3A_157] {strides = array<i32>} : memref<128x128xf32, #tpu.memory_space<vmem>>, vector<16xf32>,
        tpu.vector_store %arg11[%swap3A_156, %swap3A_157], %mul3A_155 {strides = array<i32>} : memref<128x128xf32, #tpu.memory_space<vmem>>, vector<16xf32>,
        %get3A_159 = arith.index_cast %add3A_116 : i32 to index
        %get3A_160 = arith.constant 96 : index
        %get3A_161 = tpu.vector_load %arg11[%get3A_159, %get3A_160] {strides = array<i32>} : memref<128x128xf32, #tpu.memory_space<vmem>>, vector<16xf32>,
        %mul3A_162 = arith.mulf %get3A_161, %broadcast_in_dim3A_112 : vector<16xf32>
        %swap3A_163 = arith.index_cast %add3A_116 : i32 to index
        %swap3A_164 = arith.constant 96 : index
        %swap3A_165 = tpu.vector_load %arg11[%swap3A_163, %swap3A_164] {strides = array<i32>} : memref<128x128xf32, #tpu.memory_space<vmem>>, vector<16xf32>,
        tpu.vector_store %arg11[%swap3A_163, %swap3A_164], %mul3A_162 {strides = array<i32>} : memref<128x128xf32, #tpu.memory_space<vmem>>, vector<16xf32>,
        %get3A_166 = arith.index_cast %add3A_116 : i32 to index
        %get3A_167 = arith.constant 112 : index
        %get3A_168 = tpu.vector_load %arg11[%get3A_166, %get3A_167] {strides = array<i32>} : memref<128x128xf32, #tpu.memory_space<vmem>>, vector<16xf32>,
        %mul3A_169 = arith.mulf %get3A_168, %broadcast_in_dim3A_112 : vector<16xf32>
        %swap3A_170 = arith.index_cast %add3A_116 : i32 to index
        %swap3A_171 = arith.constant 112 : index
        %swap3A_172 = tpu.vector_load %arg11[%swap3A_170, %swap3A_171] {strides = array<i32>} : memref<128x128xf32, #tpu.memory_space<vmem>>, vector<16xf32>,
        tpu.vector_store %arg11[%swap3A_170, %swap3A_171], %mul3A_169 {strides = array<i32>} : memref<128x128xf32, #tpu.memory_space<vmem>>, vector<16xf32>,
        %slice3A_173 = vector.extract_strided_slice %div3A_111 {offsets = [1], sizes = [1], strides = [1]} : vector<16xf32> to vector<1xf32>
        %squeeze3A_174 = vector.extract %slice3A_173[0] : f32 from vector<1xf32>
        %broadcast_in_dim3A_175 = vector.broadcast %squeeze3A_174 : f32 to vector<16xf32>
        %mul3A_176 = arith.constant 16 : i32
        %mul3A_177 = arith.muli %scan3A_103, %mul3A_176 : i32
        %add3A_178 = arith.constant 1 : i32
        %add3A_179 = arith.addi %mul3A_177, %add3A_178 : i32
        %get3A_180 = arith.index_cast %add3A_179 : i32 to index
        %get3A_181 = arith.constant 0 : index
        %get3A_182 = tpu.vector_load %arg11[%get3A_180, %get3A_181] {strides = array<i32>} : memref<128x128xf32, #tpu.memory_space<vmem>>, vector<16xf32>,
        %mul3A_183 = arith.mulf %get3A_182, %broadcast_in_dim3A_175 : vector<16xf32>
        %swap3A_184 = arith.index_cast %add3A_179 : i32 to index
        %swap3A_185 = arith.constant 0 : index
        %swap3A_186 = tpu.vector_load %arg11[%swap3A_184, %swap3A_185] {strides = array<i32>} : memref<128x128xf32, #tpu.memory_space<vmem>>, vector<16xf32>,
        tpu.vector_store %arg11[%swap3A_184, %swap3A_185], %mul3A_183 {strides = array<i32>} : memref<128x128xf32, #tpu.memory_space<vmem>>, vector<16xf32>,
        %get3A_187 = arith.index_cast %add3A_179 : i32 to index
        %get3A_188 = arith.constant 16 : index
        %get3A_189 = tpu.vector_load %arg11[%get3A_187, %get3A_188] {strides = array<i32>} : memref<128x128xf32, #tpu.memory_space<vmem>>, vector<16xf32>,
        %mul3A_190 = arith.mulf %get3A_189, %broadcast_in_dim3A_175 : vector<16xf32>
        %swap3A_191 = arith.index_cast %add3A_179 : i32 to index
        %swap3A_192 = arith.constant 16 : index
        %swap3A_193 = tpu.vector_load %arg11[%swap3A_191, %swap3A_192] {strides = array<i32>} : memref<128x128xf32, #tpu.memory_space<vmem>>, vector<16xf32>,
        tpu.vector_store %arg11[%swap3A_191, %swap3A_192], %mul3A_190 {strides = array<i32>} : memref<128x128xf32, #tpu.memory_space<vmem>>, vector<16xf32>,
        %get3A_194 = arith.index_cast %add3A_179 : i32 to index
        %get3A_195 = arith.constant 32 : index
        %get3A_196 = tpu.vector_load %arg11[%get3A_194, %get3A_195] {strides = array<i32>} : memref<128x128xf32, #tpu.memory_space<vmem>>, vector<16xf32>,
        %mul3A_197 = arith.mulf %get3A_196, %broadcast_in_dim3A_175 : vector<16xf32>
        %swap3A_198 = arith.index_cast %add3A_179 : i32 to index
        %swap3A_199 = arith.constant 32 : index
        %swap3A_200 = tpu.vector_load %arg11[%swap3A_198, %swap3A_199] {strides = array<i32>} : memref<128x128xf32, #tpu.memory_space<vmem>>, vector<16xf32>,
        tpu.vector_store %arg11[%swap3A_198, %swap3A_199], %mul3A_197 {strides = array<i32>} : memref<128x128xf32, #tpu.memory_space<vmem>>, vector<16xf32>,
        %get3A_201 = arith.index_cast %add3A_179 : i32 to index
        %get3A_202 = arith.constant 48 : index
        %get3A_203 = tpu.vector_load %arg11[%get3A_201, %get3A_202] {strides = array<i32>} : memref<128x128xf32, #tpu.memory_space<vmem>>, vector<16xf32>,
        %mul3A_204 = arith.mulf %get3A_203, %broadcast_in_dim3A_175 : vector<16xf32>
        %swap3A_205 = arith.index_cast %add3A_179 : i32 to index
        %swap3A_206 = arith.constant 48 : index
        %swap3A_207 = tpu.vector_load %arg11[%swap3A_205, %swap3A_206] {strides = array<i32>} : memref<128x128xf32, #tpu.memory_space<vmem>>, vector<16xf32>,
        tpu.vector_store %arg11[%swap3A_205, %swap3A_206], %mul3A_204 {strides = array<i32>} : memref<128x128xf32, #tpu.memory_space<vmem>>, vector<16xf32>,
        %get3A_208 = arith.index_cast %add3A_179 : i32 to index
        %get3A_209 = arith.constant 64 : index
        %get3A_210 = tpu.vector_load %arg11[%get3A_208, %get3A_209] {strides = array<i32>} : memref<128x128xf32, #tpu.memory_space<vmem>>, vector<16xf32>,
        %mul3A_211 = arith.mulf %get3A_210, %broadcast_in_dim3A_175 : vector<16xf32>
        %swap3A_212 = arith.index_cast %add3A_179 : i32 to index
        %swap3A_213 = arith.constant 64 : index
        %swap3A_214 = tpu.vector_load %arg11[%swap3A_212, %swap3A_213] {strides = array<i32>} : memref<128x128xf32, #tpu.memory_space<vmem>>, vector<16xf32>,
        tpu.vector_store %arg11[%swap3A_212, %swap3A_213], %mul3A_211 {strides = array<i32>} : memref<128x128xf32, #tpu.memory_space<vmem>>, vector<16xf32>,
        %get3A_215 = arith.index_cast %add3A_179 : i32 to index
        %get3A_216 = arith.constant 80 : index
        %get3A_217 = tpu.vector_load %arg11[%get3A_215, %get3A_216] {strides = array<i32>} : memref<128x128xf32, #tpu.memory_space<vmem>>, vector<16xf32>,
        %mul3A_218 = arith.mulf %get3A_217, %broadcast_in_dim3A_175 : vector<16xf32>
        %swap3A_219 = arith.index_cast %add3A_179 : i32 to index
        %swap3A_220 = arith.constant 80 : index
        %swap3A_221 = tpu.vector_load %arg11[%swap3A_219, %swap3A_220] {strides = array<i32>} : memref<128x128xf32, #tpu.memory_space<vmem>>, vector<16xf32>,
        tpu.vector_store %arg11[%swap3A_219, %swap3A_220], %mul3A_218 {strides = array<i32>} : memref<128x128xf32, #tpu.memory_space<vmem>>, vector<16xf32>,
        %get3A_222 = arith.index_cast %add3A_179 : i32 to index
        %get3A_223 = arith.constant 96 : index
        %get3A_224 = tpu.vector_load %arg11[%get3A_222, %get3A_223] {strides = array<i32>} : memref<128x128xf32, #tpu.memory_space<vmem>>, vector<16xf32>,
        %mul3A_225 = arith.mulf %get3A_224, %broadcast_in_dim3A_175 : vector<16xf32>
        %swap3A_226 = arith.index_cast %add3A_179 : i32 to index
        %swap3A_227 = arith.constant 96 : index
        %swap3A_228 = tpu.vector_load %arg11[%swap3A_226, %swap3A_227] {strides = array<i32>} : memref<128x128xf32, #tpu.memory_space<vmem>>, vector<16xf32>,
        tpu.vector_store %arg11[%swap3A_226, %swap3A_227], %mul3A_225 {strides = array<i32>} : memref<128x128xf32, #tpu.memory_space<vmem>>, vector<16xf32>,
        %get3A_229 = arith.index_cast %add3A_179 : i32 to index
        %get3A_230 = arith.constant 112 : index
        %get3A_231 = tpu.vector_load %arg11[%get3A_229, %get3A_230] {strides = array<i32>} : memref<128x128xf32, #tpu.memory_space<vmem>>, vector<16xf32>,
        %mul3A_232 = arith.mulf %get3A_231, %broadcast_in_dim3A_175 : vector<16xf32>
        %swap3A_233 = arith.index_cast %add3A_179 : i32 to index
        %swap3A_234 = arith.constant 112 : index
        %swap3A_235 = tpu.vector_load %arg11[%swap3A_233, %swap3A_234] {strides = array<i32>} : memref<128x128xf32, #tpu.memory_space<vmem>>, vector<16xf32>,
        tpu.vector_store %arg11[%swap3A_233, %swap3A_234], %mul3A_232 {strides = array<i32>} : memref<128x128xf32, #tpu.memory_space<vmem>>, vector<16xf32>,
        %slice3A_236 = vector.extract_strided_slice %div3A_111 {offsets = [2], sizes = [1], strides = [1]} : vector<16xf32> to vector<1xf32>
        %squeeze3A_237 = vector.extract %slice3A_236[0] : f32 from vector<1xf32>
        %broadcast_in_dim3A_238 = vector.broadcast %squeeze3A_237 : f32 to vector<16xf32>
        %mul3A_239 = arith.constant 16 : i32
        %mul3A_240 = arith.muli %scan3A_103, %mul3A_239 : i32
        %add3A_241 = arith.constant 2 : i32
        %add3A_242 = arith.addi %mul3A_240, %add3A_241 : i32
        %get3A_243 = arith.index_cast %add3A_242 : i32 to index
        %get3A_244 = arith.constant 0 : index
        %get3A_245 = tpu.vector_load %arg11[%get3A_243, %get3A_244] {strides = array<i32>} : memref<128x128xf32, #tpu.memory_space<vmem>>, vector<16xf32>,
        %mul3A_246 = arith.mulf %get3A_245, %broadcast_in_dim3A_238 : vector<16xf32>
        %swap3A_247 = arith.index_cast %add3A_242 : i32 to index
        %swap3A_248 = arith.constant 0 : index
        %swap3A_249 = tpu.vector_load %arg11[%swap3A_247, %swap3A_248] {strides = array<i32>} : memref<128x128xf32, #tpu.memory_space<vmem>>, vector<16xf32>,
        tpu.vector_store %arg11[%swap3A_247, %swap3A_248], %mul3A_246 {strides = array<i32>} : memref<128x128xf32, #tpu.memory_space<vmem>>, vector<16xf32>,
        %get3A_250 = arith.index_cast %add3A_242 : i32 to index
        %get3A_251 = arith.constant 16 : index
        %get3A_252 = tpu.vector_load %arg11[%get3A_250, %get3A_251] {strides = array<i32>} : memref<128x128xf32, #tpu.memory_space<vmem>>, vector<16xf32>,
        %mul3A_253 = arith.mulf %get3A_252, %broadcast_in_dim3A_238 : vector<16xf32>
        %swap3A_254 = arith.index_cast %add3A_242 : i32 to index
        %swap3A_255 = arith.constant 16 : index
        %swap3A_256 = tpu.vector_load %arg11[%swap3A_254, %swap3A_255] {strides = array<i32>} : memref<128x128xf32, #tpu.memory_space<vmem>>, vector<16xf32>,
        tpu.vector_store %arg11[%swap3A_254, %swap3A_255], %mul3A_253 {strides = array<i32>} : memref<128x128xf32, #tpu.memory_space<vmem>>, vector<16xf32>,
        %get3A_257 = arith.index_cast %add3A_242 : i32 to index
        %get3A_258 = arith.constant 32 : index
        %get3A_259 = tpu.vector_load %arg11[%get3A_257, %get3A_258] {strides = array<i32>} : memref<128x128xf32, #tpu.memory_space<vmem>>, vector<16xf32>,
        %mul3A_260 = arith.mulf %get3A_259, %broadcast_in_dim3A_238 : vector<16xf32>
        %swap3A_261 = arith.index_cast %add3A_242 : i32 to index
        %swap3A_262 = arith.constant 32 : index
        %swap3A_263 = tpu.vector_load %arg11[%swap3A_261, %swap3A_262] {strides = array<i32>} : memref<128x128xf32, #tpu.memory_space<vmem>>, vector<16xf32>,
        tpu.vector_store %arg11[%swap3A_261, %swap3A_262], %mul3A_260 {strides = array<i32>} : memref<128x128xf32, #tpu.memory_space<vmem>>, vector<16xf32>,
        %get3A_264 = arith.index_cast %add3A_242 : i32 to index
        %get3A_265 = arith.constant 48 : index
        %get3A_266 = tpu.vector_load %arg11[%get3A_264, %get3A_265] {strides = array<i32>} : memref<128x128xf32, #tpu.memory_space<vmem>>, vector<16xf32>,
        %mul3A_267 = arith.mulf %get3A_266, %broadcast_in_dim3A_238 : vector<16xf32>
        %swap3A_268 = arith.index_cast %add3A_242 : i32 to index
        %swap3A_269 = arith.constant 48 : index
        %swap3A_270 = tpu.vector_load %arg11[%swap3A_268, %swap3A_269] {strides = array<i32>} : memref<128x128xf32, #tpu.memory_space<vmem>>, vector<16xf32>,
        tpu.vector_store %arg11[%swap3A_268, %swap3A_269], %mul3A_267 {strides = array<i32>} : memref<128x128xf32, #tpu.memory_space<vmem>>, vector<16xf32>,
        %get3A_271 = arith.index_cast %add3A_242 : i32 to index
        %get3A_272 = arith.constant 64 : index
        %get3A_273 = tpu.vector_load %arg11[%get3A_271, %get3A_272] {strides = array<i32>} : memref<128x128xf32, #tpu.memory_space<vmem>>, vector<16xf32>,
        %mul3A_274 = arith.mulf %get3A_273, %broadcast_in_dim3A_238 : vector<16xf32>
        %swap3A_275 = arith.index_cast %add3A_242 : i32 to index
        %swap3A_276 = arith.constant 64 : index
        %swap3A_277 = tpu.vector_load %arg11[%swap3A_275, %swap3A_276] {strides = array<i32>} : memref<128x128xf32, #tpu.memory_space<vmem>>, vector<16xf32>,
        tpu.vector_store %arg11[%swap3A_275, %swap3A_276], %mul3A_274 {strides = array<i32>} : memref<128x128xf32, #tpu.memory_space<vmem>>, vector<16xf32>,
        %get3A_278 = arith.index_cast %add3A_242 : i32 to index
        %get3A_279 = arith.constant 80 : index
        %get3A_280 = tpu.vector_load %arg11[%get3A_278, %get3A_279] {strides = array<i32>} : memref<128x128xf32, #tpu.memory_space<vmem>>, vector<16xf32>,
        %mul3A_281 = arith.mulf %get3A_280, %broadcast_in_dim3A_238 : vector<16xf32>
        %swap3A_282 = arith.index_cast %add3A_242 : i32 to index
        %swap3A_283 = arith.constant 80 : index
        %swap3A_284 = tpu.vector_load %arg11[%swap3A_282, %swap3A_283] {strides = array<i32>} : memref<128x128xf32, #tpu.memory_space<vmem>>, vector<16xf32>,
        tpu.vector_store %arg11[%swap3A_282, %swap3A_283], %mul3A_281 {strides = array<i32>} : memref<128x128xf32, #tpu.memory_space<vmem>>, vector<16xf32>,
        %get3A_285 = arith.index_cast %add3A_242 : i32 to index
        %get3A_286 = arith.constant 96 : index
        %get3A_287 = tpu.vector_load %arg11[%get3A_285, %get3A_286] {strides = array<i32>} : memref<128x128xf32, #tpu.memory_space<vmem>>, vector<16xf32>,
        %mul3A_288 = arith.mulf %get3A_287, %broadcast_in_dim3A_238 : vector<16xf32>
        %swap3A_289 = arith.index_cast %add3A_242 : i32 to index
        %swap3A_290 = arith.constant 96 : index
        %swap3A_291 = tpu.vector_load %arg11[%swap3A_289, %swap3A_290] {strides = array<i32>} : memref<128x128xf32, #tpu.memory_space<vmem>>, vector<16xf32>,
        tpu.vector_store %arg11[%swap3A_289, %swap3A_290], %mul3A_288 {strides = array<i32>} : memref<128x128xf32, #tpu.memory_space<vmem>>, vector<16xf32>,
        %get3A_292 = arith.index_cast %add3A_242 : i32 to index
        %get3A_293 = arith.constant 112 : index
        %get3A_294 = tpu.vector_load %arg11[%get3A_292, %get3A_293] {strides = array<i32>} : memref<128x128xf32, #tpu.memory_space<vmem>>, vector<16xf32>,
        %mul3A_295 = arith.mulf %get3A_294, %broadcast_in_dim3A_238 : vector<16xf32>
        %swap3A_296 = arith.index_cast %add3A_242 : i32 to index
        %swap3A_297 = arith.constant 112 : index
        %swap3A_298 = tpu.vector_load %arg11[%swap3A_296, %swap3A_297] {strides = array<i32>} : memref<128x128xf32, #tpu.memory_space<vmem>>, vector<16xf32>,
        tpu.vector_store %arg11[%swap3A_296, %swap3A_297], %mul3A_295 {strides = array<i32>} : memref<128x128xf32, #tpu.memory_space<vmem>>, vector<16xf32>,
        %slice3A_299 = vector.extract_strided_slice %div3A_111 {offsets = [3], sizes = [1], strides = [1]} : vector<16xf32> to vector<1xf32>
        %squeeze3A_300 = vector.extract %slice3A_299[0] : f32 from vector<1xf32>
        %broadcast_in_dim3A_301 = vector.broadcast %squeeze3A_300 : f32 to vector<16xf32>
        %mul3A_302 = arith.constant 16 : i32
        %mul3A_303 = arith.muli %scan3A_103, %mul3A_302 : i32
        %add3A_304 = arith.constant 3 : i32
        %add3A_305 = arith.addi %mul3A_303, %add3A_304 : i32
        %get3A_306 = arith.index_cast %add3A_305 : i32 to index
        %get3A_307 = arith.constant 0 : index
        %get3A_308 = tpu.vector_load %arg11[%get3A_306, %get3A_307] {strides = array<i32>} : memref<128x128xf32, #tpu.memory_space<vmem>>, vector<16xf32>,
        %mul3A_309 = arith.mulf %get3A_308, %broadcast_in_dim3A_301 : vector<16xf32>
        %swap3A_310 = arith.index_cast %add3A_305 : i32 to index
        %swap3A_311 = arith.constant 0 : index
        %swap3A_312 = tpu.vector_load %arg11[%swap3A_310, %swap3A_311] {strides = array<i32>} : memref<128x128xf32, #tpu.memory_space<vmem>>, vector<16xf32>,
        tpu.vector_store %arg11[%swap3A_310, %swap3A_311], %mul3A_309 {strides = array<i32>} : memref<128x128xf32, #tpu.memory_space<vmem>>, vector<16xf32>,
        %get3A_313 = arith.index_cast %add3A_305 : i32 to index
        %get3A_314 = arith.constant 16 : index
        %get3A_315 = tpu.vector_load %arg11[%get3A_313, %get3A_314] {strides = array<i32>} : memref<128x128xf32, #tpu.memory_space<vmem>>, vector<16xf32>,
        %mul3A_316 = arith.mulf %get3A_315, %broadcast_in_dim3A_301 : vector<16xf32>
        %swap3A_317 = arith.index_cast %add3A_305 : i32 to index
        %swap3A_318 = arith.constant 16 : index
        %swap3A_319 = tpu.vector_load %arg11[%swap3A_317, %swap3A_318] {strides = array<i32>} : memref<128x128xf32, #tpu.memory_space<vmem>>, vector<16xf32>,
        tpu.vector_store %arg11[%swap3A_317, %swap3A_318], %mul3A_316 {strides = array<i32>} : memref<128x128xf32, #tpu.memory_space<vmem>>, vector<16xf32>,
        %get3A_320 = arith.index_cast %add3A_305 : i32 to index
        %get3A_321 = arith.constant 32 : index
        %get3A_322 = tpu.vector_load %arg11[%get3A_320, %get3A_321] {strides = array<i32>} : memref<128x128xf32, #tpu.memory_space<vmem>>, vector<16xf32>,
        %mul3A_323 = arith.mulf %get3A_322, %broadcast_in_dim3A_301 : vector<16xf32>
        %swap3A_324 = arith.index_cast %add3A_305 : i32 to index
        %swap3A_325 = arith.constant 32 : index
        %swap3A_326 = tpu.vector_load %arg11[%swap3A_324, %swap3A_325] {strides = array<i32>} : memref<128x128xf32, #tpu.memory_space<vmem>>, vector<16xf32>,
        tpu.vector_store %arg11[%swap3A_324, %swap3A_325], %mul3A_323 {strides = array<i32>} : memref<128x128xf32, #tpu.memory_space<vmem>>, vector<16xf32>,
        %get3A_327 = arith.index_cast %add3A_305 : i32 to index
        %get3A_328 = arith.constant 48 : index
        %get3A_329 = tpu.vector_load %arg11[%get3A_327, %get3A_328] {strides = array<i32>} : memref<128x128xf32, #tpu.memory_space<vmem>>, vector<16xf32>,
        %mul3A_330 = arith.mulf %get3A_329, %broadcast_in_dim3A_301 : vector<16xf32>
        %swap3A_331 = arith.index_cast %add3A_305 : i32 to index
        %swap3A_332 = arith.constant 48 : index
        %swap3A_333 = tpu.vector_load %arg11[%swap3A_331, %swap3A_332] {strides = array<i32>} : memref<128x128xf32, #tpu.memory_space<vmem>>, vector<16xf32>,
        tpu.vector_store %arg11[%swap3A_331, %swap3A_332], %mul3A_330 {strides = array<i32>} : memref<128x128xf32, #tpu.memory_space<vmem>>, vector<16xf32>,
        %get3A_334 = arith.index_cast %add3A_305 : i32 to index
        %get3A_335 = arith.constant 64 : index
        %get3A_336 = tpu.vector_load %arg11[%get3A_334, %get3A_335] {strides = array<i32>} : memref<128x128xf32, #tpu.memory_space<vmem>>, vector<16xf32>,
        %mul3A_337 = arith.mulf %get3A_336, %broadcast_in_dim3A_301 : vector<16xf32>
        %swap3A_338 = arith.index_cast %add3A_305 : i32 to index
        %swap3A_339 = arith.constant 64 : index
        %swap3A_340 = tpu.vector_load %arg11[%swap3A_338, %swap3A_339] {strides = array<i32>} : memref<128x128xf32, #tpu.memory_space<vmem>>, vector<16xf32>,
        tpu.vector_store %arg11[%swap3A_338, %swap3A_339], %mul3A_337 {strides = array<i32>} : memref<128x128xf32, #tpu.memory_space<vmem>>, vector<16xf32>,
        %get3A_341 = arith.index_cast %add3A_305 : i32 to index
        %get3A_342 = arith.constant 80 : index
        %get3A_343 = tpu.vector_load %arg11[%get3A_341, %get3A_342] {strides = array<i32>} : memref<128x128xf32, #tpu.memory_space<vmem>>, vector<16xf32>,
        %mul3A_344 = arith.mulf %get3A_343, %broadcast_in_dim3A_301 : vector<16xf32>
        %swap3A_345 = arith.index_cast %add3A_305 : i32 to index
        %swap3A_346 = arith.constant 80 : index
        %swap3A_347 = tpu.vector_load %arg11[%swap3A_345, %swap3A_346] {strides = array<i32>} : memref<128x128xf32, #tpu.memory_space<vmem>>, vector<16xf32>,
        tpu.vector_store %arg11[%swap3A_345, %swap3A_346], %mul3A_344 {strides = array<i32>} : memref<128x128xf32, #tpu.memory_space<vmem>>, vector<16xf32>,
        %get3A_348 = arith.index_cast %add3A_305 : i32 to index
        %get3A_349 = arith.constant 96 : index
        %get3A_350 = tpu.vector_load %arg11[%get3A_348, %get3A_349] {strides = array<i32>} : memref<128x128xf32, #tpu.memory_space<vmem>>, vector<16xf32>,
        %mul3A_351 = arith.mulf %get3A_350, %broadcast_in_dim3A_301 : vector<16xf32>
        %swap3A_352 = arith.index_cast %add3A_305 : i32 to index
        %swap3A_353 = arith.constant 96 : index
        %swap3A_354 = tpu.vector_load %arg11[%swap3A_352, %swap3A_353] {strides = array<i32>} : memref<128x128xf32, #tpu.memory_space<vmem>>, vector<16xf32>,
        tpu.vector_store %arg11[%swap3A_352, %swap3A_353], %mul3A_351 {strides = array<i32>} : memref<128x128xf32, #tpu.memory_space<vmem>>, vector<16xf32>,
        %get3A_355 = arith.index_cast %add3A_305 : i32 to index
        %get3A_356 = arith.constant 112 : index
        %get3A_357 = tpu.vector_load %arg11[%get3A_355, %get3A_356] {strides = array<i32>} : memref<128x128xf32, #tpu.memory_space<vmem>>, vector<16xf32>,
        %mul3A_358 = arith.mulf %get3A_357, %broadcast_in_dim3A_301 : vector<16xf32>
        %swap3A_359 = arith.index_cast %add3A_305 : i32 to index
        %swap3A_360 = arith.constant 112 : index
        %swap3A_361 = tpu.vector_load %arg11[%swap3A_359, %swap3A_360] {strides = array<i32>} : memref<128x128xf32, #tpu.memory_space<vmem>>, vector<16xf32>,
        tpu.vector_store %arg11[%swap3A_359, %swap3A_360], %mul3A_358 {strides = array<i32>} : memref<128x128xf32, #tpu.memory_space<vmem>>, vector<16xf32>,
        %slice3A_362 = vector.extract_strided_slice %div3A_111 {offsets = [4], sizes = [1], strides = [1]} : vector<16xf32> to vector<1xf32>
        %squeeze3A_363 = vector.extract %slice3A_362[0] : f32 from vector<1xf32>
        %broadcast_in_dim3A_364 = vector.broadcast %squeeze3A_363 : f32 to vector<16xf32>
        %mul3A_365 = arith.constant 16 : i32
        %mul3A_366 = arith.muli %scan3A_103, %mul3A_365 : i32
        %add3A_367 = arith.constant 4 : i32
        %add3A_368 = arith.addi %mul3A_366, %add3A_367 : i32
        %get3A_369 = arith.index_cast %add3A_368 : i32 to index
        %get3A_370 = arith.constant 0 : index
        %get3A_371 = tpu.vector_load %arg11[%get3A_369, %get3A_370] {strides = array<i32>} : memref<128x128xf32, #tpu.memory_space<vmem>>, vector<16xf32>,
        %mul3A_372 = arith.mulf %get3A_371, %broadcast_in_dim3A_364 : vector<16xf32>
        %swap3A_373 = arith.index_cast %add3A_368 : i32 to index
        %swap3A_374 = arith.constant 0 : index
        %swap3A_375 = tpu.vector_load %arg11[%swap3A_373, %swap3A_374] {strides = array<i32>} : memref<128x128xf32, #tpu.memory_space<vmem>>, vector<16xf32>,
        tpu.vector_store %arg11[%swap3A_373, %swap3A_374], %mul3A_372 {strides = array<i32>} : memref<128x128xf32, #tpu.memory_space<vmem>>, vector<16xf32>,
        %get3A_376 = arith.index_cast %add3A_368 : i32 to index
        %get3A_377 = arith.constant 16 : index
        %get3A_378 = tpu.vector_load %arg11[%get3A_376, %get3A_377] {strides = array<i32>} : memref<128x128xf32, #tpu.memory_space<vmem>>, vector<16xf32>,
        %mul3A_379 = arith.mulf %get3A_378, %broadcast_in_dim3A_364 : vector<16xf32>
        %swap3A_380 = arith.index_cast %add3A_368 : i32 to index
        %swap3A_381 = arith.constant 16 : index
        %swap3A_382 = tpu.vector_load %arg11[%swap3A_380, %swap3A_381] {strides = array<i32>} : memref<128x128xf32, #tpu.memory_space<vmem>>, vector<16xf32>,
        tpu.vector_store %arg11[%swap3A_380, %swap3A_381], %mul3A_379 {strides = array<i32>} : memref<128x128xf32, #tpu.memory_space<vmem>>, vector<16xf32>,
        %get3A_383 = arith.index_cast %add3A_368 : i32 to index
        %get3A_384 = arith.constant 32 : index
        %get3A_385 = tpu.vector_load %arg11[%get3A_383, %get3A_384] {strides = array<i32>} : memref<128x128xf32, #tpu.memory_space<vmem>>, vector<16xf32>,
        %mul3A_386 = arith.mulf %get3A_385, %broadcast_in_dim3A_364 : vector<16xf32>
        %swap3A_387 = arith.index_cast %add3A_368 : i32 to index
        %swap3A_388 = arith.constant 32 : index
        %swap3A_389 = tpu.vector_load %arg11[%swap3A_387, %swap3A_388] {strides = array<i32>} : memref<128x128xf32, #tpu.memory_space<vmem>>, vector<16xf32>,
        tpu.vector_store %arg11[%swap3A_387, %swap3A_388], %mul3A_386 {strides = array<i32>} : memref<128x128xf32, #tpu.memory_space<vmem>>, vector<16xf32>,
        %get3A_390 = arith.index_cast %add3A_368 : i32 to index
        %get3A_391 = arith.constant 48 : index
        %get3A_392 = tpu.vector_load %arg11[%get3A_390, %get3A_391] {strides = array<i32>} : memref<128x128xf32, #tpu.memory_space<vmem>>, vector<16xf32>,
        %mul3A_393 = arith.mulf %get3A_392, %broadcast_in_dim3A_364 : vector<16xf32>
        %swap3A_394 = arith.index_cast %add3A_368 : i32 to index
        %swap3A_395 = arith.constant 48 : index
        %swap3A_396 = tpu.vector_load %arg11[%swap3A_394, %swap3A_395] {strides = array<i32>} : memref<128x128xf32, #tpu.memory_space<vmem>>, vector<16xf32>,
        tpu.vector_store %arg11[%swap3A_394, %swap3A_395], %mul3A_393 {strides = array<i32>} : memref<128x128xf32, #tpu.memory_space<vmem>>, vector<16xf32>,
        %get3A_397 = arith.index_cast %add3A_368 : i32 to index
        %get3A_398 = arith.constant 64 : index
        %get3A_399 = tpu.vector_load %arg11[%get3A_397, %get3A_398] {strides = array<i32>} : memref<128x128xf32, #tpu.memory_space<vmem>>, vector<16xf32>,
        %mul3A_400 = arith.mulf %get3A_399, %broadcast_in_dim3A_364 : vector<16xf32>
        %swap3A_401 = arith.index_cast %add3A_368 : i32 to index
        %swap3A_402 = arith.constant 64 : index
        %swap3A_403 = tpu.vector_load %arg11[%swap3A_401, %swap3A_402] {strides = array<i32>} : memref<128x128xf32, #tpu.memory_space<vmem>>, vector<16xf32>,
        tpu.vector_store %arg11[%swap3A_401, %swap3A_402], %mul3A_400 {strides = array<i32>} : memref<128x128xf32, #tpu.memory_space<vmem>>, vector<16xf32>,
        %get3A_404 = arith.index_cast %add3A_368 : i32 to index
        %get3A_405 = arith.constant 80 : index
        %get3A_406 = tpu.vector_load %arg11[%get3A_404, %get3A_405] {strides = array<i32>} : memref<128x128xf32, #tpu.memory_space<vmem>>, vector<16xf32>,
        %mul3A_407 = arith.mulf %get3A_406, %broadcast_in_dim3A_364 : vector<16xf32>
        %swap3A_408 = arith.index_cast %add3A_368 : i32 to index
        %swap3A_409 = arith.constant 80 : index
        %swap3A_410 = tpu.vector_load %arg11[%swap3A_408, %swap3A_409] {strides = array<i32>} : memref<128x128xf32, #tpu.memory_space<vmem>>, vector<16xf32>,
        tpu.vector_store %arg11[%swap3A_408, %swap3A_409], %mul3A_407 {strides = array<i32>} : memref<128x128xf32, #tpu.memory_space<vmem>>, vector<16xf32>,
        %get3A_411 = arith.index_cast %add3A_368 : i32 to index
        %get3A_412 = arith.constant 96 : index
        %get3A_413 = tpu.vector_load %arg11[%get3A_411, %get3A_412] {strides = array<i32>} : memref<128x128xf32, #tpu.memory_space<vmem>>, vector<16xf32>,
        %mul3A_414 = arith.mulf %get3A_413, %broadcast_in_dim3A_364 : vector<16xf32>
        %swap3A_415 = arith.index_cast %add3A_368 : i32 to index
        %swap3A_416 = arith.constant 96 : index
        %swap3A_417 = tpu.vector_load %arg11[%swap3A_415, %swap3A_416] {strides = array<i32>} : memref<128x128xf32, #tpu.memory_space<vmem>>, vector<16xf32>,
        tpu.vector_store %arg11[%swap3A_415, %swap3A_416], %mul3A_414 {strides = array<i32>} : memref<128x128xf32, #tpu.memory_space<vmem>>, vector<16xf32>,
        %get3A_418 = arith.index_cast %add3A_368 : i32 to index
        %get3A_419 = arith.constant 112 : index
        %get3A_420 = tpu.vector_load %arg11[%get3A_418, %get3A_419] {strides = array<i32>} : memref<128x128xf32, #tpu.memory_space<vmem>>, vector<16xf32>,
        %mul3A_421 = arith.mulf %get3A_420, %broadcast_in_dim3A_364 : vector<16xf32>
        %swap3A_422 = arith.index_cast %add3A_368 : i32 to index
        %swap3A_423 = arith.constant 112 : index
        %swap3A_424 = tpu.vector_load %arg11[%swap3A_422, %swap3A_423] {strides = array<i32>} : memref<128x128xf32, #tpu.memory_space<vmem>>, vector<16xf32>,
        tpu.vector_store %arg11[%swap3A_422, %swap3A_423], %mul3A_421 {strides = array<i32>} : memref<128x128xf32, #tpu.memory_space<vmem>>, vector<16xf32>,
        %slice3A_425 = vector.extract_strided_slice %div3A_111 {offsets = [5], sizes = [1], strides = [1]} : vector<16xf32> to vector<1xf32>
        %squeeze3A_426 = vector.extract %slice3A_425[0] : f32 from vector<1xf32>
        %broadcast_in_dim3A_427 = vector.broadcast %squeeze3A_426 : f32 to vector<16xf32>
        %mul3A_428 = arith.constant 16 : i32
        %mul3A_429 = arith.muli %scan3A_103, %mul3A_428 : i32
        %add3A_430 = arith.constant 5 : i32
        %add3A_431 = arith.addi %mul3A_429, %add3A_430 : i32
        %get3A_432 = arith.index_cast %add3A_431 : i32 to index
        %get3A_433 = arith.constant 0 : index
        %get3A_434 = tpu.vector_load %arg11[%get3A_432, %get3A_433] {strides = array<i32>} : memref<128x128xf32, #tpu.memory_space<vmem>>, vector<16xf32>,
        %mul3A_435 = arith.mulf %get3A_434, %broadcast_in_dim3A_427 : vector<16xf32>
        %swap3A_436 = arith.index_cast %add3A_431 : i32 to index
        %swap3A_437 = arith.constant 0 : index
        %swap3A_438 = tpu.vector_load %arg11[%swap3A_436, %swap3A_437] {strides = array<i32>} : memref<128x128xf32, #tpu.memory_space<vmem>>, vector<16xf32>,
        tpu.vector_store %arg11[%swap3A_436, %swap3A_437], %mul3A_435 {strides = array<i32>} : memref<128x128xf32, #tpu.memory_space<vmem>>, vector<16xf32>,
        %get3A_439 = arith.index_cast %add3A_431 : i32 to index
        %get3A_440 = arith.constant 16 : index
        %get3A_441 = tpu.vector_load %arg11[%get3A_439, %get3A_440] {strides = array<i32>} : memref<128x128xf32, #tpu.memory_space<vmem>>, vector<16xf32>,
        %mul3A_442 = arith.mulf %get3A_441, %broadcast_in_dim3A_427 : vector<16xf32>
        %swap3A_443 = arith.index_cast %add3A_431 : i32 to index
        %swap3A_444 = arith.constant 16 : index
        %swap3A_445 = tpu.vector_load %arg11[%swap3A_443, %swap3A_444] {strides = array<i32>} : memref<128x128xf32, #tpu.memory_space<vmem>>, vector<16xf32>,
        tpu.vector_store %arg11[%swap3A_443, %swap3A_444], %mul3A_442 {strides = array<i32>} : memref<128x128xf32, #tpu.memory_space<vmem>>, vector<16xf32>,
        %get3A_446 = arith.index_cast %add3A_431 : i32 to index
        %get3A_447 = arith.constant 32 : index
        %get3A_448 = tpu.vector_load %arg11[%get3A_446, %get3A_447] {strides = array<i32>} : memref<128x128xf32, #tpu.memory_space<vmem>>, vector<16xf32>,
        %mul3A_449 = arith.mulf %get3A_448, %broadcast_in_dim3A_427 : vector<16xf32>
        %swap3A_450 = arith.index_cast %add3A_431 : i32 to index
        %swap3A_451 = arith.constant 32 : index
        %swap3A_452 = tpu.vector_load %arg11[%swap3A_450, %swap3A_451] {strides = array<i32>} : memref<128x128xf32, #tpu.memory_space<vmem>>, vector<16xf32>,
        tpu.vector_store %arg11[%swap3A_450, %swap3A_451], %mul3A_449 {strides = array<i32>} : memref<128x128xf32, #tpu.memory_space<vmem>>, vector<16xf32>,
        %get3A_453 = arith.index_cast %add3A_431 : i32 to index
        %get3A_454 = arith.constant 48 : index
        %get3A_455 = tpu.vector_load %arg11[%get3A_453, %get3A_454] {strides = array<i32>} : memref<128x128xf32, #tpu.memory_space<vmem>>, vector<16xf32>,
        %mul3A_456 = arith.mulf %get3A_455, %broadcast_in_dim3A_427 : vector<16xf32>
        %swap3A_457 = arith.index_cast %add3A_431 : i32 to index
        %swap3A_458 = arith.constant 48 : index
        %swap3A_459 = tpu.vector_load %arg11[%swap3A_457, %swap3A_458] {strides = array<i32>} : memref<128x128xf32, #tpu.memory_space<vmem>>, vector<16xf32>,
        tpu.vector_store %arg11[%swap3A_457, %swap3A_458], %mul3A_456 {strides = array<i32>} : memref<128x128xf32, #tpu.memory_space<vmem>>, vector<16xf32>,
        %get3A_460 = arith.index_cast %add3A_431 : i32 to index
        %get3A_461 = arith.constant 64 : index
        %get3A_462 = tpu.vector_load %arg11[%get3A_460, %get3A_461] {strides = array<i32>} : memref<128x128xf32, #tpu.memory_space<vmem>>, vector<16xf32>,
        %mul3A_463 = arith.mulf %get3A_462, %broadcast_in_dim3A_427 : vector<16xf32>
        %swap3A_464 = arith.index_cast %add3A_431 : i32 to index
        %swap3A_465 = arith.constant 64 : index
        %swap3A_466 = tpu.vector_load %arg11[%swap3A_464, %swap3A_465] {strides = array<i32>} : memref<128x128xf32, #tpu.memory_space<vmem>>, vector<16xf32>,
        tpu.vector_store %arg11[%swap3A_464, %swap3A_465], %mul3A_463 {strides = array<i32>} : memref<128x128xf32, #tpu.memory_space<vmem>>, vector<16xf32>,
        %get3A_467 = arith.index_cast %add3A_431 : i32 to index
        %get3A_468 = arith.constant 80 : index
        %get3A_469 = tpu.vector_load %arg11[%get3A_467, %get3A_468] {strides = array<i32>} : memref<128x128xf32, #tpu.memory_space<vmem>>, vector<16xf32>,
        %mul3A_470 = arith.mulf %get3A_469, %broadcast_in_dim3A_427 : vector<16xf32>
        %swap3A_471 = arith.index_cast %add3A_431 : i32 to index
        %swap3A_472 = arith.constant 80 : index
        %swap3A_473 = tpu.vector_load %arg11[%swap3A_471, %swap3A_472] {strides = array<i32>} : memref<128x128xf32, #tpu.memory_space<vmem>>, vector<16xf32>,
        tpu.vector_store %arg11[%swap3A_471, %swap3A_472], %mul3A_470 {strides = array<i32>} : memref<128x128xf32, #tpu.memory_space<vmem>>, vector<16xf32>,
        %get3A_474 = arith.index_cast %add3A_431 : i32 to index
        %get3A_475 = arith.constant 96 : index
        %get3A_476 = tpu.vector_load %arg11[%get3A_474, %get3A_475] {strides = array<i32>} : memref<128x128xf32, #tpu.memory_space<vmem>>, vector<16xf32>,
        %mul3A_477 = arith.mulf %get3A_476, %broadcast_in_dim3A_427 : vector<16xf32>
        %swap3A_478 = arith.index_cast %add3A_431 : i32 to index
        %swap3A_479 = arith.constant 96 : index
        %swap3A_480 = tpu.vector_load %arg11[%swap3A_478, %swap3A_479] {strides = array<i32>} : memref<128x128xf32, #tpu.memory_space<vmem>>, vector<16xf32>,
        tpu.vector_store %arg11[%swap3A_478, %swap3A_479], %mul3A_477 {strides = array<i32>} : memref<128x128xf32, #tpu.memory_space<vmem>>, vector<16xf32>,
        %get3A_481 = arith.index_cast %add3A_431 : i32 to index
        %get3A_482 = arith.constant 112 : index
        %get3A_483 = tpu.vector_load %arg11[%get3A_481, %get3A_482] {strides = array<i32>} : memref<128x128xf32, #tpu.memory_space<vmem>>, vector<16xf32>,
        %mul3A_484 = arith.mulf %get3A_483, %broadcast_in_dim3A_427 : vector<16xf32>
        %swap3A_485 = arith.index_cast %add3A_431 : i32 to index
        %swap3A_486 = arith.constant 112 : index
        %swap3A_487 = tpu.vector_load %arg11[%swap3A_485, %swap3A_486] {strides = array<i32>} : memref<128x128xf32, #tpu.memory_space<vmem>>, vector<16xf32>,
        tpu.vector_store %arg11[%swap3A_485, %swap3A_486], %mul3A_484 {strides = array<i32>} : memref<128x128xf32, #tpu.memory_space<vmem>>, vector<16xf32>,
        %slice3A_488 = vector.extract_strided_slice %div3A_111 {offsets = [6], sizes = [1], strides = [1]} : vector<16xf32> to vector<1xf32>
        %squeeze3A_489 = vector.extract %slice3A_488[0] : f32 from vector<1xf32>
        %broadcast_in_dim3A_490 = vector.broadcast %squeeze3A_489 : f32 to vector<16xf32>
        %mul3A_491 = arith.constant 16 : i32
        %mul3A_492 = arith.muli %scan3A_103, %mul3A_491 : i32
        %add3A_493 = arith.constant 6 : i32
        %add3A_494 = arith.addi %mul3A_492, %add3A_493 : i32
        %get3A_495 = arith.index_cast %add3A_494 : i32 to index
        %get3A_496 = arith.constant 0 : index
        %get3A_497 = tpu.vector_load %arg11[%get3A_495, %get3A_496] {strides = array<i32>} : memref<128x128xf32, #tpu.memory_space<vmem>>, vector<16xf32>,
        %mul3A_498 = arith.mulf %get3A_497, %broadcast_in_dim3A_490 : vector<16xf32>
        %swap3A_499 = arith.index_cast %add3A_494 : i32 to index
        %swap3A_500 = arith.constant 0 : index
        %swap3A_501 = tpu.vector_load %arg11[%swap3A_499, %swap3A_500] {strides = array<i32>} : memref<128x128xf32, #tpu.memory_space<vmem>>, vector<16xf32>,
        tpu.vector_store %arg11[%swap3A_499, %swap3A_500], %mul3A_498 {strides = array<i32>} : memref<128x128xf32, #tpu.memory_space<vmem>>, vector<16xf32>,
        %get3A_502 = arith.index_cast %add3A_494 : i32 to index
        %get3A_503 = arith.constant 16 : index
        %get3A_504 = tpu.vector_load %arg11[%get3A_502, %get3A_503] {strides = array<i32>} : memref<128x128xf32, #tpu.memory_space<vmem>>, vector<16xf32>,
        %mul3A_505 = arith.mulf %get3A_504, %broadcast_in_dim3A_490 : vector<16xf32>
        %swap3A_506 = arith.index_cast %add3A_494 : i32 to index
        %swap3A_507 = arith.constant 16 : index
        %swap3A_508 = tpu.vector_load %arg11[%swap3A_506, %swap3A_507] {strides = array<i32>} : memref<128x128xf32, #tpu.memory_space<vmem>>, vector<16xf32>,
        tpu.vector_store %arg11[%swap3A_506, %swap3A_507], %mul3A_505 {strides = array<i32>} : memref<128x128xf32, #tpu.memory_space<vmem>>, vector<16xf32>,
        %get3A_509 = arith.index_cast %add3A_494 : i32 to index
        %get3A_510 = arith.constant 32 : index
        %get3A_511 = tpu.vector_load %arg11[%get3A_509, %get3A_510] {strides = array<i32>} : memref<128x128xf32, #tpu.memory_space<vmem>>, vector<16xf32>,
        %mul3A_512 = arith.mulf %get3A_511, %broadcast_in_dim3A_490 : vector<16xf32>
        %swap3A_513 = arith.index_cast %add3A_494 : i32 to index
        %swap3A_514 = arith.constant 32 : index
        %swap3A_515 = tpu.vector_load %arg11[%swap3A_513, %swap3A_514] {strides = array<i32>} : memref<128x128xf32, #tpu.memory_space<vmem>>, vector<16xf32>,
        tpu.vector_store %arg11[%swap3A_513, %swap3A_514], %mul3A_512 {strides = array<i32>} : memref<128x128xf32, #tpu.memory_space<vmem>>, vector<16xf32>,
        %get3A_516 = arith.index_cast %add3A_494 : i32 to index
        %get3A_517 = arith.constant 48 : index
        %get3A_518 = tpu.vector_load %arg11[%get3A_516, %get3A_517] {strides = array<i32>} : memref<128x128xf32, #tpu.memory_space<vmem>>, vector<16xf32>,
        %mul3A_519 = arith.mulf %get3A_518, %broadcast_in_dim3A_490 : vector<16xf32>
        %swap3A_520 = arith.index_cast %add3A_494 : i32 to index
        %swap3A_521 = arith.constant 48 : index
        %swap3A_522 = tpu.vector_load %arg11[%swap3A_520, %swap3A_521] {strides = array<i32>} : memref<128x128xf32, #tpu.memory_space<vmem>>, vector<16xf32>,
        tpu.vector_store %arg11[%swap3A_520, %swap3A_521], %mul3A_519 {strides = array<i32>} : memref<128x128xf32, #tpu.memory_space<vmem>>, vector<16xf32>,
        %get3A_523 = arith.index_cast %add3A_494 : i32 to index
        %get3A_524 = arith.constant 64 : index
        %get3A_525 = tpu.vector_load %arg11[%get3A_523, %get3A_524] {strides = array<i32>} : memref<128x128xf32, #tpu.memory_space<vmem>>, vector<16xf32>,
        %mul3A_526 = arith.mulf %get3A_525, %broadcast_in_dim3A_490 : vector<16xf32>
        %swap3A_527 = arith.index_cast %add3A_494 : i32 to index
        %swap3A_528 = arith.constant 64 : index
        %swap3A_529 = tpu.vector_load %arg11[%swap3A_527, %swap3A_528] {strides = array<i32>} : memref<128x128xf32, #tpu.memory_space<vmem>>, vector<16xf32>,
        tpu.vector_store %arg11[%swap3A_527, %swap3A_528], %mul3A_526 {strides = array<i32>} : memref<128x128xf32, #tpu.memory_space<vmem>>, vector<16xf32>,
        %get3A_530 = arith.index_cast %add3A_494 : i32 to index
        %get3A_531 = arith.constant 80 : index
        %get3A_532 = tpu.vector_load %arg11[%get3A_530, %get3A_531] {strides = array<i32>} : memref<128x128xf32, #tpu.memory_space<vmem>>, vector<16xf32>,
        %mul3A_533 = arith.mulf %get3A_532, %broadcast_in_dim3A_490 : vector<16xf32>
        %swap3A_534 = arith.index_cast %add3A_494 : i32 to index
        %swap3A_535 = arith.constant 80 : index
        %swap3A_536 = tpu.vector_load %arg11[%swap3A_534, %swap3A_535] {strides = array<i32>} : memref<128x128xf32, #tpu.memory_space<vmem>>, vector<16xf32>,
        tpu.vector_store %arg11[%swap3A_534, %swap3A_535], %mul3A_533 {strides = array<i32>} : memref<128x128xf32, #tpu.memory_space<vmem>>, vector<16xf32>,
        %get3A_537 = arith.index_cast %add3A_494 : i32 to index
        %get3A_538 = arith.constant 96 : index
        %get3A_539 = tpu.vector_load %arg11[%get3A_537, %get3A_538] {strides = array<i32>} : memref<128x128xf32, #tpu.memory_space<vmem>>, vector<16xf32>,
        %mul3A_540 = arith.mulf %get3A_539, %broadcast_in_dim3A_490 : vector<16xf32>
        %swap3A_541 = arith.index_cast %add3A_494 : i32 to index
        %swap3A_542 = arith.constant 96 : index
        %swap3A_543 = tpu.vector_load %arg11[%swap3A_541, %swap3A_542] {strides = array<i32>} : memref<128x128xf32, #tpu.memory_space<vmem>>, vector<16xf32>,
        tpu.vector_store %arg11[%swap3A_541, %swap3A_542], %mul3A_540 {strides = array<i32>} : memref<128x128xf32, #tpu.memory_space<vmem>>, vector<16xf32>,
        %get3A_544 = arith.index_cast %add3A_494 : i32 to index
        %get3A_545 = arith.constant 112 : index
        %get3A_546 = tpu.vector_load %arg11[%get3A_544, %get3A_545] {strides = array<i32>} : memref<128x128xf32, #tpu.memory_space<vmem>>, vector<16xf32>,
        %mul3A_547 = arith.mulf %get3A_546, %broadcast_in_dim3A_490 : vector<16xf32>
        %swap3A_548 = arith.index_cast %add3A_494 : i32 to index
        %swap3A_549 = arith.constant 112 : index
        %swap3A_550 = tpu.vector_load %arg11[%swap3A_548, %swap3A_549] {strides = array<i32>} : memref<128x128xf32, #tpu.memory_space<vmem>>, vector<16xf32>,
        tpu.vector_store %arg11[%swap3A_548, %swap3A_549], %mul3A_547 {strides = array<i32>} : memref<128x128xf32, #tpu.memory_space<vmem>>, vector<16xf32>,
        %slice3A_551 = vector.extract_strided_slice %div3A_111 {offsets = [7], sizes = [1], strides = [1]} : vector<16xf32> to vector<1xf32>
        %squeeze3A_552 = vector.extract %slice3A_551[0] : f32 from vector<1xf32>
        %broadcast_in_dim3A_553 = vector.broadcast %squeeze3A_552 : f32 to vector<16xf32>
        %mul3A_554 = arith.constant 16 : i32
        %mul3A_555 = arith.muli %scan3A_103, %mul3A_554 : i32
        %add3A_556 = arith.constant 7 : i32
        %add3A_557 = arith.addi %mul3A_555, %add3A_556 : i32
        %get3A_558 = arith.index_cast %add3A_557 : i32 to index
        %get3A_559 = arith.constant 0 : index
        %get3A_560 = tpu.vector_load %arg11[%get3A_558, %get3A_559] {strides = array<i32>} : memref<128x128xf32, #tpu.memory_space<vmem>>, vector<16xf32>,
        %mul3A_561 = arith.mulf %get3A_560, %broadcast_in_dim3A_553 : vector<16xf32>
        %swap3A_562 = arith.index_cast %add3A_557 : i32 to index
        %swap3A_563 = arith.constant 0 : index
        %swap3A_564 = tpu.vector_load %arg11[%swap3A_562, %swap3A_563] {strides = array<i32>} : memref<128x128xf32, #tpu.memory_space<vmem>>, vector<16xf32>,
        tpu.vector_store %arg11[%swap3A_562, %swap3A_563], %mul3A_561 {strides = array<i32>} : memref<128x128xf32, #tpu.memory_space<vmem>>, vector<16xf32>,
        %get3A_565 = arith.index_cast %add3A_557 : i32 to index
        %get3A_566 = arith.constant 16 : index
        %get3A_567 = tpu.vector_load %arg11[%get3A_565, %get3A_566] {strides = array<i32>} : memref<128x128xf32, #tpu.memory_space<vmem>>, vector<16xf32>,
        %mul3A_568 = arith.mulf %get3A_567, %broadcast_in_dim3A_553 : vector<16xf32>
        %swap3A_569 = arith.index_cast %add3A_557 : i32 to index
        %swap3A_570 = arith.constant 16 : index
        %swap3A_571 = tpu.vector_load %arg11[%swap3A_569, %swap3A_570] {strides = array<i32>} : memref<128x128xf32, #tpu.memory_space<vmem>>, vector<16xf32>,
        tpu.vector_store %arg11[%swap3A_569, %swap3A_570], %mul3A_568 {strides = array<i32>} : memref<128x128xf32, #tpu.memory_space<vmem>>, vector<16xf32>,
        %get3A_572 = arith.index_cast %add3A_557 : i32 to index
        %get3A_573 = arith.constant 32 : index
        %get3A_574 = tpu.vector_load %arg11[%get3A_572, %get3A_573] {strides = array<i32>} : memref<128x128xf32, #tpu.memory_space<vmem>>, vector<16xf32>,
        %mul3A_575 = arith.mulf %get3A_574, %broadcast_in_dim3A_553 : vector<16xf32>
        %swap3A_576 = arith.index_cast %add3A_557 : i32 to index
        %swap3A_577 = arith.constant 32 : index
        %swap3A_578 = tpu.vector_load %arg11[%swap3A_576, %swap3A_577] {strides = array<i32>} : memref<128x128xf32, #tpu.memory_space<vmem>>, vector<16xf32>,
        tpu.vector_store %arg11[%swap3A_576, %swap3A_577], %mul3A_575 {strides = array<i32>} : memref<128x128xf32, #tpu.memory_space<vmem>>, vector<16xf32>,
        %get3A_579 = arith.index_cast %add3A_557 : i32 to index
        %get3A_580 = arith.constant 48 : index
        %get3A_581 = tpu.vector_load %arg11[%get3A_579, %get3A_580] {strides = array<i32>} : memref<128x128xf32, #tpu.memory_space<vmem>>, vector<16xf32>,
        %mul3A_582 = arith.mulf %get3A_581, %broadcast_in_dim3A_553 : vector<16xf32>
        %swap3A_583 = arith.index_cast %add3A_557 : i32 to index
        %swap3A_584 = arith.constant 48 : index
        %swap3A_585 = tpu.vector_load %arg11[%swap3A_583, %swap3A_584] {strides = array<i32>} : memref<128x128xf32, #tpu.memory_space<vmem>>, vector<16xf32>,
        tpu.vector_store %arg11[%swap3A_583, %swap3A_584], %mul3A_582 {strides = array<i32>} : memref<128x128xf32, #tpu.memory_space<vmem>>, vector<16xf32>,
        %get3A_586 = arith.index_cast %add3A_557 : i32 to index
        %get3A_587 = arith.constant 64 : index
        %get3A_588 = tpu.vector_load %arg11[%get3A_586, %get3A_587] {strides = array<i32>} : memref<128x128xf32, #tpu.memory_space<vmem>>, vector<16xf32>,
        %mul3A_589 = arith.mulf %get3A_588, %broadcast_in_dim3A_553 : vector<16xf32>
        %swap3A_590 = arith.index_cast %add3A_557 : i32 to index
        %swap3A_591 = arith.constant 64 : index
        %swap3A_592 = tpu.vector_load %arg11[%swap3A_590, %swap3A_591] {strides = array<i32>} : memref<128x128xf32, #tpu.memory_space<vmem>>, vector<16xf32>,
        tpu.vector_store %arg11[%swap3A_590, %swap3A_591], %mul3A_589 {strides = array<i32>} : memref<128x128xf32, #tpu.memory_space<vmem>>, vector<16xf32>,
        %get3A_593 = arith.index_cast %add3A_557 : i32 to index
        %get3A_594 = arith.constant 80 : index
        %get3A_595 = tpu.vector_load %arg11[%get3A_593, %get3A_594] {strides = array<i32>} : memref<128x128xf32, #tpu.memory_space<vmem>>, vector<16xf32>,
        %mul3A_596 = arith.mulf %get3A_595, %broadcast_in_dim3A_553 : vector<16xf32>
        %swap3A_597 = arith.index_cast %add3A_557 : i32 to index
        %swap3A_598 = arith.constant 80 : index
        %swap3A_599 = tpu.vector_load %arg11[%swap3A_597, %swap3A_598] {strides = array<i32>} : memref<128x128xf32, #tpu.memory_space<vmem>>, vector<16xf32>,
        tpu.vector_store %arg11[%swap3A_597, %swap3A_598], %mul3A_596 {strides = array<i32>} : memref<128x128xf32, #tpu.memory_space<vmem>>, vector<16xf32>,
        %get3A_600 = arith.index_cast %add3A_557 : i32 to index
        %get3A_601 = arith.constant 96 : index
        %get3A_602 = tpu.vector_load %arg11[%get3A_600, %get3A_601] {strides = array<i32>} : memref<128x128xf32, #tpu.memory_space<vmem>>, vector<16xf32>,
        %mul3A_603 = arith.mulf %get3A_602, %broadcast_in_dim3A_553 : vector<16xf32>
        %swap3A_604 = arith.index_cast %add3A_557 : i32 to index
        %swap3A_605 = arith.constant 96 : index
        %swap3A_606 = tpu.vector_load %arg11[%swap3A_604, %swap3A_605] {strides = array<i32>} : memref<128x128xf32, #tpu.memory_space<vmem>>, vector<16xf32>,
        tpu.vector_store %arg11[%swap3A_604, %swap3A_605], %mul3A_603 {strides = array<i32>} : memref<128x128xf32, #tpu.memory_space<vmem>>, vector<16xf32>,
        %get3A_607 = arith.index_cast %add3A_557 : i32 to index
        %get3A_608 = arith.constant 112 : index
        %get3A_609 = tpu.vector_load %arg11[%get3A_607, %get3A_608] {strides = array<i32>} : memref<128x128xf32, #tpu.memory_space<vmem>>, vector<16xf32>,
        %mul3A_610 = arith.mulf %get3A_609, %broadcast_in_dim3A_553 : vector<16xf32>
        %swap3A_611 = arith.index_cast %add3A_557 : i32 to index
        %swap3A_612 = arith.constant 112 : index
        %swap3A_613 = tpu.vector_load %arg11[%swap3A_611, %swap3A_612] {strides = array<i32>} : memref<128x128xf32, #tpu.memory_space<vmem>>, vector<16xf32>,
        tpu.vector_store %arg11[%swap3A_611, %swap3A_612], %mul3A_610 {strides = array<i32>} : memref<128x128xf32, #tpu.memory_space<vmem>>, vector<16xf32>,
        %slice3A_614 = vector.extract_strided_slice %div3A_111 {offsets = [8], sizes = [1], strides = [1]} : vector<16xf32> to vector<1xf32>
        %squeeze3A_615 = vector.extract %slice3A_614[0] : f32 from vector<1xf32>
        %broadcast_in_dim3A_616 = vector.broadcast %squeeze3A_615 : f32 to vector<16xf32>
        %mul3A_617 = arith.constant 16 : i32
        %mul3A_618 = arith.muli %scan3A_103, %mul3A_617 : i32
        %add3A_619 = arith.constant 8 : i32
        %add3A_620 = arith.addi %mul3A_618, %add3A_619 : i32
        %get3A_621 = arith.index_cast %add3A_620 : i32 to index
        %get3A_622 = arith.constant 0 : index
        %get3A_623 = tpu.vector_load %arg11[%get3A_621, %get3A_622] {strides = array<i32>} : memref<128x128xf32, #tpu.memory_space<vmem>>, vector<16xf32>,
        %mul3A_624 = arith.mulf %get3A_623, %broadcast_in_dim3A_616 : vector<16xf32>
        %swap3A_625 = arith.index_cast %add3A_620 : i32 to index
        %swap3A_626 = arith.constant 0 : index
        %swap3A_627 = tpu.vector_load %arg11[%swap3A_625, %swap3A_626] {strides = array<i32>} : memref<128x128xf32, #tpu.memory_space<vmem>>, vector<16xf32>,
        tpu.vector_store %arg11[%swap3A_625, %swap3A_626], %mul3A_624 {strides = array<i32>} : memref<128x128xf32, #tpu.memory_space<vmem>>, vector<16xf32>,
        %get3A_628 = arith.index_cast %add3A_620 : i32 to index
        %get3A_629 = arith.constant 16 : index
        %get3A_630 = tpu.vector_load %arg11[%get3A_628, %get3A_629] {strides = array<i32>} : memref<128x128xf32, #tpu.memory_space<vmem>>, vector<16xf32>,
        %mul3A_631 = arith.mulf %get3A_630, %broadcast_in_dim3A_616 : vector<16xf32>
        %swap3A_632 = arith.index_cast %add3A_620 : i32 to index
        %swap3A_633 = arith.constant 16 : index
        %swap3A_634 = tpu.vector_load %arg11[%swap3A_632, %swap3A_633] {strides = array<i32>} : memref<128x128xf32, #tpu.memory_space<vmem>>, vector<16xf32>,
        tpu.vector_store %arg11[%swap3A_632, %swap3A_633], %mul3A_631 {strides = array<i32>} : memref<128x128xf32, #tpu.memory_space<vmem>>, vector<16xf32>,
        %get3A_635 = arith.index_cast %add3A_620 : i32 to index
        %get3A_636 = arith.constant 32 : index
        %get3A_637 = tpu.vector_load %arg11[%get3A_635, %get3A_636] {strides = array<i32>} : memref<128x128xf32, #tpu.memory_space<vmem>>, vector<16xf32>,
        %mul3A_638 = arith.mulf %get3A_637, %broadcast_in_dim3A_616 : vector<16xf32>
        %swap3A_639 = arith.index_cast %add3A_620 : i32 to index
        %swap3A_640 = arith.constant 32 : index
        %swap3A_641 = tpu.vector_load %arg11[%swap3A_639, %swap3A_640] {strides = array<i32>} : memref<128x128xf32, #tpu.memory_space<vmem>>, vector<16xf32>,
        tpu.vector_store %arg11[%swap3A_639, %swap3A_640], %mul3A_638 {strides = array<i32>} : memref<128x128xf32, #tpu.memory_space<vmem>>, vector<16xf32>,
        %get3A_642 = arith.index_cast %add3A_620 : i32 to index
        %get3A_643 = arith.constant 48 : index
        %get3A_644 = tpu.vector_load %arg11[%get3A_642, %get3A_643] {strides = array<i32>} : memref<128x128xf32, #tpu.memory_space<vmem>>, vector<16xf32>,
        %mul3A_645 = arith.mulf %get3A_644, %broadcast_in_dim3A_616 : vector<16xf32>
        %swap3A_646 = arith.index_cast %add3A_620 : i32 to index
        %swap3A_647 = arith.constant 48 : index
        %swap3A_648 = tpu.vector_load %arg11[%swap3A_646, %swap3A_647] {strides = array<i32>} : memref<128x128xf32, #tpu.memory_space<vmem>>, vector<16xf32>,
        tpu.vector_store %arg11[%swap3A_646, %swap3A_647], %mul3A_645 {strides = array<i32>} : memref<128x128xf32, #tpu.memory_space<vmem>>, vector<16xf32>,
        %get3A_649 = arith.index_cast %add3A_620 : i32 to index
        %get3A_650 = arith.constant 64 : index
        %get3A_651 = tpu.vector_load %arg11[%get3A_649, %get3A_650] {strides = array<i32>} : memref<128x128xf32, #tpu.memory_space<vmem>>, vector<16xf32>,
        %mul3A_652 = arith.mulf %get3A_651, %broadcast_in_dim3A_616 : vector<16xf32>
        %swap3A_653 = arith.index_cast %add3A_620 : i32 to index
        %swap3A_654 = arith.constant 64 : index
        %swap3A_655 = tpu.vector_load %arg11[%swap3A_653, %swap3A_654] {strides = array<i32>} : memref<128x128xf32, #tpu.memory_space<vmem>>, vector<16xf32>,
        tpu.vector_store %arg11[%swap3A_653, %swap3A_654], %mul3A_652 {strides = array<i32>} : memref<128x128xf32, #tpu.memory_space<vmem>>, vector<16xf32>,
        %get3A_656 = arith.index_cast %add3A_620 : i32 to index
        %get3A_657 = arith.constant 80 : index
        %get3A_658 = tpu.vector_load %arg11[%get3A_656, %get3A_657] {strides = array<i32>} : memref<128x128xf32, #tpu.memory_space<vmem>>, vector<16xf32>,
        %mul3A_659 = arith.mulf %get3A_658, %broadcast_in_dim3A_616 : vector<16xf32>
        %swap3A_660 = arith.index_cast %add3A_620 : i32 to index
        %swap3A_661 = arith.constant 80 : index
        %swap3A_662 = tpu.vector_load %arg11[%swap3A_660, %swap3A_661] {strides = array<i32>} : memref<128x128xf32, #tpu.memory_space<vmem>>, vector<16xf32>,
        tpu.vector_store %arg11[%swap3A_660, %swap3A_661], %mul3A_659 {strides = array<i32>} : memref<128x128xf32, #tpu.memory_space<vmem>>, vector<16xf32>,
        %get3A_663 = arith.index_cast %add3A_620 : i32 to index
        %get3A_664 = arith.constant 96 : index
        %get3A_665 = tpu.vector_load %arg11[%get3A_663, %get3A_664] {strides = array<i32>} : memref<128x128xf32, #tpu.memory_space<vmem>>, vector<16xf32>,
        %mul3A_666 = arith.mulf %get3A_665, %broadcast_in_dim3A_616 : vector<16xf32>
        %swap3A_667 = arith.index_cast %add3A_620 : i32 to index
        %swap3A_668 = arith.constant 96 : index
        %swap3A_669 = tpu.vector_load %arg11[%swap3A_667, %swap3A_668] {strides = array<i32>} : memref<128x128xf32, #tpu.memory_space<vmem>>, vector<16xf32>,
        tpu.vector_store %arg11[%swap3A_667, %swap3A_668], %mul3A_666 {strides = array<i32>} : memref<128x128xf32, #tpu.memory_space<vmem>>, vector<16xf32>,
        %get3A_670 = arith.index_cast %add3A_620 : i32 to index
        %get3A_671 = arith.constant 112 : index
        %get3A_672 = tpu.vector_load %arg11[%get3A_670, %get3A_671] {strides = array<i32>} : memref<128x128xf32, #tpu.memory_space<vmem>>, vector<16xf32>,
        %mul3A_673 = arith.mulf %get3A_672, %broadcast_in_dim3A_616 : vector<16xf32>
        %swap3A_674 = arith.index_cast %add3A_620 : i32 to index
        %swap3A_675 = arith.constant 112 : index
        %swap3A_676 = tpu.vector_load %arg11[%swap3A_674, %swap3A_675] {strides = array<i32>} : memref<128x128xf32, #tpu.memory_space<vmem>>, vector<16xf32>,
        tpu.vector_store %arg11[%swap3A_674, %swap3A_675], %mul3A_673 {strides = array<i32>} : memref<128x128xf32, #tpu.memory_space<vmem>>, vector<16xf32>,
        %slice3A_677 = vector.extract_strided_slice %div3A_111 {offsets = [9], sizes = [1], strides = [1]} : vector<16xf32> to vector<1xf32>
        %squeeze3A_678 = vector.extract %slice3A_677[0] : f32 from vector<1xf32>
        %broadcast_in_dim3A_679 = vector.broadcast %squeeze3A_678 : f32 to vector<16xf32>
        %mul3A_680 = arith.constant 16 : i32
        %mul3A_681 = arith.muli %scan3A_103, %mul3A_680 : i32
        %add3A_682 = arith.constant 9 : i32
        %add3A_683 = arith.addi %mul3A_681, %add3A_682 : i32
        %get3A_684 = arith.index_cast %add3A_683 : i32 to index
        %get3A_685 = arith.constant 0 : index
        %get3A_686 = tpu.vector_load %arg11[%get3A_684, %get3A_685] {strides = array<i32>} : memref<128x128xf32, #tpu.memory_space<vmem>>, vector<16xf32>,
        %mul3A_687 = arith.mulf %get3A_686, %broadcast_in_dim3A_679 : vector<16xf32>
        %swap3A_688 = arith.index_cast %add3A_683 : i32 to index
        %swap3A_689 = arith.constant 0 : index
        %swap3A_690 = tpu.vector_load %arg11[%swap3A_688, %swap3A_689] {strides = array<i32>} : memref<128x128xf32, #tpu.memory_space<vmem>>, vector<16xf32>,
        tpu.vector_store %arg11[%swap3A_688, %swap3A_689], %mul3A_687 {strides = array<i32>} : memref<128x128xf32, #tpu.memory_space<vmem>>, vector<16xf32>,
        %get3A_691 = arith.index_cast %add3A_683 : i32 to index
        %get3A_692 = arith.constant 16 : index
        %get3A_693 = tpu.vector_load %arg11[%get3A_691, %get3A_692] {strides = array<i32>} : memref<128x128xf32, #tpu.memory_space<vmem>>, vector<16xf32>,
        %mul3A_694 = arith.mulf %get3A_693, %broadcast_in_dim3A_679 : vector<16xf32>
        %swap3A_695 = arith.index_cast %add3A_683 : i32 to index
        %swap3A_696 = arith.constant 16 : index
        %swap3A_697 = tpu.vector_load %arg11[%swap3A_695, %swap3A_696] {strides = array<i32>} : memref<128x128xf32, #tpu.memory_space<vmem>>, vector<16xf32>,
        tpu.vector_store %arg11[%swap3A_695, %swap3A_696], %mul3A_694 {strides = array<i32>} : memref<128x128xf32, #tpu.memory_space<vmem>>, vector<16xf32>,
        %get3A_698 = arith.index_cast %add3A_683 : i32 to index
        %get3A_699 = arith.constant 32 : index
        %get3A_700 = tpu.vector_load %arg11[%get3A_698, %get3A_699] {strides = array<i32>} : memref<128x128xf32, #tpu.memory_space<vmem>>, vector<16xf32>,
        %mul3A_701 = arith.mulf %get3A_700, %broadcast_in_dim3A_679 : vector<16xf32>
        %swap3A_702 = arith.index_cast %add3A_683 : i32 to index
        %swap3A_703 = arith.constant 32 : index
        %swap3A_704 = tpu.vector_load %arg11[%swap3A_702, %swap3A_703] {strides = array<i32>} : memref<128x128xf32, #tpu.memory_space<vmem>>, vector<16xf32>,
        tpu.vector_store %arg11[%swap3A_702, %swap3A_703], %mul3A_701 {strides = array<i32>} : memref<128x128xf32, #tpu.memory_space<vmem>>, vector<16xf32>,
        %get3A_705 = arith.index_cast %add3A_683 : i32 to index
        %get3A_706 = arith.constant 48 : index
        %get3A_707 = tpu.vector_load %arg11[%get3A_705, %get3A_706] {strides = array<i32>} : memref<128x128xf32, #tpu.memory_space<vmem>>, vector<16xf32>,
        %mul3A_708 = arith.mulf %get3A_707, %broadcast_in_dim3A_679 : vector<16xf32>
        %swap3A_709 = arith.index_cast %add3A_683 : i32 to index
        %swap3A_710 = arith.constant 48 : index
        %swap3A_711 = tpu.vector_load %arg11[%swap3A_709, %swap3A_710] {strides = array<i32>} : memref<128x128xf32, #tpu.memory_space<vmem>>, vector<16xf32>,
        tpu.vector_store %arg11[%swap3A_709, %swap3A_710], %mul3A_708 {strides = array<i32>} : memref<128x128xf32, #tpu.memory_space<vmem>>, vector<16xf32>,
        %get3A_712 = arith.index_cast %add3A_683 : i32 to index
        %get3A_713 = arith.constant 64 : index
        %get3A_714 = tpu.vector_load %arg11[%get3A_712, %get3A_713] {strides = array<i32>} : memref<128x128xf32, #tpu.memory_space<vmem>>, vector<16xf32>,
        %mul3A_715 = arith.mulf %get3A_714, %broadcast_in_dim3A_679 : vector<16xf32>
        %swap3A_716 = arith.index_cast %add3A_683 : i32 to index
        %swap3A_717 = arith.constant 64 : index
        %swap3A_718 = tpu.vector_load %arg11[%swap3A_716, %swap3A_717] {strides = array<i32>} : memref<128x128xf32, #tpu.memory_space<vmem>>, vector<16xf32>,
        tpu.vector_store %arg11[%swap3A_716, %swap3A_717], %mul3A_715 {strides = array<i32>} : memref<128x128xf32, #tpu.memory_space<vmem>>, vector<16xf32>,
        %get3A_719 = arith.index_cast %add3A_683 : i32 to index
        %get3A_720 = arith.constant 80 : index
        %get3A_721 = tpu.vector_load %arg11[%get3A_719, %get3A_720] {strides = array<i32>} : memref<128x128xf32, #tpu.memory_space<vmem>>, vector<16xf32>,
        %mul3A_722 = arith.mulf %get3A_721, %broadcast_in_dim3A_679 : vector<16xf32>
        %swap3A_723 = arith.index_cast %add3A_683 : i32 to index
        %swap3A_724 = arith.constant 80 : index
        %swap3A_725 = tpu.vector_load %arg11[%swap3A_723, %swap3A_724] {strides = array<i32>} : memref<128x128xf32, #tpu.memory_space<vmem>>, vector<16xf32>,
        tpu.vector_store %arg11[%swap3A_723, %swap3A_724], %mul3A_722 {strides = array<i32>} : memref<128x128xf32, #tpu.memory_space<vmem>>, vector<16xf32>,
        %get3A_726 = arith.index_cast %add3A_683 : i32 to index
        %get3A_727 = arith.constant 96 : index
        %get3A_728 = tpu.vector_load %arg11[%get3A_726, %get3A_727] {strides = array<i32>} : memref<128x128xf32, #tpu.memory_space<vmem>>, vector<16xf32>,
        %mul3A_729 = arith.mulf %get3A_728, %broadcast_in_dim3A_679 : vector<16xf32>
        %swap3A_730 = arith.index_cast %add3A_683 : i32 to index
        %swap3A_731 = arith.constant 96 : index
        %swap3A_732 = tpu.vector_load %arg11[%swap3A_730, %swap3A_731] {strides = array<i32>} : memref<128x128xf32, #tpu.memory_space<vmem>>, vector<16xf32>,
        tpu.vector_store %arg11[%swap3A_730, %swap3A_731], %mul3A_729 {strides = array<i32>} : memref<128x128xf32, #tpu.memory_space<vmem>>, vector<16xf32>,
        %get3A_733 = arith.index_cast %add3A_683 : i32 to index
        %get3A_734 = arith.constant 112 : index
        %get3A_735 = tpu.vector_load %arg11[%get3A_733, %get3A_734] {strides = array<i32>} : memref<128x128xf32, #tpu.memory_space<vmem>>, vector<16xf32>,
        %mul3A_736 = arith.mulf %get3A_735, %broadcast_in_dim3A_679 : vector<16xf32>
        %swap3A_737 = arith.index_cast %add3A_683 : i32 to index
        %swap3A_738 = arith.constant 112 : index
        %swap3A_739 = tpu.vector_load %arg11[%swap3A_737, %swap3A_738] {strides = array<i32>} : memref<128x128xf32, #tpu.memory_space<vmem>>, vector<16xf32>,
        tpu.vector_store %arg11[%swap3A_737, %swap3A_738], %mul3A_736 {strides = array<i32>} : memref<128x128xf32, #tpu.memory_space<vmem>>, vector<16xf32>,
        %slice3A_740 = vector.extract_strided_slice %div3A_111 {offsets = [10], sizes = [1], strides = [1]} : vector<16xf32> to vector<1xf32>
        %squeeze3A_741 = vector.extract %slice3A_740[0] : f32 from vector<1xf32>
        %broadcast_in_dim3A_742 = vector.broadcast %squeeze3A_741 : f32 to vector<16xf32>
        %mul3A_743 = arith.constant 16 : i32
        %mul3A_744 = arith.muli %scan3A_103, %mul3A_743 : i32
        %add3A_745 = arith.constant 10 : i32
        %add3A_746 = arith.addi %mul3A_744, %add3A_745 : i32
        %get3A_747 = arith.index_cast %add3A_746 : i32 to index
        %get3A_748 = arith.constant 0 : index
        %get3A_749 = tpu.vector_load %arg11[%get3A_747, %get3A_748] {strides = array<i32>} : memref<128x128xf32, #tpu.memory_space<vmem>>, vector<16xf32>,
        %mul3A_750 = arith.mulf %get3A_749, %broadcast_in_dim3A_742 : vector<16xf32>
        %swap3A_751 = arith.index_cast %add3A_746 : i32 to index
        %swap3A_752 = arith.constant 0 : index
        %swap3A_753 = tpu.vector_load %arg11[%swap3A_751, %swap3A_752] {strides = array<i32>} : memref<128x128xf32, #tpu.memory_space<vmem>>, vector<16xf32>,
        tpu.vector_store %arg11[%swap3A_751, %swap3A_752], %mul3A_750 {strides = array<i32>} : memref<128x128xf32, #tpu.memory_space<vmem>>, vector<16xf32>,
        %get3A_754 = arith.index_cast %add3A_746 : i32 to index
        %get3A_755 = arith.constant 16 : index
        %get3A_756 = tpu.vector_load %arg11[%get3A_754, %get3A_755] {strides = array<i32>} : memref<128x128xf32, #tpu.memory_space<vmem>>, vector<16xf32>,
        %mul3A_757 = arith.mulf %get3A_756, %broadcast_in_dim3A_742 : vector<16xf32>
        %swap3A_758 = arith.index_cast %add3A_746 : i32 to index
        %swap3A_759 = arith.constant 16 : index
        %swap3A_760 = tpu.vector_load %arg11[%swap3A_758, %swap3A_759] {strides = array<i32>} : memref<128x128xf32, #tpu.memory_space<vmem>>, vector<16xf32>,
        tpu.vector_store %arg11[%swap3A_758, %swap3A_759], %mul3A_757 {strides = array<i32>} : memref<128x128xf32, #tpu.memory_space<vmem>>, vector<16xf32>,
        %get3A_761 = arith.index_cast %add3A_746 : i32 to index
        %get3A_762 = arith.constant 32 : index
        %get3A_763 = tpu.vector_load %arg11[%get3A_761, %get3A_762] {strides = array<i32>} : memref<128x128xf32, #tpu.memory_space<vmem>>, vector<16xf32>,
        %mul3A_764 = arith.mulf %get3A_763, %broadcast_in_dim3A_742 : vector<16xf32>
        %swap3A_765 = arith.index_cast %add3A_746 : i32 to index
        %swap3A_766 = arith.constant 32 : index
        %swap3A_767 = tpu.vector_load %arg11[%swap3A_765, %swap3A_766] {strides = array<i32>} : memref<128x128xf32, #tpu.memory_space<vmem>>, vector<16xf32>,
        tpu.vector_store %arg11[%swap3A_765, %swap3A_766], %mul3A_764 {strides = array<i32>} : memref<128x128xf32, #tpu.memory_space<vmem>>, vector<16xf32>,
        %get3A_768 = arith.index_cast %add3A_746 : i32 to index
        %get3A_769 = arith.constant 48 : index
        %get3A_770 = tpu.vector_load %arg11[%get3A_768, %get3A_769] {strides = array<i32>} : memref<128x128xf32, #tpu.memory_space<vmem>>, vector<16xf32>,
        %mul3A_771 = arith.mulf %get3A_770, %broadcast_in_dim3A_742 : vector<16xf32>
        %swap3A_772 = arith.index_cast %add3A_746 : i32 to index
        %swap3A_773 = arith.constant 48 : index
        %swap3A_774 = tpu.vector_load %arg11[%swap3A_772, %swap3A_773] {strides = array<i32>} : memref<128x128xf32, #tpu.memory_space<vmem>>, vector<16xf32>,
        tpu.vector_store %arg11[%swap3A_772, %swap3A_773], %mul3A_771 {strides = array<i32>} : memref<128x128xf32, #tpu.memory_space<vmem>>, vector<16xf32>,
        %get3A_775 = arith.index_cast %add3A_746 : i32 to index
        %get3A_776 = arith.constant 64 : index
        %get3A_777 = tpu.vector_load %arg11[%get3A_775, %get3A_776] {strides = array<i32>} : memref<128x128xf32, #tpu.memory_space<vmem>>, vector<16xf32>,
        %mul3A_778 = arith.mulf %get3A_777, %broadcast_in_dim3A_742 : vector<16xf32>
        %swap3A_779 = arith.index_cast %add3A_746 : i32 to index
        %swap3A_780 = arith.constant 64 : index
        %swap3A_781 = tpu.vector_load %arg11[%swap3A_779, %swap3A_780] {strides = array<i32>} : memref<128x128xf32, #tpu.memory_space<vmem>>, vector<16xf32>,
        tpu.vector_store %arg11[%swap3A_779, %swap3A_780], %mul3A_778 {strides = array<i32>} : memref<128x128xf32, #tpu.memory_space<vmem>>, vector<16xf32>,
        %get3A_782 = arith.index_cast %add3A_746 : i32 to index
        %get3A_783 = arith.constant 80 : index
        %get3A_784 = tpu.vector_load %arg11[%get3A_782, %get3A_783] {strides = array<i32>} : memref<128x128xf32, #tpu.memory_space<vmem>>, vector<16xf32>,
        %mul3A_785 = arith.mulf %get3A_784, %broadcast_in_dim3A_742 : vector<16xf32>
        %swap3A_786 = arith.index_cast %add3A_746 : i32 to index
        %swap3A_787 = arith.constant 80 : index
        %swap3A_788 = tpu.vector_load %arg11[%swap3A_786, %swap3A_787] {strides = array<i32>} : memref<128x128xf32, #tpu.memory_space<vmem>>, vector<16xf32>,
        tpu.vector_store %arg11[%swap3A_786, %swap3A_787], %mul3A_785 {strides = array<i32>} : memref<128x128xf32, #tpu.memory_space<vmem>>, vector<16xf32>,
        %get3A_789 = arith.index_cast %add3A_746 : i32 to index
        %get3A_790 = arith.constant 96 : index
        %get3A_791 = tpu.vector_load %arg11[%get3A_789, %get3A_790] {strides = array<i32>} : memref<128x128xf32, #tpu.memory_space<vmem>>, vector<16xf32>,
        %mul3A_792 = arith.mulf %get3A_791, %broadcast_in_dim3A_742 : vector<16xf32>
        %swap3A_793 = arith.index_cast %add3A_746 : i32 to index
        %swap3A_794 = arith.constant 96 : index
        %swap3A_795 = tpu.vector_load %arg11[%swap3A_793, %swap3A_794] {strides = array<i32>} : memref<128x128xf32, #tpu.memory_space<vmem>>, vector<16xf32>,
        tpu.vector_store %arg11[%swap3A_793, %swap3A_794], %mul3A_792 {strides = array<i32>} : memref<128x128xf32, #tpu.memory_space<vmem>>, vector<16xf32>,
        %get3A_796 = arith.index_cast %add3A_746 : i32 to index
        %get3A_797 = arith.constant 112 : index
        %get3A_798 = tpu.vector_load %arg11[%get3A_796, %get3A_797] {strides = array<i32>} : memref<128x128xf32, #tpu.memory_space<vmem>>, vector<16xf32>,
        %mul3A_799 = arith.mulf %get3A_798, %broadcast_in_dim3A_742 : vector<16xf32>
        %swap3A_800 = arith.index_cast %add3A_746 : i32 to index
        %swap3A_801 = arith.constant 112 : index
        %swap3A_802 = tpu.vector_load %arg11[%swap3A_800, %swap3A_801] {strides = array<i32>} : memref<128x128xf32, #tpu.memory_space<vmem>>, vector<16xf32>,
        tpu.vector_store %arg11[%swap3A_800, %swap3A_801], %mul3A_799 {strides = array<i32>} : memref<128x128xf32, #tpu.memory_space<vmem>>, vector<16xf32>,
        %slice3A_803 = vector.extract_strided_slice %div3A_111 {offsets = [11], sizes = [1], strides = [1]} : vector<16xf32> to vector<1xf32>
        %squeeze3A_804 = vector.extract %slice3A_803[0] : f32 from vector<1xf32>
        %broadcast_in_dim3A_805 = vector.broadcast %squeeze3A_804 : f32 to vector<16xf32>
        %mul3A_806 = arith.constant 16 : i32
        %mul3A_807 = arith.muli %scan3A_103, %mul3A_806 : i32
        %add3A_808 = arith.constant 11 : i32
        %add3A_809 = arith.addi %mul3A_807, %add3A_808 : i32
        %get3A_810 = arith.index_cast %add3A_809 : i32 to index
        %get3A_811 = arith.constant 0 : index
        %get3A_812 = tpu.vector_load %arg11[%get3A_810, %get3A_811] {strides = array<i32>} : memref<128x128xf32, #tpu.memory_space<vmem>>, vector<16xf32>,
        %mul3A_813 = arith.mulf %get3A_812, %broadcast_in_dim3A_805 : vector<16xf32>
        %swap3A_814 = arith.index_cast %add3A_809 : i32 to index
        %swap3A_815 = arith.constant 0 : index
        %swap3A_816 = tpu.vector_load %arg11[%swap3A_814, %swap3A_815] {strides = array<i32>} : memref<128x128xf32, #tpu.memory_space<vmem>>, vector<16xf32>,
        tpu.vector_store %arg11[%swap3A_814, %swap3A_815], %mul3A_813 {strides = array<i32>} : memref<128x128xf32, #tpu.memory_space<vmem>>, vector<16xf32>,
        %get3A_817 = arith.index_cast %add3A_809 : i32 to index
        %get3A_818 = arith.constant 16 : index
        %get3A_819 = tpu.vector_load %arg11[%get3A_817, %get3A_818] {strides = array<i32>} : memref<128x128xf32, #tpu.memory_space<vmem>>, vector<16xf32>,
        %mul3A_820 = arith.mulf %get3A_819, %broadcast_in_dim3A_805 : vector<16xf32>
        %swap3A_821 = arith.index_cast %add3A_809 : i32 to index
        %swap3A_822 = arith.constant 16 : index
        %swap3A_823 = tpu.vector_load %arg11[%swap3A_821, %swap3A_822] {strides = array<i32>} : memref<128x128xf32, #tpu.memory_space<vmem>>, vector<16xf32>,
        tpu.vector_store %arg11[%swap3A_821, %swap3A_822], %mul3A_820 {strides = array<i32>} : memref<128x128xf32, #tpu.memory_space<vmem>>, vector<16xf32>,
        %get3A_824 = arith.index_cast %add3A_809 : i32 to index
        %get3A_825 = arith.constant 32 : index
        %get3A_826 = tpu.vector_load %arg11[%get3A_824, %get3A_825] {strides = array<i32>} : memref<128x128xf32, #tpu.memory_space<vmem>>, vector<16xf32>,
        %mul3A_827 = arith.mulf %get3A_826, %broadcast_in_dim3A_805 : vector<16xf32>
        %swap3A_828 = arith.index_cast %add3A_809 : i32 to index
        %swap3A_829 = arith.constant 32 : index
        %swap3A_830 = tpu.vector_load %arg11[%swap3A_828, %swap3A_829] {strides = array<i32>} : memref<128x128xf32, #tpu.memory_space<vmem>>, vector<16xf32>,
        tpu.vector_store %arg11[%swap3A_828, %swap3A_829], %mul3A_827 {strides = array<i32>} : memref<128x128xf32, #tpu.memory_space<vmem>>, vector<16xf32>,
        %get3A_831 = arith.index_cast %add3A_809 : i32 to index
        %get3A_832 = arith.constant 48 : index
        %get3A_833 = tpu.vector_load %arg11[%get3A_831, %get3A_832] {strides = array<i32>} : memref<128x128xf32, #tpu.memory_space<vmem>>, vector<16xf32>,
        %mul3A_834 = arith.mulf %get3A_833, %broadcast_in_dim3A_805 : vector<16xf32>
        %swap3A_835 = arith.index_cast %add3A_809 : i32 to index
        %swap3A_836 = arith.constant 48 : index
        %swap3A_837 = tpu.vector_load %arg11[%swap3A_835, %swap3A_836] {strides = array<i32>} : memref<128x128xf32, #tpu.memory_space<vmem>>, vector<16xf32>,
        tpu.vector_store %arg11[%swap3A_835, %swap3A_836], %mul3A_834 {strides = array<i32>} : memref<128x128xf32, #tpu.memory_space<vmem>>, vector<16xf32>,
        %get3A_838 = arith.index_cast %add3A_809 : i32 to index
        %get3A_839 = arith.constant 64 : index
        %get3A_840 = tpu.vector_load %arg11[%get3A_838, %get3A_839] {strides = array<i32>} : memref<128x128xf32, #tpu.memory_space<vmem>>, vector<16xf32>,
        %mul3A_841 = arith.mulf %get3A_840, %broadcast_in_dim3A_805 : vector<16xf32>
        %swap3A_842 = arith.index_cast %add3A_809 : i32 to index
        %swap3A_843 = arith.constant 64 : index
        %swap3A_844 = tpu.vector_load %arg11[%swap3A_842, %swap3A_843] {strides = array<i32>} : memref<128x128xf32, #tpu.memory_space<vmem>>, vector<16xf32>,
        tpu.vector_store %arg11[%swap3A_842, %swap3A_843], %mul3A_841 {strides = array<i32>} : memref<128x128xf32, #tpu.memory_space<vmem>>, vector<16xf32>,
        %get3A_845 = arith.index_cast %add3A_809 : i32 to index
        %get3A_846 = arith.constant 80 : index
        %get3A_847 = tpu.vector_load %arg11[%get3A_845, %get3A_846] {strides = array<i32>} : memref<128x128xf32, #tpu.memory_space<vmem>>, vector<16xf32>,
        %mul3A_848 = arith.mulf %get3A_847, %broadcast_in_dim3A_805 : vector<16xf32>
        %swap3A_849 = arith.index_cast %add3A_809 : i32 to index
        %swap3A_850 = arith.constant 80 : index
        %swap3A_851 = tpu.vector_load %arg11[%swap3A_849, %swap3A_850] {strides = array<i32>} : memref<128x128xf32, #tpu.memory_space<vmem>>, vector<16xf32>,
        tpu.vector_store %arg11[%swap3A_849, %swap3A_850], %mul3A_848 {strides = array<i32>} : memref<128x128xf32, #tpu.memory_space<vmem>>, vector<16xf32>,
        %get3A_852 = arith.index_cast %add3A_809 : i32 to index
        %get3A_853 = arith.constant 96 : index
        %get3A_854 = tpu.vector_load %arg11[%get3A_852, %get3A_853] {strides = array<i32>} : memref<128x128xf32, #tpu.memory_space<vmem>>, vector<16xf32>,
        %mul3A_855 = arith.mulf %get3A_854, %broadcast_in_dim3A_805 : vector<16xf32>
        %swap3A_856 = arith.index_cast %add3A_809 : i32 to index
        %swap3A_857 = arith.constant 96 : index
        %swap3A_858 = tpu.vector_load %arg11[%swap3A_856, %swap3A_857] {strides = array<i32>} : memref<128x128xf32, #tpu.memory_space<vmem>>, vector<16xf32>,
        tpu.vector_store %arg11[%swap3A_856, %swap3A_857], %mul3A_855 {strides = array<i32>} : memref<128x128xf32, #tpu.memory_space<vmem>>, vector<16xf32>,
        %get3A_859 = arith.index_cast %add3A_809 : i32 to index
        %get3A_860 = arith.constant 112 : index
        %get3A_861 = tpu.vector_load %arg11[%get3A_859, %get3A_860] {strides = array<i32>} : memref<128x128xf32, #tpu.memory_space<vmem>>, vector<16xf32>,
        %mul3A_862 = arith.mulf %get3A_861, %broadcast_in_dim3A_805 : vector<16xf32>
        %swap3A_863 = arith.index_cast %add3A_809 : i32 to index
        %swap3A_864 = arith.constant 112 : index
        %swap3A_865 = tpu.vector_load %arg11[%swap3A_863, %swap3A_864] {strides = array<i32>} : memref<128x128xf32, #tpu.memory_space<vmem>>, vector<16xf32>,
        tpu.vector_store %arg11[%swap3A_863, %swap3A_864], %mul3A_862 {strides = array<i32>} : memref<128x128xf32, #tpu.memory_space<vmem>>, vector<16xf32>,
        %slice3A_866 = vector.extract_strided_slice %div3A_111 {offsets = [12], sizes = [1], strides = [1]} : vector<16xf32> to vector<1xf32>
        %squeeze3A_867 = vector.extract %slice3A_866[0] : f32 from vector<1xf32>
        %broadcast_in_dim3A_868 = vector.broadcast %squeeze3A_867 : f32 to vector<16xf32>
        %mul3A_869 = arith.constant 16 : i32
        %mul3A_870 = arith.muli %scan3A_103, %mul3A_869 : i32
        %add3A_871 = arith.constant 12 : i32
        %add3A_872 = arith.addi %mul3A_870, %add3A_871 : i32
        %get3A_873 = arith.index_cast %add3A_872 : i32 to index
        %get3A_874 = arith.constant 0 : index
        %get3A_875 = tpu.vector_load %arg11[%get3A_873, %get3A_874] {strides = array<i32>} : memref<128x128xf32, #tpu.memory_space<vmem>>, vector<16xf32>,
        %mul3A_876 = arith.mulf %get3A_875, %broadcast_in_dim3A_868 : vector<16xf32>
        %swap3A_877 = arith.index_cast %add3A_872 : i32 to index
        %swap3A_878 = arith.constant 0 : index
        %swap3A_879 = tpu.vector_load %arg11[%swap3A_877, %swap3A_878] {strides = array<i32>} : memref<128x128xf32, #tpu.memory_space<vmem>>, vector<16xf32>,
        tpu.vector_store %arg11[%swap3A_877, %swap3A_878], %mul3A_876 {strides = array<i32>} : memref<128x128xf32, #tpu.memory_space<vmem>>, vector<16xf32>,
        %get3A_880 = arith.index_cast %add3A_872 : i32 to index
        %get3A_881 = arith.constant 16 : index
        %get3A_882 = tpu.vector_load %arg11[%get3A_880, %get3A_881] {strides = array<i32>} : memref<128x128xf32, #tpu.memory_space<vmem>>, vector<16xf32>,
        %mul3A_883 = arith.mulf %get3A_882, %broadcast_in_dim3A_868 : vector<16xf32>
        %swap3A_884 = arith.index_cast %add3A_872 : i32 to index
        %swap3A_885 = arith.constant 16 : index
        %swap3A_886 = tpu.vector_load %arg11[%swap3A_884, %swap3A_885] {strides = array<i32>} : memref<128x128xf32, #tpu.memory_space<vmem>>, vector<16xf32>,
        tpu.vector_store %arg11[%swap3A_884, %swap3A_885], %mul3A_883 {strides = array<i32>} : memref<128x128xf32, #tpu.memory_space<vmem>>, vector<16xf32>,
        %get3A_887 = arith.index_cast %add3A_872 : i32 to index
        %get3A_888 = arith.constant 32 : index
        %get3A_889 = tpu.vector_load %arg11[%get3A_887, %get3A_888] {strides = array<i32>} : memref<128x128xf32, #tpu.memory_space<vmem>>, vector<16xf32>,
        %mul3A_890 = arith.mulf %get3A_889, %broadcast_in_dim3A_868 : vector<16xf32>
        %swap3A_891 = arith.index_cast %add3A_872 : i32 to index
        %swap3A_892 = arith.constant 32 : index
        %swap3A_893 = tpu.vector_load %arg11[%swap3A_891, %swap3A_892] {strides = array<i32>} : memref<128x128xf32, #tpu.memory_space<vmem>>, vector<16xf32>,
        tpu.vector_store %arg11[%swap3A_891, %swap3A_892], %mul3A_890 {strides = array<i32>} : memref<128x128xf32, #tpu.memory_space<vmem>>, vector<16xf32>,
        %get3A_894 = arith.index_cast %add3A_872 : i32 to index
        %get3A_895 = arith.constant 48 : index
        %get3A_896 = tpu.vector_load %arg11[%get3A_894, %get3A_895] {strides = array<i32>} : memref<128x128xf32, #tpu.memory_space<vmem>>, vector<16xf32>,
        %mul3A_897 = arith.mulf %get3A_896, %broadcast_in_dim3A_868 : vector<16xf32>
        %swap3A_898 = arith.index_cast %add3A_872 : i32 to index
        %swap3A_899 = arith.constant 48 : index
        %swap3A_900 = tpu.vector_load %arg11[%swap3A_898, %swap3A_899] {strides = array<i32>} : memref<128x128xf32, #tpu.memory_space<vmem>>, vector<16xf32>,
        tpu.vector_store %arg11[%swap3A_898, %swap3A_899], %mul3A_897 {strides = array<i32>} : memref<128x128xf32, #tpu.memory_space<vmem>>, vector<16xf32>,
        %get3A_901 = arith.index_cast %add3A_872 : i32 to index
        %get3A_902 = arith.constant 64 : index
        %get3A_903 = tpu.vector_load %arg11[%get3A_901, %get3A_902] {strides = array<i32>} : memref<128x128xf32, #tpu.memory_space<vmem>>, vector<16xf32>,
        %mul3A_904 = arith.mulf %get3A_903, %broadcast_in_dim3A_868 : vector<16xf32>
        %swap3A_905 = arith.index_cast %add3A_872 : i32 to index
        %swap3A_906 = arith.constant 64 : index
        %swap3A_907 = tpu.vector_load %arg11[%swap3A_905, %swap3A_906] {strides = array<i32>} : memref<128x128xf32, #tpu.memory_space<vmem>>, vector<16xf32>,
        tpu.vector_store %arg11[%swap3A_905, %swap3A_906], %mul3A_904 {strides = array<i32>} : memref<128x128xf32, #tpu.memory_space<vmem>>, vector<16xf32>,
        %get3A_908 = arith.index_cast %add3A_872 : i32 to index
        %get3A_909 = arith.constant 80 : index
        %get3A_910 = tpu.vector_load %arg11[%get3A_908, %get3A_909] {strides = array<i32>} : memref<128x128xf32, #tpu.memory_space<vmem>>, vector<16xf32>,
        %mul3A_911 = arith.mulf %get3A_910, %broadcast_in_dim3A_868 : vector<16xf32>
        %swap3A_912 = arith.index_cast %add3A_872 : i32 to index
        %swap3A_913 = arith.constant 80 : index
        %swap3A_914 = tpu.vector_load %arg11[%swap3A_912, %swap3A_913] {strides = array<i32>} : memref<128x128xf32, #tpu.memory_space<vmem>>, vector<16xf32>,
        tpu.vector_store %arg11[%swap3A_912, %swap3A_913], %mul3A_911 {strides = array<i32>} : memref<128x128xf32, #tpu.memory_space<vmem>>, vector<16xf32>,
        %get3A_915 = arith.index_cast %add3A_872 : i32 to index
        %get3A_916 = arith.constant 96 : index
        %get3A_917 = tpu.vector_load %arg11[%get3A_915, %get3A_916] {strides = array<i32>} : memref<128x128xf32, #tpu.memory_space<vmem>>, vector<16xf32>,
        %mul3A_918 = arith.mulf %get3A_917, %broadcast_in_dim3A_868 : vector<16xf32>
        %swap3A_919 = arith.index_cast %add3A_872 : i32 to index
        %swap3A_920 = arith.constant 96 : index
        %swap3A_921 = tpu.vector_load %arg11[%swap3A_919, %swap3A_920] {strides = array<i32>} : memref<128x128xf32, #tpu.memory_space<vmem>>, vector<16xf32>,
        tpu.vector_store %arg11[%swap3A_919, %swap3A_920], %mul3A_918 {strides = array<i32>} : memref<128x128xf32, #tpu.memory_space<vmem>>, vector<16xf32>,
        %get3A_922 = arith.index_cast %add3A_872 : i32 to index
        %get3A_923 = arith.constant 112 : index
        %get3A_924 = tpu.vector_load %arg11[%get3A_922, %get3A_923] {strides = array<i32>} : memref<128x128xf32, #tpu.memory_space<vmem>>, vector<16xf32>,
        %mul3A_925 = arith.mulf %get3A_924, %broadcast_in_dim3A_868 : vector<16xf32>
        %swap3A_926 = arith.index_cast %add3A_872 : i32 to index
        %swap3A_927 = arith.constant 112 : index
        %swap3A_928 = tpu.vector_load %arg11[%swap3A_926, %swap3A_927] {strides = array<i32>} : memref<128x128xf32, #tpu.memory_space<vmem>>, vector<16xf32>,
        tpu.vector_store %arg11[%swap3A_926, %swap3A_927], %mul3A_925 {strides = array<i32>} : memref<128x128xf32, #tpu.memory_space<vmem>>, vector<16xf32>,
        %slice3A_929 = vector.extract_strided_slice %div3A_111 {offsets = [13], sizes = [1], strides = [1]} : vector<16xf32> to vector<1xf32>
        %squeeze3A_930 = vector.extract %slice3A_929[0] : f32 from vector<1xf32>
        %broadcast_in_dim3A_931 = vector.broadcast %squeeze3A_930 : f32 to vector<16xf32>
        %mul3A_932 = arith.constant 16 : i32
        %mul3A_933 = arith.muli %scan3A_103, %mul3A_932 : i32
        %add3A_934 = arith.constant 13 : i32
        %add3A_935 = arith.addi %mul3A_933, %add3A_934 : i32
        %get3A_936 = arith.index_cast %add3A_935 : i32 to index
        %get3A_937 = arith.constant 0 : index
        %get3A_938 = tpu.vector_load %arg11[%get3A_936, %get3A_937] {strides = array<i32>} : memref<128x128xf32, #tpu.memory_space<vmem>>, vector<16xf32>,
        %mul3A_939 = arith.mulf %get3A_938, %broadcast_in_dim3A_931 : vector<16xf32>
        %swap3A_940 = arith.index_cast %add3A_935 : i32 to index
        %swap3A_941 = arith.constant 0 : index
        %swap3A_942 = tpu.vector_load %arg11[%swap3A_940, %swap3A_941] {strides = array<i32>} : memref<128x128xf32, #tpu.memory_space<vmem>>, vector<16xf32>,
        tpu.vector_store %arg11[%swap3A_940, %swap3A_941], %mul3A_939 {strides = array<i32>} : memref<128x128xf32, #tpu.memory_space<vmem>>, vector<16xf32>,
        %get3A_943 = arith.index_cast %add3A_935 : i32 to index
        %get3A_944 = arith.constant 16 : index
        %get3A_945 = tpu.vector_load %arg11[%get3A_943, %get3A_944] {strides = array<i32>} : memref<128x128xf32, #tpu.memory_space<vmem>>, vector<16xf32>,
        %mul3A_946 = arith.mulf %get3A_945, %broadcast_in_dim3A_931 : vector<16xf32>
        %swap3A_947 = arith.index_cast %add3A_935 : i32 to index
        %swap3A_948 = arith.constant 16 : index
        %swap3A_949 = tpu.vector_load %arg11[%swap3A_947, %swap3A_948] {strides = array<i32>} : memref<128x128xf32, #tpu.memory_space<vmem>>, vector<16xf32>,
        tpu.vector_store %arg11[%swap3A_947, %swap3A_948], %mul3A_946 {strides = array<i32>} : memref<128x128xf32, #tpu.memory_space<vmem>>, vector<16xf32>,
        %get3A_950 = arith.index_cast %add3A_935 : i32 to index
        %get3A_951 = arith.constant 32 : index
        %get3A_952 = tpu.vector_load %arg11[%get3A_950, %get3A_951] {strides = array<i32>} : memref<128x128xf32, #tpu.memory_space<vmem>>, vector<16xf32>,
        %mul3A_953 = arith.mulf %get3A_952, %broadcast_in_dim3A_931 : vector<16xf32>
        %swap3A_954 = arith.index_cast %add3A_935 : i32 to index
        %swap3A_955 = arith.constant 32 : index
        %swap3A_956 = tpu.vector_load %arg11[%swap3A_954, %swap3A_955] {strides = array<i32>} : memref<128x128xf32, #tpu.memory_space<vmem>>, vector<16xf32>,
        tpu.vector_store %arg11[%swap3A_954, %swap3A_955], %mul3A_953 {strides = array<i32>} : memref<128x128xf32, #tpu.memory_space<vmem>>, vector<16xf32>,
        %get3A_957 = arith.index_cast %add3A_935 : i32 to index
        %get3A_958 = arith.constant 48 : index
        %get3A_959 = tpu.vector_load %arg11[%get3A_957, %get3A_958] {strides = array<i32>} : memref<128x128xf32, #tpu.memory_space<vmem>>, vector<16xf32>,
        %mul3A_960 = arith.mulf %get3A_959, %broadcast_in_dim3A_931 : vector<16xf32>
        %swap3A_961 = arith.index_cast %add3A_935 : i32 to index
        %swap3A_962 = arith.constant 48 : index
        %swap3A_963 = tpu.vector_load %arg11[%swap3A_961, %swap3A_962] {strides = array<i32>} : memref<128x128xf32, #tpu.memory_space<vmem>>, vector<16xf32>,
        tpu.vector_store %arg11[%swap3A_961, %swap3A_962], %mul3A_960 {strides = array<i32>} : memref<128x128xf32, #tpu.memory_space<vmem>>, vector<16xf32>,
        %get3A_964 = arith.index_cast %add3A_935 : i32 to index
        %get3A_965 = arith.constant 64 : index
        %get3A_966 = tpu.vector_load %arg11[%get3A_964, %get3A_965] {strides = array<i32>} : memref<128x128xf32, #tpu.memory_space<vmem>>, vector<16xf32>,
        %mul3A_967 = arith.mulf %get3A_966, %broadcast_in_dim3A_931 : vector<16xf32>
        %swap3A_968 = arith.index_cast %add3A_935 : i32 to index
        %swap3A_969 = arith.constant 64 : index
        %swap3A_970 = tpu.vector_load %arg11[%swap3A_968, %swap3A_969] {strides = array<i32>} : memref<128x128xf32, #tpu.memory_space<vmem>>, vector<16xf32>,
        tpu.vector_store %arg11[%swap3A_968, %swap3A_969], %mul3A_967 {strides = array<i32>} : memref<128x128xf32, #tpu.memory_space<vmem>>, vector<16xf32>,
        %get3A_971 = arith.index_cast %add3A_935 : i32 to index
        %get3A_972 = arith.constant 80 : index
        %get3A_973 = tpu.vector_load %arg11[%get3A_971, %get3A_972] {strides = array<i32>} : memref<128x128xf32, #tpu.memory_space<vmem>>, vector<16xf32>,
        %mul3A_974 = arith.mulf %get3A_973, %broadcast_in_dim3A_931 : vector<16xf32>
        %swap3A_975 = arith.index_cast %add3A_935 : i32 to index
        %swap3A_976 = arith.constant 80 : index
        %swap3A_977 = tpu.vector_load %arg11[%swap3A_975, %swap3A_976] {strides = array<i32>} : memref<128x128xf32, #tpu.memory_space<vmem>>, vector<16xf32>,
        tpu.vector_store %arg11[%swap3A_975, %swap3A_976], %mul3A_974 {strides = array<i32>} : memref<128x128xf32, #tpu.memory_space<vmem>>, vector<16xf32>,
        %get3A_978 = arith.index_cast %add3A_935 : i32 to index
        %get3A_979 = arith.constant 96 : index
        %get3A_980 = tpu.vector_load %arg11[%get3A_978, %get3A_979] {strides = array<i32>} : memref<128x128xf32, #tpu.memory_space<vmem>>, vector<16xf32>,
        %mul3A_981 = arith.mulf %get3A_980, %broadcast_in_dim3A_931 : vector<16xf32>
        %swap3A_982 = arith.index_cast %add3A_935 : i32 to index
        %swap3A_983 = arith.constant 96 : index
        %swap3A_984 = tpu.vector_load %arg11[%swap3A_982, %swap3A_983] {strides = array<i32>} : memref<128x128xf32, #tpu.memory_space<vmem>>, vector<16xf32>,
        tpu.vector_store %arg11[%swap3A_982, %swap3A_983], %mul3A_981 {strides = array<i32>} : memref<128x128xf32, #tpu.memory_space<vmem>>, vector<16xf32>,
        %get3A_985 = arith.index_cast %add3A_935 : i32 to index
        %get3A_986 = arith.constant 112 : index
        %get3A_987 = tpu.vector_load %arg11[%get3A_985, %get3A_986] {strides = array<i32>} : memref<128x128xf32, #tpu.memory_space<vmem>>, vector<16xf32>,
        %mul3A_988 = arith.mulf %get3A_987, %broadcast_in_dim3A_931 : vector<16xf32>
        %swap3A_989 = arith.index_cast %add3A_935 : i32 to index
        %swap3A_990 = arith.constant 112 : index
        %swap3A_991 = tpu.vector_load %arg11[%swap3A_989, %swap3A_990] {strides = array<i32>} : memref<128x128xf32, #tpu.memory_space<vmem>>, vector<16xf32>,
        tpu.vector_store %arg11[%swap3A_989, %swap3A_990], %mul3A_988 {strides = array<i32>} : memref<128x128xf32, #tpu.memory_space<vmem>>, vector<16xf32>,
        %slice3A_992 = vector.extract_strided_slice %div3A_111 {offsets = [14], sizes = [1], strides = [1]} : vector<16xf32> to vector<1xf32>
        %squeeze3A_993 = vector.extract %slice3A_992[0] : f32 from vector<1xf32>
        %broadcast_in_dim3A_994 = vector.broadcast %squeeze3A_993 : f32 to vector<16xf32>
        %mul3A_995 = arith.constant 16 : i32
        %mul3A_996 = arith.muli %scan3A_103, %mul3A_995 : i32
        %add3A_997 = arith.constant 14 : i32
        %add3A_998 = arith.addi %mul3A_996, %add3A_997 : i32
        %get3A_999 = arith.index_cast %add3A_998 : i32 to index
        %get3A_1000 = arith.constant 0 : index
        %get3A_1001 = tpu.vector_load %arg11[%get3A_999, %get3A_1000] {strides = array<i32>} : memref<128x128xf32, #tpu.memory_space<vmem>>, vector<16xf32>,
        %mul3A_1002 = arith.mulf %get3A_1001, %broadcast_in_dim3A_994 : vector<16xf32>
        %swap3A_1003 = arith.index_cast %add3A_998 : i32 to index
        %swap3A_1004 = arith.constant 0 : index
        %swap3A_1005 = tpu.vector_load %arg11[%swap3A_1003, %swap3A_1004] {strides = array<i32>} : memref<128x128xf32, #tpu.memory_space<vmem>>, vector<16xf32>,
        tpu.vector_store %arg11[%swap3A_1003, %swap3A_1004], %mul3A_1002 {strides = array<i32>} : memref<128x128xf32, #tpu.memory_space<vmem>>, vector<16xf32>,
        %get3A_1006 = arith.index_cast %add3A_998 : i32 to index
        %get3A_1007 = arith.constant 16 : index
        %get3A_1008 = tpu.vector_load %arg11[%get3A_1006, %get3A_1007] {strides = array<i32>} : memref<128x128xf32, #tpu.memory_space<vmem>>, vector<16xf32>,
        %mul3A_1009 = arith.mulf %get3A_1008, %broadcast_in_dim3A_994 : vector<16xf32>
        %swap3A_1010 = arith.index_cast %add3A_998 : i32 to index
        %swap3A_1011 = arith.constant 16 : index
        %swap3A_1012 = tpu.vector_load %arg11[%swap3A_1010, %swap3A_1011] {strides = array<i32>} : memref<128x128xf32, #tpu.memory_space<vmem>>, vector<16xf32>,
        tpu.vector_store %arg11[%swap3A_1010, %swap3A_1011], %mul3A_1009 {strides = array<i32>} : memref<128x128xf32, #tpu.memory_space<vmem>>, vector<16xf32>,
        %get3A_1013 = arith.index_cast %add3A_998 : i32 to index
        %get3A_1014 = arith.constant 32 : index
        %get3A_1015 = tpu.vector_load %arg11[%get3A_1013, %get3A_1014] {strides = array<i32>} : memref<128x128xf32, #tpu.memory_space<vmem>>, vector<16xf32>,
        %mul3A_1016 = arith.mulf %get3A_1015, %broadcast_in_dim3A_994 : vector<16xf32>
        %swap3A_1017 = arith.index_cast %add3A_998 : i32 to index
        %swap3A_1018 = arith.constant 32 : index
        %swap3A_1019 = tpu.vector_load %arg11[%swap3A_1017, %swap3A_1018] {strides = array<i32>} : memref<128x128xf32, #tpu.memory_space<vmem>>, vector<16xf32>,
        tpu.vector_store %arg11[%swap3A_1017, %swap3A_1018], %mul3A_1016 {strides = array<i32>} : memref<128x128xf32, #tpu.memory_space<vmem>>, vector<16xf32>,
        %get3A_1020 = arith.index_cast %add3A_998 : i32 to index
        %get3A_1021 = arith.constant 48 : index
        %get3A_1022 = tpu.vector_load %arg11[%get3A_1020, %get3A_1021] {strides = array<i32>} : memref<128x128xf32, #tpu.memory_space<vmem>>, vector<16xf32>,
        %mul3A_1023 = arith.mulf %get3A_1022, %broadcast_in_dim3A_994 : vector<16xf32>
        %swap3A_1024 = arith.index_cast %add3A_998 : i32 to index
        %swap3A_1025 = arith.constant 48 : index
        %swap3A_1026 = tpu.vector_load %arg11[%swap3A_1024, %swap3A_1025] {strides = array<i32>} : memref<128x128xf32, #tpu.memory_space<vmem>>, vector<16xf32>,
        tpu.vector_store %arg11[%swap3A_1024, %swap3A_1025], %mul3A_1023 {strides = array<i32>} : memref<128x128xf32, #tpu.memory_space<vmem>>, vector<16xf32>,
        %get3A_1027 = arith.index_cast %add3A_998 : i32 to index
        %get3A_1028 = arith.constant 64 : index
        %get3A_1029 = tpu.vector_load %arg11[%get3A_1027, %get3A_1028] {strides = array<i32>} : memref<128x128xf32, #tpu.memory_space<vmem>>, vector<16xf32>,
        %mul3A_1030 = arith.mulf %get3A_1029, %broadcast_in_dim3A_994 : vector<16xf32>
        %swap3A_1031 = arith.index_cast %add3A_998 : i32 to index
        %swap3A_1032 = arith.constant 64 : index
        %swap3A_1033 = tpu.vector_load %arg11[%swap3A_1031, %swap3A_1032] {strides = array<i32>} : memref<128x128xf32, #tpu.memory_space<vmem>>, vector<16xf32>,
        tpu.vector_store %arg11[%swap3A_1031, %swap3A_1032], %mul3A_1030 {strides = array<i32>} : memref<128x128xf32, #tpu.memory_space<vmem>>, vector<16xf32>,
        %get3A_1034 = arith.index_cast %add3A_998 : i32 to index
        %get3A_1035 = arith.constant 80 : index
        %get3A_1036 = tpu.vector_load %arg11[%get3A_1034, %get3A_1035] {strides = array<i32>} : memref<128x128xf32, #tpu.memory_space<vmem>>, vector<16xf32>,
        %mul3A_1037 = arith.mulf %get3A_1036, %broadcast_in_dim3A_994 : vector<16xf32>
        %swap3A_1038 = arith.index_cast %add3A_998 : i32 to index
        %swap3A_1039 = arith.constant 80 : index
        %swap3A_1040 = tpu.vector_load %arg11[%swap3A_1038, %swap3A_1039] {strides = array<i32>} : memref<128x128xf32, #tpu.memory_space<vmem>>, vector<16xf32>,
        tpu.vector_store %arg11[%swap3A_1038, %swap3A_1039], %mul3A_1037 {strides = array<i32>} : memref<128x128xf32, #tpu.memory_space<vmem>>, vector<16xf32>,
        %get3A_1041 = arith.index_cast %add3A_998 : i32 to index
        %get3A_1042 = arith.constant 96 : index
        %get3A_1043 = tpu.vector_load %arg11[%get3A_1041, %get3A_1042] {strides = array<i32>} : memref<128x128xf32, #tpu.memory_space<vmem>>, vector<16xf32>,
        %mul3A_1044 = arith.mulf %get3A_1043, %broadcast_in_dim3A_994 : vector<16xf32>
        %swap3A_1045 = arith.index_cast %add3A_998 : i32 to index
        %swap3A_1046 = arith.constant 96 : index
        %swap3A_1047 = tpu.vector_load %arg11[%swap3A_1045, %swap3A_1046] {strides = array<i32>} : memref<128x128xf32, #tpu.memory_space<vmem>>, vector<16xf32>,
        tpu.vector_store %arg11[%swap3A_1045, %swap3A_1046], %mul3A_1044 {strides = array<i32>} : memref<128x128xf32, #tpu.memory_space<vmem>>, vector<16xf32>,
        %get3A_1048 = arith.index_cast %add3A_998 : i32 to index
        %get3A_1049 = arith.constant 112 : index
        %get3A_1050 = tpu.vector_load %arg11[%get3A_1048, %get3A_1049] {strides = array<i32>} : memref<128x128xf32, #tpu.memory_space<vmem>>, vector<16xf32>,
        %mul3A_1051 = arith.mulf %get3A_1050, %broadcast_in_dim3A_994 : vector<16xf32>
        %swap3A_1052 = arith.index_cast %add3A_998 : i32 to index
        %swap3A_1053 = arith.constant 112 : index
        %swap3A_1054 = tpu.vector_load %arg11[%swap3A_1052, %swap3A_1053] {strides = array<i32>} : memref<128x128xf32, #tpu.memory_space<vmem>>, vector<16xf32>,
        tpu.vector_store %arg11[%swap3A_1052, %swap3A_1053], %mul3A_1051 {strides = array<i32>} : memref<128x128xf32, #tpu.memory_space<vmem>>, vector<16xf32>,
        %slice3A_1055 = vector.extract_strided_slice %div3A_111 {offsets = [15], sizes = [1], strides = [1]} : vector<16xf32> to vector<1xf32>
        %squeeze3A_1056 = vector.extract %slice3A_1055[0] : f32 from vector<1xf32>
        %broadcast_in_dim3A_1057 = vector.broadcast %squeeze3A_1056 : f32 to vector<16xf32>
        %mul3A_1058 = arith.constant 16 : i32
        %mul3A_1059 = arith.muli %scan3A_103, %mul3A_1058 : i32
        %add3A_1060 = arith.constant 15 : i32
        %add3A_1061 = arith.addi %mul3A_1059, %add3A_1060 : i32
        %get3A_1062 = arith.index_cast %add3A_1061 : i32 to index
        %get3A_1063 = arith.constant 0 : index
        %get3A_1064 = tpu.vector_load %arg11[%get3A_1062, %get3A_1063] {strides = array<i32>} : memref<128x128xf32, #tpu.memory_space<vmem>>, vector<16xf32>,
        %mul3A_1065 = arith.mulf %get3A_1064, %broadcast_in_dim3A_1057 : vector<16xf32>
        %swap3A_1066 = arith.index_cast %add3A_1061 : i32 to index
        %swap3A_1067 = arith.constant 0 : index
        %swap3A_1068 = tpu.vector_load %arg11[%swap3A_1066, %swap3A_1067] {strides = array<i32>} : memref<128x128xf32, #tpu.memory_space<vmem>>, vector<16xf32>,
        tpu.vector_store %arg11[%swap3A_1066, %swap3A_1067], %mul3A_1065 {strides = array<i32>} : memref<128x128xf32, #tpu.memory_space<vmem>>, vector<16xf32>,
        %get3A_1069 = arith.index_cast %add3A_1061 : i32 to index
        %get3A_1070 = arith.constant 16 : index
        %get3A_1071 = tpu.vector_load %arg11[%get3A_1069, %get3A_1070] {strides = array<i32>} : memref<128x128xf32, #tpu.memory_space<vmem>>, vector<16xf32>,
        %mul3A_1072 = arith.mulf %get3A_1071, %broadcast_in_dim3A_1057 : vector<16xf32>
        %swap3A_1073 = arith.index_cast %add3A_1061 : i32 to index
        %swap3A_1074 = arith.constant 16 : index
        %swap3A_1075 = tpu.vector_load %arg11[%swap3A_1073, %swap3A_1074] {strides = array<i32>} : memref<128x128xf32, #tpu.memory_space<vmem>>, vector<16xf32>,
        tpu.vector_store %arg11[%swap3A_1073, %swap3A_1074], %mul3A_1072 {strides = array<i32>} : memref<128x128xf32, #tpu.memory_space<vmem>>, vector<16xf32>,
        %get3A_1076 = arith.index_cast %add3A_1061 : i32 to index
        %get3A_1077 = arith.constant 32 : index
        %get3A_1078 = tpu.vector_load %arg11[%get3A_1076, %get3A_1077] {strides = array<i32>} : memref<128x128xf32, #tpu.memory_space<vmem>>, vector<16xf32>,
        %mul3A_1079 = arith.mulf %get3A_1078, %broadcast_in_dim3A_1057 : vector<16xf32>
        %swap3A_1080 = arith.index_cast %add3A_1061 : i32 to index
        %swap3A_1081 = arith.constant 32 : index
        %swap3A_1082 = tpu.vector_load %arg11[%swap3A_1080, %swap3A_1081] {strides = array<i32>} : memref<128x128xf32, #tpu.memory_space<vmem>>, vector<16xf32>,
        tpu.vector_store %arg11[%swap3A_1080, %swap3A_1081], %mul3A_1079 {strides = array<i32>} : memref<128x128xf32, #tpu.memory_space<vmem>>, vector<16xf32>,
        %get3A_1083 = arith.index_cast %add3A_1061 : i32 to index
        %get3A_1084 = arith.constant 48 : index
        %get3A_1085 = tpu.vector_load %arg11[%get3A_1083, %get3A_1084] {strides = array<i32>} : memref<128x128xf32, #tpu.memory_space<vmem>>, vector<16xf32>,
        %mul3A_1086 = arith.mulf %get3A_1085, %broadcast_in_dim3A_1057 : vector<16xf32>
        %swap3A_1087 = arith.index_cast %add3A_1061 : i32 to index
        %swap3A_1088 = arith.constant 48 : index
        %swap3A_1089 = tpu.vector_load %arg11[%swap3A_1087, %swap3A_1088] {strides = array<i32>} : memref<128x128xf32, #tpu.memory_space<vmem>>, vector<16xf32>,
        tpu.vector_store %arg11[%swap3A_1087, %swap3A_1088], %mul3A_1086 {strides = array<i32>} : memref<128x128xf32, #tpu.memory_space<vmem>>, vector<16xf32>,
        %get3A_1090 = arith.index_cast %add3A_1061 : i32 to index
        %get3A_1091 = arith.constant 64 : index
        %get3A_1092 = tpu.vector_load %arg11[%get3A_1090, %get3A_1091] {strides = array<i32>} : memref<128x128xf32, #tpu.memory_space<vmem>>, vector<16xf32>,
        %mul3A_1093 = arith.mulf %get3A_1092, %broadcast_in_dim3A_1057 : vector<16xf32>
        %swap3A_1094 = arith.index_cast %add3A_1061 : i32 to index
        %swap3A_1095 = arith.constant 64 : index
        %swap3A_1096 = tpu.vector_load %arg11[%swap3A_1094, %swap3A_1095] {strides = array<i32>} : memref<128x128xf32, #tpu.memory_space<vmem>>, vector<16xf32>,
        tpu.vector_store %arg11[%swap3A_1094, %swap3A_1095], %mul3A_1093 {strides = array<i32>} : memref<128x128xf32, #tpu.memory_space<vmem>>, vector<16xf32>,
        %get3A_1097 = arith.index_cast %add3A_1061 : i32 to index
        %get3A_1098 = arith.constant 80 : index
        %get3A_1099 = tpu.vector_load %arg11[%get3A_1097, %get3A_1098] {strides = array<i32>} : memref<128x128xf32, #tpu.memory_space<vmem>>, vector<16xf32>,
        %mul3A_1100 = arith.mulf %get3A_1099, %broadcast_in_dim3A_1057 : vector<16xf32>
        %swap3A_1101 = arith.index_cast %add3A_1061 : i32 to index
        %swap3A_1102 = arith.constant 80 : index
        %swap3A_1103 = tpu.vector_load %arg11[%swap3A_1101, %swap3A_1102] {strides = array<i32>} : memref<128x128xf32, #tpu.memory_space<vmem>>, vector<16xf32>,
        tpu.vector_store %arg11[%swap3A_1101, %swap3A_1102], %mul3A_1100 {strides = array<i32>} : memref<128x128xf32, #tpu.memory_space<vmem>>, vector<16xf32>,
        %get3A_1104 = arith.index_cast %add3A_1061 : i32 to index
        %get3A_1105 = arith.constant 96 : index
        %get3A_1106 = tpu.vector_load %arg11[%get3A_1104, %get3A_1105] {strides = array<i32>} : memref<128x128xf32, #tpu.memory_space<vmem>>, vector<16xf32>,
        %mul3A_1107 = arith.mulf %get3A_1106, %broadcast_in_dim3A_1057 : vector<16xf32>
        %swap3A_1108 = arith.index_cast %add3A_1061 : i32 to index
        %swap3A_1109 = arith.constant 96 : index
        %swap3A_1110 = tpu.vector_load %arg11[%swap3A_1108, %swap3A_1109] {strides = array<i32>} : memref<128x128xf32, #tpu.memory_space<vmem>>, vector<16xf32>,
        tpu.vector_store %arg11[%swap3A_1108, %swap3A_1109], %mul3A_1107 {strides = array<i32>} : memref<128x128xf32, #tpu.memory_space<vmem>>, vector<16xf32>,
        %get3A_1111 = arith.index_cast %add3A_1061 : i32 to index
        %get3A_1112 = arith.constant 112 : index
        %get3A_1113 = tpu.vector_load %arg11[%get3A_1111, %get3A_1112] {strides = array<i32>} : memref<128x128xf32, #tpu.memory_space<vmem>>, vector<16xf32>,
        %mul3A_1114 = arith.mulf %get3A_1113, %broadcast_in_dim3A_1057 : vector<16xf32>
        %swap3A_1115 = arith.index_cast %add3A_1061 : i32 to index
        %swap3A_1116 = arith.constant 112 : index
        %swap3A_1117 = tpu.vector_load %arg11[%swap3A_1115, %swap3A_1116] {strides = array<i32>} : memref<128x128xf32, #tpu.memory_space<vmem>>, vector<16xf32>,
        tpu.vector_store %arg11[%swap3A_1115, %swap3A_1116], %mul3A_1114 {strides = array<i32>} : memref<128x128xf32, #tpu.memory_space<vmem>>, vector<16xf32>,
      }
      %scan3A_93 = arith.constant 8 : i32
      %eq3A = arith.constant 0 : i32
      %eq3A_94 = arith.cmpi eq, %arg0, %eq3A : i32
      %convert_element_type3A_95 = arith.extui %eq3A_94 : i1 to i32
      %cond3A_96 = arith.constant 0 : i32
      %cond3A_97 = arith.cmpi ne, %convert_element_type3A_95, %cond3A_96 : i32
      scf.if %cond3A_97 {
        "tpu.region"() ({
          %run_scoped3A = tpu.sem_alloc : memref<!tpu.dma_semaphore, #tpu.memory_space<semaphore_mem>>
          %dma_start3A = arith.constant 0 : i32
          %dma_start3A_103 = tpu.memref_slice %arg6[%add3A_87, %dma_start3A] : memref<10240x128xf32, #tpu.memory_space<hbm>> -> memref<128x128xf32, #tpu.memory_space<hbm>>
          %dma_start3A_104 = arith.constant 0 : i32
          %dma_start3A_105 = tpu.memref_slice %arg6[%add3A_87, %dma_start3A_104] : memref<10240x128xf32, #tpu.memory_space<hbm>> -> memref<128x128xf32, #tpu.memory_space<hbm>>
          tpu.enqueue_dma source(%arg11 : memref<128x128xf32, #tpu.memory_space<vmem>>) target(%dma_start3A_105 : memref<128x128xf32, #tpu.memory_space<hbm>>) target_semaphore(%run_scoped3A : memref<!tpu.dma_semaphore, #tpu.memory_space<semaphore_mem>>)
          %dma_wait3A_106 = arith.constant 0 : i32
          %dma_wait3A_107 = tpu.memref_slice %arg6[%add3A_87, %dma_wait3A_106] : memref<10240x128xf32, #tpu.memory_space<hbm>> -> memref<128x128xf32, #tpu.memory_space<hbm>>
          %dma_wait3A_108 = arith.constant 0 : i32
          %dma_wait3A_109 = tpu.memref_slice %arg6[%add3A_87, %dma_wait3A_108] : memref<10240x128xf32, #tpu.memory_space<hbm>> -> memref<128x128xf32, #tpu.memory_space<hbm>>
          tpu.wait_dma2 semaphore(%run_scoped3A : memref<!tpu.dma_semaphore, #tpu.memory_space<semaphore_mem>>) src(%arg11 : memref<128x128xf32, #tpu.memory_space<vmem>>) dst(%dma_wait3A_109 : memref<128x128xf32, #tpu.memory_space<hbm>>)
          tpu.yield
        }) : () -> ()
      } else {
      }
      %eq3A_98 = arith.constant 1 : i32
      %eq3A_99 = arith.cmpi eq, %arg0, %eq3A_98 : i32
      %convert_element_type3A_100 = arith.extui %eq3A_99 : i1 to i32
      %cond3A_101 = arith.constant 0 : i32
      %cond3A_102 = arith.cmpi ne, %convert_element_type3A_100, %cond3A_101 : i32
      scf.if %cond3A_102 {
        "tpu.region"() ({
          %run_scoped3A = tpu.sem_alloc : memref<!tpu.dma_semaphore, #tpu.memory_space<semaphore_mem>>
          %dma_start3A = arith.constant 0 : i32
          %dma_start3A_103 = tpu.memref_slice %arg7[%add3A_87, %dma_start3A] : memref<10240x128xf32, #tpu.memory_space<hbm>> -> memref<128x128xf32, #tpu.memory_space<hbm>>
          %dma_start3A_104 = arith.constant 0 : i32
          %dma_start3A_105 = tpu.memref_slice %arg7[%add3A_87, %dma_start3A_104] : memref<10240x128xf32, #tpu.memory_space<hbm>> -> memref<128x128xf32, #tpu.memory_space<hbm>>
          tpu.enqueue_dma source(%arg11 : memref<128x128xf32, #tpu.memory_space<vmem>>) target(%dma_start3A_105 : memref<128x128xf32, #tpu.memory_space<hbm>>) target_semaphore(%run_scoped3A : memref<!tpu.dma_semaphore, #tpu.memory_space<semaphore_mem>>)
          %dma_wait3A_106 = arith.constant 0 : i32
          %dma_wait3A_107 = tpu.memref_slice %arg7[%add3A_87, %dma_wait3A_106] : memref<10240x128xf32, #tpu.memory_space<hbm>> -> memref<128x128xf32, #tpu.memory_space<hbm>>
          %dma_wait3A_108 = arith.constant 0 : i32
          %dma_wait3A_109 = tpu.memref_slice %arg7[%add3A_87, %dma_wait3A_108] : memref<10240x128xf32, #tpu.memory_space<hbm>> -> memref<128x128xf32, #tpu.memory_space<hbm>>
          tpu.wait_dma2 semaphore(%run_scoped3A : memref<!tpu.dma_semaphore, #tpu.memory_space<semaphore_mem>>) src(%arg11 : memref<128x128xf32, #tpu.memory_space<vmem>>) dst(%dma_wait3A_109 : memref<128x128xf32, #tpu.memory_space<hbm>>)
          tpu.yield
        }) : () -> ()
      } else {
      }
    }
    %scan3A_81 = arith.constant 5 : i32
    return
  }
}

module attributes {stable_mosaic.version = 14 : i64} {
  func.func @_mask_body(%arg0: memref<5000x1xi32, #tpu.memory_space<vmem>>, %arg1: memref<5000x1xi32, #tpu.memory_space<vmem>>, %arg2: memref<256x256xf32, #tpu.memory_space<vmem>>) attributes {dimension_semantics = [], scalar_prefetch = 0 : i64, scratch_operands = 0 : i64, tpu.core_type = #tpu.core_type<tc>} {
    %get3A = arith.constant 0 : index
    %get3A_0 = arith.constant 0 : index
    %get3A_1 = vector.load %arg0[%get3A, %get3A_0] : memref<5000x1xi32, #tpu.memory_space<vmem>>, vector<5000x1xi32>
    %get3A_2 = arith.constant 0 : index
    %get3A_3 = arith.constant 0 : index
    %get3A_4 = vector.load %arg1[%get3A_2, %get3A_3] : memref<5000x1xi32, #tpu.memory_space<vmem>>, vector<5000x1xi32>
    %iota3A = tpu.iota {dimensions = array<i32: 1>} : vector<5000x256xi32>
    %eq3A = vector.broadcast %get3A_1 : vector<5000x1xi32> to vector<5000x256xi32>
    %eq3A_5 = arith.cmpi eq, %eq3A, %iota3A : vector<5000x256xi32>
    %convert_element_type3A = arith.extui %eq3A_5 : vector<5000x256xi1> to vector<5000x256xi32>
    %convert_element_type3A_6 = arith.sitofp %convert_element_type3A : vector<5000x256xi32> to vector<5000x256xf32>
    %eq3A_7 = vector.broadcast %get3A_4 : vector<5000x1xi32> to vector<5000x256xi32>
    %eq3A_8 = arith.cmpi eq, %eq3A_7, %iota3A : vector<5000x256xi32>
    %convert_element_type3A_9 = arith.extui %eq3A_8 : vector<5000x256xi1> to vector<5000x256xi32>
    %convert_element_type3A_10 = arith.sitofp %convert_element_type3A_9 : vector<5000x256xi32> to vector<5000x256xf32>
    %dot_general3A = arith.constant dense<0.000000e+00> : vector<256x256xf32>
    %dot_general3A_11 = tpu.matmul %convert_element_type3A_6, %convert_element_type3A_10, %dot_general3A {dimension_numbers = #tpu.dot_dimension_numbers<[0], [0], [1], [1], [0, 1, 1, 1], [], []>, transpose_lhs_hint = false} : vector<5000x256xf32>, vector<5000x256xf32>, vector<256x256xf32> -> vector<256x256xf32>
    %gt3A = arith.constant 5.000000e-01 : f32
    %gt3A_12 = vector.broadcast %gt3A : f32 to vector<256x256xf32>
    %gt3A_13 = arith.cmpf ogt, %dot_general3A_11, %gt3A_12 : vector<256x256xf32>
    %convert_element_type3A_14 = arith.extui %gt3A_13 : vector<256x256xi1> to vector<256x256xi32>
    %convert_element_type3A_15 = arith.sitofp %convert_element_type3A_14 : vector<256x256xi32> to vector<256x256xf32>
    %swap3A = arith.constant 0 : index
    %swap3A_16 = arith.constant 0 : index
    %swap3A_17 = vector.load %arg2[%swap3A, %swap3A_16] : memref<256x256xf32, #tpu.memory_space<vmem>>, vector<256x256xf32>
    tpu.vector_store %arg2[%swap3A, %swap3A_16], %convert_element_type3A_15 {strides = array<i32>} : memref<256x256xf32, #tpu.memory_space<vmem>>, vector<256x256xf32>,
    return
  }
}

module attributes {stable_mosaic.version = 14 : i64} {
  func.func @_t_body(%arg0: i32, %arg1: i32, %arg2: memref<1000x256xf32, #tpu.memory_space<vmem>>, %arg3: memref<256x128xf32, #tpu.memory_space<vmem>>, %arg4: memref<256x128xf32, #tpu.memory_space<vmem>>, %arg5: memref<1x128xf32, #tpu.memory_space<vmem>>, %arg6: memref<1x128xf32, #tpu.memory_space<vmem>>, %arg7: memref<256x128xf32, #tpu.memory_space<vmem>>, %arg8: memref<1000x128xf32, #tpu.memory_space<vmem>>) attributes {dimension_semantics = [#tpu.dimension_semantics<arbitrary>, #tpu.dimension_semantics<arbitrary>], iteration_bounds = array<i64: 2, 10>, scalar_prefetch = 0 : i64, scratch_operands = 0 : i64, tpu.core_type = #tpu.core_type<tc>, window_params = [{transform_indices = @transform_0, window_bounds = array<i64: 1000, 256>}, {transform_indices = @transform_1, window_bounds = array<i64: 256, 128>}, {transform_indices = @transform_2, window_bounds = array<i64: 256, 128>}, {transform_indices = @transform_3, window_bounds = array<i64: 1, 128>}, {transform_indices = @transform_4, window_bounds = array<i64: 1, 128>}, {transform_indices = @transform_5, window_bounds = array<i64: 256, 128>}, {transform_indices = @transform_6, window_bounds = array<i64: 1000, 128>}]} {
    %get3A = arith.constant 0 : index
    %get3A_0 = arith.constant 0 : index
    %get3A_1 = vector.load %arg2[%get3A, %get3A_0] : memref<1000x256xf32, #tpu.memory_space<vmem>>, vector<1000x256xf32>
    %convert_element_type3A = arith.truncf %get3A_1 : vector<1000x256xf32> to vector<1000x256xbf16>
    %get3A_2 = arith.constant 0 : index
    %get3A_3 = arith.constant 0 : index
    %get3A_4 = vector.load %arg3[%get3A_2, %get3A_3] : memref<256x128xf32, #tpu.memory_space<vmem>>, vector<256x128xf32>
    %convert_element_type3A_5 = arith.truncf %get3A_4 : vector<256x128xf32> to vector<256x128xbf16>
    %get3A_6 = arith.constant 0 : index
    %get3A_7 = arith.constant 0 : index
    %get3A_8 = vector.load %arg4[%get3A_6, %get3A_7] : memref<256x128xf32, #tpu.memory_space<vmem>>, vector<256x128xf32>
    %convert_element_type3A_9 = arith.truncf %get3A_8 : vector<256x128xf32> to vector<256x128xbf16>
    %dot_general3A = arith.constant dense<0.000000e+00> : vector<1000x128xf32>
    %dot_general3A_10 = tpu.matmul %convert_element_type3A, %convert_element_type3A_5, %dot_general3A {dimension_numbers = #tpu.dot_dimension_numbers<[1], [0], [0], [1], [0, 0, 1, 1], [], []>, transpose_lhs_hint = false} : vector<1000x256xbf16>, vector<256x128xbf16>, vector<1000x128xf32> -> vector<1000x128xf32>
    %get3A_11 = arith.constant 0 : index
    %get3A_12 = arith.constant 0 : index
    %get3A_13 = vector.load %arg5[%get3A_11, %get3A_12] : memref<1x128xf32, #tpu.memory_space<vmem>>, vector<1x128xf32>
    %add3A = vector.broadcast %get3A_13 : vector<1x128xf32> to vector<1000x128xf32>
    %add3A_14 = arith.addf %dot_general3A_10, %add3A : vector<1000x128xf32>
    %max3A = arith.constant 0.000000e+00 : f32
    %max3A_15 = vector.broadcast %max3A : f32 to vector<1000x128xf32>
    %max3A_16 = arith.maximumf %add3A_14, %max3A_15 : vector<1000x128xf32>
    %dot_general3A_17 = arith.constant dense<0.000000e+00> : vector<1000x128xf32>
    %dot_general3A_18 = tpu.matmul %convert_element_type3A, %convert_element_type3A_9, %dot_general3A_17 {dimension_numbers = #tpu.dot_dimension_numbers<[1], [0], [0], [1], [0, 0, 1, 1], [], []>, transpose_lhs_hint = false} : vector<1000x256xbf16>, vector<256x128xbf16>, vector<1000x128xf32> -> vector<1000x128xf32>
    %get3A_19 = arith.constant 0 : index
    %get3A_20 = arith.constant 0 : index
    %get3A_21 = vector.load %arg6[%get3A_19, %get3A_20] : memref<1x128xf32, #tpu.memory_space<vmem>>, vector<1x128xf32>
    %add3A_22 = vector.broadcast %get3A_21 : vector<1x128xf32> to vector<1000x128xf32>
    %add3A_23 = arith.addf %dot_general3A_18, %add3A_22 : vector<1000x128xf32>
    %max3A_24 = arith.constant 0.000000e+00 : f32
    %max3A_25 = vector.broadcast %max3A_24 : f32 to vector<1000x128xf32>
    %max3A_26 = arith.maximumf %add3A_23, %max3A_25 : vector<1000x128xf32>
    %mul3A = arith.constant 8.000000e-01 : f32
    %mul3A_27 = vector.broadcast %mul3A : f32 to vector<1000x128xf32>
    %mul3A_28 = arith.mulf %mul3A_27, %max3A_16 : vector<1000x128xf32>
    %mul3A_29 = arith.constant 2.000000e-01 : f32
    %mul3A_30 = vector.broadcast %mul3A_29 : f32 to vector<1000x128xf32>
    %mul3A_31 = arith.mulf %mul3A_30, %max3A_26 : vector<1000x128xf32>
    %add3A_32 = arith.addf %mul3A_28, %mul3A_31 : vector<1000x128xf32>
    %sub3A = arith.subf %max3A_26, %max3A_16 : vector<1000x128xf32>
    %mul3A_33 = arith.constant 6.000000e-01 : f32
    %mul3A_34 = vector.broadcast %mul3A_33 : f32 to vector<1000x128xf32>
    %mul3A_35 = arith.mulf %mul3A_34, %sub3A : vector<1000x128xf32>
    %get3A_36 = arith.constant 0 : index
    %get3A_37 = arith.constant 0 : index
    %get3A_38 = vector.load %arg7[%get3A_36, %get3A_37] : memref<256x128xf32, #tpu.memory_space<vmem>>, vector<256x128xf32>
    %broadcast_in_dim3A = arith.constant 0.000000e+00 : f32
    %broadcast_in_dim3A_39 = vector.broadcast %broadcast_in_dim3A : f32 to vector<744x128xf32>
    %concatenate3A = tpu.concatenate %get3A_38, %broadcast_in_dim3A_39 in 0 : vector<256x128xf32>, vector<744x128xf32> -> vector<1000x128xf32>
    %eq3A = arith.constant 0 : i32
    %eq3A_40 = arith.cmpi eq, %arg1, %eq3A : i32
    %jit3A = arith.constant 0.000000e+00 : f32
    %broadcast_in_dim3A_41 = vector.broadcast %jit3A : f32 to vector<1000x128xf32>
    %select_n3A = arith.select %eq3A_40, %concatenate3A, %broadcast_in_dim3A_41 : vector<1000x128xf32>
    %mul3A_42 = arith.mulf %select_n3A, %mul3A_35 : vector<1000x128xf32>
    %add3A_43 = arith.addf %add3A_32, %mul3A_42 : vector<1000x128xf32>
    %swap3A = arith.constant 0 : index
    %swap3A_44 = arith.constant 0 : index
    %swap3A_45 = vector.load %arg8[%swap3A, %swap3A_44] : memref<1000x128xf32, #tpu.memory_space<vmem>>, vector<1000x128xf32>
    tpu.vector_store %arg8[%swap3A, %swap3A_44], %add3A_43 {strides = array<i32>} : memref<1000x128xf32, #tpu.memory_space<vmem>>, vector<1000x128xf32>,
    return
  }
  func.func @transform_0(%arg0: i32, %arg1: i32) -> (i32, i32) {
    %c0_i32 = arith.constant 0 : i32
    %c0_i32_0 = arith.constant 0 : i32
    return %arg1, %c0_i32 : i32, i32
  }
  func.func @transform_1(%arg0: i32, %arg1: i32) -> (i32, i32) {
    %c0_i32 = arith.constant 0 : i32
    %c0_i32_0 = arith.constant 0 : i32
    return %c0_i32, %arg0 : i32, i32
  }
  func.func @transform_2(%arg0: i32, %arg1: i32) -> (i32, i32) {
    %c0_i32 = arith.constant 0 : i32
    %c0_i32_0 = arith.constant 0 : i32
    return %c0_i32, %arg0 : i32, i32
  }
  func.func @transform_3(%arg0: i32, %arg1: i32) -> (i32, i32) {
    %c0_i32 = arith.constant 0 : i32
    %c0_i32_0 = arith.constant 0 : i32
    return %c0_i32, %arg0 : i32, i32
  }
  func.func @transform_4(%arg0: i32, %arg1: i32) -> (i32, i32) {
    %c0_i32 = arith.constant 0 : i32
    %c0_i32_0 = arith.constant 0 : i32
    return %c0_i32, %arg0 : i32, i32
  }
  func.func @transform_5(%arg0: i32, %arg1: i32) -> (i32, i32) {
    %c0_i32 = arith.constant 0 : i32
    %c0_i32_0 = arith.constant 0 : i32
    return %c0_i32, %arg0 : i32, i32
  }
  func.func @transform_6(%arg0: i32, %arg1: i32) -> (i32, i32) {
    %mul3A = arith.constant 10 : i32
    %mul3A_0 = arith.muli %arg0, %mul3A : i32
    %add3A = arith.addi %mul3A_0, %arg1 : i32
    %c0_i32 = arith.constant 0 : i32
    %c0_i32_1 = arith.constant 0 : i32
    return %add3A, %c0_i32 : i32, i32
  }
}

module attributes {stable_mosaic.version = 14 : i64} {
  func.func @_c_body(%arg0: i32, %arg1: memref<1000x128xf32, #tpu.memory_space<vmem>>, %arg2: memref<1000x128xf32, #tpu.memory_space<vmem>>, %arg3: memref<1000x256xf32, #tpu.memory_space<vmem>>, %arg4: memref<512x256xf32, #tpu.memory_space<vmem>>, %arg5: memref<512x256xf32, #tpu.memory_space<vmem>>, %arg6: memref<1x256xf32, #tpu.memory_space<vmem>>, %arg7: memref<1x256xf32, #tpu.memory_space<vmem>>, %arg8: memref<1x256xf32, #tpu.memory_space<vmem>>, %arg9: memref<1x256xf32, #tpu.memory_space<vmem>>, %arg10: memref<256x256xf32, #tpu.memory_space<vmem>>, %arg11: memref<1000x256xf32, #tpu.memory_space<vmem>>) attributes {dimension_semantics = [#tpu.dimension_semantics<arbitrary>], iteration_bounds = array<i64: 10>, scalar_prefetch = 0 : i64, scratch_operands = 0 : i64, tpu.core_type = #tpu.core_type<tc>, window_params = [{transform_indices = @transform_0, window_bounds = array<i64: 1000, 128>}, {transform_indices = @transform_1, window_bounds = array<i64: 1000, 128>}, {transform_indices = @transform_2, window_bounds = array<i64: 1000, 256>}, {pipeline_mode = #tpu.pipeline_mode<synchronous>, transform_indices = @transform_3, window_bounds = array<i64: 512, 256>}, {pipeline_mode = #tpu.pipeline_mode<synchronous>, transform_indices = @transform_4, window_bounds = array<i64: 512, 256>}, {pipeline_mode = #tpu.pipeline_mode<synchronous>, transform_indices = @transform_5, window_bounds = array<i64: 1, 256>}, {pipeline_mode = #tpu.pipeline_mode<synchronous>, transform_indices = @transform_6, window_bounds = array<i64: 1, 256>}, {pipeline_mode = #tpu.pipeline_mode<synchronous>, transform_indices = @transform_7, window_bounds = array<i64: 1, 256>}, {pipeline_mode = #tpu.pipeline_mode<synchronous>, transform_indices = @transform_8, window_bounds = array<i64: 1, 256>}, {pipeline_mode = #tpu.pipeline_mode<synchronous>, transform_indices = @transform_9, window_bounds = array<i64: 256, 256>}, {transform_indices = @transform_10, window_bounds = array<i64: 1000, 256>}]} {
    %get3A = arith.constant 0 : index
    %get3A_0 = arith.constant 0 : index
    %get3A_1 = vector.load %arg1[%get3A, %get3A_0] : memref<1000x128xf32, #tpu.memory_space<vmem>>, vector<1000x128xf32>
    %get3A_2 = arith.constant 0 : index
    %get3A_3 = arith.constant 0 : index
    %get3A_4 = vector.load %arg2[%get3A_2, %get3A_3] : memref<1000x128xf32, #tpu.memory_space<vmem>>, vector<1000x128xf32>
    %concatenate3A = tpu.concatenate %get3A_1, %get3A_4 in 1 : vector<1000x128xf32>, vector<1000x128xf32> -> vector<1000x256xf32>
    %reduce_sum3A = arith.constant dense<0.000000e+00> : vector<1000xf32>
    %reduce_sum3A_5 = vector.multi_reduction <add>, %concatenate3A, %reduce_sum3A [1] : vector<1000x256xf32> to vector<1000xf32>
    %broadcast_in_dim3A = vector.shape_cast %reduce_sum3A_5 : vector<1000xf32> to vector<1000x1xf32>
    %div3A = arith.constant 2.560000e+02 : f32
    %div3A_6 = vector.broadcast %div3A : f32 to vector<1000x1xf32>
    %div3A_7 = arith.divf %broadcast_in_dim3A, %div3A_6 : vector<1000x1xf32>
    %sub3A = vector.broadcast %div3A_7 : vector<1000x1xf32> to vector<1000x256xf32>
    %sub3A_8 = arith.subf %concatenate3A, %sub3A : vector<1000x256xf32>
    %square3A = arith.mulf %sub3A_8, %sub3A_8 : vector<1000x256xf32>
    %reduce_sum3A_9 = arith.constant dense<0.000000e+00> : vector<1000xf32>
    %reduce_sum3A_10 = vector.multi_reduction <add>, %square3A, %reduce_sum3A_9 [1] : vector<1000x256xf32> to vector<1000xf32>
    %broadcast_in_dim3A_11 = vector.shape_cast %reduce_sum3A_10 : vector<1000xf32> to vector<1000x1xf32>
    %div3A_12 = arith.constant 2.560000e+02 : f32
    %div3A_13 = vector.broadcast %div3A_12 : f32 to vector<1000x1xf32>
    %div3A_14 = arith.divf %broadcast_in_dim3A_11, %div3A_13 : vector<1000x1xf32>
    %sub3A_15 = vector.broadcast %div3A_7 : vector<1000x1xf32> to vector<1000x256xf32>
    %sub3A_16 = arith.subf %concatenate3A, %sub3A_15 : vector<1000x256xf32>
    %add3A = arith.constant 9.99999974E-6 : f32
    %add3A_17 = vector.broadcast %add3A : f32 to vector<1000x1xf32>
    %add3A_18 = arith.addf %div3A_14, %add3A_17 : vector<1000x1xf32>
    %rsqrt3A = math.rsqrt %add3A_18 : vector<1000x1xf32>
    %mul3A = vector.broadcast %rsqrt3A : vector<1000x1xf32> to vector<1000x256xf32>
    %mul3A_19 = arith.mulf %sub3A_16, %mul3A : vector<1000x256xf32>
    %get3A_20 = arith.constant 0 : index
    %get3A_21 = arith.constant 0 : index
    %get3A_22 = vector.load %arg8[%get3A_20, %get3A_21] : memref<1x256xf32, #tpu.memory_space<vmem>>, vector<1x256xf32>
    %mul3A_23 = vector.broadcast %get3A_22 : vector<1x256xf32> to vector<1000x256xf32>
    %mul3A_24 = arith.mulf %mul3A_19, %mul3A_23 : vector<1000x256xf32>
    %get3A_25 = arith.constant 0 : index
    %get3A_26 = arith.constant 0 : index
    %get3A_27 = vector.load %arg9[%get3A_25, %get3A_26] : memref<1x256xf32, #tpu.memory_space<vmem>>, vector<1x256xf32>
    %add3A_28 = vector.broadcast %get3A_27 : vector<1x256xf32> to vector<1000x256xf32>
    %add3A_29 = arith.addf %mul3A_24, %add3A_28 : vector<1000x256xf32>
    %get3A_30 = arith.constant 0 : index
    %get3A_31 = arith.constant 0 : index
    %get3A_32 = vector.load %arg3[%get3A_30, %get3A_31] : memref<1000x256xf32, #tpu.memory_space<vmem>>, vector<1000x256xf32>
    %convert_element_type3A = arith.truncf %get3A_32 : vector<1000x256xf32> to vector<1000x256xbf16>
    %convert_element_type3A_33 = arith.truncf %add3A_29 : vector<1000x256xf32> to vector<1000x256xbf16>
    %get3A_34 = arith.constant 0 : index
    %get3A_35 = arith.constant 0 : index
    %get3A_36 = vector.load %arg4[%get3A_34, %get3A_35] : memref<512x256xf32, #tpu.memory_space<vmem>>, vector<512x256xf32>
    %convert_element_type3A_37 = arith.truncf %get3A_36 : vector<512x256xf32> to vector<512x256xbf16>
    %get3A_38 = arith.constant 0 : index
    %get3A_39 = arith.constant 0 : index
    %get3A_40 = vector.load %arg5[%get3A_38, %get3A_39] : memref<512x256xf32, #tpu.memory_space<vmem>>, vector<512x256xf32>
    %convert_element_type3A_41 = arith.truncf %get3A_40 : vector<512x256xf32> to vector<512x256xbf16>
    %slice3A = vector.extract_strided_slice %convert_element_type3A_37 {offsets = [0, 0], sizes = [256, 256], strides = [1, 1]} : vector<512x256xbf16> to vector<256x256xbf16>
    %dot_general3A = arith.constant dense<0.000000e+00> : vector<1000x256xf32>
    %dot_general3A_42 = tpu.matmul %convert_element_type3A_33, %slice3A, %dot_general3A {dimension_numbers = #tpu.dot_dimension_numbers<[1], [0], [0], [1], [0, 0, 1, 1], [], []>, transpose_lhs_hint = false} : vector<1000x256xbf16>, vector<256x256xbf16>, vector<1000x256xf32> -> vector<1000x256xf32>
    %slice3A_43 = vector.extract_strided_slice %convert_element_type3A_37 {offsets = [256, 0], sizes = [256, 256], strides = [1, 1]} : vector<512x256xbf16> to vector<256x256xbf16>
    %dot_general3A_44 = arith.constant dense<0.000000e+00> : vector<1000x256xf32>
    %dot_general3A_45 = tpu.matmul %convert_element_type3A, %slice3A_43, %dot_general3A_44 {dimension_numbers = #tpu.dot_dimension_numbers<[1], [0], [0], [1], [0, 0, 1, 1], [], []>, transpose_lhs_hint = false} : vector<1000x256xbf16>, vector<256x256xbf16>, vector<1000x256xf32> -> vector<1000x256xf32>
    %add3A_46 = arith.addf %dot_general3A_42, %dot_general3A_45 : vector<1000x256xf32>
    %get3A_47 = arith.constant 0 : index
    %get3A_48 = arith.constant 0 : index
    %get3A_49 = vector.load %arg6[%get3A_47, %get3A_48] : memref<1x256xf32, #tpu.memory_space<vmem>>, vector<1x256xf32>
    %add3A_50 = vector.broadcast %get3A_49 : vector<1x256xf32> to vector<1000x256xf32>
    %add3A_51 = arith.addf %add3A_46, %add3A_50 : vector<1000x256xf32>
    %slice3A_52 = vector.extract_strided_slice %convert_element_type3A_41 {offsets = [0, 0], sizes = [256, 256], strides = [1, 1]} : vector<512x256xbf16> to vector<256x256xbf16>
    %dot_general3A_53 = arith.constant dense<0.000000e+00> : vector<1000x256xf32>
    %dot_general3A_54 = tpu.matmul %convert_element_type3A_33, %slice3A_52, %dot_general3A_53 {dimension_numbers = #tpu.dot_dimension_numbers<[1], [0], [0], [1], [0, 0, 1, 1], [], []>, transpose_lhs_hint = false} : vector<1000x256xbf16>, vector<256x256xbf16>, vector<1000x256xf32> -> vector<1000x256xf32>
    %slice3A_55 = vector.extract_strided_slice %convert_element_type3A_41 {offsets = [256, 0], sizes = [256, 256], strides = [1, 1]} : vector<512x256xbf16> to vector<256x256xbf16>
    %dot_general3A_56 = arith.constant dense<0.000000e+00> : vector<1000x256xf32>
    %dot_general3A_57 = tpu.matmul %convert_element_type3A, %slice3A_55, %dot_general3A_56 {dimension_numbers = #tpu.dot_dimension_numbers<[1], [0], [0], [1], [0, 0, 1, 1], [], []>, transpose_lhs_hint = false} : vector<1000x256xbf16>, vector<256x256xbf16>, vector<1000x256xf32> -> vector<1000x256xf32>
    %add3A_58 = arith.addf %dot_general3A_54, %dot_general3A_57 : vector<1000x256xf32>
    %get3A_59 = arith.constant 0 : index
    %get3A_60 = arith.constant 0 : index
    %get3A_61 = vector.load %arg7[%get3A_59, %get3A_60] : memref<1x256xf32, #tpu.memory_space<vmem>>, vector<1x256xf32>
    %add3A_62 = vector.broadcast %get3A_61 : vector<1x256xf32> to vector<1000x256xf32>
    %add3A_63 = arith.addf %add3A_58, %add3A_62 : vector<1000x256xf32>
    %mul3A_64 = arith.constant 8.000000e-01 : f32
    %mul3A_65 = vector.broadcast %mul3A_64 : f32 to vector<1000x256xf32>
    %mul3A_66 = arith.mulf %mul3A_65, %add3A_51 : vector<1000x256xf32>
    %mul3A_67 = arith.constant 2.000000e-01 : f32
    %mul3A_68 = vector.broadcast %mul3A_67 : f32 to vector<1000x256xf32>
    %mul3A_69 = arith.mulf %mul3A_68, %add3A_63 : vector<1000x256xf32>
    %add3A_70 = arith.addf %mul3A_66, %mul3A_69 : vector<1000x256xf32>
    %sub3A_71 = arith.subf %add3A_63, %add3A_51 : vector<1000x256xf32>
    %mul3A_72 = arith.constant 6.000000e-01 : f32
    %mul3A_73 = vector.broadcast %mul3A_72 : f32 to vector<1000x256xf32>
    %mul3A_74 = arith.mulf %mul3A_73, %sub3A_71 : vector<1000x256xf32>
    %get3A_75 = arith.constant 0 : index
    %get3A_76 = arith.constant 0 : index
    %get3A_77 = vector.load %arg10[%get3A_75, %get3A_76] : memref<256x256xf32, #tpu.memory_space<vmem>>, vector<256x256xf32>
    %broadcast_in_dim3A_78 = arith.constant 0.000000e+00 : f32
    %broadcast_in_dim3A_79 = vector.broadcast %broadcast_in_dim3A_78 : f32 to vector<744x256xf32>
    %concatenate3A_80 = tpu.concatenate %get3A_77, %broadcast_in_dim3A_79 in 0 : vector<256x256xf32>, vector<744x256xf32> -> vector<1000x256xf32>
    %eq3A = arith.constant 0 : i32
    %eq3A_81 = arith.cmpi eq, %arg0, %eq3A : i32
    %jit3A = arith.constant 0.000000e+00 : f32
    %broadcast_in_dim3A_82 = vector.broadcast %jit3A : f32 to vector<1000x256xf32>
    %select_n3A = arith.select %eq3A_81, %concatenate3A_80, %broadcast_in_dim3A_82 : vector<1000x256xf32>
    %mul3A_83 = arith.mulf %select_n3A, %mul3A_74 : vector<1000x256xf32>
    %add3A_84 = arith.addf %add3A_70, %mul3A_83 : vector<1000x256xf32>
    %swap3A = arith.constant 0 : index
    %swap3A_85 = arith.constant 0 : index
    %swap3A_86 = vector.load %arg11[%swap3A, %swap3A_85] : memref<1000x256xf32, #tpu.memory_space<vmem>>, vector<1000x256xf32>
    tpu.vector_store %arg11[%swap3A, %swap3A_85], %add3A_84 {strides = array<i32>} : memref<1000x256xf32, #tpu.memory_space<vmem>>, vector<1000x256xf32>,
    return
  }
  func.func @transform_0(%arg0: i32) -> (i32, i32) {
    %c0_i32 = arith.constant 0 : i32
    %c0_i32_0 = arith.constant 0 : i32
    return %arg0, %c0_i32 : i32, i32
  }
  func.func @transform_1(%arg0: i32) -> (i32, i32) {
    %c0_i32 = arith.constant 0 : i32
    %c0_i32_0 = arith.constant 0 : i32
    return %arg0, %c0_i32 : i32, i32
  }
  func.func @transform_2(%arg0: i32) -> (i32, i32) {
    %c0_i32 = arith.constant 0 : i32
    %c0_i32_0 = arith.constant 0 : i32
    return %arg0, %c0_i32 : i32, i32
  }
  func.func @transform_3(%arg0: i32) -> (i32, i32) {
    %c0_i32 = arith.constant 0 : i32
    %c0_i32_0 = arith.constant 0 : i32
    %c0_i32_1 = arith.constant 0 : i32
    return %c0_i32, %c0_i32_0 : i32, i32
  }
  func.func @transform_4(%arg0: i32) -> (i32, i32) {
    %c0_i32 = arith.constant 0 : i32
    %c0_i32_0 = arith.constant 0 : i32
    %c0_i32_1 = arith.constant 0 : i32
    return %c0_i32, %c0_i32_0 : i32, i32
  }
  func.func @transform_5(%arg0: i32) -> (i32, i32) {
    %c0_i32 = arith.constant 0 : i32
    %c0_i32_0 = arith.constant 0 : i32
    %c0_i32_1 = arith.constant 0 : i32
    return %c0_i32, %c0_i32_0 : i32, i32
  }
  func.func @transform_6(%arg0: i32) -> (i32, i32) {
    %c0_i32 = arith.constant 0 : i32
    %c0_i32_0 = arith.constant 0 : i32
    %c0_i32_1 = arith.constant 0 : i32
    return %c0_i32, %c0_i32_0 : i32, i32
  }
  func.func @transform_7(%arg0: i32) -> (i32, i32) {
    %c0_i32 = arith.constant 0 : i32
    %c0_i32_0 = arith.constant 0 : i32
    %c0_i32_1 = arith.constant 0 : i32
    return %c0_i32, %c0_i32_0 : i32, i32
  }
  func.func @transform_8(%arg0: i32) -> (i32, i32) {
    %c0_i32 = arith.constant 0 : i32
    %c0_i32_0 = arith.constant 0 : i32
    %c0_i32_1 = arith.constant 0 : i32
    return %c0_i32, %c0_i32_0 : i32, i32
  }
  func.func @transform_9(%arg0: i32) -> (i32, i32) {
    %c0_i32 = arith.constant 0 : i32
    %c0_i32_0 = arith.constant 0 : i32
    %c0_i32_1 = arith.constant 0 : i32
    return %c0_i32, %c0_i32_0 : i32, i32
  }
  func.func @transform_10(%arg0: i32) -> (i32, i32) {
    %c0_i32 = arith.constant 0 : i32
    %c0_i32_0 = arith.constant 0 : i32
    return %arg0, %c0_i32 : i32, i32
  }
}

</mosaic_0001>

<sc_bundles>
// kernel: kernel.6.cloned.1.call-start
scs
__scs_entry_jumppad:
0x0: {  	(pc) =	sbr.rel $0x88, $3  }
0x1: {  	(tag) =	ssettag $0x0;
	lr =	simm.s32 $0x1  }
0x2: {  	[smem:$0x3F93] =	sst lr;
	_ =	strace $0xD0000000  }
0x3: {  	_ = 	snop  }
0x4: {  	_ = 	snop  }
0x5: {  	_ = 	snop  }
0x6: {  	_ = 	snop  }
0x7: {  	_ = 	snop  }
__scs_overlays_trampoline_lowered:
0x8: {  	[smem:$0x3FA2] =	sst s0  }
0x9: {  	[smem:$0x3FA3] =	sst s1  }
0xa: {  	[smem:$0x3FA4] =	sst s2  }
0xb: {  	[smem:$0x3FA5] =	sst s3  }
0xc: {  	[smem:$0x3FA6] =	sst s4  }
0xd: {  	[smem:$0x3FA7] =	sst s5  }
0xe: {  	[smem:$0x3FA8] =	sst s6  }
0xf: {  	[smem:$0x3FA9] =	sst s7  }
0x10: {  	[smem:$0x3FAA] =	sst s8  }
0x11: {  	[smem:$0x3FAB] =	sst s9;
	s0 =	simm.s32 @!p0 $0x0  }
0x12: {  	s1 =	sld [smem:$0x3F91];
	s0 =	simm.s32 @p0 $0x1  }
0x13: {  	[smem:$0x3FAC] =	sst s0;
	s0 =	simm.s32 @!p1 $0x0  }
0x14: {  	s2 =	sld [smem:$0x3F90];
	s0 =	simm.s32 @p1 $0x1  }
0x15: {  	[smem:$0x3FAD] =	sst s0;
	s0 =	simm.s32 @!p2 $0x0  }
0x16: {  	s3 =	sld [smem:$0x3FDB];
	s0 =	simm.s32 @p2 $0x1  }
0x17: {  	s4 =	simm.s32 $0x1BF5;
	[smem:$0x3FAF] =	sst s0  }
0x18: {  	s0 =	sld [smem:$0x3F92];
	_ =	swait.ge [sflag:s4], $0x0  }
0x19: {  	s7 =	sld [smem:$0x3F93]  }
0x1a: {  	s8 =	sadd.s32 $0xFFFFE003, lr  }
0x1b: {  	s9 =	sadd.s32 $0xFFFFFEF7, lr;
	s5 =	simm.s32 $0xFFFFFFFF;
	p2 =	slt.u32 s8, $0xFFFFF086  }
0x1c: {  	p1 =	slt.u32 s9, $0xF7A;
	s5 =	simm.s32 @!p2 $0x0  }
0x1d: {  	s5 =	simm.s32 @p1 $0x1;
	p0 =	seq.s32 s7, s2  }
0x1e: {  	s7 =	smul.u32 @!p0 $0xF7A, s2;
	p2 =	seq.s32 @!p0 s5, $0x0  }
0x1f: {  	s9 =	smul.u32 $0xF7A, s1;
	s8 =	simm.s32 @!p0 $0x1BF5;
	p2 =	por !p2, p0  }
0x20: {  	[sflag:s8] =	ssyncset.s32 @!p0 $0xFFFFF086;
	s6 =	sadd.s32 @!p0 s3, s7;
	s7 =	simm.s32 @!p0 $0x108  }
0x21: {  	s3 =	sadd.s32 s3, s9;
	s6 =	sadd.s32 @!p0 $0x88, s6;
	s7 =	simm.s32 @p2 $0x1082  }
0x22: {  	[simem:s7], [sflag:s8] =	dma.local @!p0 [hbm:s6], $0xF7A  }
0x23: {  	s9 =	sor.u32 $0xD0000000, s2;
	s6 =	simm.s32 $0x108;
	_ =	swait.ge @!p0 [sflag:s8], $0x0  }
0x24: {  	s3 =	sadd.s32 $0x88, s3;
	s6 =	simm.s32 @!p1 $0x1082;
	[sflag:s4] =	ssyncset.s32 $0xFFFFF086  }
0x25: {  	[simem:s6], [sflag:s4] =	dma.local [hbm:s3], $0xF7A  }
0x26: {  	[smem:$0x3F93] =	sst s1;
	(tag) =	ssettag s2;
	_ =	strace s9  }
0x27: {  	s1 =	sld [smem:$0x3FA3]  }
0x28: {  	s2 =	sld [smem:$0x3FA4]  }
0x29: {  	s4 =	sld [smem:$0x3FA6]  }
0x2a: {  	p0 =	seq.s32 s5, $0x0;
	s5 =	sld [smem:$0x3FA7]  }
0x2b: {  	s6 =	sld [smem:$0x3FA8]  }
0x2c: {  	s7 =	sld [smem:$0x3FA9]  }
0x2d: {  	s3 =	simm.s32 $0x108;
	s8 =	sld [smem:$0x3FAA]  }
0x2e: {  	s3 =	simm.s32 @!p0 $0x1082;
	s9 =	sld [smem:$0x3FAB]  }
0x2f: {  	lr =	sadd.s32 s0, s3;
	s0 =	sld [smem:$0x3FA2]  }
0x30: {  	s3 =	sld [smem:$0x3FA5]  }
0x31: {  	[smem:$0x3FAE] =	sst s10  }
0x32: {  	s10 =	sld [smem:$0x3FAC];
	_ =	sdelay $0x3  }
0x33: {  	p0 =	seq.s32 s10, $0x1;
	s10 =	sld [smem:$0x3FAE];
	_ =	sdelay $0x3  }
0x34: {  	[smem:$0x3FAE] =	sst s10  }
0x35: {  	s10 =	sld [smem:$0x3FAD];
	_ =	sdelay $0x3  }
0x36: {  	p1 =	seq.s32 s10, $0x1;
	s10 =	sld [smem:$0x3FAE];
	_ =	sdelay $0x3  }
0x37: {  	[smem:$0x3FAE] =	sst s10  }
0x38: {  	s10 =	sld [smem:$0x3FAF]  }
0x39: {  	_ = 	snop;
	(pc) =	sbr.ind lr, $3  }
0x3a: {  	_ = 	snop  }
0x3b: {  	_ = 	snop  }
0x3c: {  	p2 =	seq.s32 s10, $0x1;
	s10 =	sld [smem:$0x3FAE]  }
0x3d: {  	_ =	shalt  }
0x3e: {  	_ =	shalt  }
0x3f: {  	_ =	shalt  }
0x40: {  	_ =	shalt  }
0x41: {  	_ =	shalt  }
0x42: {  	_ =	shalt  }
0x43: {  	_ =	shalt  }
0x44: {  	_ =	shalt  }
0x45: {  	_ =	shalt  }
0x46: {  	_ =	shalt  }
0x47: {  	_ =	shalt  }
0x48: {  	_ =	shalt  }
0x49: {  	_ =	shalt  }
0x4a: {  	_ =	shalt  }
0x4b: {  	_ =	shalt  }
0x4c: {  	_ =	shalt  }
0x4d: {  	_ =	shalt  }
0x4e: {  	_ =	shalt  }
0x4f: {  	_ =	shalt  }
0x50: {  	_ =	shalt  }
0x51: {  	_ =	shalt  }
0x52: {  	_ =	shalt  }
0x53: {  	_ =	shalt  }
0x54: {  	_ =	shalt  }
0x55: {  	_ =	shalt  }
0x56: {  	_ =	shalt  }
0x57: {  	_ =	shalt  }
0x58: {  	_ =	shalt  }
0x59: {  	_ =	shalt  }
0x5a: {  	_ =	shalt  }
0x5b: {  	_ =	shalt  }
0x5c: {  	_ =	shalt  }
0x5d: {  	_ =	shalt  }
0x5e: {  	_ =	shalt  }
0x5f: {  	_ =	shalt  }
0x60: {  	_ =	shalt  }
0x61: {  	_ =	shalt  }
0x62: {  	_ =	shalt  }
0x63: {  	_ =	shalt  }
0x64: {  	_ =	shalt  }
0x65: {  	_ =	shalt  }
0x66: {  	_ =	shalt  }
0x67: {  	_ =	shalt  }
0x68: {  	_ =	shalt  }
0x69: {  	_ =	shalt  }
0x6a: {  	_ =	shalt  }
0x6b: {  	_ =	shalt  }
0x6c: {  	_ =	shalt  }
0x6d: {  	_ =	shalt  }
0x6e: {  	_ =	shalt  }
0x6f: {  	_ =	shalt  }
0x70: {  	_ =	shalt  }
0x71: {  	_ =	shalt  }
0x72: {  	_ =	shalt  }
0x73: {  	_ =	shalt  }
0x74: {  	_ =	shalt  }
0x75: {  	_ =	shalt  }
0x76: {  	_ =	shalt  }
0x77: {  	_ =	shalt  }
0x78: {  	_ =	shalt  }
0x79: {  	_ =	shalt  }
0x7a: {  	_ =	shalt  }
0x7b: {  	_ =	shalt  }
0x7c: {  	_ =	shalt  }
0x7d: {  	_ =	shalt  }
0x7e: {  	_ =	shalt  }
0x7f: {  	_ =	shalt  }
0x80: {  	_ =	shalt  }
0x81: {  	_ =	shalt  }
0x82: {  	_ =	shalt  }
0x83: {  	_ =	shalt  }
0x84: {  	_ =	shalt  }
0x85: {  	_ =	shalt  }
0x86: {  	_ =	shalt  }
0x87: {  	_ =	shalt  }
.Lfunc_end0:
.L_simem_size_0:
called_computation_lowered:
.L_overlay_start_0:
0x88: {  	s2 =	sld [smem:$0x3FD9]  }
0x89: {  	s3 =	sld [smem:$0x3FFE];
	_ =	sdelay $0x1  }
0x8a: {  	s1 =	srdreg.scid  }
0x8b: {  	s0 =	sand.u32 $0x1, s1  }
0x8c: {  	s17 =	sshll.u32 s0, $0xA;
	s2 =	sadd.s32 s3, s2  }
0x8d: {  	s2 =	sadd.s32 s2, s17  }
0x8e: {  	[smem:$0x3FBA] =	sst s2  }
0x8f: {  	_ = 	snop  }
0x90: {  	s2 =	sld [smem:$0x3FD0];
	(tm) =	ssettm $0x1  }
0x91: {  	s18 =	sld [smem:$0x3FFB];
	_ =	sdelay $0x3  }
0x92: {  	_ =	strace s18  }
0x93: {  	s3 =	sld [smem:$0x3FFC];
	_ =	sdelay $0x3  }
0x94: {  	_ =	strace s3  }
0x95: {  	s3 =	sld [smem:$0x3FFD];
	_ =	sdelay $0x3  }
0x96: {  	_ =	strace s3  }
0x97: {  	_ =	strace $0x8FFFFFFF  }
0x98: {  	s19 =	sld [smem:$0x3FDB];
	_ =	sdelay $0x1  }
0x99: {  	s4 =	simm.s32 $_scs_section_size  }
0x9a: {  	s5 =	simm.s32 $_size__tile_overlayer_lowered;
	s6 =	simm.s32 $_tile_overlayer_lowered  }
0x9b: {  	s22 =	simm.s32 $0x1BFF;
	s21 =	sshll.u32 s6, $0x1;
	s3 =	sadd.s32 s4, s19  }
0x9c: {  	s7 =	simm.s32 $0x0;
	s20 =	sshll.u32 s5, $0x1;
	s5 =	sadd.s32 s21, s3  }
0x9d: {  	[timem:s7], [sflag:s22] =	dma.local [hbm:s5], s20  }
0x9e: {  	_ =	swait.ge [sflag:s22], s20  }
0x9f: {  	s4 =	ssub.s32 $0x0, s20;
	[sflag:s22] =	ssyncset.done $0x0  }
0xa0: {  	[sflag:s22] =	ssyncadd.s32 s4;
	_ =	sdelay $0x1  }
0xa1: {  	s23 =	simm.s32 $0x1B8B  }
0xa2: {  	_ =	swait.ge [sflag:s23], $0x1  }
0xa3: {  	[sflag:s23] =	ssyncset.done $0x0  }
0xa4: {  	s25 =	simm.s32 $0x1B8E;
	s24 =	sld [smem:$0x3FFE];
	[sflag:s23] =	ssyncadd.s32 $0xFFFFFFFF  }
0xa5: {  	s26 =	simm.s32 $execute0_lowered;
	[smem:$0x3FD2] =	sst s25  }
0xa6: {  	s5 =	sshll.u32 s26, $0x1;
	_ =	strace $0x80000046;
	[dreg:$0x1] =	wrdreg $0xFFFFFFFF  }
0xa7: {  	s28 =	simm.s32 $_size_execute0_lowered;
	s3 =	sadd.s32 s3, s5;
	[dreg:$0x0] =	wrdreg $0x0  }
0xa8: {  	s5 =	sshll.u32 s28, $0x1;
	[dreg:$0x2] =	wrdreg s3  }
0xa9: {  	[dreg:$0x3] =	wrdreg s5  }
0xaa: {  	[dreg:$0x4] =	wrdreg $0xC0  }
0xab: {  	_ =	task [dreg:s7], $0x5FFFF  }
0xac: {  	[dreg:$0x1] =	wrdreg $0xFFFFFFFF  }
0xad: {  	[dreg:$0x0] =	wrdreg $0x60  }
0xae: {  	[dreg:$0x2] =	wrdreg s2  }
0xaf: {  	[dreg:$0x3] =	wrdreg s24  }
0xb0: {  	[dreg:$0x4] =	wrdreg $0xB4800  }
0xb1: {  	[dreg:$0x5] =	wrdreg $0x1F4800  }
0xb2: {  	[dreg:$0x6] =	wrdreg $0x9  }
0xb3: {  	_ =	task.clear_ibuf [dreg:s7], $0x7FFFF;
	_ =	strace $0x90000046  }
0xb4: {  	s29 =	simm.s32 $0x9;
	_ =	strace $0x80000048  }
0xb5: {  	_ =	swait.ge [sflag:s29], $0x1  }
0xb6: {  	[sflag:s29] =	ssyncadd.s32 $0xFFFFFFFF  }
0xb7: {  	_ =	strace $0x90000048  }
0xb8: {  	_ =	sfence  }
0xb9: {  	s30 =	sld [smem:$0x0];
	_ =	sdelay $0x2  }
0xba: {  	s31 =	sshll.u32 s1, $0xD;
	s1 =	sshrl.u32 s1, $0x2  }
0xbb: {  	s3 =	sand.u32 $0x4000, s31;
	s1 =	sadd.s32 s1, s30  }
0xbc: {  	s0 =	sor.u32 s3, s0;
	s1 =	sshll.u32 s1, $0x11  }
0xbd: {  	s0 =	sor.u32 s1, s0  }
0xbe: {  	s0 =	sadd.s32 $0x8F2B, s0  }
0xbf: {  	[sflag:s0] =	ssyncadd.remote.s32 $0x1  }
0xc0: {  	_ =	sfence.sel $0xFFFF  }
0xc1: {  	[dreg:$0x0] =	wrdreg $0xFFFFFFFF;
	(pc) =	sbr.abs _section_cstart, $3  }
0xc2: {  	[dreg:$0x1] =	wrdreg $0xFFFFFFFF  }
0xc3: {  	_ =	task.clear_ibuf [dreg:s7], $0x2FFFF;
	_ =	strace $0x9FFFFFFF  }
0xc4: {  	(tm) =	ssettm $0x7FFFFFFF  }
0xc5: {  	_ =	shalt  }
tec
execute0_lowered:
.L_overlay_start_1:
0x0: {  	(tag) =	ssettag $0x1  }
0x1: {  	s1 =	rddreg [dreg:$0x0]  }
0x2: {  	s0 =	rddreg [dreg:$0x1]  }
0x3: {  	s2 =	rddreg [dreg:$0x2]  }
0x4: {  	s14 =	rddreg [dreg:$0x3];
	s5 =	simm.s32 $0x0  }
0x5: {  	s13 =	stileid.u32;
	s3 =	srdreg.scid;
	s20 =	simm.s32 $0xC00  }
0x6: {  	s21 =	simm.s32 $0x5;
	s22 =	simm.s32 $0x400;
	s23 =	simm.s32 $0x800  }
0x7: {  	s24 =	simm.s32 $0x6;
	s28 =	simm.s32 $0x1;
	s29 =	simm.s32 $0x8C00  }
0x8: {  	s30 =	simm.s32 $0x2;
	s31 =	simm.s32 $0x3;
	[smem:$0x7FF] =	sst s5  }
0x9: {  	s4 =	smul.u32 $0x50000, s13;
	s6 =	sadd.s32 $0x7200, s0;
	s3 =	sand.u32 $0x1, s3  }
0xa: {  	s7 =	sadd.s32 $0xC200, s0;
	s8 =	sadd.s32 $0x2200, s0;
	s16 =	sshll.u32 s13, $0xA  }
0xb: {  	s17 =	smul.u32 $0xA00, s13;
	p0 =	sgt.u32 s13, $0x9;
	_ =	strace $0x80000047  }
0xc: {  	s10 =	ssub.s32 $0x2, s3;
	s18 =	smul.u32 $0x2710, s3;
	p1 =	seq.s32 s3, $0x0  }
0xd: {  	s3 =	simm.s32 $0x11200;
	s4 =	sshrl.u32 s4, $0x2;
	s11 =	sshrl.u32 s10, $0x1  }
0xe: {  	s3 =	simm.s32 @!p1 $0x39200;
	s24 =	simm.s32 @!p1 $0x5;
	s9 =	sadd.s32 s4, s2  }
0xf: {  	s25 =	ssub.s32 s10, s11;
	s10 =	smul.u32 $0x280, s13;
	s11 =	sadd.s32 s16, s14  }
0x10: {  	s16 =	smul.u32 $0x2800, s13;
	s26 =	sadd.s32 $0x4000, s9;
	[dreg:$0x9] =	wrdreg s11  }
0x11: {  	s19 =	sadd.s32 s3, s0;
	s12 =	sadd.s32 $0x8000, s9;
	[dreg:$0x5] =	wrdreg s26  }
0x12: {  	s0 =	simm.s32 $0x4;
	s15 =	sadd.s32 $0xC000, s9;
	[dreg:$0x6] =	wrdreg s12  }
0x13: {  	s3 =	simm.s32 $0x6;
	s4 =	smax.u32 s25, $0x1;
	[dreg:$0x7] =	wrdreg s15  }
0x14: {  	v1 =	vlaneseq.u32;
	v2 =	vimm.f32 $0.0e+00;
	s11 =	sshrl.u32 s17, $0x2;
	s12 =	sadd.s32 $0x10000, s9;
	[dreg:$0xb] =	wrdreg s4  }
0x15: {  	v7 =	vimm.f32 $1.000000000e+00;
	v3 =	vor.u32 $0x10, v1;
	v4 =	vor.u32 $0x20, v1;
	s25 =	simm.s32 $0x80;
	s11 =	sadd.s32 s11, s14;
	[dreg:$0x8] =	wrdreg s12  }
0x16: {  	v5 =	vor.u32 $0x30, v1;
	v6 =	vor.u32 $0x40, v1;
	v0 =	vmov s18;
	s26 =	simm.s32 $0x4C00;
	s4 =	simm.s32 $0x0;
	[dreg:$0xa] =	wrdreg s11  }
.LBB2_1:
0x17: {  	s11 =	simm.s32 $0x0;
	s12 =	simm.s32 $0x200  }
.LBB2_2:
0x18: {  	p1 =	sne.s32 s12, $0xFE00;
	[tilespmem:s11+$0xC70] =	vst v2  }
0x19: {  	[tilespmem:s11+$0xC00] =	vst v2  }
0x1a: {  	[tilespmem:s11+$0xC10] =	vst v2  }
.Ltmp0:
0x1b: {  	[tilespmem:s11+$0xC20] =	vst v2;
	(pc) =	sbr.rel @p1 .LBB2_2-.Ltmp0, $4  }
0x1c: {  	[tilespmem:s11+$0xC30] =	vst v2  }
0x1d: {  	[tilespmem:s11+$0xC40] =	vst v2  }
0x1e: {  	[tilespmem:s11+$0xC50] =	vst v2  }
0x1f: {  	[tilespmem:s11+$0xC60] =	vst v2;
	s11 =	sshra.s32 s12, $0x2;
	s12 =	sadd.s32 $0x200, s12  }
0x20: {  	[tilespmem:s11+$0xC70] =	vst v2  }
0x21: {  	[tilespmem:s11+$0xC00] =	vst v2  }
0x22: {  	[tilespmem:s11+$0xC10] =	vst v2  }
0x23: {  	[tilespmem:s11+$0xC20] =	vst v2  }
0x24: {  	[tilespmem:s11+$0xC30] =	vst v2  }
0x25: {  	[tilespmem:s11+$0xC40] =	vst v2  }
0x26: {  	[tilespmem:s11+$0xC50] =	vst v2  }
0x27: {  	[tilespmem:s11+$0xC60] =	vst v2;
	s11 =	simm.s32 $0x0;
	s12 =	simm.s32 $0x200  }
.LBB2_4:
0x28: {  	p1 =	sne.s32 s12, $0x9E00;
	[tilespmem:s11+$0x8C70] =	vst v2  }
0x29: {  	[tilespmem:s11+$0x8C00] =	vst v2  }
0x2a: {  	[tilespmem:s11+$0x8C10] =	vst v2  }
.Ltmp1:
0x2b: {  	[tilespmem:s11+$0x8C20] =	vst v2;
	(pc) =	sbr.rel @p1 .LBB2_4-.Ltmp1, $4  }
0x2c: {  	[tilespmem:s11+$0x8C30] =	vst v2  }
0x2d: {  	[tilespmem:s11+$0x8C40] =	vst v2  }
0x2e: {  	[tilespmem:s11+$0x8C50] =	vst v2  }
0x2f: {  	[tilespmem:s11+$0x8C60] =	vst v2;
	s11 =	sshra.s32 s12, $0x2;
	s12 =	sadd.s32 $0x200, s12  }
0x30: {  	[tilespmem:s11+$0x8C70] =	vst v2  }
0x31: {  	[tilespmem:s11+$0x8C00] =	vst v2  }
0x32: {  	[tilespmem:s11+$0x8C10] =	vst v2  }
0x33: {  	[tilespmem:s11+$0x8C20] =	vst v2  }
0x34: {  	[tilespmem:s11+$0x8C30] =	vst v2  }
0x35: {  	[tilespmem:s11+$0x8C40] =	vst v2  }
0x36: {  	[tilespmem:s11+$0x8C50] =	vst v2  }
0x37: {  	[tilespmem:s11+$0x8C60] =	vst v2  }
0x38: {  	[tilespmem:$0xB400] =	vst v1  }
0x39: {  	[tilespmem:$0xB410] =	vst v3  }
0x3a: {  	[tilespmem:$0xB420] =	vst v4  }
0x3b: {  	[tilespmem:$0xB430] =	vst v5  }
0x3c: {  	[tilespmem:$0xB440] =	vst v6  }
0x3d: {  	[spmem:s9] =	stream.linear.scatter [tilespmem:s20], [sflag:$0x5], $0x4000, $0x38;
	[tilespmem:$0x1F700] =	vst v63  }
0x3e: {  	_ =	swait.ge [sflag:s21], $0x4000  }
0x3f: {  	[sflag:s21] =	ssyncset.done $0x0  }
0x40: {  	s14 =	rddreg [dreg:$0x5];
	[sflag:s21] =	ssyncadd.s32 $0xFFFFC000  }
0x41: {  	[spmem:s14] =	stream.linear.scatter [tilespmem:s20], [sflag:$0x5], $0x4000, $0x38;
	[tilespmem:$0x1F700] =	vst v63  }
0x42: {  	_ =	swait.ge [sflag:s21], $0x4000  }
0x43: {  	[sflag:s21] =	ssyncset.done $0x0  }
0x44: {  	s15 =	rddreg [dreg:$0x6];
	[sflag:s21] =	ssyncadd.s32 $0xFFFFC000  }
0x45: {  	[spmem:s15] =	stream.linear.scatter [tilespmem:s20], [sflag:$0x5], $0x4000, $0x38;
	[tilespmem:$0x1F700] =	vst v63  }
0x46: {  	_ =	swait.ge [sflag:s21], $0x4000  }
0x47: {  	[sflag:s21] =	ssyncset.done $0x0  }
0x48: {  	s17 =	rddreg [dreg:$0x7];
	[sflag:s21] =	ssyncadd.s32 $0xFFFFC000  }
0x49: {  	[spmem:s17] =	stream.linear.scatter [tilespmem:s20], [sflag:$0x5], $0x4000, $0x38;
	[tilespmem:$0x1F700] =	vst v63  }
0x4a: {  	_ =	swait.ge [sflag:s21], $0x4000  }
0x4b: {  	[sflag:s21] =	ssyncset.done $0x0  }
0x4c: {  	s18 =	rddreg [dreg:$0x8];
	[sflag:s21] =	ssyncadd.s32 $0xFFFFC000  }
0x4d: {  	[spmem:s18] =	stream.linear.scatter [tilespmem:s20], [sflag:$0x5], $0x4000, $0x38;
	[tilespmem:$0x1F700] =	vst v63  }
0x4e: {  	_ =	swait.ge [sflag:s21], $0x4000  }
0x4f: {  	[sflag:s21] =	ssyncset.done $0x0  }
0x50: {  	s11 =	simm.s32 @!p0 $0xC00;
	s12 =	rddreg [dreg:$0x9];
	[sflag:s21] =	ssyncadd.s32 $0xFFFFC000  }
0x51: {  	[spmem:s12] =	stream.linear.scatter @!p0 [tilespmem:s11], [sflag:$0x5], $0x400, $0x38;
	[tilespmem:$0x1F700] =	vst v63  }
0x52: {  	s11 =	simm.s32 @!p0 $0x5  }
.Ltmp2:
0x53: {  	_ =	swait.ge @!p0 [sflag:s11], $0x400;
	(pc) =	sbr.rel .LBB2_6-.Ltmp2, $4  }
0x54: {  	[sflag:s11] =	ssyncset.done @!p0 $0x0  }
0x55: {  	[sflag:s11] =	ssyncadd.s32 @!p0 $0xFFFFFC00  }
0x56: {  	[bflag:$0x0] =	sbarrier.arrive $0xFFFF  }
0x57: {  	s12 =	simm.s32 $0x0;
	s11 =	simm.s32 $0x0  }
.LBB2_15:
0x58: {  	s12 =	sadd.s32 $0x1, s12  }
0x59: {  	p1 =	sne.s32 s12, $0xA  }
.Ltmp3:
0x5a: {  	_ = 	snop;
	(pc) =	sbr.rel @!p1 .LBB2_16-.Ltmp3, $2  }
0x5b: {  	_ =	sdelay $0x2  }
0x5c: {  	[spmem:s2] =	stream.indirect.scatter.add.f32 [tilespmem:s26], [sflag:$0x4], $0x80, s14, s25, $0xb8;
	[tilespmem:$0x1F700] =	vst v63  }
.LBB2_6:
0x5d: {  	s13 =	sshll.u32 s12, $0xA  }
0x5e: {  	s13 =	sadd.s32 s16, s13  }
0x5f: {  	s13 =	sshrl.u32 s13, $0x3  }
0x60: {  	s14 =	sadd.s32 s6, s13  }
0x61: {  	[tilespmem:s11], [sflag:$0x5] =	stream.linear.gather [hbm4b:s14+s11], $0x400, $0x38;
	[tilespmem:$0x1F700] =	vst v63  }
0x62: {  	_ =	swait.ge [sflag:s21], $0x400  }
0x63: {  	[sflag:s21] =	ssyncset.done $0x0  }
0x64: {  	s18 =	sadd.s32 s7, s13;
	[sflag:s21] =	ssyncadd.s32 $0xFFFFFC00  }
0x65: {  	[tilespmem:s22], [sflag:$0x5] =	stream.linear.gather [hbm4b:s18+s11], $0x400, $0x38;
	[tilespmem:$0x1F700] =	vst v63  }
0x66: {  	_ =	swait.ge [sflag:s21], $0x400  }
0x67: {  	[sflag:s21] =	ssyncset.done $0x0  }
0x68: {  	s13 =	sadd.s32 s8, s13;
	[sflag:s21] =	ssyncadd.s32 $0xFFFFFC00  }
0x69: {  	[tilespmem:s23], [sflag:$0x5] =	stream.linear.gather [hbm4b:s13+s11], $0x400, $0x38;
	[tilespmem:$0x1F700] =	vst v63  }
0x6a: {  	_ =	swait.ge [sflag:s21], $0x400  }
0x6b: {  	[sflag:s21] =	ssyncset.done $0x0  }
0x6c: {  	s13 =	simm.s32 $0x0;
	[sflag:s21] =	ssyncadd.s32 $0xFFFFFC00  }
0x6d: {  	v10 =	vld [tilespmem:s13+$0x400]  }
0x6e: {  	v12 =	vld [tilespmem:s13+$0x410]  }
0x6f: {  	v11 =	vld [tilespmem:s13+$0x420]  }
0x70: {  	v9 =	vld [tilespmem:s13+$0x430]  }
0x71: {  	v8 =	vld [tilespmem:s13+$0x440]  }
0x72: {  	v13 =	vadd.s32 v0, v10;
	v10 =	vld [tilespmem:s13+$0x450]  }
0x73: {  	s14 =	simm.s32 $0x200;
	[tilespmem:s13+$0x400] =	vst v13;
	v13 =	vadd.s32 v0, v12;
	v12 =	vld [tilespmem:s13+$0x460]  }
.LBB2_7:
0x74: {  	s15 =	sshra.s32 s14, $0x2;
	p1 =	sne.s32 s14, $0xE00;
	[tilespmem:s13+$0x410] =	vst v13;
	v11 =	vadd.s32 v0, v11;
	v13 =	vld [tilespmem:s13+$0x470]  }
0x75: {  	v14 =	vld [tilespmem:s15+$0x400];
	[tilespmem:s13+$0x420] =	vst v11;
	v9 =	vadd.s32 v0, v9  }
0x76: {  	v15 =	vld [tilespmem:s15+$0x410];
	[tilespmem:s13+$0x430] =	vst v9;
	v8 =	vadd.s32 v0, v8  }
.Ltmp4:
0x77: {  	v11 =	vld [tilespmem:s15+$0x420];
	[tilespmem:s13+$0x440] =	vst v8;
	v8 =	vadd.s32 v0, v10;
	(pc) =	sbr.rel @p1 .LBB2_7-.Ltmp4, $4  }
0x78: {  	v9 =	vld [tilespmem:s15+$0x430];
	[tilespmem:s13+$0x450] =	vst v8;
	v10 =	vadd.s32 v0, v12  }
0x79: {  	v8 =	vld [tilespmem:s15+$0x440];
	[tilespmem:s13+$0x460] =	vst v10;
	v12 =	vadd.s32 v0, v13  }
0x7a: {  	v13 =	vadd.s32 v0, v14;
	v10 =	vld [tilespmem:s15+$0x450];
	[tilespmem:s13+$0x470] =	vst v12;
	s13 =	smov.u32 s15  }
0x7b: {  	s14 =	sadd.s32 $0x200, s14;
	[tilespmem:s13+$0x400] =	vst v13;
	v13 =	vadd.s32 v0, v15;
	v12 =	vld [tilespmem:s13+$0x460]  }
0x7c: {  	[tilespmem:s13+$0x410] =	vst v13;
	v11 =	vadd.s32 v0, v11;
	v63 =	vld [tilespmem:s13+$0x470]  }
0x7d: {  	[tilespmem:s13+$0x420] =	vst v11;
	v9 =	vadd.s32 v0, v9  }
0x7e: {  	[tilespmem:s13+$0x430] =	vst v9;
	v8 =	vadd.s32 v0, v8  }
0x7f: {  	[tilespmem:s13+$0x440] =	vst v8;
	v8 =	vadd.s32 v0, v10  }
0x80: {  	[tilespmem:s13+$0x450] =	vst v8;
	v8 =	vadd.s32 v0, v12  }
0x81: {  	[tilespmem:s13+$0x460] =	vst v8;
	v8 =	vadd.s32 v0, v63  }
0x82: {  	[tilespmem:s13+$0x470] =	vst v8;
	s13 =	simm.s32 $0x0  }
.LBB2_9:
0x83: {  	s14 =	sor.u32 s12, s13  }
0x84: {  	p1 =	seq.s32 s14, $0x0  }
0x85: {  	s14 =	simm.s32 @!p1 $0x4  }
0x86: {  	_ =	swait.ge @!p1 [sflag:s14], $0x4000  }
0x87: {  	[sflag:s14] =	ssyncset.done @!p1 $0x0  }
0x88: {  	[sflag:s14] =	ssyncadd.s32 @!p1 $0xFFFFC000;
	p1 =	sne.s32 s13, $0x0  }
0x89: {  	s14 =	simm.s32 @!p1 $0x80;
	s15 =	simm.s32 @!p1 $0x400;
	s17 =	simm.s32 @!p1 $0xC00  }
0x8a: {  	[tilespmem:s17], [sflag:$0x1] =	stream.indirect.gather @!p1 [hbm4b:s1+s14], $0x80, s15, s14, $0xb8;
	[tilespmem:$0x1F700] =	vst v63  }
0x8b: {  	s17 =	sshll.u32 s13, $0x8  }
0x8c: {  	s18 =	sadd.s32 $0x480, s17  }
0x8d: {  	v8 =	vmov s17;
	[tilespmem:s26], [sflag:$0x2] =	stream.indirect.gather [hbm4b:s1+s25], $0x80, s18, s25, $0xb8;
	[tilespmem:$0x1F700] =	vst v63  }
0x8e: {  	_ =	swait.ge [sflag:s28], $0x4000  }
0x8f: {  	[sflag:s28] =	ssyncset.done $0x0  }
0x90: {  	s15 =	simm.s32 $0x0;
	s14 =	sor.u32 $0x80, s17;
	[sflag:s28] =	ssyncadd.s32 $0xFFFFC000  }
.LBB2_10:
0x91: {  	s17 =	sshll.u32 s15, $0x4  }
0x92: {  	v10 =	vld.idx.msk [tilespmem:v8+s17+$0x0 ss:$0x1], $0xffff;
	_ =	sdelay $0x6  }
0x93: {  	s18 =	sshll.u32 s15, $0xB;
	v9 =	vld.idx.msk [tilespmem:v8+s17+$0x800 ss:$0x1], $0xffff  }
0x94: {  	s17 =	sand.u32 $0x3FFFF800, s18;
	[tilespmem:v10+s29+$0x0] =	vst.idx.add.f32.msk $0xffff, v7  }
0x95: {  	v10 =	vld [tilespmem:s17+$0xC00]  }
0x96: {  	v11 =	vld [tilespmem:s17+$0xC10]  }
0x97: {  	v12 =	vld [tilespmem:s17+$0xC20]  }
0x98: {  	v13 =	vbroadcast v9, $0x0;
	v14 =	vld [tilespmem:s17+$0xC30]  }
0x99: {  	v15 =	vld [tilespmem:s17+$0xC40]  }
0x9a: {  	v16 =	vld [tilespmem:s17+$0xC50];
	v10 =	vmul.f32 v10, v13  }
0x9b: {  	v17 =	vld [tilespmem:s17+$0xC60];
	v11 =	vmul.f32 v11, v13  }
0x9c: {  	v59 =	vld [tilespmem:s17+$0xC70];
	[tilespmem:s17+$0xC00] =	vst v10;
	v10 =	vmul.f32 v12, v13  }
0x9d: {  	v60 =	vld [tilespmem:s17+$0xC80];
	[tilespmem:s17+$0xC10] =	vst v11;
	v11 =	vmul.f32 v14, v13  }
0x9e: {  	v61 =	vld [tilespmem:s17+$0xC90];
	[tilespmem:s17+$0xC20] =	vst v10;
	v10 =	vmul.f32 v15, v13  }
0x9f: {  	v62 =	vld [tilespmem:s17+$0xCA0];
	[tilespmem:s17+$0xC30] =	vst v11;
	v11 =	vmul.f32 v16, v13  }
0xa0: {  	v63 =	vbroadcast v9, $0x1;
	v18 =	vld [tilespmem:s17+$0xCB0];
	[tilespmem:s17+$0xC40] =	vst v10;
	v10 =	vmul.f32 v17, v13  }
0xa1: {  	v21 =	vld [tilespmem:s17+$0xCC0];
	[tilespmem:s17+$0xC50] =	vst v11;
	v11 =	vmul.f32 v59, v13  }
0xa2: {  	v22 =	vld [tilespmem:s17+$0xCD0];
	[tilespmem:s17+$0xC60] =	vst v10;
	v10 =	vmul.f32 v60, v63  }
0xa3: {  	v23 =	vld [tilespmem:s17+$0xCE0];
	[tilespmem:s17+$0xC70] =	vst v11;
	v11 =	vmul.f32 v61, v63  }
0xa4: {  	v24 =	vld [tilespmem:s17+$0xCF0];
	[tilespmem:s17+$0xC80] =	vst v10;
	v10 =	vmul.f32 v62, v63  }
0xa5: {  	v25 =	vld [tilespmem:s17+$0xD00];
	[tilespmem:s17+$0xC90] =	vst v11;
	v11 =	vmul.f32 v18, v63  }
0xa6: {  	v26 =	vld [tilespmem:s17+$0xD10];
	[tilespmem:s17+$0xCA0] =	vst v10;
	v10 =	vmul.f32 v21, v63  }
0xa7: {  	v27 =	vld [tilespmem:s17+$0xD20];
	[tilespmem:s17+$0xCB0] =	vst v11;
	v11 =	vmul.f32 v22, v63  }
0xa8: {  	v28 =	vbroadcast v9, $0x2;
	v29 =	vld [tilespmem:s17+$0xD30];
	[tilespmem:s17+$0xCC0] =	vst v10;
	v10 =	vmul.f32 v23, v63  }
0xa9: {  	v30 =	vld [tilespmem:s17+$0xD40];
	[tilespmem:s17+$0xCD0] =	vst v11;
	v11 =	vmul.f32 v24, v63  }
0xaa: {  	v31 =	vld [tilespmem:s17+$0xD50];
	[tilespmem:s17+$0xCE0] =	vst v10;
	v10 =	vmul.f32 v25, v28  }
0xab: {  	v32 =	vld [tilespmem:s17+$0xD60];
	[tilespmem:s17+$0xCF0] =	vst v11;
	v11 =	vmul.f32 v26, v28  }
0xac: {  	v33 =	vld [tilespmem:s17+$0xD70];
	[tilespmem:s17+$0xD00] =	vst v10;
	v10 =	vmul.f32 v27, v28  }
0xad: {  	v34 =	vld [tilespmem:s17+$0xD80];
	[tilespmem:s17+$0xD10] =	vst v11;
	v11 =	vmul.f32 v29, v28  }
0xae: {  	v35 =	vld [tilespmem:s17+$0xD90];
	[tilespmem:s17+$0xD20] =	vst v10;
	v10 =	vmul.f32 v30, v28  }
0xaf: {  	v36 =	vld [tilespmem:s17+$0xDA0];
	[tilespmem:s17+$0xD30] =	vst v11;
	v11 =	vmul.f32 v31, v28  }
0xb0: {  	v37 =	vbroadcast v9, $0x3;
	v38 =	vld [tilespmem:s17+$0xDB0];
	[tilespmem:s17+$0xD40] =	vst v10;
	v10 =	vmul.f32 v32, v28  }
0xb1: {  	v39 =	vld [tilespmem:s17+$0xDC0];
	[tilespmem:s17+$0xD50] =	vst v11;
	v11 =	vmul.f32 v33, v28  }
0xb2: {  	v40 =	vld [tilespmem:s17+$0xDD0];
	[tilespmem:s17+$0xD60] =	vst v10;
	v10 =	vmul.f32 v34, v37  }
0xb3: {  	v41 =	vld [tilespmem:s17+$0xDE0];
	[tilespmem:s17+$0xD70] =	vst v11;
	v11 =	vmul.f32 v35, v37  }
0xb4: {  	v42 =	vld [tilespmem:s17+$0xDF0];
	[tilespmem:s17+$0xD80] =	vst v10;
	v10 =	vmul.f32 v36, v37  }
0xb5: {  	v43 =	vld [tilespmem:s17+$0xE00];
	[tilespmem:s17+$0xD90] =	vst v11;
	v11 =	vmul.f32 v38, v37  }
0xb6: {  	v44 =	vld [tilespmem:s17+$0xE10];
	[tilespmem:s17+$0xDA0] =	vst v10;
	v10 =	vmul.f32 v39, v37  }
0xb7: {  	v45 =	vld [tilespmem:s17+$0xE20];
	[tilespmem:s17+$0xDB0] =	vst v11;
	v11 =	vmul.f32 v40, v37  }
0xb8: {  	v46 =	vbroadcast v9, $0x4;
	v47 =	vld [tilespmem:s17+$0xE30];
	[tilespmem:s17+$0xDC0] =	vst v10;
	v10 =	vmul.f32 v41, v37  }
0xb9: {  	v48 =	vld [tilespmem:s17+$0xE40];
	[tilespmem:s17+$0xDD0] =	vst v11;
	v11 =	vmul.f32 v42, v37  }
0xba: {  	v49 =	vld [tilespmem:s17+$0xE50];
	[tilespmem:s17+$0xDE0] =	vst v10;
	v10 =	vmul.f32 v43, v46  }
0xbb: {  	v50 =	vld [tilespmem:s17+$0xE60];
	[tilespmem:s17+$0xDF0] =	vst v11;
	v11 =	vmul.f32 v44, v46  }
0xbc: {  	v51 =	vld [tilespmem:s17+$0xE70];
	[tilespmem:s17+$0xE00] =	vst v10;
	v10 =	vmul.f32 v45, v46  }
0xbd: {  	v52 =	vld [tilespmem:s17+$0xE80];
	[tilespmem:s17+$0xE10] =	vst v11;
	v11 =	vmul.f32 v47, v46  }
0xbe: {  	v53 =	vld [tilespmem:s17+$0xE90];
	[tilespmem:s17+$0xE20] =	vst v10;
	v10 =	vmul.f32 v48, v46  }
0xbf: {  	v54 =	vld [tilespmem:s17+$0xEA0];
	[tilespmem:s17+$0xE30] =	vst v11;
	v11 =	vmul.f32 v49, v46  }
0xc0: {  	v55 =	vbroadcast v9, $0x5;
	v56 =	vld [tilespmem:s17+$0xEB0];
	[tilespmem:s17+$0xE40] =	vst v10;
	v10 =	vmul.f32 v50, v46  }
0xc1: {  	v57 =	vld [tilespmem:s17+$0xEC0];
	[tilespmem:s17+$0xE50] =	vst v11;
	v11 =	vmul.f32 v51, v46  }
0xc2: {  	v58 =	vld [tilespmem:s17+$0xED0];
	[tilespmem:s17+$0xE60] =	vst v10;
	v10 =	vmul.f32 v52, v55  }
0xc3: {  	v59 =	vld [tilespmem:s17+$0xEE0];
	[tilespmem:s17+$0xE70] =	vst v11;
	v11 =	vmul.f32 v53, v55  }
0xc4: {  	v60 =	vld [tilespmem:s17+$0xEF0];
	[tilespmem:s17+$0xE80] =	vst v10;
	v10 =	vmul.f32 v54, v55  }
0xc5: {  	v61 =	vld [tilespmem:s17+$0xF00];
	[tilespmem:s17+$0xE90] =	vst v11;
	v11 =	vmul.f32 v56, v55  }
0xc6: {  	v62 =	vld [tilespmem:s17+$0xF10];
	[tilespmem:s17+$0xEA0] =	vst v10;
	v10 =	vmul.f32 v57, v55  }
0xc7: {  	v63 =	vld [tilespmem:s17+$0xF20];
	[tilespmem:s17+$0xEB0] =	vst v11;
	v11 =	vmul.f32 v58, v55  }
0xc8: {  	v21 =	vbroadcast v9, $0x6;
	v22 =	vld [tilespmem:s17+$0xF30];
	[tilespmem:s17+$0xEC0] =	vst v10;
	v10 =	vmul.f32 v59, v55  }
0xc9: {  	v23 =	vld [tilespmem:s17+$0xF40];
	[tilespmem:s17+$0xED0] =	vst v11;
	v11 =	vmul.f32 v60, v55  }
0xca: {  	v24 =	vld [tilespmem:s17+$0xF50];
	[tilespmem:s17+$0xEE0] =	vst v10;
	v10 =	vmul.f32 v61, v21  }
0xcb: {  	v25 =	vld [tilespmem:s17+$0xF60];
	[tilespmem:s17+$0xEF0] =	vst v11;
	v11 =	vmul.f32 v62, v21  }
0xcc: {  	v26 =	vld [tilespmem:s17+$0xF70];
	[tilespmem:s17+$0xF00] =	vst v10;
	v10 =	vmul.f32 v63, v21  }
0xcd: {  	v27 =	vld [tilespmem:s17+$0xF80];
	[tilespmem:s17+$0xF10] =	vst v11;
	v11 =	vmul.f32 v22, v21  }
0xce: {  	v28 =	vld [tilespmem:s17+$0xF90];
	[tilespmem:s17+$0xF20] =	vst v10;
	v10 =	vmul.f32 v23, v21  }
0xcf: {  	v29 =	vld [tilespmem:s17+$0xFA0];
	[tilespmem:s17+$0xF30] =	vst v11;
	v11 =	vmul.f32 v24, v21  }
0xd0: {  	v30 =	vbroadcast v9, $0x7;
	v31 =	vld [tilespmem:s17+$0xFB0];
	[tilespmem:s17+$0xF40] =	vst v10;
	v10 =	vmul.f32 v25, v21  }
0xd1: {  	v32 =	vld [tilespmem:s17+$0xFC0];
	[tilespmem:s17+$0xF50] =	vst v11;
	v11 =	vmul.f32 v26, v21  }
0xd2: {  	v33 =	vld [tilespmem:s17+$0xFD0];
	[tilespmem:s17+$0xF60] =	vst v10;
	v10 =	vmul.f32 v27, v30  }
0xd3: {  	v34 =	vld [tilespmem:s17+$0xFE0];
	[tilespmem:s17+$0xF70] =	vst v11;
	v11 =	vmul.f32 v28, v30  }
0xd4: {  	v35 =	vld [tilespmem:s17+$0xFF0];
	[tilespmem:s17+$0xF80] =	vst v10;
	v10 =	vmul.f32 v29, v30  }
0xd5: {  	v36 =	vld [tilespmem:s17+$0x1000];
	[tilespmem:s17+$0xF90] =	vst v11;
	v11 =	vmul.f32 v31, v30  }
0xd6: {  	v37 =	vld [tilespmem:s17+$0x1010];
	[tilespmem:s17+$0xFA0] =	vst v10;
	v10 =	vmul.f32 v32, v30  }
0xd7: {  	v38 =	vld [tilespmem:s17+$0x1020];
	[tilespmem:s17+$0xFB0] =	vst v11;
	v11 =	vmul.f32 v33, v30  }
0xd8: {  	v39 =	vbroadcast v9, $0x8;
	v40 =	vld [tilespmem:s17+$0x1030];
	[tilespmem:s17+$0xFC0] =	vst v10;
	v10 =	vmul.f32 v34, v30  }
0xd9: {  	v41 =	vld [tilespmem:s17+$0x1040];
	[tilespmem:s17+$0xFD0] =	vst v11;
	v11 =	vmul.f32 v35, v30  }
0xda: {  	v42 =	vld [tilespmem:s17+$0x1050];
	[tilespmem:s17+$0xFE0] =	vst v10;
	v10 =	vmul.f32 v36, v39  }
0xdb: {  	v43 =	vld [tilespmem:s17+$0x1060];
	[tilespmem:s17+$0xFF0] =	vst v11;
	v11 =	vmul.f32 v37, v39  }
0xdc: {  	v44 =	vld [tilespmem:s17+$0x1070];
	[tilespmem:s17+$0x1000] =	vst v10;
	v10 =	vmul.f32 v38, v39  }
0xdd: {  	v45 =	vld [tilespmem:s17+$0x1080];
	[tilespmem:s17+$0x1010] =	vst v11;
	v11 =	vmul.f32 v40, v39  }
0xde: {  	v46 =	vld [tilespmem:s17+$0x1090];
	[tilespmem:s17+$0x1020] =	vst v10;
	v10 =	vmul.f32 v41, v39  }
0xdf: {  	v47 =	vld [tilespmem:s17+$0x10A0];
	[tilespmem:s17+$0x1030] =	vst v11;
	v11 =	vmul.f32 v42, v39  }
0xe0: {  	v48 =	vbroadcast v9, $0x9;
	v49 =	vld [tilespmem:s17+$0x10B0];
	[tilespmem:s17+$0x1040] =	vst v10;
	v10 =	vmul.f32 v43, v39  }
0xe1: {  	v50 =	vld [tilespmem:s17+$0x10C0];
	[tilespmem:s17+$0x1050] =	vst v11;
	v11 =	vmul.f32 v44, v39  }
0xe2: {  	v51 =	vld [tilespmem:s17+$0x10D0];
	[tilespmem:s17+$0x1060] =	vst v10;
	v10 =	vmul.f32 v45, v48  }
0xe3: {  	v52 =	vld [tilespmem:s17+$0x10E0];
	[tilespmem:s17+$0x1070] =	vst v11;
	v11 =	vmul.f32 v46, v48  }
0xe4: {  	v53 =	vld [tilespmem:s17+$0x10F0];
	[tilespmem:s17+$0x1080] =	vst v10;
	v10 =	vmul.f32 v47, v48  }
0xe5: {  	v54 =	vld [tilespmem:s17+$0x1100];
	[tilespmem:s17+$0x1090] =	vst v11;
	v11 =	vmul.f32 v49, v48  }
0xe6: {  	v55 =	vld [tilespmem:s17+$0x1110];
	[tilespmem:s17+$0x10A0] =	vst v10;
	v10 =	vmul.f32 v50, v48  }
0xe7: {  	v56 =	vld [tilespmem:s17+$0x1120];
	[tilespmem:s17+$0x10B0] =	vst v11;
	v11 =	vmul.f32 v51, v48  }
0xe8: {  	v57 =	vbroadcast v9, $0xA;
	v58 =	vld [tilespmem:s17+$0x1130];
	[tilespmem:s17+$0x10C0] =	vst v10;
	v10 =	vmul.f32 v52, v48  }
0xe9: {  	v59 =	vld [tilespmem:s17+$0x1140];
	[tilespmem:s17+$0x10D0] =	vst v11;
	v11 =	vmul.f32 v53, v48  }
0xea: {  	v60 =	vld [tilespmem:s17+$0x1150];
	[tilespmem:s17+$0x10E0] =	vst v10;
	v10 =	vmul.f32 v54, v57  }
0xeb: {  	v61 =	vld [tilespmem:s17+$0x1160];
	[tilespmem:s17+$0x10F0] =	vst v11;
	v11 =	vmul.f32 v55, v57  }
0xec: {  	v62 =	vld [tilespmem:s17+$0x1170];
	[tilespmem:s17+$0x1100] =	vst v10;
	v10 =	vmul.f32 v56, v57  }
0xed: {  	v63 =	vld [tilespmem:s17+$0x1180];
	[tilespmem:s17+$0x1110] =	vst v11;
	v11 =	vmul.f32 v58, v57  }
0xee: {  	v21 =	vld [tilespmem:s17+$0x1190];
	[tilespmem:s17+$0x1120] =	vst v10;
	v10 =	vmul.f32 v59, v57  }
0xef: {  	v22 =	vld [tilespmem:s17+$0x11A0];
	[tilespmem:s17+$0x1130] =	vst v11;
	v11 =	vmul.f32 v60, v57  }
0xf0: {  	v23 =	vbroadcast v9, $0xB;
	v24 =	vld [tilespmem:s17+$0x11B0];
	[tilespmem:s17+$0x1140] =	vst v10;
	v10 =	vmul.f32 v61, v57  }
0xf1: {  	v25 =	vld [tilespmem:s17+$0x11C0];
	[tilespmem:s17+$0x1150] =	vst v11;
	v11 =	vmul.f32 v62, v57  }
0xf2: {  	v26 =	vld [tilespmem:s17+$0x11D0];
	[tilespmem:s17+$0x1160] =	vst v10;
	v10 =	vmul.f32 v63, v23  }
0xf3: {  	v27 =	vld [tilespmem:s17+$0x11E0];
	[tilespmem:s17+$0x1170] =	vst v11;
	v11 =	vmul.f32 v21, v23  }
0xf4: {  	v28 =	vld [tilespmem:s17+$0x11F0];
	[tilespmem:s17+$0x1180] =	vst v10;
	v10 =	vmul.f32 v22, v23  }
0xf5: {  	v29 =	vld [tilespmem:s17+$0x1200];
	[tilespmem:s17+$0x1190] =	vst v11;
	v11 =	vmul.f32 v24, v23  }
0xf6: {  	v30 =	vld [tilespmem:s17+$0x1210];
	[tilespmem:s17+$0x11A0] =	vst v10;
	v10 =	vmul.f32 v25, v23  }
0xf7: {  	v31 =	vld [tilespmem:s17+$0x1220];
	[tilespmem:s17+$0x11B0] =	vst v11;
	v11 =	vmul.f32 v26, v23  }
0xf8: {  	v32 =	vbroadcast v9, $0xC;
	v33 =	vld [tilespmem:s17+$0x1230];
	[tilespmem:s17+$0x11C0] =	vst v10;
	v10 =	vmul.f32 v27, v23  }
0xf9: {  	v34 =	vld [tilespmem:s17+$0x1240];
	[tilespmem:s17+$0x11D0] =	vst v11;
	v11 =	vmul.f32 v28, v23  }
0xfa: {  	v35 =	vld [tilespmem:s17+$0x1250];
	[tilespmem:s17+$0x11E0] =	vst v10;
	v10 =	vmul.f32 v29, v32  }
0xfb: {  	v36 =	vld [tilespmem:s17+$0x1260];
	[tilespmem:s17+$0x11F0] =	vst v11;
	v11 =	vmul.f32 v30, v32  }
0xfc: {  	v37 =	vld [tilespmem:s17+$0x1270];
	[tilespmem:s17+$0x1200] =	vst v10;
	v10 =	vmul.f32 v31, v32  }
0xfd: {  	v38 =	vld [tilespmem:s17+$0x1280];
	[tilespmem:s17+$0x1210] =	vst v11;
	v11 =	vmul.f32 v33, v32  }
0xfe: {  	v39 =	vld [tilespmem:s17+$0x1290];
	[tilespmem:s17+$0x1220] =	vst v10;
	v10 =	vmul.f32 v34, v32  }
0xff: {  	v40 =	vld [tilespmem:s17+$0x12A0];
	[tilespmem:s17+$0x1230] =	vst v11;
	v11 =	vmul.f32 v35, v32  }
0x100: {  	v41 =	vbroadcast v9, $0xD;
	v42 =	vld [tilespmem:s17+$0x12B0];
	[tilespmem:s17+$0x1240] =	vst v10;
	v10 =	vmul.f32 v36, v32  }
0x101: {  	v43 =	vld [tilespmem:s17+$0x12C0];
	[tilespmem:s17+$0x1250] =	vst v11;
	v11 =	vmul.f32 v37, v32  }
0x102: {  	v44 =	vld [tilespmem:s17+$0x12D0];
	[tilespmem:s17+$0x1260] =	vst v10;
	v10 =	vmul.f32 v38, v41  }
0x103: {  	v45 =	vld [tilespmem:s17+$0x12E0];
	[tilespmem:s17+$0x1270] =	vst v11;
	v11 =	vmul.f32 v39, v41  }
0x104: {  	v46 =	vld [tilespmem:s17+$0x12F0];
	[tilespmem:s17+$0x1280] =	vst v10;
	v10 =	vmul.f32 v40, v41  }
0x105: {  	v47 =	vld [tilespmem:s17+$0x1300];
	[tilespmem:s17+$0x1290] =	vst v11;
	v11 =	vmul.f32 v42, v41  }
0x106: {  	v48 =	vld [tilespmem:s17+$0x1310];
	[tilespmem:s17+$0x12A0] =	vst v10;
	v10 =	vmul.f32 v43, v41  }
0x107: {  	v49 =	vld [tilespmem:s17+$0x1320];
	[tilespmem:s17+$0x12B0] =	vst v11;
	v11 =	vmul.f32 v44, v41  }
0x108: {  	v50 =	vbroadcast v9, $0xE;
	v51 =	vld [tilespmem:s17+$0x1330];
	[tilespmem:s17+$0x12C0] =	vst v10;
	v10 =	vmul.f32 v45, v41  }
0x109: {  	v52 =	vld [tilespmem:s17+$0x1340];
	[tilespmem:s17+$0x12D0] =	vst v11;
	v11 =	vmul.f32 v46, v41  }
0x10a: {  	v53 =	vld [tilespmem:s17+$0x1350];
	[tilespmem:s17+$0x12E0] =	vst v10;
	v10 =	vmul.f32 v47, v50  }
0x10b: {  	v54 =	vld [tilespmem:s17+$0x1360];
	[tilespmem:s17+$0x12F0] =	vst v11;
	v11 =	vmul.f32 v48, v50  }
0x10c: {  	v55 =	vld [tilespmem:s17+$0x1370];
	[tilespmem:s17+$0x1300] =	vst v10;
	v10 =	vmul.f32 v49, v50  }
0x10d: {  	v56 =	vld [tilespmem:s17+$0x1380];
	[tilespmem:s17+$0x1310] =	vst v11;
	v11 =	vmul.f32 v51, v50  }
0x10e: {  	v57 =	vld [tilespmem:s17+$0x1390];
	[tilespmem:s17+$0x1320] =	vst v10;
	v10 =	vmul.f32 v52, v50  }
0x10f: {  	v58 =	vld [tilespmem:s17+$0x13A0];
	[tilespmem:s17+$0x1330] =	vst v11;
	v11 =	vmul.f32 v53, v50  }
0x110: {  	v9 =	vbroadcast v9, $0xF;
	v59 =	vld [tilespmem:s17+$0x13B0];
	[tilespmem:s17+$0x1340] =	vst v10;
	v10 =	vmul.f32 v54, v50  }
0x111: {  	v60 =	vld [tilespmem:s17+$0x13C0];
	[tilespmem:s17+$0x1350] =	vst v11;
	v11 =	vmul.f32 v55, v50  }
0x112: {  	v61 =	vld [tilespmem:s17+$0x13D0];
	[tilespmem:s17+$0x1360] =	vst v10;
	v10 =	vmul.f32 v56, v9  }
0x113: {  	v62 =	vld [tilespmem:s17+$0x13E0];
	[tilespmem:s17+$0x1370] =	vst v11;
	v11 =	vmul.f32 v57, v9  }
0x114: {  	v63 =	vld [tilespmem:s17+$0x13F0];
	[tilespmem:s17+$0x1380] =	vst v10;
	v10 =	vmul.f32 v58, v9  }
0x115: {  	[tilespmem:s17+$0x1390] =	vst v11;
	v11 =	vmul.f32 v59, v9  }
0x116: {  	p1 =	sne.s32 s15, $0x7;
	[tilespmem:s17+$0x13A0] =	vst v10;
	v10 =	vmul.f32 v60, v9  }
.Ltmp5:
0x117: {  	[tilespmem:s17+$0x13B0] =	vst v11;
	v11 =	vmul.f32 v61, v9;
	(pc) =	sbr.rel @p1 .LBB2_10-.Ltmp5, $4  }
0x118: {  	[tilespmem:s17+$0x13C0] =	vst v10;
	v10 =	vmul.f32 v62, v9  }
0x119: {  	[tilespmem:s17+$0x13D0] =	vst v11;
	v9 =	vmul.f32 v63, v9  }
0x11a: {  	[tilespmem:s17+$0x13E0] =	vst v10  }
0x11b: {  	s15 =	sadd.s32 $0x1, s15;
	[tilespmem:s17+$0x13F0] =	vst v9  }
0x11c: {  	s15 =	sshll.u32 s13, $0xA  }
0x11d: {  	s15 =	sshrl.u32 s15, $0x2  }
0x11e: {  	v8 =	vmov s14;
	[spmem:s2] =	stream.indirect.scatter.add.f32 [tilespmem:s20], [sflag:$0x3], $0x80, s15, s25, $0xb8;
	[tilespmem:$0x1F700] =	vst v63  }
0x11f: {  	_ =	swait.ge [sflag:s30], $0x4000  }
0x120: {  	[sflag:s30] =	ssyncset.done $0x0  }
0x121: {  	s17 =	simm.s32 $0x0;
	[sflag:s30] =	ssyncadd.s32 $0xFFFFC000  }
.LBB2_12:
0x122: {  	s18 =	sshll.u32 s17, $0x4  }
0x123: {  	v10 =	vld.idx.msk [tilespmem:v8+s18+$0x0 ss:$0x1], $0xffff;
	_ =	sdelay $0x6  }
0x124: {  	v9 =	vld.idx.msk [tilespmem:v8+s18+$0x800 ss:$0x1], $0xffff;
	s18 =	sshll.u32 s17, $0xB  }
0x125: {  	s18 =	sand.u32 $0x3FFFF800, s18;
	[tilespmem:v10+s29+$0x0] =	vst.idx.add.f32.msk $0xffff, v7  }
0x126: {  	v10 =	vld [tilespmem:s18+$0x4C00]  }
0x127: {  	v11 =	vld [tilespmem:s18+$0x4C10]  }
0x128: {  	v12 =	vld [tilespmem:s18+$0x4C20]  }
0x129: {  	v13 =	vbroadcast v9, $0x0;
	v14 =	vld [tilespmem:s18+$0x4C30]  }
0x12a: {  	v15 =	vld [tilespmem:s18+$0x4C40]  }
0x12b: {  	v16 =	vld [tilespmem:s18+$0x4C50];
	v10 =	vmul.f32 v10, v13  }
0x12c: {  	v17 =	vld [tilespmem:s18+$0x4C60];
	v11 =	vmul.f32 v11, v13  }
0x12d: {  	v59 =	vld [tilespmem:s18+$0x4C70];
	[tilespmem:s18+$0x4C00] =	vst v10;
	v10 =	vmul.f32 v12, v13  }
0x12e: {  	v60 =	vld [tilespmem:s18+$0x4C80];
	[tilespmem:s18+$0x4C10] =	vst v11;
	v11 =	vmul.f32 v14, v13  }
0x12f: {  	v61 =	vld [tilespmem:s18+$0x4C90];
	[tilespmem:s18+$0x4C20] =	vst v10;
	v10 =	vmul.f32 v15, v13  }
0x130: {  	v62 =	vld [tilespmem:s18+$0x4CA0];
	[tilespmem:s18+$0x4C30] =	vst v11;
	v11 =	vmul.f32 v16, v13  }
0x131: {  	v63 =	vbroadcast v9, $0x1;
	v18 =	vld [tilespmem:s18+$0x4CB0];
	[tilespmem:s18+$0x4C40] =	vst v10;
	v10 =	vmul.f32 v17, v13  }
0x132: {  	v21 =	vld [tilespmem:s18+$0x4CC0];
	[tilespmem:s18+$0x4C50] =	vst v11;
	v11 =	vmul.f32 v59, v13  }
0x133: {  	v22 =	vld [tilespmem:s18+$0x4CD0];
	[tilespmem:s18+$0x4C60] =	vst v10;
	v10 =	vmul.f32 v60, v63  }
0x134: {  	v23 =	vld [tilespmem:s18+$0x4CE0];
	[tilespmem:s18+$0x4C70] =	vst v11;
	v11 =	vmul.f32 v61, v63  }
0x135: {  	v24 =	vld [tilespmem:s18+$0x4CF0];
	[tilespmem:s18+$0x4C80] =	vst v10;
	v10 =	vmul.f32 v62, v63  }
0x136: {  	v25 =	vld [tilespmem:s18+$0x4D00];
	[tilespmem:s18+$0x4C90] =	vst v11;
	v11 =	vmul.f32 v18, v63  }
0x137: {  	v26 =	vld [tilespmem:s18+$0x4D10];
	[tilespmem:s18+$0x4CA0] =	vst v10;
	v10 =	vmul.f32 v21, v63  }
0x138: {  	v27 =	vld [tilespmem:s18+$0x4D20];
	[tilespmem:s18+$0x4CB0] =	vst v11;
	v11 =	vmul.f32 v22, v63  }
0x139: {  	v28 =	vbroadcast v9, $0x2;
	v29 =	vld [tilespmem:s18+$0x4D30];
	[tilespmem:s18+$0x4CC0] =	vst v10;
	v10 =	vmul.f32 v23, v63  }
0x13a: {  	v30 =	vld [tilespmem:s18+$0x4D40];
	[tilespmem:s18+$0x4CD0] =	vst v11;
	v11 =	vmul.f32 v24, v63  }
0x13b: {  	v31 =	vld [tilespmem:s18+$0x4D50];
	[tilespmem:s18+$0x4CE0] =	vst v10;
	v10 =	vmul.f32 v25, v28  }
0x13c: {  	v32 =	vld [tilespmem:s18+$0x4D60];
	[tilespmem:s18+$0x4CF0] =	vst v11;
	v11 =	vmul.f32 v26, v28  }
0x13d: {  	v33 =	vld [tilespmem:s18+$0x4D70];
	[tilespmem:s18+$0x4D00] =	vst v10;
	v10 =	vmul.f32 v27, v28  }
0x13e: {  	v34 =	vld [tilespmem:s18+$0x4D80];
	[tilespmem:s18+$0x4D10] =	vst v11;
	v11 =	vmul.f32 v29, v28  }
0x13f: {  	v35 =	vld [tilespmem:s18+$0x4D90];
	[tilespmem:s18+$0x4D20] =	vst v10;
	v10 =	vmul.f32 v30, v28  }
0x140: {  	v36 =	vld [tilespmem:s18+$0x4DA0];
	[tilespmem:s18+$0x4D30] =	vst v11;
	v11 =	vmul.f32 v31, v28  }
0x141: {  	v37 =	vbroadcast v9, $0x3;
	v38 =	vld [tilespmem:s18+$0x4DB0];
	[tilespmem:s18+$0x4D40] =	vst v10;
	v10 =	vmul.f32 v32, v28  }
0x142: {  	v39 =	vld [tilespmem:s18+$0x4DC0];
	[tilespmem:s18+$0x4D50] =	vst v11;
	v11 =	vmul.f32 v33, v28  }
0x143: {  	v40 =	vld [tilespmem:s18+$0x4DD0];
	[tilespmem:s18+$0x4D60] =	vst v10;
	v10 =	vmul.f32 v34, v37  }
0x144: {  	v41 =	vld [tilespmem:s18+$0x4DE0];
	[tilespmem:s18+$0x4D70] =	vst v11;
	v11 =	vmul.f32 v35, v37  }
0x145: {  	v42 =	vld [tilespmem:s18+$0x4DF0];
	[tilespmem:s18+$0x4D80] =	vst v10;
	v10 =	vmul.f32 v36, v37  }
0x146: {  	v43 =	vld [tilespmem:s18+$0x4E00];
	[tilespmem:s18+$0x4D90] =	vst v11;
	v11 =	vmul.f32 v38, v37  }
0x147: {  	v44 =	vld [tilespmem:s18+$0x4E10];
	[tilespmem:s18+$0x4DA0] =	vst v10;
	v10 =	vmul.f32 v39, v37  }
0x148: {  	v45 =	vld [tilespmem:s18+$0x4E20];
	[tilespmem:s18+$0x4DB0] =	vst v11;
	v11 =	vmul.f32 v40, v37  }
0x149: {  	v46 =	vbroadcast v9, $0x4;
	v47 =	vld [tilespmem:s18+$0x4E30];
	[tilespmem:s18+$0x4DC0] =	vst v10;
	v10 =	vmul.f32 v41, v37  }
0x14a: {  	v48 =	vld [tilespmem:s18+$0x4E40];
	[tilespmem:s18+$0x4DD0] =	vst v11;
	v11 =	vmul.f32 v42, v37  }
0x14b: {  	v49 =	vld [tilespmem:s18+$0x4E50];
	[tilespmem:s18+$0x4DE0] =	vst v10;
	v10 =	vmul.f32 v43, v46  }
0x14c: {  	v50 =	vld [tilespmem:s18+$0x4E60];
	[tilespmem:s18+$0x4DF0] =	vst v11;
	v11 =	vmul.f32 v44, v46  }
0x14d: {  	v51 =	vld [tilespmem:s18+$0x4E70];
	[tilespmem:s18+$0x4E00] =	vst v10;
	v10 =	vmul.f32 v45, v46  }
0x14e: {  	v52 =	vld [tilespmem:s18+$0x4E80];
	[tilespmem:s18+$0x4E10] =	vst v11;
	v11 =	vmul.f32 v47, v46  }
0x14f: {  	v53 =	vld [tilespmem:s18+$0x4E90];
	[tilespmem:s18+$0x4E20] =	vst v10;
	v10 =	vmul.f32 v48, v46  }
0x150: {  	v54 =	vld [tilespmem:s18+$0x4EA0];
	[tilespmem:s18+$0x4E30] =	vst v11;
	v11 =	vmul.f32 v49, v46  }
0x151: {  	v55 =	vbroadcast v9, $0x5;
	v56 =	vld [tilespmem:s18+$0x4EB0];
	[tilespmem:s18+$0x4E40] =	vst v10;
	v10 =	vmul.f32 v50, v46  }
0x152: {  	v57 =	vld [tilespmem:s18+$0x4EC0];
	[tilespmem:s18+$0x4E50] =	vst v11;
	v11 =	vmul.f32 v51, v46  }
0x153: {  	v58 =	vld [tilespmem:s18+$0x4ED0];
	[tilespmem:s18+$0x4E60] =	vst v10;
	v10 =	vmul.f32 v52, v55  }
0x154: {  	v59 =	vld [tilespmem:s18+$0x4EE0];
	[tilespmem:s18+$0x4E70] =	vst v11;
	v11 =	vmul.f32 v53, v55  }
0x155: {  	v60 =	vld [tilespmem:s18+$0x4EF0];
	[tilespmem:s18+$0x4E80] =	vst v10;
	v10 =	vmul.f32 v54, v55  }
0x156: {  	v61 =	vld [tilespmem:s18+$0x4F00];
	[tilespmem:s18+$0x4E90] =	vst v11;
	v11 =	vmul.f32 v56, v55  }
0x157: {  	v62 =	vld [tilespmem:s18+$0x4F10];
	[tilespmem:s18+$0x4EA0] =	vst v10;
	v10 =	vmul.f32 v57, v55  }
0x158: {  	v63 =	vld [tilespmem:s18+$0x4F20];
	[tilespmem:s18+$0x4EB0] =	vst v11;
	v11 =	vmul.f32 v58, v55  }
0x159: {  	v21 =	vbroadcast v9, $0x6;
	v22 =	vld [tilespmem:s18+$0x4F30];
	[tilespmem:s18+$0x4EC0] =	vst v10;
	v10 =	vmul.f32 v59, v55  }
0x15a: {  	v23 =	vld [tilespmem:s18+$0x4F40];
	[tilespmem:s18+$0x4ED0] =	vst v11;
	v11 =	vmul.f32 v60, v55  }
0x15b: {  	v24 =	vld [tilespmem:s18+$0x4F50];
	[tilespmem:s18+$0x4EE0] =	vst v10;
	v10 =	vmul.f32 v61, v21  }
0x15c: {  	v25 =	vld [tilespmem:s18+$0x4F60];
	[tilespmem:s18+$0x4EF0] =	vst v11;
	v11 =	vmul.f32 v62, v21  }
0x15d: {  	v26 =	vld [tilespmem:s18+$0x4F70];
	[tilespmem:s18+$0x4F00] =	vst v10;
	v10 =	vmul.f32 v63, v21  }
0x15e: {  	v27 =	vld [tilespmem:s18+$0x4F80];
	[tilespmem:s18+$0x4F10] =	vst v11;
	v11 =	vmul.f32 v22, v21  }
0x15f: {  	v28 =	vld [tilespmem:s18+$0x4F90];
	[tilespmem:s18+$0x4F20] =	vst v10;
	v10 =	vmul.f32 v23, v21  }
0x160: {  	v29 =	vld [tilespmem:s18+$0x4FA0];
	[tilespmem:s18+$0x4F30] =	vst v11;
	v11 =	vmul.f32 v24, v21  }
0x161: {  	v30 =	vbroadcast v9, $0x7;
	v31 =	vld [tilespmem:s18+$0x4FB0];
	[tilespmem:s18+$0x4F40] =	vst v10;
	v10 =	vmul.f32 v25, v21  }
0x162: {  	v32 =	vld [tilespmem:s18+$0x4FC0];
	[tilespmem:s18+$0x4F50] =	vst v11;
	v11 =	vmul.f32 v26, v21  }
0x163: {  	v33 =	vld [tilespmem:s18+$0x4FD0];
	[tilespmem:s18+$0x4F60] =	vst v10;
	v10 =	vmul.f32 v27, v30  }
0x164: {  	v34 =	vld [tilespmem:s18+$0x4FE0];
	[tilespmem:s18+$0x4F70] =	vst v11;
	v11 =	vmul.f32 v28, v30  }
0x165: {  	v35 =	vld [tilespmem:s18+$0x4FF0];
	[tilespmem:s18+$0x4F80] =	vst v10;
	v10 =	vmul.f32 v29, v30  }
0x166: {  	v36 =	vld [tilespmem:s18+$0x5000];
	[tilespmem:s18+$0x4F90] =	vst v11;
	v11 =	vmul.f32 v31, v30  }
0x167: {  	v37 =	vld [tilespmem:s18+$0x5010];
	[tilespmem:s18+$0x4FA0] =	vst v10;
	v10 =	vmul.f32 v32, v30  }
0x168: {  	v38 =	vld [tilespmem:s18+$0x5020];
	[tilespmem:s18+$0x4FB0] =	vst v11;
	v11 =	vmul.f32 v33, v30  }
0x169: {  	v39 =	vbroadcast v9, $0x8;
	v40 =	vld [tilespmem:s18+$0x5030];
	[tilespmem:s18+$0x4FC0] =	vst v10;
	v10 =	vmul.f32 v34, v30  }
0x16a: {  	v41 =	vld [tilespmem:s18+$0x5040];
	[tilespmem:s18+$0x4FD0] =	vst v11;
	v11 =	vmul.f32 v35, v30  }
0x16b: {  	v42 =	vld [tilespmem:s18+$0x5050];
	[tilespmem:s18+$0x4FE0] =	vst v10;
	v10 =	vmul.f32 v36, v39  }
0x16c: {  	v43 =	vld [tilespmem:s18+$0x5060];
	[tilespmem:s18+$0x4FF0] =	vst v11;
	v11 =	vmul.f32 v37, v39  }
0x16d: {  	v44 =	vld [tilespmem:s18+$0x5070];
	[tilespmem:s18+$0x5000] =	vst v10;
	v10 =	vmul.f32 v38, v39  }
0x16e: {  	v45 =	vld [tilespmem:s18+$0x5080];
	[tilespmem:s18+$0x5010] =	vst v11;
	v11 =	vmul.f32 v40, v39  }
0x16f: {  	v46 =	vld [tilespmem:s18+$0x5090];
	[tilespmem:s18+$0x5020] =	vst v10;
	v10 =	vmul.f32 v41, v39  }
0x170: {  	v47 =	vld [tilespmem:s18+$0x50A0];
	[tilespmem:s18+$0x5030] =	vst v11;
	v11 =	vmul.f32 v42, v39  }
0x171: {  	v48 =	vbroadcast v9, $0x9;
	v49 =	vld [tilespmem:s18+$0x50B0];
	[tilespmem:s18+$0x5040] =	vst v10;
	v10 =	vmul.f32 v43, v39  }
0x172: {  	v50 =	vld [tilespmem:s18+$0x50C0];
	[tilespmem:s18+$0x5050] =	vst v11;
	v11 =	vmul.f32 v44, v39  }
0x173: {  	v51 =	vld [tilespmem:s18+$0x50D0];
	[tilespmem:s18+$0x5060] =	vst v10;
	v10 =	vmul.f32 v45, v48  }
0x174: {  	v52 =	vld [tilespmem:s18+$0x50E0];
	[tilespmem:s18+$0x5070] =	vst v11;
	v11 =	vmul.f32 v46, v48  }
0x175: {  	v53 =	vld [tilespmem:s18+$0x50F0];
	[tilespmem:s18+$0x5080] =	vst v10;
	v10 =	vmul.f32 v47, v48  }
0x176: {  	v54 =	vld [tilespmem:s18+$0x5100];
	[tilespmem:s18+$0x5090] =	vst v11;
	v11 =	vmul.f32 v49, v48  }
0x177: {  	v55 =	vld [tilespmem:s18+$0x5110];
	[tilespmem:s18+$0x50A0] =	vst v10;
	v10 =	vmul.f32 v50, v48  }
0x178: {  	v56 =	vld [tilespmem:s18+$0x5120];
	[tilespmem:s18+$0x50B0] =	vst v11;
	v11 =	vmul.f32 v51, v48  }
0x179: {  	v57 =	vbroadcast v9, $0xA;
	v58 =	vld [tilespmem:s18+$0x5130];
	[tilespmem:s18+$0x50C0] =	vst v10;
	v10 =	vmul.f32 v52, v48  }
0x17a: {  	v59 =	vld [tilespmem:s18+$0x5140];
	[tilespmem:s18+$0x50D0] =	vst v11;
	v11 =	vmul.f32 v53, v48  }
0x17b: {  	v60 =	vld [tilespmem:s18+$0x5150];
	[tilespmem:s18+$0x50E0] =	vst v10;
	v10 =	vmul.f32 v54, v57  }
0x17c: {  	v61 =	vld [tilespmem:s18+$0x5160];
	[tilespmem:s18+$0x50F0] =	vst v11;
	v11 =	vmul.f32 v55, v57  }
0x17d: {  	v62 =	vld [tilespmem:s18+$0x5170];
	[tilespmem:s18+$0x5100] =	vst v10;
	v10 =	vmul.f32 v56, v57  }
0x17e: {  	v63 =	vld [tilespmem:s18+$0x5180];
	[tilespmem:s18+$0x5110] =	vst v11;
	v11 =	vmul.f32 v58, v57  }
0x17f: {  	v21 =	vld [tilespmem:s18+$0x5190];
	[tilespmem:s18+$0x5120] =	vst v10;
	v10 =	vmul.f32 v59, v57  }
0x180: {  	v22 =	vld [tilespmem:s18+$0x51A0];
	[tilespmem:s18+$0x5130] =	vst v11;
	v11 =	vmul.f32 v60, v57  }
0x181: {  	v23 =	vbroadcast v9, $0xB;
	v24 =	vld [tilespmem:s18+$0x51B0];
	[tilespmem:s18+$0x5140] =	vst v10;
	v10 =	vmul.f32 v61, v57  }
0x182: {  	v25 =	vld [tilespmem:s18+$0x51C0];
	[tilespmem:s18+$0x5150] =	vst v11;
	v11 =	vmul.f32 v62, v57  }
0x183: {  	v26 =	vld [tilespmem:s18+$0x51D0];
	[tilespmem:s18+$0x5160] =	vst v10;
	v10 =	vmul.f32 v63, v23  }
0x184: {  	v27 =	vld [tilespmem:s18+$0x51E0];
	[tilespmem:s18+$0x5170] =	vst v11;
	v11 =	vmul.f32 v21, v23  }
0x185: {  	v28 =	vld [tilespmem:s18+$0x51F0];
	[tilespmem:s18+$0x5180] =	vst v10;
	v10 =	vmul.f32 v22, v23  }
0x186: {  	v29 =	vld [tilespmem:s18+$0x5200];
	[tilespmem:s18+$0x5190] =	vst v11;
	v11 =	vmul.f32 v24, v23  }
0x187: {  	v30 =	vld [tilespmem:s18+$0x5210];
	[tilespmem:s18+$0x51A0] =	vst v10;
	v10 =	vmul.f32 v25, v23  }
0x188: {  	v31 =	vld [tilespmem:s18+$0x5220];
	[tilespmem:s18+$0x51B0] =	vst v11;
	v11 =	vmul.f32 v26, v23  }
0x189: {  	v32 =	vbroadcast v9, $0xC;
	v33 =	vld [tilespmem:s18+$0x5230];
	[tilespmem:s18+$0x51C0] =	vst v10;
	v10 =	vmul.f32 v27, v23  }
0x18a: {  	v34 =	vld [tilespmem:s18+$0x5240];
	[tilespmem:s18+$0x51D0] =	vst v11;
	v11 =	vmul.f32 v28, v23  }
0x18b: {  	v35 =	vld [tilespmem:s18+$0x5250];
	[tilespmem:s18+$0x51E0] =	vst v10;
	v10 =	vmul.f32 v29, v32  }
0x18c: {  	v36 =	vld [tilespmem:s18+$0x5260];
	[tilespmem:s18+$0x51F0] =	vst v11;
	v11 =	vmul.f32 v30, v32  }
0x18d: {  	v37 =	vld [tilespmem:s18+$0x5270];
	[tilespmem:s18+$0x5200] =	vst v10;
	v10 =	vmul.f32 v31, v32  }
0x18e: {  	v38 =	vld [tilespmem:s18+$0x5280];
	[tilespmem:s18+$0x5210] =	vst v11;
	v11 =	vmul.f32 v33, v32  }
0x18f: {  	v39 =	vld [tilespmem:s18+$0x5290];
	[tilespmem:s18+$0x5220] =	vst v10;
	v10 =	vmul.f32 v34, v32  }
0x190: {  	v40 =	vld [tilespmem:s18+$0x52A0];
	[tilespmem:s18+$0x5230] =	vst v11;
	v11 =	vmul.f32 v35, v32  }
0x191: {  	v41 =	vbroadcast v9, $0xD;
	v42 =	vld [tilespmem:s18+$0x52B0];
	[tilespmem:s18+$0x5240] =	vst v10;
	v10 =	vmul.f32 v36, v32  }
0x192: {  	v43 =	vld [tilespmem:s18+$0x52C0];
	[tilespmem:s18+$0x5250] =	vst v11;
	v11 =	vmul.f32 v37, v32  }
0x193: {  	v44 =	vld [tilespmem:s18+$0x52D0];
	[tilespmem:s18+$0x5260] =	vst v10;
	v10 =	vmul.f32 v38, v41  }
0x194: {  	v45 =	vld [tilespmem:s18+$0x52E0];
	[tilespmem:s18+$0x5270] =	vst v11;
	v11 =	vmul.f32 v39, v41  }
0x195: {  	v46 =	vld [tilespmem:s18+$0x52F0];
	[tilespmem:s18+$0x5280] =	vst v10;
	v10 =	vmul.f32 v40, v41  }
0x196: {  	v47 =	vld [tilespmem:s18+$0x5300];
	[tilespmem:s18+$0x5290] =	vst v11;
	v11 =	vmul.f32 v42, v41  }
0x197: {  	v48 =	vld [tilespmem:s18+$0x5310];
	[tilespmem:s18+$0x52A0] =	vst v10;
	v10 =	vmul.f32 v43, v41  }
0x198: {  	v49 =	vld [tilespmem:s18+$0x5320];
	[tilespmem:s18+$0x52B0] =	vst v11;
	v11 =	vmul.f32 v44, v41  }
0x199: {  	v50 =	vbroadcast v9, $0xE;
	v51 =	vld [tilespmem:s18+$0x5330];
	[tilespmem:s18+$0x52C0] =	vst v10;
	v10 =	vmul.f32 v45, v41  }
0x19a: {  	v52 =	vld [tilespmem:s18+$0x5340];
	[tilespmem:s18+$0x52D0] =	vst v11;
	v11 =	vmul.f32 v46, v41  }
0x19b: {  	v53 =	vld [tilespmem:s18+$0x5350];
	[tilespmem:s18+$0x52E0] =	vst v10;
	v10 =	vmul.f32 v47, v50  }
0x19c: {  	v54 =	vld [tilespmem:s18+$0x5360];
	[tilespmem:s18+$0x52F0] =	vst v11;
	v11 =	vmul.f32 v48, v50  }
0x19d: {  	v55 =	vld [tilespmem:s18+$0x5370];
	[tilespmem:s18+$0x5300] =	vst v10;
	v10 =	vmul.f32 v49, v50  }
0x19e: {  	v56 =	vld [tilespmem:s18+$0x5380];
	[tilespmem:s18+$0x5310] =	vst v11;
	v11 =	vmul.f32 v51, v50  }
0x19f: {  	v57 =	vld [tilespmem:s18+$0x5390];
	[tilespmem:s18+$0x5320] =	vst v10;
	v10 =	vmul.f32 v52, v50  }
0x1a0: {  	v58 =	vld [tilespmem:s18+$0x53A0];
	[tilespmem:s18+$0x5330] =	vst v11;
	v11 =	vmul.f32 v53, v50  }
0x1a1: {  	v9 =	vbroadcast v9, $0xF;
	v59 =	vld [tilespmem:s18+$0x53B0];
	[tilespmem:s18+$0x5340] =	vst v10;
	v10 =	vmul.f32 v54, v50  }
0x1a2: {  	v60 =	vld [tilespmem:s18+$0x53C0];
	[tilespmem:s18+$0x5350] =	vst v11;
	v11 =	vmul.f32 v55, v50  }
0x1a3: {  	v61 =	vld [tilespmem:s18+$0x53D0];
	[tilespmem:s18+$0x5360] =	vst v10;
	v10 =	vmul.f32 v56, v9  }
0x1a4: {  	v62 =	vld [tilespmem:s18+$0x53E0];
	[tilespmem:s18+$0x5370] =	vst v11;
	v11 =	vmul.f32 v57, v9  }
0x1a5: {  	v63 =	vld [tilespmem:s18+$0x53F0];
	[tilespmem:s18+$0x5380] =	vst v10;
	v10 =	vmul.f32 v58, v9  }
0x1a6: {  	[tilespmem:s18+$0x5390] =	vst v11;
	v11 =	vmul.f32 v59, v9  }
0x1a7: {  	p1 =	sne.s32 s17, $0x7;
	[tilespmem:s18+$0x53A0] =	vst v10;
	v10 =	vmul.f32 v60, v9  }
.Ltmp6:
0x1a8: {  	[tilespmem:s18+$0x53B0] =	vst v11;
	v11 =	vmul.f32 v61, v9;
	(pc) =	sbr.rel @p1 .LBB2_12-.Ltmp6, $4  }
0x1a9: {  	[tilespmem:s18+$0x53C0] =	vst v10;
	v10 =	vmul.f32 v62, v9  }
0x1aa: {  	[tilespmem:s18+$0x53D0] =	vst v11;
	v9 =	vmul.f32 v63, v9  }
0x1ab: {  	[tilespmem:s18+$0x53E0] =	vst v10  }
0x1ac: {  	s17 =	sadd.s32 $0x1, s17;
	[tilespmem:s18+$0x53F0] =	vst v9  }
0x1ad: {  	p1 =	seq.s32 s13, $0x3  }
.Ltmp7:
0x1ae: {  	_ = 	snop;
	(pc) =	sbr.rel @p1 .LBB2_15-.Ltmp7, $4  }
0x1af: {  	_ = 	snop  }
0x1b0: {  	_ =	swait.ge [sflag:s31], $0x4000  }
0x1b1: {  	[sflag:s31] =	ssyncset.done $0x0  }
0x1b2: {  	[sflag:s31] =	ssyncadd.s32 $0xFFFFC000  }
.Ltmp8:
0x1b3: {  	(pc) =	sbr.rel .LBB2_9-.Ltmp8, $4  }
0x1b4: {  	s15 =	sadd.s32 $0x500, s15  }
0x1b5: {  	[tilespmem:s20], [sflag:$0x1] =	stream.indirect.gather [hbm4b:s1+s25], $0x80, s15, s25, $0xb8;
	[tilespmem:$0x1F700] =	vst v63  }
0x1b6: {  	s13 =	sadd.s32 $0x1, s13  }
0x1b7: {  	[spmem:s2] =	stream.indirect.scatter.add.f32 [tilespmem:s26], [sflag:$0x4], $0x80, s14, s25, $0xb8;
	[tilespmem:$0x1F700] =	vst v63  }
.LBB2_16:
0x1b8: {  	_ =	swait.ge [sflag:s0], $0x4000  }
0x1b9: {  	[sflag:s0] =	ssyncset.done $0x0  }
0x1ba: {  	[sflag:s0] =	ssyncadd.s32 $0xFFFFC000  }
0x1bb: {  	s12 =	simm.s32 $0x50;
	s13 =	simm.s32 $0xB400;
	s11 =	rddreg [dreg:$0x3]  }
0x1bc: {  	[spmem:s11] =	stream.indirect.scatter.add.f32 [tilespmem:s29], [sflag:$0x5], $0x80, s13, s12, $0xb8;
	[tilespmem:$0x1F700] =	vst v63  }
0x1bd: {  	_ =	swait.ge [sflag:s21], $0x2800  }
0x1be: {  	[sflag:s21] =	ssyncset.done $0x0  }
0x1bf: {  	[sflag:s21] =	ssyncadd.s32 $0xFFFFD800  }
0x1c0: {  	[bflag:$0x0] =	sbarrier.arrive $0xFFFF  }
0x1c1: {  	s18 =	rddreg [dreg:$0xa]  }
0x1c2: {  	[tilespmem:s29], [sflag:$0x5] =	stream.linear.gather [spmem:s18], $0x280, $0x38;
	[tilespmem:$0x1F700] =	vst v63  }
0x1c3: {  	_ =	swait.ge [sflag:s21], $0x280  }
0x1c4: {  	[sflag:s21] =	ssyncset.done $0x0  }
0x1c5: {  	s11 =	simm.s32 $0x0;
	[sflag:s21] =	ssyncadd.s32 $0xFFFFFD80  }
.LBB2_17:
0x1c6: {  	s13 =	sshll.u32 s11, $0x7  }
0x1c7: {  	s12 =	sadd.s32 s10, s13  }
0x1c8: {  	s14 =	sshll.u32 s12, $0x7  }
0x1c9: {  	s14 =	sand.u32 $0x3FFFFF80, s14  }
0x1ca: {  	s13 =	sadd.s32 $0x8C00, s13;
	s14 =	sadd.s32 s14, s2  }
0x1cb: {  	[tilespmem:s20], [sflag:$0x6] =	stream.linear.gather [spmem:s14], $0x4000, $0x38;
	[tilespmem:$0x1F700] =	vst v63  }
0x1cc: {  	v8 =	vmov s13;
	_ =	swait.ge [sflag:s3], $0x4000  }
0x1cd: {  	[sflag:s3] =	ssyncset.done $0x0  }
0x1ce: {  	s13 =	simm.s32 $0x0;
	[sflag:s3] =	ssyncadd.s32 $0xFFFFC000  }
.LBB2_18:
0x1cf: {  	s14 =	sshll.u32 s13, $0x4  }
0x1d0: {  	s14 =	sand.u32 $0x3FFFFFF0, s14  }
0x1d1: {  	v9 =	vld.idx.msk [tilespmem:v8+s14+$0x0 ss:$0x1], $0xffff;
	_ =	sdelay $0x4  }
0x1d2: {  	v9 =	vmax.f32 v9, $1.000000000e+00  }
0x1d3: {  	(erf) = vrcp.f32 v9;
	_ =	sdelay $0x4  }
0x1d4: {  	s18 =	sshll.u32 s13, $0xB  }
0x1d5: {  	s14 =	sand.u32 $0x3FFFF800, s18  }
0x1d6: {  	v10 =	vld [tilespmem:s14+$0xC00]  }
0x1d7: {  	v11 =	vld [tilespmem:s14+$0xC10]  }
0x1d8: {  	v12 =	vld [tilespmem:s14+$0xC20];
	v9 =	vpop (erf)  }
0x1d9: {  	v14 =	vld [tilespmem:s14+$0xC30];
	v13 =	vbroadcast v9, $0x0  }
0x1da: {  	v15 =	vld [tilespmem:s14+$0xC40]  }
0x1db: {  	v16 =	vld [tilespmem:s14+$0xC50];
	v10 =	vmul.f32 v13, v10  }
0x1dc: {  	v17 =	vld [tilespmem:s14+$0xC60];
	v11 =	vmul.f32 v13, v11  }
0x1dd: {  	v59 =	vld [tilespmem:s14+$0xC70];
	[tilespmem:s14+$0xC00] =	vst v10;
	v10 =	vmul.f32 v12, v13  }
0x1de: {  	v60 =	vld [tilespmem:s14+$0xC80];
	[tilespmem:s14+$0xC10] =	vst v11;
	v11 =	vmul.f32 v14, v13  }
0x1df: {  	v61 =	vld [tilespmem:s14+$0xC90];
	[tilespmem:s14+$0xC20] =	vst v10;
	v10 =	vmul.f32 v15, v13  }
0x1e0: {  	v62 =	vld [tilespmem:s14+$0xCA0];
	[tilespmem:s14+$0xC30] =	vst v11;
	v11 =	vmul.f32 v16, v13  }
0x1e1: {  	v18 =	vld [tilespmem:s14+$0xCB0];
	v63 =	vbroadcast v9, $0x1;
	[tilespmem:s14+$0xC40] =	vst v10;
	v10 =	vmul.f32 v17, v13  }
0x1e2: {  	v21 =	vld [tilespmem:s14+$0xCC0];
	[tilespmem:s14+$0xC50] =	vst v11;
	v11 =	vmul.f32 v59, v13  }
0x1e3: {  	v22 =	vld [tilespmem:s14+$0xCD0];
	[tilespmem:s14+$0xC60] =	vst v10;
	v10 =	vmul.f32 v60, v63  }
0x1e4: {  	v23 =	vld [tilespmem:s14+$0xCE0];
	[tilespmem:s14+$0xC70] =	vst v11;
	v11 =	vmul.f32 v61, v63  }
0x1e5: {  	v24 =	vld [tilespmem:s14+$0xCF0];
	[tilespmem:s14+$0xC80] =	vst v10;
	v10 =	vmul.f32 v62, v63  }
0x1e6: {  	v25 =	vld [tilespmem:s14+$0xD00];
	[tilespmem:s14+$0xC90] =	vst v11;
	v11 =	vmul.f32 v18, v63  }
0x1e7: {  	v26 =	vld [tilespmem:s14+$0xD10];
	[tilespmem:s14+$0xCA0] =	vst v10;
	v10 =	vmul.f32 v21, v63  }
0x1e8: {  	v27 =	vld [tilespmem:s14+$0xD20];
	[tilespmem:s14+$0xCB0] =	vst v11;
	v11 =	vmul.f32 v22, v63  }
0x1e9: {  	v29 =	vld [tilespmem:s14+$0xD30];
	v28 =	vbroadcast v9, $0x2;
	[tilespmem:s14+$0xCC0] =	vst v10;
	v10 =	vmul.f32 v23, v63  }
0x1ea: {  	v30 =	vld [tilespmem:s14+$0xD40];
	[tilespmem:s14+$0xCD0] =	vst v11;
	v11 =	vmul.f32 v24, v63  }
0x1eb: {  	v31 =	vld [tilespmem:s14+$0xD50];
	[tilespmem:s14+$0xCE0] =	vst v10;
	v10 =	vmul.f32 v25, v28  }
0x1ec: {  	v32 =	vld [tilespmem:s14+$0xD60];
	[tilespmem:s14+$0xCF0] =	vst v11;
	v11 =	vmul.f32 v26, v28  }
0x1ed: {  	v33 =	vld [tilespmem:s14+$0xD70];
	[tilespmem:s14+$0xD00] =	vst v10;
	v10 =	vmul.f32 v27, v28  }
0x1ee: {  	v34 =	vld [tilespmem:s14+$0xD80];
	[tilespmem:s14+$0xD10] =	vst v11;
	v11 =	vmul.f32 v29, v28  }
0x1ef: {  	v35 =	vld [tilespmem:s14+$0xD90];
	[tilespmem:s14+$0xD20] =	vst v10;
	v10 =	vmul.f32 v30, v28  }
0x1f0: {  	v36 =	vld [tilespmem:s14+$0xDA0];
	[tilespmem:s14+$0xD30] =	vst v11;
	v11 =	vmul.f32 v31, v28  }
0x1f1: {  	v38 =	vld [tilespmem:s14+$0xDB0];
	v37 =	vbroadcast v9, $0x3;
	[tilespmem:s14+$0xD40] =	vst v10;
	v10 =	vmul.f32 v32, v28  }
0x1f2: {  	v39 =	vld [tilespmem:s14+$0xDC0];
	[tilespmem:s14+$0xD50] =	vst v11;
	v11 =	vmul.f32 v33, v28  }
0x1f3: {  	v40 =	vld [tilespmem:s14+$0xDD0];
	[tilespmem:s14+$0xD60] =	vst v10;
	v10 =	vmul.f32 v34, v37  }
0x1f4: {  	v41 =	vld [tilespmem:s14+$0xDE0];
	[tilespmem:s14+$0xD70] =	vst v11;
	v11 =	vmul.f32 v35, v37  }
0x1f5: {  	v42 =	vld [tilespmem:s14+$0xDF0];
	[tilespmem:s14+$0xD80] =	vst v10;
	v10 =	vmul.f32 v36, v37  }
0x1f6: {  	v43 =	vld [tilespmem:s14+$0xE00];
	[tilespmem:s14+$0xD90] =	vst v11;
	v11 =	vmul.f32 v38, v37  }
0x1f7: {  	v44 =	vld [tilespmem:s14+$0xE10];
	[tilespmem:s14+$0xDA0] =	vst v10;
	v10 =	vmul.f32 v39, v37  }
0x1f8: {  	v45 =	vld [tilespmem:s14+$0xE20];
	[tilespmem:s14+$0xDB0] =	vst v11;
	v11 =	vmul.f32 v40, v37  }
0x1f9: {  	v47 =	vld [tilespmem:s14+$0xE30];
	v46 =	vbroadcast v9, $0x4;
	[tilespmem:s14+$0xDC0] =	vst v10;
	v10 =	vmul.f32 v41, v37  }
0x1fa: {  	v48 =	vld [tilespmem:s14+$0xE40];
	[tilespmem:s14+$0xDD0] =	vst v11;
	v11 =	vmul.f32 v42, v37  }
0x1fb: {  	v49 =	vld [tilespmem:s14+$0xE50];
	[tilespmem:s14+$0xDE0] =	vst v10;
	v10 =	vmul.f32 v43, v46  }
0x1fc: {  	v50 =	vld [tilespmem:s14+$0xE60];
	[tilespmem:s14+$0xDF0] =	vst v11;
	v11 =	vmul.f32 v44, v46  }
0x1fd: {  	v51 =	vld [tilespmem:s14+$0xE70];
	[tilespmem:s14+$0xE00] =	vst v10;
	v10 =	vmul.f32 v45, v46  }
0x1fe: {  	v52 =	vld [tilespmem:s14+$0xE80];
	[tilespmem:s14+$0xE10] =	vst v11;
	v11 =	vmul.f32 v47, v46  }
0x1ff: {  	v53 =	vld [tilespmem:s14+$0xE90];
	[tilespmem:s14+$0xE20] =	vst v10;
	v10 =	vmul.f32 v48, v46  }
0x200: {  	v54 =	vld [tilespmem:s14+$0xEA0];
	[tilespmem:s14+$0xE30] =	vst v11;
	v11 =	vmul.f32 v49, v46  }
0x201: {  	v56 =	vld [tilespmem:s14+$0xEB0];
	v55 =	vbroadcast v9, $0x5;
	[tilespmem:s14+$0xE40] =	vst v10;
	v10 =	vmul.f32 v50, v46  }
0x202: {  	v57 =	vld [tilespmem:s14+$0xEC0];
	[tilespmem:s14+$0xE50] =	vst v11;
	v11 =	vmul.f32 v51, v46  }
0x203: {  	v58 =	vld [tilespmem:s14+$0xED0];
	[tilespmem:s14+$0xE60] =	vst v10;
	v10 =	vmul.f32 v52, v55  }
0x204: {  	v59 =	vld [tilespmem:s14+$0xEE0];
	[tilespmem:s14+$0xE70] =	vst v11;
	v11 =	vmul.f32 v53, v55  }
0x205: {  	v60 =	vld [tilespmem:s14+$0xEF0];
	[tilespmem:s14+$0xE80] =	vst v10;
	v10 =	vmul.f32 v54, v55  }
0x206: {  	v61 =	vld [tilespmem:s14+$0xF00];
	[tilespmem:s14+$0xE90] =	vst v11;
	v11 =	vmul.f32 v56, v55  }
0x207: {  	v62 =	vld [tilespmem:s14+$0xF10];
	[tilespmem:s14+$0xEA0] =	vst v10;
	v10 =	vmul.f32 v57, v55  }
0x208: {  	v63 =	vld [tilespmem:s14+$0xF20];
	[tilespmem:s14+$0xEB0] =	vst v11;
	v11 =	vmul.f32 v58, v55  }
0x209: {  	v21 =	vbroadcast v9, $0x6;
	v22 =	vld [tilespmem:s14+$0xF30];
	[tilespmem:s14+$0xEC0] =	vst v10;
	v10 =	vmul.f32 v59, v55  }
0x20a: {  	v23 =	vld [tilespmem:s14+$0xF40];
	[tilespmem:s14+$0xED0] =	vst v11;
	v11 =	vmul.f32 v60, v55  }
0x20b: {  	v24 =	vld [tilespmem:s14+$0xF50];
	[tilespmem:s14+$0xEE0] =	vst v10;
	v10 =	vmul.f32 v61, v21  }
0x20c: {  	v25 =	vld [tilespmem:s14+$0xF60];
	[tilespmem:s14+$0xEF0] =	vst v11;
	v11 =	vmul.f32 v62, v21  }
0x20d: {  	v26 =	vld [tilespmem:s14+$0xF70];
	[tilespmem:s14+$0xF00] =	vst v10;
	v10 =	vmul.f32 v63, v21  }
0x20e: {  	v27 =	vld [tilespmem:s14+$0xF80];
	[tilespmem:s14+$0xF10] =	vst v11;
	v11 =	vmul.f32 v22, v21  }
0x20f: {  	v28 =	vld [tilespmem:s14+$0xF90];
	[tilespmem:s14+$0xF20] =	vst v10;
	v10 =	vmul.f32 v23, v21  }
0x210: {  	v29 =	vld [tilespmem:s14+$0xFA0];
	[tilespmem:s14+$0xF30] =	vst v11;
	v11 =	vmul.f32 v24, v21  }
0x211: {  	v30 =	vbroadcast v9, $0x7;
	v31 =	vld [tilespmem:s14+$0xFB0];
	[tilespmem:s14+$0xF40] =	vst v10;
	v10 =	vmul.f32 v25, v21  }
0x212: {  	v32 =	vld [tilespmem:s14+$0xFC0];
	[tilespmem:s14+$0xF50] =	vst v11;
	v11 =	vmul.f32 v26, v21  }
0x213: {  	v33 =	vld [tilespmem:s14+$0xFD0];
	[tilespmem:s14+$0xF60] =	vst v10;
	v10 =	vmul.f32 v27, v30  }
0x214: {  	v34 =	vld [tilespmem:s14+$0xFE0];
	[tilespmem:s14+$0xF70] =	vst v11;
	v11 =	vmul.f32 v28, v30  }
0x215: {  	v35 =	vld [tilespmem:s14+$0xFF0];
	[tilespmem:s14+$0xF80] =	vst v10;
	v10 =	vmul.f32 v29, v30  }
0x216: {  	v36 =	vld [tilespmem:s14+$0x1000];
	[tilespmem:s14+$0xF90] =	vst v11;
	v11 =	vmul.f32 v31, v30  }
0x217: {  	v37 =	vld [tilespmem:s14+$0x1010];
	[tilespmem:s14+$0xFA0] =	vst v10;
	v10 =	vmul.f32 v32, v30  }
0x218: {  	v38 =	vld [tilespmem:s14+$0x1020];
	[tilespmem:s14+$0xFB0] =	vst v11;
	v11 =	vmul.f32 v33, v30  }
0x219: {  	v39 =	vbroadcast v9, $0x8;
	v40 =	vld [tilespmem:s14+$0x1030];
	[tilespmem:s14+$0xFC0] =	vst v10;
	v10 =	vmul.f32 v34, v30  }
0x21a: {  	v41 =	vld [tilespmem:s14+$0x1040];
	[tilespmem:s14+$0xFD0] =	vst v11;
	v11 =	vmul.f32 v35, v30  }
0x21b: {  	v42 =	vld [tilespmem:s14+$0x1050];
	[tilespmem:s14+$0xFE0] =	vst v10;
	v10 =	vmul.f32 v36, v39  }
0x21c: {  	v43 =	vld [tilespmem:s14+$0x1060];
	[tilespmem:s14+$0xFF0] =	vst v11;
	v11 =	vmul.f32 v37, v39  }
0x21d: {  	v44 =	vld [tilespmem:s14+$0x1070];
	[tilespmem:s14+$0x1000] =	vst v10;
	v10 =	vmul.f32 v38, v39  }
0x21e: {  	v45 =	vld [tilespmem:s14+$0x1080];
	[tilespmem:s14+$0x1010] =	vst v11;
	v11 =	vmul.f32 v40, v39  }
0x21f: {  	v46 =	vld [tilespmem:s14+$0x1090];
	[tilespmem:s14+$0x1020] =	vst v10;
	v10 =	vmul.f32 v41, v39  }
0x220: {  	v47 =	vld [tilespmem:s14+$0x10A0];
	[tilespmem:s14+$0x1030] =	vst v11;
	v11 =	vmul.f32 v42, v39  }
0x221: {  	v48 =	vbroadcast v9, $0x9;
	v49 =	vld [tilespmem:s14+$0x10B0];
	[tilespmem:s14+$0x1040] =	vst v10;
	v10 =	vmul.f32 v43, v39  }
0x222: {  	v50 =	vld [tilespmem:s14+$0x10C0];
	[tilespmem:s14+$0x1050] =	vst v11;
	v11 =	vmul.f32 v44, v39  }
0x223: {  	v51 =	vld [tilespmem:s14+$0x10D0];
	[tilespmem:s14+$0x1060] =	vst v10;
	v10 =	vmul.f32 v45, v48  }
0x224: {  	v52 =	vld [tilespmem:s14+$0x10E0];
	[tilespmem:s14+$0x1070] =	vst v11;
	v11 =	vmul.f32 v46, v48  }
0x225: {  	v53 =	vld [tilespmem:s14+$0x10F0];
	[tilespmem:s14+$0x1080] =	vst v10;
	v10 =	vmul.f32 v47, v48  }
0x226: {  	v54 =	vld [tilespmem:s14+$0x1100];
	[tilespmem:s14+$0x1090] =	vst v11;
	v11 =	vmul.f32 v49, v48  }
0x227: {  	v55 =	vld [tilespmem:s14+$0x1110];
	[tilespmem:s14+$0x10A0] =	vst v10;
	v10 =	vmul.f32 v50, v48  }
0x228: {  	v56 =	vld [tilespmem:s14+$0x1120];
	[tilespmem:s14+$0x10B0] =	vst v11;
	v11 =	vmul.f32 v51, v48  }
0x229: {  	v57 =	vbroadcast v9, $0xA;
	v58 =	vld [tilespmem:s14+$0x1130];
	[tilespmem:s14+$0x10C0] =	vst v10;
	v10 =	vmul.f32 v52, v48  }
0x22a: {  	v59 =	vld [tilespmem:s14+$0x1140];
	[tilespmem:s14+$0x10D0] =	vst v11;
	v11 =	vmul.f32 v53, v48  }
0x22b: {  	v60 =	vld [tilespmem:s14+$0x1150];
	[tilespmem:s14+$0x10E0] =	vst v10;
	v10 =	vmul.f32 v54, v57  }
0x22c: {  	v61 =	vld [tilespmem:s14+$0x1160];
	[tilespmem:s14+$0x10F0] =	vst v11;
	v11 =	vmul.f32 v55, v57  }
0x22d: {  	v62 =	vld [tilespmem:s14+$0x1170];
	[tilespmem:s14+$0x1100] =	vst v10;
	v10 =	vmul.f32 v56, v57  }
0x22e: {  	v63 =	vld [tilespmem:s14+$0x1180];
	[tilespmem:s14+$0x1110] =	vst v11;
	v11 =	vmul.f32 v58, v57  }
0x22f: {  	v21 =	vld [tilespmem:s14+$0x1190];
	[tilespmem:s14+$0x1120] =	vst v10;
	v10 =	vmul.f32 v59, v57  }
0x230: {  	v22 =	vld [tilespmem:s14+$0x11A0];
	[tilespmem:s14+$0x1130] =	vst v11;
	v11 =	vmul.f32 v60, v57  }
0x231: {  	v23 =	vbroadcast v9, $0xB;
	v24 =	vld [tilespmem:s14+$0x11B0];
	[tilespmem:s14+$0x1140] =	vst v10;
	v10 =	vmul.f32 v61, v57  }
0x232: {  	v25 =	vld [tilespmem:s14+$0x11C0];
	[tilespmem:s14+$0x1150] =	vst v11;
	v11 =	vmul.f32 v62, v57  }
0x233: {  	v26 =	vld [tilespmem:s14+$0x11D0];
	[tilespmem:s14+$0x1160] =	vst v10;
	v10 =	vmul.f32 v63, v23  }
0x234: {  	v27 =	vld [tilespmem:s14+$0x11E0];
	[tilespmem:s14+$0x1170] =	vst v11;
	v11 =	vmul.f32 v21, v23  }
0x235: {  	v28 =	vld [tilespmem:s14+$0x11F0];
	[tilespmem:s14+$0x1180] =	vst v10;
	v10 =	vmul.f32 v22, v23  }
0x236: {  	v29 =	vld [tilespmem:s14+$0x1200];
	[tilespmem:s14+$0x1190] =	vst v11;
	v11 =	vmul.f32 v24, v23  }
0x237: {  	v30 =	vld [tilespmem:s14+$0x1210];
	[tilespmem:s14+$0x11A0] =	vst v10;
	v10 =	vmul.f32 v25, v23  }
0x238: {  	v31 =	vld [tilespmem:s14+$0x1220];
	[tilespmem:s14+$0x11B0] =	vst v11;
	v11 =	vmul.f32 v26, v23  }
0x239: {  	v32 =	vbroadcast v9, $0xC;
	v33 =	vld [tilespmem:s14+$0x1230];
	[tilespmem:s14+$0x11C0] =	vst v10;
	v10 =	vmul.f32 v27, v23  }
0x23a: {  	v34 =	vld [tilespmem:s14+$0x1240];
	[tilespmem:s14+$0x11D0] =	vst v11;
	v11 =	vmul.f32 v28, v23  }
0x23b: {  	v35 =	vld [tilespmem:s14+$0x1250];
	[tilespmem:s14+$0x11E0] =	vst v10;
	v10 =	vmul.f32 v29, v32  }
0x23c: {  	v36 =	vld [tilespmem:s14+$0x1260];
	[tilespmem:s14+$0x11F0] =	vst v11;
	v11 =	vmul.f32 v30, v32  }
0x23d: {  	v37 =	vld [tilespmem:s14+$0x1270];
	[tilespmem:s14+$0x1200] =	vst v10;
	v10 =	vmul.f32 v31, v32  }
0x23e: {  	v38 =	vld [tilespmem:s14+$0x1280];
	[tilespmem:s14+$0x1210] =	vst v11;
	v11 =	vmul.f32 v33, v32  }
0x23f: {  	v39 =	vld [tilespmem:s14+$0x1290];
	[tilespmem:s14+$0x1220] =	vst v10;
	v10 =	vmul.f32 v34, v32  }
0x240: {  	v40 =	vld [tilespmem:s14+$0x12A0];
	[tilespmem:s14+$0x1230] =	vst v11;
	v11 =	vmul.f32 v35, v32  }
0x241: {  	v41 =	vbroadcast v9, $0xD;
	v42 =	vld [tilespmem:s14+$0x12B0];
	[tilespmem:s14+$0x1240] =	vst v10;
	v10 =	vmul.f32 v36, v32  }
0x242: {  	v43 =	vld [tilespmem:s14+$0x12C0];
	[tilespmem:s14+$0x1250] =	vst v11;
	v11 =	vmul.f32 v37, v32  }
0x243: {  	v44 =	vld [tilespmem:s14+$0x12D0];
	[tilespmem:s14+$0x1260] =	vst v10;
	v10 =	vmul.f32 v38, v41  }
0x244: {  	v45 =	vld [tilespmem:s14+$0x12E0];
	[tilespmem:s14+$0x1270] =	vst v11;
	v11 =	vmul.f32 v39, v41  }
0x245: {  	v46 =	vld [tilespmem:s14+$0x12F0];
	[tilespmem:s14+$0x1280] =	vst v10;
	v10 =	vmul.f32 v40, v41  }
0x246: {  	v47 =	vld [tilespmem:s14+$0x1300];
	[tilespmem:s14+$0x1290] =	vst v11;
	v11 =	vmul.f32 v42, v41  }
0x247: {  	v48 =	vld [tilespmem:s14+$0x1310];
	[tilespmem:s14+$0x12A0] =	vst v10;
	v10 =	vmul.f32 v43, v41  }
0x248: {  	v49 =	vld [tilespmem:s14+$0x1320];
	[tilespmem:s14+$0x12B0] =	vst v11;
	v11 =	vmul.f32 v44, v41  }
0x249: {  	v50 =	vbroadcast v9, $0xE;
	v51 =	vld [tilespmem:s14+$0x1330];
	[tilespmem:s14+$0x12C0] =	vst v10;
	v10 =	vmul.f32 v45, v41  }
0x24a: {  	v52 =	vld [tilespmem:s14+$0x1340];
	[tilespmem:s14+$0x12D0] =	vst v11;
	v11 =	vmul.f32 v46, v41  }
0x24b: {  	v53 =	vld [tilespmem:s14+$0x1350];
	[tilespmem:s14+$0x12E0] =	vst v10;
	v10 =	vmul.f32 v47, v50  }
0x24c: {  	v54 =	vld [tilespmem:s14+$0x1360];
	[tilespmem:s14+$0x12F0] =	vst v11;
	v11 =	vmul.f32 v48, v50  }
0x24d: {  	v55 =	vld [tilespmem:s14+$0x1370];
	[tilespmem:s14+$0x1300] =	vst v10;
	v10 =	vmul.f32 v49, v50  }
0x24e: {  	v56 =	vld [tilespmem:s14+$0x1380];
	[tilespmem:s14+$0x1310] =	vst v11;
	v11 =	vmul.f32 v51, v50  }
0x24f: {  	v57 =	vld [tilespmem:s14+$0x1390];
	[tilespmem:s14+$0x1320] =	vst v10;
	v10 =	vmul.f32 v52, v50  }
0x250: {  	v58 =	vld [tilespmem:s14+$0x13A0];
	[tilespmem:s14+$0x1330] =	vst v11;
	v11 =	vmul.f32 v53, v50  }
0x251: {  	v9 =	vbroadcast v9, $0xF;
	v59 =	vld [tilespmem:s14+$0x13B0];
	[tilespmem:s14+$0x1340] =	vst v10;
	v10 =	vmul.f32 v54, v50  }
0x252: {  	v60 =	vld [tilespmem:s14+$0x13C0];
	[tilespmem:s14+$0x1350] =	vst v11;
	v11 =	vmul.f32 v55, v50  }
0x253: {  	v61 =	vld [tilespmem:s14+$0x13D0];
	[tilespmem:s14+$0x1360] =	vst v10;
	v10 =	vmul.f32 v56, v9  }
0x254: {  	v62 =	vld [tilespmem:s14+$0x13E0];
	[tilespmem:s14+$0x1370] =	vst v11;
	v11 =	vmul.f32 v57, v9  }
0x255: {  	v63 =	vld [tilespmem:s14+$0x13F0];
	[tilespmem:s14+$0x1380] =	vst v10;
	v10 =	vmul.f32 v58, v9  }
0x256: {  	[tilespmem:s14+$0x1390] =	vst v11;
	v11 =	vmul.f32 v59, v9  }
0x257: {  	p1 =	sne.s32 s13, $0x7;
	[tilespmem:s14+$0x13A0] =	vst v10;
	v10 =	vmul.f32 v60, v9  }
.Ltmp9:
0x258: {  	[tilespmem:s14+$0x13B0] =	vst v11;
	v11 =	vmul.f32 v61, v9;
	(pc) =	sbr.rel @p1 .LBB2_18-.Ltmp9, $4  }
0x259: {  	[tilespmem:s14+$0x13C0] =	vst v10;
	v10 =	vmul.f32 v62, v9  }
0x25a: {  	[tilespmem:s14+$0x13D0] =	vst v11;
	v9 =	vmul.f32 v63, v9  }
0x25b: {  	[tilespmem:s14+$0x13E0] =	vst v10  }
0x25c: {  	s13 =	sadd.s32 $0x1, s13;
	[tilespmem:s14+$0x13F0] =	vst v9  }
0x25d: {  	s11 =	sadd.s32 $0x1, s11  }
0x25e: {  	s12 =	sshll.u32 s12, $0x4;
	p1 =	sne.s32 s11, $0x5  }
.Ltmp10:
0x25f: {  	s12 =	sadd.s32 s19, s12;
	(pc) =	sbr.rel @p1 .LBB2_17-.Ltmp10, $4  }
0x260: {  	[hbm4b:s12+s5] =	stream.linear.scatter [tilespmem:s20], [sflag:s24], $0x4000, $0x38;
	[tilespmem:$0x1F700] =	vst v63  }
0x261: {  	_ =	swait.ge [sflag:s24], $0x4000  }
0x262: {  	[sflag:s24] =	ssyncset.done $0x0  }
0x263: {  	[sflag:s24] =	ssyncadd.s32 $0xFFFFC000  }
0x264: {  	s4 =	sadd.s32 $0x1, s4;
	s11 =	rddreg [dreg:$0xb]  }
0x265: {  	p1 =	sne.s32 s4, s11  }
.Ltmp11:
0x266: {  	_ = 	snop;
	(pc) =	sbr.rel @p1 .LBB2_1-.Ltmp11, $1  }
0x267: {  	_ =	sdelay $0x3  }
0x268: {  	_ =	sfence.sel $0x180000  }
0x269: {  	[bflag:$0x0] =	sbarrier.arrive $0xFFFF  }
0x26a: {  	_ =	strace $0x90000047  }
0x26b: {  	s0 =	stileid.u32;
	[bflag:$0x2] =	sbarrier.arrive $0xFFFF  }
0x26c: {  	p0 =	sne.s32 s0, $0x0;
	s0 =	rddreg [dreg:$0x4]  }
0x26d: {  	s0 =	sadd.s32 @!p0 $0x100000, s0  }
0x26e: {  	[sflag:s0] =	ssyncadd.tile.s32 @!p0 $0x1;
	_ =	shalt  }
.Lfunc_end2:
_tile_overlayer_lowered:
.L_overlay_start_2:
0x26f: {  	(tag) =	ssettag $0x2  }
0x270: {  	s0 =	rddreg [dreg:$0x0];
	s2 =	stileid.u32  }
0x271: {  	s1 =	rddreg [dreg:$0x1];
	p0 =	sne.s32 s2, $0x0  }
0x272: {  	s3 =	rddreg [dreg:$0x2];
	[bflag:$0x3] =	sbarrier.arrive $0xFFFF;
	s2 =	simm.s32 @!p0 $0x1C05  }
0x273: {  	[timem:s3], [sflag:s2] =	dma.local @!p0 [hbm:s0], s1  }
0x274: {  	s0 =	simm.s32 @!p0 $0x5  }
0x275: {  	_ =	swait.ge @!p0 [sflag:s0], s1  }
0x276: {  	s1 =	ssub.s32 @!p0 $0x0, s1;
	[sflag:s0] =	ssyncset.done @!p0 $0x0  }
0x277: {  	[sflag:s0] =	ssyncadd.s32 @!p0 s1  }
0x278: {  	[bflag:$0x3] =	sbarrier.arrive $0xFFFF  }
0x279: {  	_ =	shalt  }

</sc_bundles>
